<compile_context>
chip_gen: v7x
topology: tpu7x:2x2x1
jax: 0.10.2.dev20260603
libtpu: 0.0.44.dev20260713+nightly
codegen_flags: <defaults>
</compile_context>

<pallas_src>
import functools

import jax
import jax.numpy as jnp
from jax import lax
from jax.experimental import pallas as pl
from jax.experimental.pallas import tpu as pltpu
from jax.experimental.pallas import tpu_sc as plsc

N = 16384
F = 1024
H1 = 512
H2 = 512
E = 8

BLK = 1024
NB = 23
NPAD = NB * BLK

NC = 2
NS = 16
NW = NC * NS
ROWS_PER_W = N // NW
CHUNK = 32
NCHUNK = ROWS_PER_W // CHUNK
GROUPS = CHUNK * F // 32


def _routing(species):
    s = species.astype(jnp.int32)
    eye = jnp.arange(E, dtype=jnp.int32)
    onehot = (s[:, None] == eye[None, :]).astype(jnp.int32)
    cum = jnp.cumsum(onehot, axis=0)
    counts = cum[-1]
    rank = jnp.sum(cum * onehot, axis=1) - 1
    padded = ((counts + BLK - 1) // BLK) * BLK
    pad_starts = jnp.concatenate(
        [jnp.zeros((1,), jnp.int32), jnp.cumsum(padded)[:-1].astype(jnp.int32)])
    dst = jnp.sum(onehot * pad_starts[None, :], axis=1) + rank
    b_idx = jnp.arange(NB, dtype=jnp.int32)
    bs = pad_starts // BLK
    be = (pad_starts + padded) // BLK
    in_reg = (b_idx[:, None] >= bs[None, :]) & (b_idx[:, None] < be[None, :])
    block_expert = jnp.sum(jnp.where(in_reg, eye[None, :], 0), axis=1)
    return dst.astype(jnp.int32), block_expert.astype(jnp.int32)


def _sc_pack_scatter_rows(features, dst):
    mesh = plsc.VectorSubcoreMesh(core_axis_name="c", subcore_axis_name="s")
    dst3 = dst.reshape(NW, NCHUNK, CHUNK)

    @functools.partial(
        pl.kernel,
        out_type=jax.ShapeDtypeStruct((NPAD, F // 2), jnp.int32),
        mesh=mesh,
        scratch_types=[
            pltpu.VMEM((NCHUNK, CHUNK), jnp.int32),
            pltpu.VMEM((2, CHUNK, F), jnp.float32),
            pltpu.VMEM((2, CHUNK, F // 2), jnp.int32),
            pltpu.SemaphoreType.DMA,
            pltpu.SemaphoreType.DMA,
            pltpu.SemaphoreType.DMA,
            pltpu.SemaphoreType.DMA,
        ],
        compiler_params=pltpu.CompilerParams(needs_layout_passes=False),
    )
    def k(feat_hbm, dst_hbm, out_hbm, idx_v, rows_v, xb_v, si0, si1, so0, so1):
        wid = lax.axis_index("s") * NC + lax.axis_index("c")
        sin = (si0, si1)
        sout = (so0, so1)
        pltpu.sync_copy(dst_hbm.at[wid], idx_v)

        def start_in(c):
            base = wid * ROWS_PER_W + c * CHUNK
            return pltpu.async_copy(
                feat_hbm.at[pl.ds(base, CHUNK)], rows_v.at[c % 2], sin[c % 2])

        cps_in = [None] * NCHUNK
        cps_out = [None] * NCHUNK
        cps_in[0] = start_in(0)
        for c in range(NCHUNK):
            b = c % 2
            cps_in[c].wait()
            if c + 1 < NCHUNK:
                cps_in[c + 1] = start_in(c + 1)
            if c >= 2:
                cps_out[c - 2].wait()

            @plsc.parallel_loop(0, GROUPS, unroll=8)
            def _(g):
                r = g // 32
                j0 = (g % 32) * 16
                a = rows_v[b, r, pl.ds(j0, 16)]
                bb = rows_v[b, r, pl.ds(j0 + F // 2, 16)]
                w = plsc.bitcast(
                    plsc.pack(a, bb, format=plsc.PackFormat.INTERLEAVED),
                    jnp.int32)
                xb_v[b, r, pl.ds(j0, 16)] = w

            cps_out[c] = pltpu.async_copy(
                xb_v.at[b], out_hbm.at[idx_v.at[c]], sout[b])
        cps_out[NCHUNK - 2].wait()
        cps_out[NCHUNK - 1].wait()

    return k(features, dst3)


def _mlp_body(eid_ref, x_ref, w1a_ref, w1b_ref, b1_ref, w2_ref, b2_ref,
              w3_ref, b3_ref, out_ref):
    x32 = x_ref[...]
    xe = lax.bitcast_convert_type(x32 << 16, jnp.float32)
    xo = lax.bitcast_convert_type(x32 & jnp.int32(-65536), jnp.float32)
    h = jnp.tanh(
        jnp.dot(xe, w1a_ref[0], preferred_element_type=jnp.float32)
        + jnp.dot(xo, w1b_ref[0], preferred_element_type=jnp.float32)
        + b1_ref[0])
    h = jnp.tanh(
        jnp.dot(h, w2_ref[0], preferred_element_type=jnp.float32) + b2_ref[0])
    e = jnp.sum(h * w3_ref[0], axis=1, keepdims=True) + b3_ref[0]
    out_ref[0] = e


def _tc_grouped_mlp(block_expert, xs, W1, b1, W2, b2, W3, b3, nb=NB):
    b1r = b1.reshape(E, 1, H1)
    b2r = b2.reshape(E, 1, H2)
    w3r = W3.reshape(E, H2).reshape(E, 1, H2)
    b3r = b3.reshape(E, 1, 1)
    grid_spec = pltpu.PrefetchScalarGridSpec(
        num_scalar_prefetch=1,
        grid=(nb,),
        in_specs=[
            pl.BlockSpec((BLK, F // 2), lambda i, eid: (i, 0)),
            pl.BlockSpec((1, F // 2, H1), lambda i, eid: (eid[i], 0, 0)),
            pl.BlockSpec((1, F // 2, H1), lambda i, eid: (eid[i], 1, 0)),
            pl.BlockSpec((1, 1, H1), lambda i, eid: (eid[i], 0, 0)),
            pl.BlockSpec((1, H1, H2), lambda i, eid: (eid[i], 0, 0)),
            pl.BlockSpec((1, 1, H2), lambda i, eid: (eid[i], 0, 0)),
            pl.BlockSpec((1, 1, H2), lambda i, eid: (eid[i], 0, 0)),
            pl.BlockSpec((1, 1, 1), lambda i, eid: (eid[i], 0, 0)),
        ],
        out_specs=pl.BlockSpec((1, BLK, 1), lambda i, eid: (i, 0, 0)),
    )
    out = pl.pallas_call(
        _mlp_body,
        grid_spec=grid_spec,
        out_shape=jax.ShapeDtypeStruct((nb, BLK, 1), jnp.float32),
    )(block_expert, xs, W1, W1, b1r, W2, b2r, w3r, b3r)
    return out.reshape(nb * BLK)


def _sc_gather_out(e_pad, dst):
    mesh = plsc.VectorSubcoreMesh(core_axis_name="c", subcore_axis_name="s")

    @functools.partial(
        pl.kernel,
        out_type=jax.ShapeDtypeStruct((N,), jnp.float32),
        mesh=mesh,
        scratch_types=[
            pltpu.VMEM((NPAD,), jnp.float32),
            pltpu.VMEM((ROWS_PER_W,), jnp.int32),
            pltpu.VMEM((ROWS_PER_W,), jnp.float32),
        ],
        compiler_params=pltpu.CompilerParams(needs_layout_passes=False),
    )
    def k(e_hbm, dst_hbm, out_hbm, etab_v, idx_v, out_v):
        wid = lax.axis_index("s") * NC + lax.axis_index("c")
        base = wid * ROWS_PER_W
        pltpu.sync_copy(e_hbm, etab_v)
        pltpu.sync_copy(dst_hbm.at[pl.ds(base, ROWS_PER_W)], idx_v)
        for j in range(ROWS_PER_W // 16):
            idxs = idx_v[pl.ds(j * 16, 16)]
            out_v[pl.ds(j * 16, 16)] = plsc.load_gather(etab_v, [idxs])
        pltpu.sync_copy(out_v, out_hbm.at[pl.ds(base, ROWS_PER_W)])

    return k(e_pad, dst)


def kernel(features, species_indices, W1, b1, W2, b2, W3, b3):
    dst, block_expert = _routing(species_indices)
    xs32 = _sc_pack_scatter_rows(features, dst)
    e_pad = _tc_grouped_mlp(block_expert, xs32, W1, b1, W2, b2, W3, b3)
    return _sc_gather_out(e_pad, dst)

# --- scband reference (transcript-rebuilt; emitter-appended) ---
"""Pipeline reference for scband-energy-model-adapter-59296318489074 (READ-ONLY COPY).

The authoritative reference and input builder live on the scoring server;
editing this copy changes nothing except your own understanding.
"""

import jax, jax.numpy as jnp
import numpy as np

N = 16384
F = 1024
H1 = 512
H2 = 512
E = 8


def setup_inputs(seed: int = 0) -> dict:
    key = jax.random.key(seed)
    ks = jax.random.split(key, 8)
    features = jax.random.normal(ks[0], (N, F), dtype=jnp.float32)
    species_indices = jax.random.randint(ks[1], (N,), 0, E)
    # Stacked per-species (per-expert) MLP parameters: Linear(F,H1)-tanh-Linear(H1,H2)-tanh-Linear(H2,1)
    W1 = jax.random.normal(ks[2], (E, F, H1), dtype=jnp.float32) * (1.0 / np.sqrt(F))
    b1 = jnp.zeros((E, H1), dtype=jnp.float32)
    W2 = jax.random.normal(ks[3], (E, H1, H2), dtype=jnp.float32) * (1.0 / np.sqrt(H1))
    b2 = jnp.zeros((E, H2), dtype=jnp.float32)
    W3 = jax.random.normal(ks[4], (E, H2, 1), dtype=jnp.float32) * (1.0 / np.sqrt(H2))
    b3 = jnp.zeros((E, 1), dtype=jnp.float32)
    return {
        "features": features,
        "species_indices": species_indices,
        "W1": W1, "b1": b1,
        "W2": W2, "b2": b2,
        "W3": W3, "b3": b3,
    }


def _expert_mlp(x, W1, b1, W2, b2, W3, b3):
    h = jnp.tanh(x @ W1 + b1)
    h = jnp.tanh(h @ W2 + b2)
    return (h @ W3 + b3)[:, 0]


def reference(features, species_indices, W1, b1, W2, b2, W3, b3):
    # Faithful translation of EnergyModelAdapter.forward_atomic:
    # per-species expert network applied to the atoms of that species, results
    # scattered back into the original atom order. Implemented densely with
    # jnp.where-based selection (mask per species), which produces identical
    # per-atom energies as the torch masked-gather/scatter loop.
    n = features.shape[0]
    E_atomic_full = jnp.zeros((n,), dtype=features.dtype)
    for iesp in range(E):
        e_i = _expert_mlp(features, W1[iesp], b1[iesp], W2[iesp], b2[iesp], W3[iesp], b3[iesp])
        mask = species_indices == iesp
        E_atomic_full = jnp.where(mask, e_i, E_atomic_full)
    return E_atomic_full

if __name__ == "__main__":
    import jax
    _d = setup_inputs()
    print(jax.jit(kernel)(*tuple(_d.values())))

</pallas_src>

<mosaic_0001>
#map = affine_map<(d0, d1) -> (0, 0)>
#map1 = affine_map<(d0, d1) -> (0, 0, 0)>
module attributes {stable_mosaic.version = 14 : i64} {
  func.func @k(%arg0: i32, %arg1: i32, %arg2: memref<16384x1024xf32, #tpu.memory_space<hbm>>, %arg3: memref<32x16x32xi32, #tpu.memory_space<hbm>>, %arg4: memref<23552x512xi32, #tpu.memory_space<hbm>>, %arg5: memref<16x32xi32, #tpu.memory_space<vmem>>, %arg6: memref<2x32x1024xf32, #tpu.memory_space<vmem>>, %arg7: memref<2x32x512xi32, #tpu.memory_space<vmem>>, %arg8: memref<!tpu.dma_semaphore, #tpu.memory_space<semaphore_mem>>, %arg9: memref<!tpu.dma_semaphore, #tpu.memory_space<semaphore_mem>>, %arg10: memref<!tpu.dma_semaphore, #tpu.memory_space<semaphore_mem>>, %arg11: memref<!tpu.dma_semaphore, #tpu.memory_space<semaphore_mem>>) attributes {dimension_semantics = [#tpu.dimension_semantics<core_parallel>, #tpu.dimension_semantics<subcore_parallel>], iteration_bounds = array<i64: 2, 16>, scalar_prefetch = 0 : i64, scratch_operands = 7 : i64, tpu.core_type = #tpu.core_type<sc_vector_subcore>, window_params = [{transform_indices = #map}, {transform_indices = #map1}, {transform_indices = #map}]} {
    %mul3A = arith.constant 2 : i32
    %mul3A_0 = arith.muli %arg1, %mul3A : i32
    %add3A = arith.addi %mul3A_0, %arg0 : i32
    "tpu.region"() ({
      %run_scoped3A = tpu.sem_alloc : memref<!tpu.dma_semaphore, #tpu.memory_space<semaphore_mem>>
      %dma_start3A_910 = arith.constant 0 : i32
      %dma_start3A_911 = arith.constant 0 : i32
      %dma_start3A_912 = tpu.memref_slice %arg3[%add3A, %dma_start3A_910, %dma_start3A_911] : memref<32x16x32xi32, #tpu.memory_space<hbm>> -> memref<1x16x32xi32, #tpu.memory_space<hbm>>
      %dma_start3A_913 = tpu.memref_squeeze %dma_start3A_912 : memref<1x16x32xi32, #tpu.memory_space<hbm>> -> memref<16x32xi32, #tpu.memory_space<hbm>>
      %dma_start3A_914 = arith.constant 0 : i32
      %dma_start3A_915 = arith.constant 0 : i32
      %dma_start3A_916 = tpu.memref_slice %arg3[%add3A, %dma_start3A_914, %dma_start3A_915] : memref<32x16x32xi32, #tpu.memory_space<hbm>> -> memref<1x16x32xi32, #tpu.memory_space<hbm>>
      %dma_start3A_917 = tpu.memref_squeeze %dma_start3A_916 : memref<1x16x32xi32, #tpu.memory_space<hbm>> -> memref<16x32xi32, #tpu.memory_space<hbm>>
      tpu.enqueue_dma source(%dma_start3A_917 : memref<16x32xi32, #tpu.memory_space<hbm>>) target(%arg5 : memref<16x32xi32, #tpu.memory_space<vmem>>) target_semaphore(%run_scoped3A : memref<!tpu.dma_semaphore, #tpu.memory_space<semaphore_mem>>)
      %dma_wait3A_918 = arith.constant 0 : i32
      %dma_wait3A_919 = arith.constant 0 : i32
      %dma_wait3A_920 = tpu.memref_slice %arg3[%add3A, %dma_wait3A_918, %dma_wait3A_919] : memref<32x16x32xi32, #tpu.memory_space<hbm>> -> memref<1x16x32xi32, #tpu.memory_space<hbm>>
      %dma_wait3A_921 = tpu.memref_squeeze %dma_wait3A_920 : memref<1x16x32xi32, #tpu.memory_space<hbm>> -> memref<16x32xi32, #tpu.memory_space<hbm>>
      %dma_wait3A_922 = arith.constant 0 : i32
      %dma_wait3A_923 = arith.constant 0 : i32
      %dma_wait3A_924 = tpu.memref_slice %arg3[%add3A, %dma_wait3A_922, %dma_wait3A_923] : memref<32x16x32xi32, #tpu.memory_space<hbm>> -> memref<1x16x32xi32, #tpu.memory_space<hbm>>
      %dma_wait3A_925 = tpu.memref_squeeze %dma_wait3A_924 : memref<1x16x32xi32, #tpu.memory_space<hbm>> -> memref<16x32xi32, #tpu.memory_space<hbm>>
      tpu.wait_dma2 semaphore(%run_scoped3A : memref<!tpu.dma_semaphore, #tpu.memory_space<semaphore_mem>>) src(%dma_wait3A_925 : memref<16x32xi32, #tpu.memory_space<hbm>>) dst(%arg5 : memref<16x32xi32, #tpu.memory_space<vmem>>)
      tpu.yield
    }) : () -> ()
    %mul3A_1 = arith.constant 512 : i32
    %mul3A_2 = arith.muli %add3A, %mul3A_1 : i32
    %add3A_3 = arith.constant 0 : i32
    %add3A_4 = arith.addi %mul3A_2, %add3A_3 : i32
    %dma_start3A = arith.constant 0 : i32
    %dma_start3A_5 = arith.constant 0 : i32
    %dma_start3A_6 = arith.constant 0 : i32
    %dma_start3A_7 = tpu.memref_slice %arg6[%dma_start3A, %dma_start3A_5, %dma_start3A_6] : memref<2x32x1024xf32, #tpu.memory_space<vmem>> -> memref<1x32x1024xf32, #tpu.memory_space<vmem>>
    %dma_start3A_8 = tpu.memref_squeeze %dma_start3A_7 : memref<1x32x1024xf32, #tpu.memory_space<vmem>> -> memref<32x1024xf32, #tpu.memory_space<vmem>>
    %dma_start3A_9 = arith.constant 0 : i32
    %dma_start3A_10 = tpu.memref_slice %arg2[%add3A_4, %dma_start3A_9] : memref<16384x1024xf32, #tpu.memory_space<hbm>> -> memref<32x1024xf32, #tpu.memory_space<hbm>>
    %dma_start3A_11 = arith.constant 0 : i32
    %dma_start3A_12 = arith.constant 0 : i32
    %dma_start3A_13 = tpu.memref_slice %arg6[%dma_start3A, %dma_start3A_11, %dma_start3A_12] : memref<2x32x1024xf32, #tpu.memory_space<vmem>> -> memref<1x32x1024xf32, #tpu.memory_space<vmem>>
    %dma_start3A_14 = tpu.memref_squeeze %dma_start3A_13 : memref<1x32x1024xf32, #tpu.memory_space<vmem>> -> memref<32x1024xf32, #tpu.memory_space<vmem>>
    %dma_start3A_15 = arith.constant 0 : i32
    %dma_start3A_16 = tpu.memref_slice %arg2[%add3A_4, %dma_start3A_15] : memref<16384x1024xf32, #tpu.memory_space<hbm>> -> memref<32x1024xf32, #tpu.memory_space<hbm>>
    tpu.enqueue_dma source(%dma_start3A_16 : memref<32x1024xf32, #tpu.memory_space<hbm>>) target(%dma_start3A_14 : memref<32x1024xf32, #tpu.memory_space<vmem>>) target_semaphore(%arg8 : memref<!tpu.dma_semaphore, #tpu.memory_space<semaphore_mem>>)
    %dma_wait3A = arith.constant 0 : i32
    %dma_wait3A_17 = arith.constant 0 : i32
    %dma_wait3A_18 = arith.constant 0 : i32
    %dma_wait3A_19 = tpu.memref_slice %arg6[%dma_wait3A, %dma_wait3A_17, %dma_wait3A_18] : memref<2x32x1024xf32, #tpu.memory_space<vmem>> -> memref<1x32x1024xf32, #tpu.memory_space<vmem>>
    %dma_wait3A_20 = tpu.memref_squeeze %dma_wait3A_19 : memref<1x32x1024xf32, #tpu.memory_space<vmem>> -> memref<32x1024xf32, #tpu.memory_space<vmem>>
    %dma_wait3A_21 = arith.constant 0 : i32
    %dma_wait3A_22 = tpu.memref_slice %arg2[%add3A_4, %dma_wait3A_21] : memref<16384x1024xf32, #tpu.memory_space<hbm>> -> memref<32x1024xf32, #tpu.memory_space<hbm>>
    %dma_wait3A_23 = arith.constant 0 : i32
    %dma_wait3A_24 = arith.constant 0 : i32
    %dma_wait3A_25 = tpu.memref_slice %arg6[%dma_wait3A, %dma_wait3A_23, %dma_wait3A_24] : memref<2x32x1024xf32, #tpu.memory_space<vmem>> -> memref<1x32x1024xf32, #tpu.memory_space<vmem>>
    %dma_wait3A_26 = tpu.memref_squeeze %dma_wait3A_25 : memref<1x32x1024xf32, #tpu.memory_space<vmem>> -> memref<32x1024xf32, #tpu.memory_space<vmem>>
    %dma_wait3A_27 = arith.constant 0 : i32
    %dma_wait3A_28 = tpu.memref_slice %arg2[%add3A_4, %dma_wait3A_27] : memref<16384x1024xf32, #tpu.memory_space<hbm>> -> memref<32x1024xf32, #tpu.memory_space<hbm>>
    tpu.wait_dma2 semaphore(%arg8 : memref<!tpu.dma_semaphore, #tpu.memory_space<semaphore_mem>>) src(%dma_wait3A_28 : memref<32x1024xf32, #tpu.memory_space<hbm>>) dst(%dma_wait3A_26 : memref<32x1024xf32, #tpu.memory_space<vmem>>)
    %mul3A_29 = arith.constant 512 : i32
    %mul3A_30 = arith.muli %add3A, %mul3A_29 : i32
    %add3A_31 = arith.constant 32 : i32
    %add3A_32 = arith.addi %mul3A_30, %add3A_31 : i32
    %dma_start3A_33 = arith.constant 1 : i32
    %dma_start3A_34 = arith.constant 0 : i32
    %dma_start3A_35 = arith.constant 0 : i32
    %dma_start3A_36 = tpu.memref_slice %arg6[%dma_start3A_33, %dma_start3A_34, %dma_start3A_35] : memref<2x32x1024xf32, #tpu.memory_space<vmem>> -> memref<1x32x1024xf32, #tpu.memory_space<vmem>>
    %dma_start3A_37 = tpu.memref_squeeze %dma_start3A_36 : memref<1x32x1024xf32, #tpu.memory_space<vmem>> -> memref<32x1024xf32, #tpu.memory_space<vmem>>
    %dma_start3A_38 = arith.constant 0 : i32
    %dma_start3A_39 = tpu.memref_slice %arg2[%add3A_32, %dma_start3A_38] : memref<16384x1024xf32, #tpu.memory_space<hbm>> -> memref<32x1024xf32, #tpu.memory_space<hbm>>
    %dma_start3A_40 = arith.constant 0 : i32
    %dma_start3A_41 = arith.constant 0 : i32
    %dma_start3A_42 = tpu.memref_slice %arg6[%dma_start3A_33, %dma_start3A_40, %dma_start3A_41] : memref<2x32x1024xf32, #tpu.memory_space<vmem>> -> memref<1x32x1024xf32, #tpu.memory_space<vmem>>
    %dma_start3A_43 = tpu.memref_squeeze %dma_start3A_42 : memref<1x32x1024xf32, #tpu.memory_space<vmem>> -> memref<32x1024xf32, #tpu.memory_space<vmem>>
    %dma_start3A_44 = arith.constant 0 : i32
    %dma_start3A_45 = tpu.memref_slice %arg2[%add3A_32, %dma_start3A_44] : memref<16384x1024xf32, #tpu.memory_space<hbm>> -> memref<32x1024xf32, #tpu.memory_space<hbm>>
    tpu.enqueue_dma source(%dma_start3A_45 : memref<32x1024xf32, #tpu.memory_space<hbm>>) target(%dma_start3A_43 : memref<32x1024xf32, #tpu.memory_space<vmem>>) target_semaphore(%arg9 : memref<!tpu.dma_semaphore, #tpu.memory_space<semaphore_mem>>)
    %parallel_loop3A = arith.constant 0 : i32
    %parallel_loop3A_46 = arith.constant 1024 : i32
    %parallel_loop3A_47 = arith.constant 1 : i32
    scf.for %parallel_loop3A_910 = %parallel_loop3A to %parallel_loop3A_46 step %parallel_loop3A_47  : i32 {
      %parallel_loop3A_911 = arith.constant 32 : i32
      %parallel_loop3A_912 = arith.divsi %parallel_loop3A_910, %parallel_loop3A_911 : i32
      %parallel_loop3A_913 = arith.constant 0 : i32
      %parallel_loop3A_914 = arith.cmpi sgt, %parallel_loop3A_910, %parallel_loop3A_913 : i32
      %parallel_loop3A_915 = arith.extui %parallel_loop3A_914 : i1 to i32
      %parallel_loop3A_916 = arith.constant 0 : i32
      %parallel_loop3A_917 = arith.cmpi slt, %parallel_loop3A_910, %parallel_loop3A_916 : i32
      %parallel_loop3A_918 = arith.extui %parallel_loop3A_917 : i1 to i32
      %parallel_loop3A_919 = arith.subi %parallel_loop3A_915, %parallel_loop3A_918 : i32
      %parallel_loop3A_920 = arith.constant 0 : i32
      %parallel_loop3A_921 = arith.cmpi sgt, %parallel_loop3A_911, %parallel_loop3A_920 : i32
      %parallel_loop3A_922 = arith.extui %parallel_loop3A_921 : i1 to i32
      %parallel_loop3A_923 = arith.constant 0 : i32
      %parallel_loop3A_924 = arith.cmpi slt, %parallel_loop3A_911, %parallel_loop3A_923 : i32
      %parallel_loop3A_925 = arith.extui %parallel_loop3A_924 : i1 to i32
      %parallel_loop3A_926 = arith.subi %parallel_loop3A_922, %parallel_loop3A_925 : i32
      %parallel_loop3A_927 = arith.cmpi ne, %parallel_loop3A_919, %parallel_loop3A_926 : i32
      %parallel_loop3A_928 = arith.remsi %parallel_loop3A_910, %parallel_loop3A_911 : i32
      %parallel_loop3A_929 = arith.constant 0 : i32
      %parallel_loop3A_930 = arith.cmpi ne, %parallel_loop3A_928, %parallel_loop3A_929 : i32
      %parallel_loop3A_931 = arith.andi %parallel_loop3A_927, %parallel_loop3A_930 : i1
      %parallel_loop3A_932 = arith.constant 1 : i32
      %parallel_loop3A_933 = arith.subi %parallel_loop3A_912, %parallel_loop3A_932 : i32
      %parallel_loop3A_934 = arith.select %parallel_loop3A_931, %parallel_loop3A_933, %parallel_loop3A_912 : i32
      %parallel_loop3A_935 = arith.constant 32 : i32
      %parallel_loop3A_936 = arith.constant 0 : i32
      %parallel_loop3A_937 = arith.cmpi eq, %parallel_loop3A_935, %parallel_loop3A_936 : i32
      %parallel_loop3A_938 = arith.constant 1 : i32
      %parallel_loop3A_939 = arith.select %parallel_loop3A_937, %parallel_loop3A_938, %parallel_loop3A_935 : i32
      %parallel_loop3A_940 = arith.remsi %parallel_loop3A_910, %parallel_loop3A_939 : i32
      %parallel_loop3A_941 = arith.constant 0 : i32
      %parallel_loop3A_942 = arith.cmpi ne, %parallel_loop3A_940, %parallel_loop3A_941 : i32
      %parallel_loop3A_943 = arith.constant 0 : i32
      %parallel_loop3A_944 = arith.cmpi slt, %parallel_loop3A_940, %parallel_loop3A_943 : i32
      %parallel_loop3A_945 = arith.constant 0 : i32
      %parallel_loop3A_946 = arith.cmpi slt, %parallel_loop3A_939, %parallel_loop3A_945 : i32
      %parallel_loop3A_947 = arith.xori %parallel_loop3A_944, %parallel_loop3A_946 : i1
      %parallel_loop3A_948 = arith.andi %parallel_loop3A_947, %parallel_loop3A_942 : i1
      %parallel_loop3A_949 = arith.addi %parallel_loop3A_940, %parallel_loop3A_939 : i32
      %parallel_loop3A_950 = arith.select %parallel_loop3A_948, %parallel_loop3A_949, %parallel_loop3A_940 : i32
      %parallel_loop3A_951 = arith.constant 16 : i32
      %parallel_loop3A_952 = arith.muli %parallel_loop3A_950, %parallel_loop3A_951 : i32
      %parallel_loop3A_953 = arith.constant 0 : i32
      %parallel_loop3A_954 = arith.index_cast %parallel_loop3A_953 : i32 to index
      %parallel_loop3A_955 = arith.index_cast %parallel_loop3A_934 : i32 to index
      %parallel_loop3A_956 = arith.index_cast %parallel_loop3A_952 : i32 to index
      %parallel_loop3A_957 = tpu.vector_load %arg6[%parallel_loop3A_954, %parallel_loop3A_955, %parallel_loop3A_956] {strides = array<i32>} : memref<2x32x1024xf32, #tpu.memory_space<vmem>>, vector<16xf32>,
      %parallel_loop3A_958 = arith.constant 512 : i32
      %parallel_loop3A_959 = arith.addi %parallel_loop3A_952, %parallel_loop3A_958 : i32
      %parallel_loop3A_960 = arith.constant 0 : i32
      %parallel_loop3A_961 = arith.index_cast %parallel_loop3A_960 : i32 to index
      %parallel_loop3A_962 = arith.index_cast %parallel_loop3A_934 : i32 to index
      %parallel_loop3A_963 = arith.index_cast %parallel_loop3A_959 : i32 to index
      %parallel_loop3A_964 = tpu.vector_load %arg6[%parallel_loop3A_961, %parallel_loop3A_962, %parallel_loop3A_963] {strides = array<i32>} : memref<2x32x1024xf32, #tpu.memory_space<vmem>>, vector<16xf32>,
      %parallel_loop3A_965 = tpu.pack_subelements %parallel_loop3A_957, %parallel_loop3A_964 {pack_format = #tpu.pack_format<interleaved>, positions = array<i32: 0, 1>} : vector<16xf32>, vector<16xf32> -> vector<32xbf16>
      %parallel_loop3A_966 = vector.bitcast %parallel_loop3A_965 : vector<32xbf16> to vector<16xi32>
      %parallel_loop3A_967 = arith.constant 0 : i32
      %parallel_loop3A_968 = arith.index_cast %parallel_loop3A_967 : i32 to index
      %parallel_loop3A_969 = arith.index_cast %parallel_loop3A_934 : i32 to index
      %parallel_loop3A_970 = arith.index_cast %parallel_loop3A_952 : i32 to index
      %parallel_loop3A_971 = tpu.vector_load %arg7[%parallel_loop3A_968, %parallel_loop3A_969, %parallel_loop3A_970] {strides = array<i32>} : memref<2x32x512xi32, #tpu.memory_space<vmem>>, vector<16xi32>,
      tpu.vector_store %arg7[%parallel_loop3A_968, %parallel_loop3A_969, %parallel_loop3A_970], %parallel_loop3A_966 {strides = array<i32>} : memref<2x32x512xi32, #tpu.memory_space<vmem>>, vector<16xi32>,
    } {sc.loop_unroll_factor = 8 : i64, sc.parallel_access}
    %dma_start3A_48 = arith.constant 0 : i32
    %dma_start3A_49 = arith.constant 0 : i32
    %dma_start3A_50 = arith.constant 0 : i32
    %dma_start3A_51 = arith.constant 0 : i32
    %dma_start3A_52 = tpu.memref_slice %arg7[%dma_start3A_48, %dma_start3A_50, %dma_start3A_51] : memref<2x32x512xi32, #tpu.memory_space<vmem>> -> memref<1x32x512xi32, #tpu.memory_space<vmem>>
    %dma_start3A_53 = tpu.memref_squeeze %dma_start3A_52 : memref<1x32x512xi32, #tpu.memory_space<vmem>> -> memref<32x512xi32, #tpu.memory_space<vmem>>
    %dma_start3A_54 = arith.constant 0 : i32
    %dma_start3A_55 = tpu.memref_slice %arg5[%dma_start3A_49, %dma_start3A_54] : memref<16x32xi32, #tpu.memory_space<vmem>> -> memref<1x32xi32, #tpu.memory_space<vmem>>
    %dma_start3A_56 = tpu.memref_squeeze %dma_start3A_55 : memref<1x32xi32, #tpu.memory_space<vmem>> -> memref<32xi32, #tpu.memory_space<vmem>>
    %dma_start3A_57 = arith.constant 0 : i32
    %dma_start3A_58 = arith.constant 0 : i32
    %dma_start3A_59 = tpu.memref_slice %arg4[%dma_start3A_57, %dma_start3A_58] : memref<23552x512xi32, #tpu.memory_space<hbm>> -> memref<23552x512xi32, #tpu.memory_space<hbm>>
    tpu.enqueue_indirect_dma source(%dma_start3A_53 : memref<32x512xi32, #tpu.memory_space<vmem>>) target(%dma_start3A_59 : memref<23552x512xi32, #tpu.memory_space<hbm>>) offsets(%dma_start3A_56 : memref<32xi32, #tpu.memory_space<vmem>>) semaphore(%arg10 : memref<!tpu.dma_semaphore, #tpu.memory_space<semaphore_mem>>)
    %dma_wait3A_60 = arith.constant 1 : i32
    %dma_wait3A_61 = arith.constant 0 : i32
    %dma_wait3A_62 = arith.constant 0 : i32
    %dma_wait3A_63 = tpu.memref_slice %arg6[%dma_wait3A_60, %dma_wait3A_61, %dma_wait3A_62] : memref<2x32x1024xf32, #tpu.memory_space<vmem>> -> memref<1x32x1024xf32, #tpu.memory_space<vmem>>
    %dma_wait3A_64 = tpu.memref_squeeze %dma_wait3A_63 : memref<1x32x1024xf32, #tpu.memory_space<vmem>> -> memref<32x1024xf32, #tpu.memory_space<vmem>>
    %dma_wait3A_65 = arith.constant 0 : i32
    %dma_wait3A_66 = tpu.memref_slice %arg2[%add3A_32, %dma_wait3A_65] : memref<16384x1024xf32, #tpu.memory_space<hbm>> -> memref<32x1024xf32, #tpu.memory_space<hbm>>
    %dma_wait3A_67 = arith.constant 0 : i32
    %dma_wait3A_68 = arith.constant 0 : i32
    %dma_wait3A_69 = tpu.memref_slice %arg6[%dma_wait3A_60, %dma_wait3A_67, %dma_wait3A_68] : memref<2x32x1024xf32, #tpu.memory_space<vmem>> -> memref<1x32x1024xf32, #tpu.memory_space<vmem>>
    %dma_wait3A_70 = tpu.memref_squeeze %dma_wait3A_69 : memref<1x32x1024xf32, #tpu.memory_space<vmem>> -> memref<32x1024xf32, #tpu.memory_space<vmem>>
    %dma_wait3A_71 = arith.constant 0 : i32
    %dma_wait3A_72 = tpu.memref_slice %arg2[%add3A_32, %dma_wait3A_71] : memref<16384x1024xf32, #tpu.memory_space<hbm>> -> memref<32x1024xf32, #tpu.memory_space<hbm>>
    tpu.wait_dma2 semaphore(%arg9 : memref<!tpu.dma_semaphore, #tpu.memory_space<semaphore_mem>>) src(%dma_wait3A_72 : memref<32x1024xf32, #tpu.memory_space<hbm>>) dst(%dma_wait3A_70 : memref<32x1024xf32, #tpu.memory_space<vmem>>)
    %mul3A_73 = arith.constant 512 : i32
    %mul3A_74 = arith.muli %add3A, %mul3A_73 : i32
    %add3A_75 = arith.constant 64 : i32
    %add3A_76 = arith.addi %mul3A_74, %add3A_75 : i32
    %dma_start3A_77 = arith.constant 0 : i32
    %dma_start3A_78 = arith.constant 0 : i32
    %dma_start3A_79 = arith.constant 0 : i32
    %dma_start3A_80 = tpu.memref_slice %arg6[%dma_start3A_77, %dma_start3A_78, %dma_start3A_79] : memref<2x32x1024xf32, #tpu.memory_space<vmem>> -> memref<1x32x1024xf32, #tpu.memory_space<vmem>>
    %dma_start3A_81 = tpu.memref_squeeze %dma_start3A_80 : memref<1x32x1024xf32, #tpu.memory_space<vmem>> -> memref<32x1024xf32, #tpu.memory_space<vmem>>
    %dma_start3A_82 = arith.constant 0 : i32
    %dma_start3A_83 = tpu.memref_slice %arg2[%add3A_76, %dma_start3A_82] : memref<16384x1024xf32, #tpu.memory_space<hbm>> -> memref<32x1024xf32, #tpu.memory_space<hbm>>
    %dma_start3A_84 = arith.constant 0 : i32
    %dma_start3A_85 = arith.constant 0 : i32
    %dma_start3A_86 = tpu.memref_slice %arg6[%dma_start3A_77, %dma_start3A_84, %dma_start3A_85] : memref<2x32x1024xf32, #tpu.memory_space<vmem>> -> memref<1x32x1024xf32, #tpu.memory_space<vmem>>
    %dma_start3A_87 = tpu.memref_squeeze %dma_start3A_86 : memref<1x32x1024xf32, #tpu.memory_space<vmem>> -> memref<32x1024xf32, #tpu.memory_space<vmem>>
    %dma_start3A_88 = arith.constant 0 : i32
    %dma_start3A_89 = tpu.memref_slice %arg2[%add3A_76, %dma_start3A_88] : memref<16384x1024xf32, #tpu.memory_space<hbm>> -> memref<32x1024xf32, #tpu.memory_space<hbm>>
    tpu.enqueue_dma source(%dma_start3A_89 : memref<32x1024xf32, #tpu.memory_space<hbm>>) target(%dma_start3A_87 : memref<32x1024xf32, #tpu.memory_space<vmem>>) target_semaphore(%arg8 : memref<!tpu.dma_semaphore, #tpu.memory_space<semaphore_mem>>)
    %parallel_loop3A_90 = arith.constant 0 : i32
    %parallel_loop3A_91 = arith.constant 1024 : i32
    %parallel_loop3A_92 = arith.constant 1 : i32
    scf.for %parallel_loop3A_910 = %parallel_loop3A_90 to %parallel_loop3A_91 step %parallel_loop3A_92  : i32 {
      %parallel_loop3A_911 = arith.constant 32 : i32
      %parallel_loop3A_912 = arith.divsi %parallel_loop3A_910, %parallel_loop3A_911 : i32
      %parallel_loop3A_913 = arith.constant 0 : i32
      %parallel_loop3A_914 = arith.cmpi sgt, %parallel_loop3A_910, %parallel_loop3A_913 : i32
      %parallel_loop3A_915 = arith.extui %parallel_loop3A_914 : i1 to i32
      %parallel_loop3A_916 = arith.constant 0 : i32
      %parallel_loop3A_917 = arith.cmpi slt, %parallel_loop3A_910, %parallel_loop3A_916 : i32
      %parallel_loop3A_918 = arith.extui %parallel_loop3A_917 : i1 to i32
      %parallel_loop3A_919 = arith.subi %parallel_loop3A_915, %parallel_loop3A_918 : i32
      %parallel_loop3A_920 = arith.constant 0 : i32
      %parallel_loop3A_921 = arith.cmpi sgt, %parallel_loop3A_911, %parallel_loop3A_920 : i32
      %parallel_loop3A_922 = arith.extui %parallel_loop3A_921 : i1 to i32
      %parallel_loop3A_923 = arith.constant 0 : i32
      %parallel_loop3A_924 = arith.cmpi slt, %parallel_loop3A_911, %parallel_loop3A_923 : i32
      %parallel_loop3A_925 = arith.extui %parallel_loop3A_924 : i1 to i32
      %parallel_loop3A_926 = arith.subi %parallel_loop3A_922, %parallel_loop3A_925 : i32
      %parallel_loop3A_927 = arith.cmpi ne, %parallel_loop3A_919, %parallel_loop3A_926 : i32
      %parallel_loop3A_928 = arith.remsi %parallel_loop3A_910, %parallel_loop3A_911 : i32
      %parallel_loop3A_929 = arith.constant 0 : i32
      %parallel_loop3A_930 = arith.cmpi ne, %parallel_loop3A_928, %parallel_loop3A_929 : i32
      %parallel_loop3A_931 = arith.andi %parallel_loop3A_927, %parallel_loop3A_930 : i1
      %parallel_loop3A_932 = arith.constant 1 : i32
      %parallel_loop3A_933 = arith.subi %parallel_loop3A_912, %parallel_loop3A_932 : i32
      %parallel_loop3A_934 = arith.select %parallel_loop3A_931, %parallel_loop3A_933, %parallel_loop3A_912 : i32
      %parallel_loop3A_935 = arith.constant 32 : i32
      %parallel_loop3A_936 = arith.constant 0 : i32
      %parallel_loop3A_937 = arith.cmpi eq, %parallel_loop3A_935, %parallel_loop3A_936 : i32
      %parallel_loop3A_938 = arith.constant 1 : i32
      %parallel_loop3A_939 = arith.select %parallel_loop3A_937, %parallel_loop3A_938, %parallel_loop3A_935 : i32
      %parallel_loop3A_940 = arith.remsi %parallel_loop3A_910, %parallel_loop3A_939 : i32
      %parallel_loop3A_941 = arith.constant 0 : i32
      %parallel_loop3A_942 = arith.cmpi ne, %parallel_loop3A_940, %parallel_loop3A_941 : i32
      %parallel_loop3A_943 = arith.constant 0 : i32
      %parallel_loop3A_944 = arith.cmpi slt, %parallel_loop3A_940, %parallel_loop3A_943 : i32
      %parallel_loop3A_945 = arith.constant 0 : i32
      %parallel_loop3A_946 = arith.cmpi slt, %parallel_loop3A_939, %parallel_loop3A_945 : i32
      %parallel_loop3A_947 = arith.xori %parallel_loop3A_944, %parallel_loop3A_946 : i1
      %parallel_loop3A_948 = arith.andi %parallel_loop3A_947, %parallel_loop3A_942 : i1
      %parallel_loop3A_949 = arith.addi %parallel_loop3A_940, %parallel_loop3A_939 : i32
      %parallel_loop3A_950 = arith.select %parallel_loop3A_948, %parallel_loop3A_949, %parallel_loop3A_940 : i32
      %parallel_loop3A_951 = arith.constant 16 : i32
      %parallel_loop3A_952 = arith.muli %parallel_loop3A_950, %parallel_loop3A_951 : i32
      %parallel_loop3A_953 = arith.constant 1 : i32
      %parallel_loop3A_954 = arith.index_cast %parallel_loop3A_953 : i32 to index
      %parallel_loop3A_955 = arith.index_cast %parallel_loop3A_934 : i32 to index
      %parallel_loop3A_956 = arith.index_cast %parallel_loop3A_952 : i32 to index
      %parallel_loop3A_957 = tpu.vector_load %arg6[%parallel_loop3A_954, %parallel_loop3A_955, %parallel_loop3A_956] {strides = array<i32>} : memref<2x32x1024xf32, #tpu.memory_space<vmem>>, vector<16xf32>,
      %parallel_loop3A_958 = arith.constant 512 : i32
      %parallel_loop3A_959 = arith.addi %parallel_loop3A_952, %parallel_loop3A_958 : i32
      %parallel_loop3A_960 = arith.constant 1 : i32
      %parallel_loop3A_961 = arith.index_cast %parallel_loop3A_960 : i32 to index
      %parallel_loop3A_962 = arith.index_cast %parallel_loop3A_934 : i32 to index
      %parallel_loop3A_963 = arith.index_cast %parallel_loop3A_959 : i32 to index
      %parallel_loop3A_964 = tpu.vector_load %arg6[%parallel_loop3A_961, %parallel_loop3A_962, %parallel_loop3A_963] {strides = array<i32>} : memref<2x32x1024xf32, #tpu.memory_space<vmem>>, vector<16xf32>,
      %parallel_loop3A_965 = tpu.pack_subelements %parallel_loop3A_957, %parallel_loop3A_964 {pack_format = #tpu.pack_format<interleaved>, positions = array<i32: 0, 1>} : vector<16xf32>, vector<16xf32> -> vector<32xbf16>
      %parallel_loop3A_966 = vector.bitcast %parallel_loop3A_965 : vector<32xbf16> to vector<16xi32>
      %parallel_loop3A_967 = arith.constant 1 : i32
      %parallel_loop3A_968 = arith.index_cast %parallel_loop3A_967 : i32 to index
      %parallel_loop3A_969 = arith.index_cast %parallel_loop3A_934 : i32 to index
      %parallel_loop3A_970 = arith.index_cast %parallel_loop3A_952 : i32 to index
      %parallel_loop3A_971 = tpu.vector_load %arg7[%parallel_loop3A_968, %parallel_loop3A_969, %parallel_loop3A_970] {strides = array<i32>} : memref<2x32x512xi32, #tpu.memory_space<vmem>>, vector<16xi32>,
      tpu.vector_store %arg7[%parallel_loop3A_968, %parallel_loop3A_969, %parallel_loop3A_970], %parallel_loop3A_966 {strides = array<i32>} : memref<2x32x512xi32, #tpu.memory_space<vmem>>, vector<16xi32>,
    } {sc.loop_unroll_factor = 8 : i64, sc.parallel_access}
    %dma_start3A_93 = arith.constant 1 : i32
    %dma_start3A_94 = arith.constant 1 : i32
    %dma_start3A_95 = arith.constant 0 : i32
    %dma_start3A_96 = arith.constant 0 : i32
    %dma_start3A_97 = tpu.memref_slice %arg7[%dma_start3A_93, %dma_start3A_95, %dma_start3A_96] : memref<2x32x512xi32, #tpu.memory_space<vmem>> -> memref<1x32x512xi32, #tpu.memory_space<vmem>>
    %dma_start3A_98 = tpu.memref_squeeze %dma_start3A_97 : memref<1x32x512xi32, #tpu.memory_space<vmem>> -> memref<32x512xi32, #tpu.memory_space<vmem>>
    %dma_start3A_99 = arith.constant 0 : i32
    %dma_start3A_100 = tpu.memref_slice %arg5[%dma_start3A_94, %dma_start3A_99] : memref<16x32xi32, #tpu.memory_space<vmem>> -> memref<1x32xi32, #tpu.memory_space<vmem>>
    %dma_start3A_101 = tpu.memref_squeeze %dma_start3A_100 : memref<1x32xi32, #tpu.memory_space<vmem>> -> memref<32xi32, #tpu.memory_space<vmem>>
    %dma_start3A_102 = arith.constant 0 : i32
    %dma_start3A_103 = arith.constant 0 : i32
    %dma_start3A_104 = tpu.memref_slice %arg4[%dma_start3A_102, %dma_start3A_103] : memref<23552x512xi32, #tpu.memory_space<hbm>> -> memref<23552x512xi32, #tpu.memory_space<hbm>>
    tpu.enqueue_indirect_dma source(%dma_start3A_98 : memref<32x512xi32, #tpu.memory_space<vmem>>) target(%dma_start3A_104 : memref<23552x512xi32, #tpu.memory_space<hbm>>) offsets(%dma_start3A_101 : memref<32xi32, #tpu.memory_space<vmem>>) semaphore(%arg11 : memref<!tpu.dma_semaphore, #tpu.memory_space<semaphore_mem>>)
    %dma_wait3A_105 = arith.constant 0 : i32
    %dma_wait3A_106 = arith.constant 0 : i32
    %dma_wait3A_107 = arith.constant 0 : i32
    %dma_wait3A_108 = tpu.memref_slice %arg6[%dma_wait3A_105, %dma_wait3A_106, %dma_wait3A_107] : memref<2x32x1024xf32, #tpu.memory_space<vmem>> -> memref<1x32x1024xf32, #tpu.memory_space<vmem>>
    %dma_wait3A_109 = tpu.memref_squeeze %dma_wait3A_108 : memref<1x32x1024xf32, #tpu.memory_space<vmem>> -> memref<32x1024xf32, #tpu.memory_space<vmem>>
    %dma_wait3A_110 = arith.constant 0 : i32
    %dma_wait3A_111 = tpu.memref_slice %arg2[%add3A_76, %dma_wait3A_110] : memref<16384x1024xf32, #tpu.memory_space<hbm>> -> memref<32x1024xf32, #tpu.memory_space<hbm>>
    %dma_wait3A_112 = arith.constant 0 : i32
    %dma_wait3A_113 = arith.constant 0 : i32
    %dma_wait3A_114 = tpu.memref_slice %arg6[%dma_wait3A_105, %dma_wait3A_112, %dma_wait3A_113] : memref<2x32x1024xf32, #tpu.memory_space<vmem>> -> memref<1x32x1024xf32, #tpu.memory_space<vmem>>
    %dma_wait3A_115 = tpu.memref_squeeze %dma_wait3A_114 : memref<1x32x1024xf32, #tpu.memory_space<vmem>> -> memref<32x1024xf32, #tpu.memory_space<vmem>>
    %dma_wait3A_116 = arith.constant 0 : i32
    %dma_wait3A_117 = tpu.memref_slice %arg2[%add3A_76, %dma_wait3A_116] : memref<16384x1024xf32, #tpu.memory_space<hbm>> -> memref<32x1024xf32, #tpu.memory_space<hbm>>
    tpu.wait_dma2 semaphore(%arg8 : memref<!tpu.dma_semaphore, #tpu.memory_space<semaphore_mem>>) src(%dma_wait3A_117 : memref<32x1024xf32, #tpu.memory_space<hbm>>) dst(%dma_wait3A_115 : memref<32x1024xf32, #tpu.memory_space<vmem>>)
    %mul3A_118 = arith.constant 512 : i32
    %mul3A_119 = arith.muli %add3A, %mul3A_118 : i32
    %add3A_120 = arith.constant 96 : i32
    %add3A_121 = arith.addi %mul3A_119, %add3A_120 : i32
    %dma_start3A_122 = arith.constant 1 : i32
    %dma_start3A_123 = arith.constant 0 : i32
    %dma_start3A_124 = arith.constant 0 : i32
    %dma_start3A_125 = tpu.memref_slice %arg6[%dma_start3A_122, %dma_start3A_123, %dma_start3A_124] : memref<2x32x1024xf32, #tpu.memory_space<vmem>> -> memref<1x32x1024xf32, #tpu.memory_space<vmem>>
    %dma_start3A_126 = tpu.memref_squeeze %dma_start3A_125 : memref<1x32x1024xf32, #tpu.memory_space<vmem>> -> memref<32x1024xf32, #tpu.memory_space<vmem>>
    %dma_start3A_127 = arith.constant 0 : i32
    %dma_start3A_128 = tpu.memref_slice %arg2[%add3A_121, %dma_start3A_127] : memref<16384x1024xf32, #tpu.memory_space<hbm>> -> memref<32x1024xf32, #tpu.memory_space<hbm>>
    %dma_start3A_129 = arith.constant 0 : i32
    %dma_start3A_130 = arith.constant 0 : i32
    %dma_start3A_131 = tpu.memref_slice %arg6[%dma_start3A_122, %dma_start3A_129, %dma_start3A_130] : memref<2x32x1024xf32, #tpu.memory_space<vmem>> -> memref<1x32x1024xf32, #tpu.memory_space<vmem>>
    %dma_start3A_132 = tpu.memref_squeeze %dma_start3A_131 : memref<1x32x1024xf32, #tpu.memory_space<vmem>> -> memref<32x1024xf32, #tpu.memory_space<vmem>>
    %dma_start3A_133 = arith.constant 0 : i32
    %dma_start3A_134 = tpu.memref_slice %arg2[%add3A_121, %dma_start3A_133] : memref<16384x1024xf32, #tpu.memory_space<hbm>> -> memref<32x1024xf32, #tpu.memory_space<hbm>>
    tpu.enqueue_dma source(%dma_start3A_134 : memref<32x1024xf32, #tpu.memory_space<hbm>>) target(%dma_start3A_132 : memref<32x1024xf32, #tpu.memory_space<vmem>>) target_semaphore(%arg9 : memref<!tpu.dma_semaphore, #tpu.memory_space<semaphore_mem>>)
    %dma_wait3A_135 = arith.constant 0 : i32
    %dma_wait3A_136 = arith.constant 0 : i32
    %dma_wait3A_137 = arith.constant 0 : i32
    %dma_wait3A_138 = arith.constant 0 : i32
    %dma_wait3A_139 = tpu.memref_slice %arg7[%dma_wait3A_135, %dma_wait3A_137, %dma_wait3A_138] : memref<2x32x512xi32, #tpu.memory_space<vmem>> -> memref<1x32x512xi32, #tpu.memory_space<vmem>>
    %dma_wait3A_140 = tpu.memref_squeeze %dma_wait3A_139 : memref<1x32x512xi32, #tpu.memory_space<vmem>> -> memref<32x512xi32, #tpu.memory_space<vmem>>
    %dma_wait3A_141 = arith.constant 0 : i32
    %dma_wait3A_142 = tpu.memref_slice %arg5[%dma_wait3A_136, %dma_wait3A_141] : memref<16x32xi32, #tpu.memory_space<vmem>> -> memref<1x32xi32, #tpu.memory_space<vmem>>
    %dma_wait3A_143 = tpu.memref_squeeze %dma_wait3A_142 : memref<1x32xi32, #tpu.memory_space<vmem>> -> memref<32xi32, #tpu.memory_space<vmem>>
    %dma_wait3A_144 = arith.constant 0 : i32
    %dma_wait3A_145 = arith.constant 0 : i32
    %dma_wait3A_146 = tpu.memref_slice %arg4[%dma_wait3A_144, %dma_wait3A_145] : memref<23552x512xi32, #tpu.memory_space<hbm>> -> memref<23552x512xi32, #tpu.memory_space<hbm>>
    tpu.wait_indirect_dma semaphore(%arg10 : memref<!tpu.dma_semaphore, #tpu.memory_space<semaphore_mem>>) src(%dma_wait3A_140 : memref<32x512xi32, #tpu.memory_space<vmem>>) dst(%dma_wait3A_146 : memref<23552x512xi32, #tpu.memory_space<hbm>>)
    %parallel_loop3A_147 = arith.constant 0 : i32
    %parallel_loop3A_148 = arith.constant 1024 : i32
    %parallel_loop3A_149 = arith.constant 1 : i32
    scf.for %parallel_loop3A_910 = %parallel_loop3A_147 to %parallel_loop3A_148 step %parallel_loop3A_149  : i32 {
      %parallel_loop3A_911 = arith.constant 32 : i32
      %parallel_loop3A_912 = arith.divsi %parallel_loop3A_910, %parallel_loop3A_911 : i32
      %parallel_loop3A_913 = arith.constant 0 : i32
      %parallel_loop3A_914 = arith.cmpi sgt, %parallel_loop3A_910, %parallel_loop3A_913 : i32
      %parallel_loop3A_915 = arith.extui %parallel_loop3A_914 : i1 to i32
      %parallel_loop3A_916 = arith.constant 0 : i32
      %parallel_loop3A_917 = arith.cmpi slt, %parallel_loop3A_910, %parallel_loop3A_916 : i32
      %parallel_loop3A_918 = arith.extui %parallel_loop3A_917 : i1 to i32
      %parallel_loop3A_919 = arith.subi %parallel_loop3A_915, %parallel_loop3A_918 : i32
      %parallel_loop3A_920 = arith.constant 0 : i32
      %parallel_loop3A_921 = arith.cmpi sgt, %parallel_loop3A_911, %parallel_loop3A_920 : i32
      %parallel_loop3A_922 = arith.extui %parallel_loop3A_921 : i1 to i32
      %parallel_loop3A_923 = arith.constant 0 : i32
      %parallel_loop3A_924 = arith.cmpi slt, %parallel_loop3A_911, %parallel_loop3A_923 : i32
      %parallel_loop3A_925 = arith.extui %parallel_loop3A_924 : i1 to i32
      %parallel_loop3A_926 = arith.subi %parallel_loop3A_922, %parallel_loop3A_925 : i32
      %parallel_loop3A_927 = arith.cmpi ne, %parallel_loop3A_919, %parallel_loop3A_926 : i32
      %parallel_loop3A_928 = arith.remsi %parallel_loop3A_910, %parallel_loop3A_911 : i32
      %parallel_loop3A_929 = arith.constant 0 : i32
      %parallel_loop3A_930 = arith.cmpi ne, %parallel_loop3A_928, %parallel_loop3A_929 : i32
      %parallel_loop3A_931 = arith.andi %parallel_loop3A_927, %parallel_loop3A_930 : i1
      %parallel_loop3A_932 = arith.constant 1 : i32
      %parallel_loop3A_933 = arith.subi %parallel_loop3A_912, %parallel_loop3A_932 : i32
      %parallel_loop3A_934 = arith.select %parallel_loop3A_931, %parallel_loop3A_933, %parallel_loop3A_912 : i32
      %parallel_loop3A_935 = arith.constant 32 : i32
      %parallel_loop3A_936 = arith.constant 0 : i32
      %parallel_loop3A_937 = arith.cmpi eq, %parallel_loop3A_935, %parallel_loop3A_936 : i32
      %parallel_loop3A_938 = arith.constant 1 : i32
      %parallel_loop3A_939 = arith.select %parallel_loop3A_937, %parallel_loop3A_938, %parallel_loop3A_935 : i32
      %parallel_loop3A_940 = arith.remsi %parallel_loop3A_910, %parallel_loop3A_939 : i32
      %parallel_loop3A_941 = arith.constant 0 : i32
      %parallel_loop3A_942 = arith.cmpi ne, %parallel_loop3A_940, %parallel_loop3A_941 : i32
      %parallel_loop3A_943 = arith.constant 0 : i32
      %parallel_loop3A_944 = arith.cmpi slt, %parallel_loop3A_940, %parallel_loop3A_943 : i32
      %parallel_loop3A_945 = arith.constant 0 : i32
      %parallel_loop3A_946 = arith.cmpi slt, %parallel_loop3A_939, %parallel_loop3A_945 : i32
      %parallel_loop3A_947 = arith.xori %parallel_loop3A_944, %parallel_loop3A_946 : i1
      %parallel_loop3A_948 = arith.andi %parallel_loop3A_947, %parallel_loop3A_942 : i1
      %parallel_loop3A_949 = arith.addi %parallel_loop3A_940, %parallel_loop3A_939 : i32
      %parallel_loop3A_950 = arith.select %parallel_loop3A_948, %parallel_loop3A_949, %parallel_loop3A_940 : i32
      %parallel_loop3A_951 = arith.constant 16 : i32
      %parallel_loop3A_952 = arith.muli %parallel_loop3A_950, %parallel_loop3A_951 : i32
      %parallel_loop3A_953 = arith.constant 0 : i32
      %parallel_loop3A_954 = arith.index_cast %parallel_loop3A_953 : i32 to index
      %parallel_loop3A_955 = arith.index_cast %parallel_loop3A_934 : i32 to index
      %parallel_loop3A_956 = arith.index_cast %parallel_loop3A_952 : i32 to index
      %parallel_loop3A_957 = tpu.vector_load %arg6[%parallel_loop3A_954, %parallel_loop3A_955, %parallel_loop3A_956] {strides = array<i32>} : memref<2x32x1024xf32, #tpu.memory_space<vmem>>, vector<16xf32>,
      %parallel_loop3A_958 = arith.constant 512 : i32
      %parallel_loop3A_959 = arith.addi %parallel_loop3A_952, %parallel_loop3A_958 : i32
      %parallel_loop3A_960 = arith.constant 0 : i32
      %parallel_loop3A_961 = arith.index_cast %parallel_loop3A_960 : i32 to index
      %parallel_loop3A_962 = arith.index_cast %parallel_loop3A_934 : i32 to index
      %parallel_loop3A_963 = arith.index_cast %parallel_loop3A_959 : i32 to index
      %parallel_loop3A_964 = tpu.vector_load %arg6[%parallel_loop3A_961, %parallel_loop3A_962, %parallel_loop3A_963] {strides = array<i32>} : memref<2x32x1024xf32, #tpu.memory_space<vmem>>, vector<16xf32>,
      %parallel_loop3A_965 = tpu.pack_subelements %parallel_loop3A_957, %parallel_loop3A_964 {pack_format = #tpu.pack_format<interleaved>, positions = array<i32: 0, 1>} : vector<16xf32>, vector<16xf32> -> vector<32xbf16>
      %parallel_loop3A_966 = vector.bitcast %parallel_loop3A_965 : vector<32xbf16> to vector<16xi32>
      %parallel_loop3A_967 = arith.constant 0 : i32
      %parallel_loop3A_968 = arith.index_cast %parallel_loop3A_967 : i32 to index
      %parallel_loop3A_969 = arith.index_cast %parallel_loop3A_934 : i32 to index
      %parallel_loop3A_970 = arith.index_cast %parallel_loop3A_952 : i32 to index
      %parallel_loop3A_971 = tpu.vector_load %arg7[%parallel_loop3A_968, %parallel_loop3A_969, %parallel_loop3A_970] {strides = array<i32>} : memref<2x32x512xi32, #tpu.memory_space<vmem>>, vector<16xi32>,
      tpu.vector_store %arg7[%parallel_loop3A_968, %parallel_loop3A_969, %parallel_loop3A_970], %parallel_loop3A_966 {strides = array<i32>} : memref<2x32x512xi32, #tpu.memory_space<vmem>>, vector<16xi32>,
    } {sc.loop_unroll_factor = 8 : i64, sc.parallel_access}
    %dma_start3A_150 = arith.constant 0 : i32
    %dma_start3A_151 = arith.constant 2 : i32
    %dma_start3A_152 = arith.constant 0 : i32
    %dma_start3A_153 = arith.constant 0 : i32
    %dma_start3A_154 = tpu.memref_slice %arg7[%dma_start3A_150, %dma_start3A_152, %dma_start3A_153] : memref<2x32x512xi32, #tpu.memory_space<vmem>> -> memref<1x32x512xi32, #tpu.memory_space<vmem>>
    %dma_start3A_155 = tpu.memref_squeeze %dma_start3A_154 : memref<1x32x512xi32, #tpu.memory_space<vmem>> -> memref<32x512xi32, #tpu.memory_space<vmem>>
    %dma_start3A_156 = arith.constant 0 : i32
    %dma_start3A_157 = tpu.memref_slice %arg5[%dma_start3A_151, %dma_start3A_156] : memref<16x32xi32, #tpu.memory_space<vmem>> -> memref<1x32xi32, #tpu.memory_space<vmem>>
    %dma_start3A_158 = tpu.memref_squeeze %dma_start3A_157 : memref<1x32xi32, #tpu.memory_space<vmem>> -> memref<32xi32, #tpu.memory_space<vmem>>
    %dma_start3A_159 = arith.constant 0 : i32
    %dma_start3A_160 = arith.constant 0 : i32
    %dma_start3A_161 = tpu.memref_slice %arg4[%dma_start3A_159, %dma_start3A_160] : memref<23552x512xi32, #tpu.memory_space<hbm>> -> memref<23552x512xi32, #tpu.memory_space<hbm>>
    tpu.enqueue_indirect_dma source(%dma_start3A_155 : memref<32x512xi32, #tpu.memory_space<vmem>>) target(%dma_start3A_161 : memref<23552x512xi32, #tpu.memory_space<hbm>>) offsets(%dma_start3A_158 : memref<32xi32, #tpu.memory_space<vmem>>) semaphore(%arg10 : memref<!tpu.dma_semaphore, #tpu.memory_space<semaphore_mem>>)
    %dma_wait3A_162 = arith.constant 1 : i32
    %dma_wait3A_163 = arith.constant 0 : i32
    %dma_wait3A_164 = arith.constant 0 : i32
    %dma_wait3A_165 = tpu.memref_slice %arg6[%dma_wait3A_162, %dma_wait3A_163, %dma_wait3A_164] : memref<2x32x1024xf32, #tpu.memory_space<vmem>> -> memref<1x32x1024xf32, #tpu.memory_space<vmem>>
    %dma_wait3A_166 = tpu.memref_squeeze %dma_wait3A_165 : memref<1x32x1024xf32, #tpu.memory_space<vmem>> -> memref<32x1024xf32, #tpu.memory_space<vmem>>
    %dma_wait3A_167 = arith.constant 0 : i32
    %dma_wait3A_168 = tpu.memref_slice %arg2[%add3A_121, %dma_wait3A_167] : memref<16384x1024xf32, #tpu.memory_space<hbm>> -> memref<32x1024xf32, #tpu.memory_space<hbm>>
    %dma_wait3A_169 = arith.constant 0 : i32
    %dma_wait3A_170 = arith.constant 0 : i32
    %dma_wait3A_171 = tpu.memref_slice %arg6[%dma_wait3A_162, %dma_wait3A_169, %dma_wait3A_170] : memref<2x32x1024xf32, #tpu.memory_space<vmem>> -> memref<1x32x1024xf32, #tpu.memory_space<vmem>>
    %dma_wait3A_172 = tpu.memref_squeeze %dma_wait3A_171 : memref<1x32x1024xf32, #tpu.memory_space<vmem>> -> memref<32x1024xf32, #tpu.memory_space<vmem>>
    %dma_wait3A_173 = arith.constant 0 : i32
    %dma_wait3A_174 = tpu.memref_slice %arg2[%add3A_121, %dma_wait3A_173] : memref<16384x1024xf32, #tpu.memory_space<hbm>> -> memref<32x1024xf32, #tpu.memory_space<hbm>>
    tpu.wait_dma2 semaphore(%arg9 : memref<!tpu.dma_semaphore, #tpu.memory_space<semaphore_mem>>) src(%dma_wait3A_174 : memref<32x1024xf32, #tpu.memory_space<hbm>>) dst(%dma_wait3A_172 : memref<32x1024xf32, #tpu.memory_space<vmem>>)
    %mul3A_175 = arith.constant 512 : i32
    %mul3A_176 = arith.muli %add3A, %mul3A_175 : i32
    %add3A_177 = arith.constant 128 : i32
    %add3A_178 = arith.addi %mul3A_176, %add3A_177 : i32
    %dma_start3A_179 = arith.constant 0 : i32
    %dma_start3A_180 = arith.constant 0 : i32
    %dma_start3A_181 = arith.constant 0 : i32
    %dma_start3A_182 = tpu.memref_slice %arg6[%dma_start3A_179, %dma_start3A_180, %dma_start3A_181] : memref<2x32x1024xf32, #tpu.memory_space<vmem>> -> memref<1x32x1024xf32, #tpu.memory_space<vmem>>
    %dma_start3A_183 = tpu.memref_squeeze %dma_start3A_182 : memref<1x32x1024xf32, #tpu.memory_space<vmem>> -> memref<32x1024xf32, #tpu.memory_space<vmem>>
    %dma_start3A_184 = arith.constant 0 : i32
    %dma_start3A_185 = tpu.memref_slice %arg2[%add3A_178, %dma_start3A_184] : memref<16384x1024xf32, #tpu.memory_space<hbm>> -> memref<32x1024xf32, #tpu.memory_space<hbm>>
    %dma_start3A_186 = arith.constant 0 : i32
    %dma_start3A_187 = arith.constant 0 : i32
    %dma_start3A_188 = tpu.memref_slice %arg6[%dma_start3A_179, %dma_start3A_186, %dma_start3A_187] : memref<2x32x1024xf32, #tpu.memory_space<vmem>> -> memref<1x32x1024xf32, #tpu.memory_space<vmem>>
    %dma_start3A_189 = tpu.memref_squeeze %dma_start3A_188 : memref<1x32x1024xf32, #tpu.memory_space<vmem>> -> memref<32x1024xf32, #tpu.memory_space<vmem>>
    %dma_start3A_190 = arith.constant 0 : i32
    %dma_start3A_191 = tpu.memref_slice %arg2[%add3A_178, %dma_start3A_190] : memref<16384x1024xf32, #tpu.memory_space<hbm>> -> memref<32x1024xf32, #tpu.memory_space<hbm>>
    tpu.enqueue_dma source(%dma_start3A_191 : memref<32x1024xf32, #tpu.memory_space<hbm>>) target(%dma_start3A_189 : memref<32x1024xf32, #tpu.memory_space<vmem>>) target_semaphore(%arg8 : memref<!tpu.dma_semaphore, #tpu.memory_space<semaphore_mem>>)
    %dma_wait3A_192 = arith.constant 1 : i32
    %dma_wait3A_193 = arith.constant 1 : i32
    %dma_wait3A_194 = arith.constant 0 : i32
    %dma_wait3A_195 = arith.constant 0 : i32
    %dma_wait3A_196 = tpu.memref_slice %arg7[%dma_wait3A_192, %dma_wait3A_194, %dma_wait3A_195] : memref<2x32x512xi32, #tpu.memory_space<vmem>> -> memref<1x32x512xi32, #tpu.memory_space<vmem>>
    %dma_wait3A_197 = tpu.memref_squeeze %dma_wait3A_196 : memref<1x32x512xi32, #tpu.memory_space<vmem>> -> memref<32x512xi32, #tpu.memory_space<vmem>>
    %dma_wait3A_198 = arith.constant 0 : i32
    %dma_wait3A_199 = tpu.memref_slice %arg5[%dma_wait3A_193, %dma_wait3A_198] : memref<16x32xi32, #tpu.memory_space<vmem>> -> memref<1x32xi32, #tpu.memory_space<vmem>>
    %dma_wait3A_200 = tpu.memref_squeeze %dma_wait3A_199 : memref<1x32xi32, #tpu.memory_space<vmem>> -> memref<32xi32, #tpu.memory_space<vmem>>
    %dma_wait3A_201 = arith.constant 0 : i32
    %dma_wait3A_202 = arith.constant 0 : i32
    %dma_wait3A_203 = tpu.memref_slice %arg4[%dma_wait3A_201, %dma_wait3A_202] : memref<23552x512xi32, #tpu.memory_space<hbm>> -> memref<23552x512xi32, #tpu.memory_space<hbm>>
    tpu.wait_indirect_dma semaphore(%arg11 : memref<!tpu.dma_semaphore, #tpu.memory_space<semaphore_mem>>) src(%dma_wait3A_197 : memref<32x512xi32, #tpu.memory_space<vmem>>) dst(%dma_wait3A_203 : memref<23552x512xi32, #tpu.memory_space<hbm>>)
    %parallel_loop3A_204 = arith.constant 0 : i32
    %parallel_loop3A_205 = arith.constant 1024 : i32
    %parallel_loop3A_206 = arith.constant 1 : i32
    scf.for %parallel_loop3A_910 = %parallel_loop3A_204 to %parallel_loop3A_205 step %parallel_loop3A_206  : i32 {
      %parallel_loop3A_911 = arith.constant 32 : i32
      %parallel_loop3A_912 = arith.divsi %parallel_loop3A_910, %parallel_loop3A_911 : i32
      %parallel_loop3A_913 = arith.constant 0 : i32
      %parallel_loop3A_914 = arith.cmpi sgt, %parallel_loop3A_910, %parallel_loop3A_913 : i32
      %parallel_loop3A_915 = arith.extui %parallel_loop3A_914 : i1 to i32
      %parallel_loop3A_916 = arith.constant 0 : i32
      %parallel_loop3A_917 = arith.cmpi slt, %parallel_loop3A_910, %parallel_loop3A_916 : i32
      %parallel_loop3A_918 = arith.extui %parallel_loop3A_917 : i1 to i32
      %parallel_loop3A_919 = arith.subi %parallel_loop3A_915, %parallel_loop3A_918 : i32
      %parallel_loop3A_920 = arith.constant 0 : i32
      %parallel_loop3A_921 = arith.cmpi sgt, %parallel_loop3A_911, %parallel_loop3A_920 : i32
      %parallel_loop3A_922 = arith.extui %parallel_loop3A_921 : i1 to i32
      %parallel_loop3A_923 = arith.constant 0 : i32
      %parallel_loop3A_924 = arith.cmpi slt, %parallel_loop3A_911, %parallel_loop3A_923 : i32
      %parallel_loop3A_925 = arith.extui %parallel_loop3A_924 : i1 to i32
      %parallel_loop3A_926 = arith.subi %parallel_loop3A_922, %parallel_loop3A_925 : i32
      %parallel_loop3A_927 = arith.cmpi ne, %parallel_loop3A_919, %parallel_loop3A_926 : i32
      %parallel_loop3A_928 = arith.remsi %parallel_loop3A_910, %parallel_loop3A_911 : i32
      %parallel_loop3A_929 = arith.constant 0 : i32
      %parallel_loop3A_930 = arith.cmpi ne, %parallel_loop3A_928, %parallel_loop3A_929 : i32
      %parallel_loop3A_931 = arith.andi %parallel_loop3A_927, %parallel_loop3A_930 : i1
      %parallel_loop3A_932 = arith.constant 1 : i32
      %parallel_loop3A_933 = arith.subi %parallel_loop3A_912, %parallel_loop3A_932 : i32
      %parallel_loop3A_934 = arith.select %parallel_loop3A_931, %parallel_loop3A_933, %parallel_loop3A_912 : i32
      %parallel_loop3A_935 = arith.constant 32 : i32
      %parallel_loop3A_936 = arith.constant 0 : i32
      %parallel_loop3A_937 = arith.cmpi eq, %parallel_loop3A_935, %parallel_loop3A_936 : i32
      %parallel_loop3A_938 = arith.constant 1 : i32
      %parallel_loop3A_939 = arith.select %parallel_loop3A_937, %parallel_loop3A_938, %parallel_loop3A_935 : i32
      %parallel_loop3A_940 = arith.remsi %parallel_loop3A_910, %parallel_loop3A_939 : i32
      %parallel_loop3A_941 = arith.constant 0 : i32
      %parallel_loop3A_942 = arith.cmpi ne, %parallel_loop3A_940, %parallel_loop3A_941 : i32
      %parallel_loop3A_943 = arith.constant 0 : i32
      %parallel_loop3A_944 = arith.cmpi slt, %parallel_loop3A_940, %parallel_loop3A_943 : i32
      %parallel_loop3A_945 = arith.constant 0 : i32
      %parallel_loop3A_946 = arith.cmpi slt, %parallel_loop3A_939, %parallel_loop3A_945 : i32
      %parallel_loop3A_947 = arith.xori %parallel_loop3A_944, %parallel_loop3A_946 : i1
      %parallel_loop3A_948 = arith.andi %parallel_loop3A_947, %parallel_loop3A_942 : i1
      %parallel_loop3A_949 = arith.addi %parallel_loop3A_940, %parallel_loop3A_939 : i32
      %parallel_loop3A_950 = arith.select %parallel_loop3A_948, %parallel_loop3A_949, %parallel_loop3A_940 : i32
      %parallel_loop3A_951 = arith.constant 16 : i32
      %parallel_loop3A_952 = arith.muli %parallel_loop3A_950, %parallel_loop3A_951 : i32
      %parallel_loop3A_953 = arith.constant 1 : i32
      %parallel_loop3A_954 = arith.index_cast %parallel_loop3A_953 : i32 to index
      %parallel_loop3A_955 = arith.index_cast %parallel_loop3A_934 : i32 to index
      %parallel_loop3A_956 = arith.index_cast %parallel_loop3A_952 : i32 to index
      %parallel_loop3A_957 = tpu.vector_load %arg6[%parallel_loop3A_954, %parallel_loop3A_955, %parallel_loop3A_956] {strides = array<i32>} : memref<2x32x1024xf32, #tpu.memory_space<vmem>>, vector<16xf32>,
      %parallel_loop3A_958 = arith.constant 512 : i32
      %parallel_loop3A_959 = arith.addi %parallel_loop3A_952, %parallel_loop3A_958 : i32
      %parallel_loop3A_960 = arith.constant 1 : i32
      %parallel_loop3A_961 = arith.index_cast %parallel_loop3A_960 : i32 to index
      %parallel_loop3A_962 = arith.index_cast %parallel_loop3A_934 : i32 to index
      %parallel_loop3A_963 = arith.index_cast %parallel_loop3A_959 : i32 to index
      %parallel_loop3A_964 = tpu.vector_load %arg6[%parallel_loop3A_961, %parallel_loop3A_962, %parallel_loop3A_963] {strides = array<i32>} : memref<2x32x1024xf32, #tpu.memory_space<vmem>>, vector<16xf32>,
      %parallel_loop3A_965 = tpu.pack_subelements %parallel_loop3A_957, %parallel_loop3A_964 {pack_format = #tpu.pack_format<interleaved>, positions = array<i32: 0, 1>} : vector<16xf32>, vector<16xf32> -> vector<32xbf16>
      %parallel_loop3A_966 = vector.bitcast %parallel_loop3A_965 : vector<32xbf16> to vector<16xi32>
      %parallel_loop3A_967 = arith.constant 1 : i32
      %parallel_loop3A_968 = arith.index_cast %parallel_loop3A_967 : i32 to index
      %parallel_loop3A_969 = arith.index_cast %parallel_loop3A_934 : i32 to index
      %parallel_loop3A_970 = arith.index_cast %parallel_loop3A_952 : i32 to index
      %parallel_loop3A_971 = tpu.vector_load %arg7[%parallel_loop3A_968, %parallel_loop3A_969, %parallel_loop3A_970] {strides = array<i32>} : memref<2x32x512xi32, #tpu.memory_space<vmem>>, vector<16xi32>,
      tpu.vector_store %arg7[%parallel_loop3A_968, %parallel_loop3A_969, %parallel_loop3A_970], %parallel_loop3A_966 {strides = array<i32>} : memref<2x32x512xi32, #tpu.memory_space<vmem>>, vector<16xi32>,
    } {sc.loop_unroll_factor = 8 : i64, sc.parallel_access}
    %dma_start3A_207 = arith.constant 1 : i32
    %dma_start3A_208 = arith.constant 3 : i32
    %dma_start3A_209 = arith.constant 0 : i32
    %dma_start3A_210 = arith.constant 0 : i32
    %dma_start3A_211 = tpu.memref_slice %arg7[%dma_start3A_207, %dma_start3A_209, %dma_start3A_210] : memref<2x32x512xi32, #tpu.memory_space<vmem>> -> memref<1x32x512xi32, #tpu.memory_space<vmem>>
    %dma_start3A_212 = tpu.memref_squeeze %dma_start3A_211 : memref<1x32x512xi32, #tpu.memory_space<vmem>> -> memref<32x512xi32, #tpu.memory_space<vmem>>
    %dma_start3A_213 = arith.constant 0 : i32
    %dma_start3A_214 = tpu.memref_slice %arg5[%dma_start3A_208, %dma_start3A_213] : memref<16x32xi32, #tpu.memory_space<vmem>> -> memref<1x32xi32, #tpu.memory_space<vmem>>
    %dma_start3A_215 = tpu.memref_squeeze %dma_start3A_214 : memref<1x32xi32, #tpu.memory_space<vmem>> -> memref<32xi32, #tpu.memory_space<vmem>>
    %dma_start3A_216 = arith.constant 0 : i32
    %dma_start3A_217 = arith.constant 0 : i32
    %dma_start3A_218 = tpu.memref_slice %arg4[%dma_start3A_216, %dma_start3A_217] : memref<23552x512xi32, #tpu.memory_space<hbm>> -> memref<23552x512xi32, #tpu.memory_space<hbm>>
    tpu.enqueue_indirect_dma source(%dma_start3A_212 : memref<32x512xi32, #tpu.memory_space<vmem>>) target(%dma_start3A_218 : memref<23552x512xi32, #tpu.memory_space<hbm>>) offsets(%dma_start3A_215 : memref<32xi32, #tpu.memory_space<vmem>>) semaphore(%arg11 : memref<!tpu.dma_semaphore, #tpu.memory_space<semaphore_mem>>)
    %dma_wait3A_219 = arith.constant 0 : i32
    %dma_wait3A_220 = arith.constant 0 : i32
    %dma_wait3A_221 = arith.constant 0 : i32
    %dma_wait3A_222 = tpu.memref_slice %arg6[%dma_wait3A_219, %dma_wait3A_220, %dma_wait3A_221] : memref<2x32x1024xf32, #tpu.memory_space<vmem>> -> memref<1x32x1024xf32, #tpu.memory_space<vmem>>
    %dma_wait3A_223 = tpu.memref_squeeze %dma_wait3A_222 : memref<1x32x1024xf32, #tpu.memory_space<vmem>> -> memref<32x1024xf32, #tpu.memory_space<vmem>>
    %dma_wait3A_224 = arith.constant 0 : i32
    %dma_wait3A_225 = tpu.memref_slice %arg2[%add3A_178, %dma_wait3A_224] : memref<16384x1024xf32, #tpu.memory_space<hbm>> -> memref<32x1024xf32, #tpu.memory_space<hbm>>
    %dma_wait3A_226 = arith.constant 0 : i32
    %dma_wait3A_227 = arith.constant 0 : i32
    %dma_wait3A_228 = tpu.memref_slice %arg6[%dma_wait3A_219, %dma_wait3A_226, %dma_wait3A_227] : memref<2x32x1024xf32, #tpu.memory_space<vmem>> -> memref<1x32x1024xf32, #tpu.memory_space<vmem>>
    %dma_wait3A_229 = tpu.memref_squeeze %dma_wait3A_228 : memref<1x32x1024xf32, #tpu.memory_space<vmem>> -> memref<32x1024xf32, #tpu.memory_space<vmem>>
    %dma_wait3A_230 = arith.constant 0 : i32
    %dma_wait3A_231 = tpu.memref_slice %arg2[%add3A_178, %dma_wait3A_230] : memref<16384x1024xf32, #tpu.memory_space<hbm>> -> memref<32x1024xf32, #tpu.memory_space<hbm>>
    tpu.wait_dma2 semaphore(%arg8 : memref<!tpu.dma_semaphore, #tpu.memory_space<semaphore_mem>>) src(%dma_wait3A_231 : memref<32x1024xf32, #tpu.memory_space<hbm>>) dst(%dma_wait3A_229 : memref<32x1024xf32, #tpu.memory_space<vmem>>)
    %mul3A_232 = arith.constant 512 : i32
    %mul3A_233 = arith.muli %add3A, %mul3A_232 : i32
    %add3A_234 = arith.constant 160 : i32
    %add3A_235 = arith.addi %mul3A_233, %add3A_234 : i32
    %dma_start3A_236 = arith.constant 1 : i32
    %dma_start3A_237 = arith.constant 0 : i32
    %dma_start3A_238 = arith.constant 0 : i32
    %dma_start3A_239 = tpu.memref_slice %arg6[%dma_start3A_236, %dma_start3A_237, %dma_start3A_238] : memref<2x32x1024xf32, #tpu.memory_space<vmem>> -> memref<1x32x1024xf32, #tpu.memory_space<vmem>>
    %dma_start3A_240 = tpu.memref_squeeze %dma_start3A_239 : memref<1x32x1024xf32, #tpu.memory_space<vmem>> -> memref<32x1024xf32, #tpu.memory_space<vmem>>
    %dma_start3A_241 = arith.constant 0 : i32
    %dma_start3A_242 = tpu.memref_slice %arg2[%add3A_235, %dma_start3A_241] : memref<16384x1024xf32, #tpu.memory_space<hbm>> -> memref<32x1024xf32, #tpu.memory_space<hbm>>
    %dma_start3A_243 = arith.constant 0 : i32
    %dma_start3A_244 = arith.constant 0 : i32
    %dma_start3A_245 = tpu.memref_slice %arg6[%dma_start3A_236, %dma_start3A_243, %dma_start3A_244] : memref<2x32x1024xf32, #tpu.memory_space<vmem>> -> memref<1x32x1024xf32, #tpu.memory_space<vmem>>
    %dma_start3A_246 = tpu.memref_squeeze %dma_start3A_245 : memref<1x32x1024xf32, #tpu.memory_space<vmem>> -> memref<32x1024xf32, #tpu.memory_space<vmem>>
    %dma_start3A_247 = arith.constant 0 : i32
    %dma_start3A_248 = tpu.memref_slice %arg2[%add3A_235, %dma_start3A_247] : memref<16384x1024xf32, #tpu.memory_space<hbm>> -> memref<32x1024xf32, #tpu.memory_space<hbm>>
    tpu.enqueue_dma source(%dma_start3A_248 : memref<32x1024xf32, #tpu.memory_space<hbm>>) target(%dma_start3A_246 : memref<32x1024xf32, #tpu.memory_space<vmem>>) target_semaphore(%arg9 : memref<!tpu.dma_semaphore, #tpu.memory_space<semaphore_mem>>)
    %dma_wait3A_249 = arith.constant 0 : i32
    %dma_wait3A_250 = arith.constant 2 : i32
    %dma_wait3A_251 = arith.constant 0 : i32
    %dma_wait3A_252 = arith.constant 0 : i32
    %dma_wait3A_253 = tpu.memref_slice %arg7[%dma_wait3A_249, %dma_wait3A_251, %dma_wait3A_252] : memref<2x32x512xi32, #tpu.memory_space<vmem>> -> memref<1x32x512xi32, #tpu.memory_space<vmem>>
    %dma_wait3A_254 = tpu.memref_squeeze %dma_wait3A_253 : memref<1x32x512xi32, #tpu.memory_space<vmem>> -> memref<32x512xi32, #tpu.memory_space<vmem>>
    %dma_wait3A_255 = arith.constant 0 : i32
    %dma_wait3A_256 = tpu.memref_slice %arg5[%dma_wait3A_250, %dma_wait3A_255] : memref<16x32xi32, #tpu.memory_space<vmem>> -> memref<1x32xi32, #tpu.memory_space<vmem>>
    %dma_wait3A_257 = tpu.memref_squeeze %dma_wait3A_256 : memref<1x32xi32, #tpu.memory_space<vmem>> -> memref<32xi32, #tpu.memory_space<vmem>>
    %dma_wait3A_258 = arith.constant 0 : i32
    %dma_wait3A_259 = arith.constant 0 : i32
    %dma_wait3A_260 = tpu.memref_slice %arg4[%dma_wait3A_258, %dma_wait3A_259] : memref<23552x512xi32, #tpu.memory_space<hbm>> -> memref<23552x512xi32, #tpu.memory_space<hbm>>
    tpu.wait_indirect_dma semaphore(%arg10 : memref<!tpu.dma_semaphore, #tpu.memory_space<semaphore_mem>>) src(%dma_wait3A_254 : memref<32x512xi32, #tpu.memory_space<vmem>>) dst(%dma_wait3A_260 : memref<23552x512xi32, #tpu.memory_space<hbm>>)
    %parallel_loop3A_261 = arith.constant 0 : i32
    %parallel_loop3A_262 = arith.constant 1024 : i32
    %parallel_loop3A_263 = arith.constant 1 : i32
    scf.for %parallel_loop3A_910 = %parallel_loop3A_261 to %parallel_loop3A_262 step %parallel_loop3A_263  : i32 {
      %parallel_loop3A_911 = arith.constant 32 : i32
      %parallel_loop3A_912 = arith.divsi %parallel_loop3A_910, %parallel_loop3A_911 : i32
      %parallel_loop3A_913 = arith.constant 0 : i32
      %parallel_loop3A_914 = arith.cmpi sgt, %parallel_loop3A_910, %parallel_loop3A_913 : i32
      %parallel_loop3A_915 = arith.extui %parallel_loop3A_914 : i1 to i32
      %parallel_loop3A_916 = arith.constant 0 : i32
      %parallel_loop3A_917 = arith.cmpi slt, %parallel_loop3A_910, %parallel_loop3A_916 : i32
      %parallel_loop3A_918 = arith.extui %parallel_loop3A_917 : i1 to i32
      %parallel_loop3A_919 = arith.subi %parallel_loop3A_915, %parallel_loop3A_918 : i32
      %parallel_loop3A_920 = arith.constant 0 : i32
      %parallel_loop3A_921 = arith.cmpi sgt, %parallel_loop3A_911, %parallel_loop3A_920 : i32
      %parallel_loop3A_922 = arith.extui %parallel_loop3A_921 : i1 to i32
      %parallel_loop3A_923 = arith.constant 0 : i32
      %parallel_loop3A_924 = arith.cmpi slt, %parallel_loop3A_911, %parallel_loop3A_923 : i32
      %parallel_loop3A_925 = arith.extui %parallel_loop3A_924 : i1 to i32
      %parallel_loop3A_926 = arith.subi %parallel_loop3A_922, %parallel_loop3A_925 : i32
      %parallel_loop3A_927 = arith.cmpi ne, %parallel_loop3A_919, %parallel_loop3A_926 : i32
      %parallel_loop3A_928 = arith.remsi %parallel_loop3A_910, %parallel_loop3A_911 : i32
      %parallel_loop3A_929 = arith.constant 0 : i32
      %parallel_loop3A_930 = arith.cmpi ne, %parallel_loop3A_928, %parallel_loop3A_929 : i32
      %parallel_loop3A_931 = arith.andi %parallel_loop3A_927, %parallel_loop3A_930 : i1
      %parallel_loop3A_932 = arith.constant 1 : i32
      %parallel_loop3A_933 = arith.subi %parallel_loop3A_912, %parallel_loop3A_932 : i32
      %parallel_loop3A_934 = arith.select %parallel_loop3A_931, %parallel_loop3A_933, %parallel_loop3A_912 : i32
      %parallel_loop3A_935 = arith.constant 32 : i32
      %parallel_loop3A_936 = arith.constant 0 : i32
      %parallel_loop3A_937 = arith.cmpi eq, %parallel_loop3A_935, %parallel_loop3A_936 : i32
      %parallel_loop3A_938 = arith.constant 1 : i32
      %parallel_loop3A_939 = arith.select %parallel_loop3A_937, %parallel_loop3A_938, %parallel_loop3A_935 : i32
      %parallel_loop3A_940 = arith.remsi %parallel_loop3A_910, %parallel_loop3A_939 : i32
      %parallel_loop3A_941 = arith.constant 0 : i32
      %parallel_loop3A_942 = arith.cmpi ne, %parallel_loop3A_940, %parallel_loop3A_941 : i32
      %parallel_loop3A_943 = arith.constant 0 : i32
      %parallel_loop3A_944 = arith.cmpi slt, %parallel_loop3A_940, %parallel_loop3A_943 : i32
      %parallel_loop3A_945 = arith.constant 0 : i32
      %parallel_loop3A_946 = arith.cmpi slt, %parallel_loop3A_939, %parallel_loop3A_945 : i32
      %parallel_loop3A_947 = arith.xori %parallel_loop3A_944, %parallel_loop3A_946 : i1
      %parallel_loop3A_948 = arith.andi %parallel_loop3A_947, %parallel_loop3A_942 : i1
      %parallel_loop3A_949 = arith.addi %parallel_loop3A_940, %parallel_loop3A_939 : i32
      %parallel_loop3A_950 = arith.select %parallel_loop3A_948, %parallel_loop3A_949, %parallel_loop3A_940 : i32
      %parallel_loop3A_951 = arith.constant 16 : i32
      %parallel_loop3A_952 = arith.muli %parallel_loop3A_950, %parallel_loop3A_951 : i32
      %parallel_loop3A_953 = arith.constant 0 : i32
      %parallel_loop3A_954 = arith.index_cast %parallel_loop3A_953 : i32 to index
      %parallel_loop3A_955 = arith.index_cast %parallel_loop3A_934 : i32 to index
      %parallel_loop3A_956 = arith.index_cast %parallel_loop3A_952 : i32 to index
      %parallel_loop3A_957 = tpu.vector_load %arg6[%parallel_loop3A_954, %parallel_loop3A_955, %parallel_loop3A_956] {strides = array<i32>} : memref<2x32x1024xf32, #tpu.memory_space<vmem>>, vector<16xf32>,
      %parallel_loop3A_958 = arith.constant 512 : i32
      %parallel_loop3A_959 = arith.addi %parallel_loop3A_952, %parallel_loop3A_958 : i32
      %parallel_loop3A_960 = arith.constant 0 : i32
      %parallel_loop3A_961 = arith.index_cast %parallel_loop3A_960 : i32 to index
      %parallel_loop3A_962 = arith.index_cast %parallel_loop3A_934 : i32 to index
      %parallel_loop3A_963 = arith.index_cast %parallel_loop3A_959 : i32 to index
      %parallel_loop3A_964 = tpu.vector_load %arg6[%parallel_loop3A_961, %parallel_loop3A_962, %parallel_loop3A_963] {strides = array<i32>} : memref<2x32x1024xf32, #tpu.memory_space<vmem>>, vector<16xf32>,
      %parallel_loop3A_965 = tpu.pack_subelements %parallel_loop3A_957, %parallel_loop3A_964 {pack_format = #tpu.pack_format<interleaved>, positions = array<i32: 0, 1>} : vector<16xf32>, vector<16xf32> -> vector<32xbf16>
      %parallel_loop3A_966 = vector.bitcast %parallel_loop3A_965 : vector<32xbf16> to vector<16xi32>
      %parallel_loop3A_967 = arith.constant 0 : i32
      %parallel_loop3A_968 = arith.index_cast %parallel_loop3A_967 : i32 to index
      %parallel_loop3A_969 = arith.index_cast %parallel_loop3A_934 : i32 to index
      %parallel_loop3A_970 = arith.index_cast %parallel_loop3A_952 : i32 to index
      %parallel_loop3A_971 = tpu.vector_load %arg7[%parallel_loop3A_968, %parallel_loop3A_969, %parallel_loop3A_970] {strides = array<i32>} : memref<2x32x512xi32, #tpu.memory_space<vmem>>, vector<16xi32>,
      tpu.vector_store %arg7[%parallel_loop3A_968, %parallel_loop3A_969, %parallel_loop3A_970], %parallel_loop3A_966 {strides = array<i32>} : memref<2x32x512xi32, #tpu.memory_space<vmem>>, vector<16xi32>,
    } {sc.loop_unroll_factor = 8 : i64, sc.parallel_access}
    %dma_start3A_264 = arith.constant 0 : i32
    %dma_start3A_265 = arith.constant 4 : i32
    %dma_start3A_266 = arith.constant 0 : i32
    %dma_start3A_267 = arith.constant 0 : i32
    %dma_start3A_268 = tpu.memref_slice %arg7[%dma_start3A_264, %dma_start3A_266, %dma_start3A_267] : memref<2x32x512xi32, #tpu.memory_space<vmem>> -> memref<1x32x512xi32, #tpu.memory_space<vmem>>
    %dma_start3A_269 = tpu.memref_squeeze %dma_start3A_268 : memref<1x32x512xi32, #tpu.memory_space<vmem>> -> memref<32x512xi32, #tpu.memory_space<vmem>>
    %dma_start3A_270 = arith.constant 0 : i32
    %dma_start3A_271 = tpu.memref_slice %arg5[%dma_start3A_265, %dma_start3A_270] : memref<16x32xi32, #tpu.memory_space<vmem>> -> memref<1x32xi32, #tpu.memory_space<vmem>>
    %dma_start3A_272 = tpu.memref_squeeze %dma_start3A_271 : memref<1x32xi32, #tpu.memory_space<vmem>> -> memref<32xi32, #tpu.memory_space<vmem>>
    %dma_start3A_273 = arith.constant 0 : i32
    %dma_start3A_274 = arith.constant 0 : i32
    %dma_start3A_275 = tpu.memref_slice %arg4[%dma_start3A_273, %dma_start3A_274] : memref<23552x512xi32, #tpu.memory_space<hbm>> -> memref<23552x512xi32, #tpu.memory_space<hbm>>
    tpu.enqueue_indirect_dma source(%dma_start3A_269 : memref<32x512xi32, #tpu.memory_space<vmem>>) target(%dma_start3A_275 : memref<23552x512xi32, #tpu.memory_space<hbm>>) offsets(%dma_start3A_272 : memref<32xi32, #tpu.memory_space<vmem>>) semaphore(%arg10 : memref<!tpu.dma_semaphore, #tpu.memory_space<semaphore_mem>>)
    %dma_wait3A_276 = arith.constant 1 : i32
    %dma_wait3A_277 = arith.constant 0 : i32
    %dma_wait3A_278 = arith.constant 0 : i32
    %dma_wait3A_279 = tpu.memref_slice %arg6[%dma_wait3A_276, %dma_wait3A_277, %dma_wait3A_278] : memref<2x32x1024xf32, #tpu.memory_space<vmem>> -> memref<1x32x1024xf32, #tpu.memory_space<vmem>>
    %dma_wait3A_280 = tpu.memref_squeeze %dma_wait3A_279 : memref<1x32x1024xf32, #tpu.memory_space<vmem>> -> memref<32x1024xf32, #tpu.memory_space<vmem>>
    %dma_wait3A_281 = arith.constant 0 : i32
    %dma_wait3A_282 = tpu.memref_slice %arg2[%add3A_235, %dma_wait3A_281] : memref<16384x1024xf32, #tpu.memory_space<hbm>> -> memref<32x1024xf32, #tpu.memory_space<hbm>>
    %dma_wait3A_283 = arith.constant 0 : i32
    %dma_wait3A_284 = arith.constant 0 : i32
    %dma_wait3A_285 = tpu.memref_slice %arg6[%dma_wait3A_276, %dma_wait3A_283, %dma_wait3A_284] : memref<2x32x1024xf32, #tpu.memory_space<vmem>> -> memref<1x32x1024xf32, #tpu.memory_space<vmem>>
    %dma_wait3A_286 = tpu.memref_squeeze %dma_wait3A_285 : memref<1x32x1024xf32, #tpu.memory_space<vmem>> -> memref<32x1024xf32, #tpu.memory_space<vmem>>
    %dma_wait3A_287 = arith.constant 0 : i32
    %dma_wait3A_288 = tpu.memref_slice %arg2[%add3A_235, %dma_wait3A_287] : memref<16384x1024xf32, #tpu.memory_space<hbm>> -> memref<32x1024xf32, #tpu.memory_space<hbm>>
    tpu.wait_dma2 semaphore(%arg9 : memref<!tpu.dma_semaphore, #tpu.memory_space<semaphore_mem>>) src(%dma_wait3A_288 : memref<32x1024xf32, #tpu.memory_space<hbm>>) dst(%dma_wait3A_286 : memref<32x1024xf32, #tpu.memory_space<vmem>>)
    %mul3A_289 = arith.constant 512 : i32
    %mul3A_290 = arith.muli %add3A, %mul3A_289 : i32
    %add3A_291 = arith.constant 192 : i32
    %add3A_292 = arith.addi %mul3A_290, %add3A_291 : i32
    %dma_start3A_293 = arith.constant 0 : i32
    %dma_start3A_294 = arith.constant 0 : i32
    %dma_start3A_295 = arith.constant 0 : i32
    %dma_start3A_296 = tpu.memref_slice %arg6[%dma_start3A_293, %dma_start3A_294, %dma_start3A_295] : memref<2x32x1024xf32, #tpu.memory_space<vmem>> -> memref<1x32x1024xf32, #tpu.memory_space<vmem>>
    %dma_start3A_297 = tpu.memref_squeeze %dma_start3A_296 : memref<1x32x1024xf32, #tpu.memory_space<vmem>> -> memref<32x1024xf32, #tpu.memory_space<vmem>>
    %dma_start3A_298 = arith.constant 0 : i32
    %dma_start3A_299 = tpu.memref_slice %arg2[%add3A_292, %dma_start3A_298] : memref<16384x1024xf32, #tpu.memory_space<hbm>> -> memref<32x1024xf32, #tpu.memory_space<hbm>>
    %dma_start3A_300 = arith.constant 0 : i32
    %dma_start3A_301 = arith.constant 0 : i32
    %dma_start3A_302 = tpu.memref_slice %arg6[%dma_start3A_293, %dma_start3A_300, %dma_start3A_301] : memref<2x32x1024xf32, #tpu.memory_space<vmem>> -> memref<1x32x1024xf32, #tpu.memory_space<vmem>>
    %dma_start3A_303 = tpu.memref_squeeze %dma_start3A_302 : memref<1x32x1024xf32, #tpu.memory_space<vmem>> -> memref<32x1024xf32, #tpu.memory_space<vmem>>
    %dma_start3A_304 = arith.constant 0 : i32
    %dma_start3A_305 = tpu.memref_slice %arg2[%add3A_292, %dma_start3A_304] : memref<16384x1024xf32, #tpu.memory_space<hbm>> -> memref<32x1024xf32, #tpu.memory_space<hbm>>
    tpu.enqueue_dma source(%dma_start3A_305 : memref<32x1024xf32, #tpu.memory_space<hbm>>) target(%dma_start3A_303 : memref<32x1024xf32, #tpu.memory_space<vmem>>) target_semaphore(%arg8 : memref<!tpu.dma_semaphore, #tpu.memory_space<semaphore_mem>>)
    %dma_wait3A_306 = arith.constant 1 : i32
    %dma_wait3A_307 = arith.constant 3 : i32
    %dma_wait3A_308 = arith.constant 0 : i32
    %dma_wait3A_309 = arith.constant 0 : i32
    %dma_wait3A_310 = tpu.memref_slice %arg7[%dma_wait3A_306, %dma_wait3A_308, %dma_wait3A_309] : memref<2x32x512xi32, #tpu.memory_space<vmem>> -> memref<1x32x512xi32, #tpu.memory_space<vmem>>
    %dma_wait3A_311 = tpu.memref_squeeze %dma_wait3A_310 : memref<1x32x512xi32, #tpu.memory_space<vmem>> -> memref<32x512xi32, #tpu.memory_space<vmem>>
    %dma_wait3A_312 = arith.constant 0 : i32
    %dma_wait3A_313 = tpu.memref_slice %arg5[%dma_wait3A_307, %dma_wait3A_312] : memref<16x32xi32, #tpu.memory_space<vmem>> -> memref<1x32xi32, #tpu.memory_space<vmem>>
    %dma_wait3A_314 = tpu.memref_squeeze %dma_wait3A_313 : memref<1x32xi32, #tpu.memory_space<vmem>> -> memref<32xi32, #tpu.memory_space<vmem>>
    %dma_wait3A_315 = arith.constant 0 : i32
    %dma_wait3A_316 = arith.constant 0 : i32
    %dma_wait3A_317 = tpu.memref_slice %arg4[%dma_wait3A_315, %dma_wait3A_316] : memref<23552x512xi32, #tpu.memory_space<hbm>> -> memref<23552x512xi32, #tpu.memory_space<hbm>>
    tpu.wait_indirect_dma semaphore(%arg11 : memref<!tpu.dma_semaphore, #tpu.memory_space<semaphore_mem>>) src(%dma_wait3A_311 : memref<32x512xi32, #tpu.memory_space<vmem>>) dst(%dma_wait3A_317 : memref<23552x512xi32, #tpu.memory_space<hbm>>)
    %parallel_loop3A_318 = arith.constant 0 : i32
    %parallel_loop3A_319 = arith.constant 1024 : i32
    %parallel_loop3A_320 = arith.constant 1 : i32
    scf.for %parallel_loop3A_910 = %parallel_loop3A_318 to %parallel_loop3A_319 step %parallel_loop3A_320  : i32 {
      %parallel_loop3A_911 = arith.constant 32 : i32
      %parallel_loop3A_912 = arith.divsi %parallel_loop3A_910, %parallel_loop3A_911 : i32
      %parallel_loop3A_913 = arith.constant 0 : i32
      %parallel_loop3A_914 = arith.cmpi sgt, %parallel_loop3A_910, %parallel_loop3A_913 : i32
      %parallel_loop3A_915 = arith.extui %parallel_loop3A_914 : i1 to i32
      %parallel_loop3A_916 = arith.constant 0 : i32
      %parallel_loop3A_917 = arith.cmpi slt, %parallel_loop3A_910, %parallel_loop3A_916 : i32
      %parallel_loop3A_918 = arith.extui %parallel_loop3A_917 : i1 to i32
      %parallel_loop3A_919 = arith.subi %parallel_loop3A_915, %parallel_loop3A_918 : i32
      %parallel_loop3A_920 = arith.constant 0 : i32
      %parallel_loop3A_921 = arith.cmpi sgt, %parallel_loop3A_911, %parallel_loop3A_920 : i32
      %parallel_loop3A_922 = arith.extui %parallel_loop3A_921 : i1 to i32
      %parallel_loop3A_923 = arith.constant 0 : i32
      %parallel_loop3A_924 = arith.cmpi slt, %parallel_loop3A_911, %parallel_loop3A_923 : i32
      %parallel_loop3A_925 = arith.extui %parallel_loop3A_924 : i1 to i32
      %parallel_loop3A_926 = arith.subi %parallel_loop3A_922, %parallel_loop3A_925 : i32
      %parallel_loop3A_927 = arith.cmpi ne, %parallel_loop3A_919, %parallel_loop3A_926 : i32
      %parallel_loop3A_928 = arith.remsi %parallel_loop3A_910, %parallel_loop3A_911 : i32
      %parallel_loop3A_929 = arith.constant 0 : i32
      %parallel_loop3A_930 = arith.cmpi ne, %parallel_loop3A_928, %parallel_loop3A_929 : i32
      %parallel_loop3A_931 = arith.andi %parallel_loop3A_927, %parallel_loop3A_930 : i1
      %parallel_loop3A_932 = arith.constant 1 : i32
      %parallel_loop3A_933 = arith.subi %parallel_loop3A_912, %parallel_loop3A_932 : i32
      %parallel_loop3A_934 = arith.select %parallel_loop3A_931, %parallel_loop3A_933, %parallel_loop3A_912 : i32
      %parallel_loop3A_935 = arith.constant 32 : i32
      %parallel_loop3A_936 = arith.constant 0 : i32
      %parallel_loop3A_937 = arith.cmpi eq, %parallel_loop3A_935, %parallel_loop3A_936 : i32
      %parallel_loop3A_938 = arith.constant 1 : i32
      %parallel_loop3A_939 = arith.select %parallel_loop3A_937, %parallel_loop3A_938, %parallel_loop3A_935 : i32
      %parallel_loop3A_940 = arith.remsi %parallel_loop3A_910, %parallel_loop3A_939 : i32
      %parallel_loop3A_941 = arith.constant 0 : i32
      %parallel_loop3A_942 = arith.cmpi ne, %parallel_loop3A_940, %parallel_loop3A_941 : i32
      %parallel_loop3A_943 = arith.constant 0 : i32
      %parallel_loop3A_944 = arith.cmpi slt, %parallel_loop3A_940, %parallel_loop3A_943 : i32
      %parallel_loop3A_945 = arith.constant 0 : i32
      %parallel_loop3A_946 = arith.cmpi slt, %parallel_loop3A_939, %parallel_loop3A_945 : i32
      %parallel_loop3A_947 = arith.xori %parallel_loop3A_944, %parallel_loop3A_946 : i1
      %parallel_loop3A_948 = arith.andi %parallel_loop3A_947, %parallel_loop3A_942 : i1
      %parallel_loop3A_949 = arith.addi %parallel_loop3A_940, %parallel_loop3A_939 : i32
      %parallel_loop3A_950 = arith.select %parallel_loop3A_948, %parallel_loop3A_949, %parallel_loop3A_940 : i32
      %parallel_loop3A_951 = arith.constant 16 : i32
      %parallel_loop3A_952 = arith.muli %parallel_loop3A_950, %parallel_loop3A_951 : i32
      %parallel_loop3A_953 = arith.constant 1 : i32
      %parallel_loop3A_954 = arith.index_cast %parallel_loop3A_953 : i32 to index
      %parallel_loop3A_955 = arith.index_cast %parallel_loop3A_934 : i32 to index
      %parallel_loop3A_956 = arith.index_cast %parallel_loop3A_952 : i32 to index
      %parallel_loop3A_957 = tpu.vector_load %arg6[%parallel_loop3A_954, %parallel_loop3A_955, %parallel_loop3A_956] {strides = array<i32>} : memref<2x32x1024xf32, #tpu.memory_space<vmem>>, vector<16xf32>,
      %parallel_loop3A_958 = arith.constant 512 : i32
      %parallel_loop3A_959 = arith.addi %parallel_loop3A_952, %parallel_loop3A_958 : i32
      %parallel_loop3A_960 = arith.constant 1 : i32
      %parallel_loop3A_961 = arith.index_cast %parallel_loop3A_960 : i32 to index
      %parallel_loop3A_962 = arith.index_cast %parallel_loop3A_934 : i32 to index
      %parallel_loop3A_963 = arith.index_cast %parallel_loop3A_959 : i32 to index
      %parallel_loop3A_964 = tpu.vector_load %arg6[%parallel_loop3A_961, %parallel_loop3A_962, %parallel_loop3A_963] {strides = array<i32>} : memref<2x32x1024xf32, #tpu.memory_space<vmem>>, vector<16xf32>,
      %parallel_loop3A_965 = tpu.pack_subelements %parallel_loop3A_957, %parallel_loop3A_964 {pack_format = #tpu.pack_format<interleaved>, positions = array<i32: 0, 1>} : vector<16xf32>, vector<16xf32> -> vector<32xbf16>
      %parallel_loop3A_966 = vector.bitcast %parallel_loop3A_965 : vector<32xbf16> to vector<16xi32>
      %parallel_loop3A_967 = arith.constant 1 : i32
      %parallel_loop3A_968 = arith.index_cast %parallel_loop3A_967 : i32 to index
      %parallel_loop3A_969 = arith.index_cast %parallel_loop3A_934 : i32 to index
      %parallel_loop3A_970 = arith.index_cast %parallel_loop3A_952 : i32 to index
      %parallel_loop3A_971 = tpu.vector_load %arg7[%parallel_loop3A_968, %parallel_loop3A_969, %parallel_loop3A_970] {strides = array<i32>} : memref<2x32x512xi32, #tpu.memory_space<vmem>>, vector<16xi32>,
      tpu.vector_store %arg7[%parallel_loop3A_968, %parallel_loop3A_969, %parallel_loop3A_970], %parallel_loop3A_966 {strides = array<i32>} : memref<2x32x512xi32, #tpu.memory_space<vmem>>, vector<16xi32>,
    } {sc.loop_unroll_factor = 8 : i64, sc.parallel_access}
    %dma_start3A_321 = arith.constant 1 : i32
    %dma_start3A_322 = arith.constant 5 : i32
    %dma_start3A_323 = arith.constant 0 : i32
    %dma_start3A_324 = arith.constant 0 : i32
    %dma_start3A_325 = tpu.memref_slice %arg7[%dma_start3A_321, %dma_start3A_323, %dma_start3A_324] : memref<2x32x512xi32, #tpu.memory_space<vmem>> -> memref<1x32x512xi32, #tpu.memory_space<vmem>>
    %dma_start3A_326 = tpu.memref_squeeze %dma_start3A_325 : memref<1x32x512xi32, #tpu.memory_space<vmem>> -> memref<32x512xi32, #tpu.memory_space<vmem>>
    %dma_start3A_327 = arith.constant 0 : i32
    %dma_start3A_328 = tpu.memref_slice %arg5[%dma_start3A_322, %dma_start3A_327] : memref<16x32xi32, #tpu.memory_space<vmem>> -> memref<1x32xi32, #tpu.memory_space<vmem>>
    %dma_start3A_329 = tpu.memref_squeeze %dma_start3A_328 : memref<1x32xi32, #tpu.memory_space<vmem>> -> memref<32xi32, #tpu.memory_space<vmem>>
    %dma_start3A_330 = arith.constant 0 : i32
    %dma_start3A_331 = arith.constant 0 : i32
    %dma_start3A_332 = tpu.memref_slice %arg4[%dma_start3A_330, %dma_start3A_331] : memref<23552x512xi32, #tpu.memory_space<hbm>> -> memref<23552x512xi32, #tpu.memory_space<hbm>>
    tpu.enqueue_indirect_dma source(%dma_start3A_326 : memref<32x512xi32, #tpu.memory_space<vmem>>) target(%dma_start3A_332 : memref<23552x512xi32, #tpu.memory_space<hbm>>) offsets(%dma_start3A_329 : memref<32xi32, #tpu.memory_space<vmem>>) semaphore(%arg11 : memref<!tpu.dma_semaphore, #tpu.memory_space<semaphore_mem>>)
    %dma_wait3A_333 = arith.constant 0 : i32
    %dma_wait3A_334 = arith.constant 0 : i32
    %dma_wait3A_335 = arith.constant 0 : i32
    %dma_wait3A_336 = tpu.memref_slice %arg6[%dma_wait3A_333, %dma_wait3A_334, %dma_wait3A_335] : memref<2x32x1024xf32, #tpu.memory_space<vmem>> -> memref<1x32x1024xf32, #tpu.memory_space<vmem>>
    %dma_wait3A_337 = tpu.memref_squeeze %dma_wait3A_336 : memref<1x32x1024xf32, #tpu.memory_space<vmem>> -> memref<32x1024xf32, #tpu.memory_space<vmem>>
    %dma_wait3A_338 = arith.constant 0 : i32
    %dma_wait3A_339 = tpu.memref_slice %arg2[%add3A_292, %dma_wait3A_338] : memref<16384x1024xf32, #tpu.memory_space<hbm>> -> memref<32x1024xf32, #tpu.memory_space<hbm>>
    %dma_wait3A_340 = arith.constant 0 : i32
    %dma_wait3A_341 = arith.constant 0 : i32
    %dma_wait3A_342 = tpu.memref_slice %arg6[%dma_wait3A_333, %dma_wait3A_340, %dma_wait3A_341] : memref<2x32x1024xf32, #tpu.memory_space<vmem>> -> memref<1x32x1024xf32, #tpu.memory_space<vmem>>
    %dma_wait3A_343 = tpu.memref_squeeze %dma_wait3A_342 : memref<1x32x1024xf32, #tpu.memory_space<vmem>> -> memref<32x1024xf32, #tpu.memory_space<vmem>>
    %dma_wait3A_344 = arith.constant 0 : i32
    %dma_wait3A_345 = tpu.memref_slice %arg2[%add3A_292, %dma_wait3A_344] : memref<16384x1024xf32, #tpu.memory_space<hbm>> -> memref<32x1024xf32, #tpu.memory_space<hbm>>
    tpu.wait_dma2 semaphore(%arg8 : memref<!tpu.dma_semaphore, #tpu.memory_space<semaphore_mem>>) src(%dma_wait3A_345 : memref<32x1024xf32, #tpu.memory_space<hbm>>) dst(%dma_wait3A_343 : memref<32x1024xf32, #tpu.memory_space<vmem>>)
    %mul3A_346 = arith.constant 512 : i32
    %mul3A_347 = arith.muli %add3A, %mul3A_346 : i32
    %add3A_348 = arith.constant 224 : i32
    %add3A_349 = arith.addi %mul3A_347, %add3A_348 : i32
    %dma_start3A_350 = arith.constant 1 : i32
    %dma_start3A_351 = arith.constant 0 : i32
    %dma_start3A_352 = arith.constant 0 : i32
    %dma_start3A_353 = tpu.memref_slice %arg6[%dma_start3A_350, %dma_start3A_351, %dma_start3A_352] : memref<2x32x1024xf32, #tpu.memory_space<vmem>> -> memref<1x32x1024xf32, #tpu.memory_space<vmem>>
    %dma_start3A_354 = tpu.memref_squeeze %dma_start3A_353 : memref<1x32x1024xf32, #tpu.memory_space<vmem>> -> memref<32x1024xf32, #tpu.memory_space<vmem>>
    %dma_start3A_355 = arith.constant 0 : i32
    %dma_start3A_356 = tpu.memref_slice %arg2[%add3A_349, %dma_start3A_355] : memref<16384x1024xf32, #tpu.memory_space<hbm>> -> memref<32x1024xf32, #tpu.memory_space<hbm>>
    %dma_start3A_357 = arith.constant 0 : i32
    %dma_start3A_358 = arith.constant 0 : i32
    %dma_start3A_359 = tpu.memref_slice %arg6[%dma_start3A_350, %dma_start3A_357, %dma_start3A_358] : memref<2x32x1024xf32, #tpu.memory_space<vmem>> -> memref<1x32x1024xf32, #tpu.memory_space<vmem>>
    %dma_start3A_360 = tpu.memref_squeeze %dma_start3A_359 : memref<1x32x1024xf32, #tpu.memory_space<vmem>> -> memref<32x1024xf32, #tpu.memory_space<vmem>>
    %dma_start3A_361 = arith.constant 0 : i32
    %dma_start3A_362 = tpu.memref_slice %arg2[%add3A_349, %dma_start3A_361] : memref<16384x1024xf32, #tpu.memory_space<hbm>> -> memref<32x1024xf32, #tpu.memory_space<hbm>>
    tpu.enqueue_dma source(%dma_start3A_362 : memref<32x1024xf32, #tpu.memory_space<hbm>>) target(%dma_start3A_360 : memref<32x1024xf32, #tpu.memory_space<vmem>>) target_semaphore(%arg9 : memref<!tpu.dma_semaphore, #tpu.memory_space<semaphore_mem>>)
    %dma_wait3A_363 = arith.constant 0 : i32
    %dma_wait3A_364 = arith.constant 4 : i32
    %dma_wait3A_365 = arith.constant 0 : i32
    %dma_wait3A_366 = arith.constant 0 : i32
    %dma_wait3A_367 = tpu.memref_slice %arg7[%dma_wait3A_363, %dma_wait3A_365, %dma_wait3A_366] : memref<2x32x512xi32, #tpu.memory_space<vmem>> -> memref<1x32x512xi32, #tpu.memory_space<vmem>>
    %dma_wait3A_368 = tpu.memref_squeeze %dma_wait3A_367 : memref<1x32x512xi32, #tpu.memory_space<vmem>> -> memref<32x512xi32, #tpu.memory_space<vmem>>
    %dma_wait3A_369 = arith.constant 0 : i32
    %dma_wait3A_370 = tpu.memref_slice %arg5[%dma_wait3A_364, %dma_wait3A_369] : memref<16x32xi32, #tpu.memory_space<vmem>> -> memref<1x32xi32, #tpu.memory_space<vmem>>
    %dma_wait3A_371 = tpu.memref_squeeze %dma_wait3A_370 : memref<1x32xi32, #tpu.memory_space<vmem>> -> memref<32xi32, #tpu.memory_space<vmem>>
    %dma_wait3A_372 = arith.constant 0 : i32
    %dma_wait3A_373 = arith.constant 0 : i32
    %dma_wait3A_374 = tpu.memref_slice %arg4[%dma_wait3A_372, %dma_wait3A_373] : memref<23552x512xi32, #tpu.memory_space<hbm>> -> memref<23552x512xi32, #tpu.memory_space<hbm>>
    tpu.wait_indirect_dma semaphore(%arg10 : memref<!tpu.dma_semaphore, #tpu.memory_space<semaphore_mem>>) src(%dma_wait3A_368 : memref<32x512xi32, #tpu.memory_space<vmem>>) dst(%dma_wait3A_374 : memref<23552x512xi32, #tpu.memory_space<hbm>>)
    %parallel_loop3A_375 = arith.constant 0 : i32
    %parallel_loop3A_376 = arith.constant 1024 : i32
    %parallel_loop3A_377 = arith.constant 1 : i32
    scf.for %parallel_loop3A_910 = %parallel_loop3A_375 to %parallel_loop3A_376 step %parallel_loop3A_377  : i32 {
      %parallel_loop3A_911 = arith.constant 32 : i32
      %parallel_loop3A_912 = arith.divsi %parallel_loop3A_910, %parallel_loop3A_911 : i32
      %parallel_loop3A_913 = arith.constant 0 : i32
      %parallel_loop3A_914 = arith.cmpi sgt, %parallel_loop3A_910, %parallel_loop3A_913 : i32
      %parallel_loop3A_915 = arith.extui %parallel_loop3A_914 : i1 to i32
      %parallel_loop3A_916 = arith.constant 0 : i32
      %parallel_loop3A_917 = arith.cmpi slt, %parallel_loop3A_910, %parallel_loop3A_916 : i32
      %parallel_loop3A_918 = arith.extui %parallel_loop3A_917 : i1 to i32
      %parallel_loop3A_919 = arith.subi %parallel_loop3A_915, %parallel_loop3A_918 : i32
      %parallel_loop3A_920 = arith.constant 0 : i32
      %parallel_loop3A_921 = arith.cmpi sgt, %parallel_loop3A_911, %parallel_loop3A_920 : i32
      %parallel_loop3A_922 = arith.extui %parallel_loop3A_921 : i1 to i32
      %parallel_loop3A_923 = arith.constant 0 : i32
      %parallel_loop3A_924 = arith.cmpi slt, %parallel_loop3A_911, %parallel_loop3A_923 : i32
      %parallel_loop3A_925 = arith.extui %parallel_loop3A_924 : i1 to i32
      %parallel_loop3A_926 = arith.subi %parallel_loop3A_922, %parallel_loop3A_925 : i32
      %parallel_loop3A_927 = arith.cmpi ne, %parallel_loop3A_919, %parallel_loop3A_926 : i32
      %parallel_loop3A_928 = arith.remsi %parallel_loop3A_910, %parallel_loop3A_911 : i32
      %parallel_loop3A_929 = arith.constant 0 : i32
      %parallel_loop3A_930 = arith.cmpi ne, %parallel_loop3A_928, %parallel_loop3A_929 : i32
      %parallel_loop3A_931 = arith.andi %parallel_loop3A_927, %parallel_loop3A_930 : i1
      %parallel_loop3A_932 = arith.constant 1 : i32
      %parallel_loop3A_933 = arith.subi %parallel_loop3A_912, %parallel_loop3A_932 : i32
      %parallel_loop3A_934 = arith.select %parallel_loop3A_931, %parallel_loop3A_933, %parallel_loop3A_912 : i32
      %parallel_loop3A_935 = arith.constant 32 : i32
      %parallel_loop3A_936 = arith.constant 0 : i32
      %parallel_loop3A_937 = arith.cmpi eq, %parallel_loop3A_935, %parallel_loop3A_936 : i32
      %parallel_loop3A_938 = arith.constant 1 : i32
      %parallel_loop3A_939 = arith.select %parallel_loop3A_937, %parallel_loop3A_938, %parallel_loop3A_935 : i32
      %parallel_loop3A_940 = arith.remsi %parallel_loop3A_910, %parallel_loop3A_939 : i32
      %parallel_loop3A_941 = arith.constant 0 : i32
      %parallel_loop3A_942 = arith.cmpi ne, %parallel_loop3A_940, %parallel_loop3A_941 : i32
      %parallel_loop3A_943 = arith.constant 0 : i32
      %parallel_loop3A_944 = arith.cmpi slt, %parallel_loop3A_940, %parallel_loop3A_943 : i32
      %parallel_loop3A_945 = arith.constant 0 : i32
      %parallel_loop3A_946 = arith.cmpi slt, %parallel_loop3A_939, %parallel_loop3A_945 : i32
      %parallel_loop3A_947 = arith.xori %parallel_loop3A_944, %parallel_loop3A_946 : i1
      %parallel_loop3A_948 = arith.andi %parallel_loop3A_947, %parallel_loop3A_942 : i1
      %parallel_loop3A_949 = arith.addi %parallel_loop3A_940, %parallel_loop3A_939 : i32
      %parallel_loop3A_950 = arith.select %parallel_loop3A_948, %parallel_loop3A_949, %parallel_loop3A_940 : i32
      %parallel_loop3A_951 = arith.constant 16 : i32
      %parallel_loop3A_952 = arith.muli %parallel_loop3A_950, %parallel_loop3A_951 : i32
      %parallel_loop3A_953 = arith.constant 0 : i32
      %parallel_loop3A_954 = arith.index_cast %parallel_loop3A_953 : i32 to index
      %parallel_loop3A_955 = arith.index_cast %parallel_loop3A_934 : i32 to index
      %parallel_loop3A_956 = arith.index_cast %parallel_loop3A_952 : i32 to index
      %parallel_loop3A_957 = tpu.vector_load %arg6[%parallel_loop3A_954, %parallel_loop3A_955, %parallel_loop3A_956] {strides = array<i32>} : memref<2x32x1024xf32, #tpu.memory_space<vmem>>, vector<16xf32>,
      %parallel_loop3A_958 = arith.constant 512 : i32
      %parallel_loop3A_959 = arith.addi %parallel_loop3A_952, %parallel_loop3A_958 : i32
      %parallel_loop3A_960 = arith.constant 0 : i32
      %parallel_loop3A_961 = arith.index_cast %parallel_loop3A_960 : i32 to index
      %parallel_loop3A_962 = arith.index_cast %parallel_loop3A_934 : i32 to index
      %parallel_loop3A_963 = arith.index_cast %parallel_loop3A_959 : i32 to index
      %parallel_loop3A_964 = tpu.vector_load %arg6[%parallel_loop3A_961, %parallel_loop3A_962, %parallel_loop3A_963] {strides = array<i32>} : memref<2x32x1024xf32, #tpu.memory_space<vmem>>, vector<16xf32>,
      %parallel_loop3A_965 = tpu.pack_subelements %parallel_loop3A_957, %parallel_loop3A_964 {pack_format = #tpu.pack_format<interleaved>, positions = array<i32: 0, 1>} : vector<16xf32>, vector<16xf32> -> vector<32xbf16>
      %parallel_loop3A_966 = vector.bitcast %parallel_loop3A_965 : vector<32xbf16> to vector<16xi32>
      %parallel_loop3A_967 = arith.constant 0 : i32
      %parallel_loop3A_968 = arith.index_cast %parallel_loop3A_967 : i32 to index
      %parallel_loop3A_969 = arith.index_cast %parallel_loop3A_934 : i32 to index
      %parallel_loop3A_970 = arith.index_cast %parallel_loop3A_952 : i32 to index
      %parallel_loop3A_971 = tpu.vector_load %arg7[%parallel_loop3A_968, %parallel_loop3A_969, %parallel_loop3A_970] {strides = array<i32>} : memref<2x32x512xi32, #tpu.memory_space<vmem>>, vector<16xi32>,
      tpu.vector_store %arg7[%parallel_loop3A_968, %parallel_loop3A_969, %parallel_loop3A_970], %parallel_loop3A_966 {strides = array<i32>} : memref<2x32x512xi32, #tpu.memory_space<vmem>>, vector<16xi32>,
    } {sc.loop_unroll_factor = 8 : i64, sc.parallel_access}
    %dma_start3A_378 = arith.constant 0 : i32
    %dma_start3A_379 = arith.constant 6 : i32
    %dma_start3A_380 = arith.constant 0 : i32
    %dma_start3A_381 = arith.constant 0 : i32
    %dma_start3A_382 = tpu.memref_slice %arg7[%dma_start3A_378, %dma_start3A_380, %dma_start3A_381] : memref<2x32x512xi32, #tpu.memory_space<vmem>> -> memref<1x32x512xi32, #tpu.memory_space<vmem>>
    %dma_start3A_383 = tpu.memref_squeeze %dma_start3A_382 : memref<1x32x512xi32, #tpu.memory_space<vmem>> -> memref<32x512xi32, #tpu.memory_space<vmem>>
    %dma_start3A_384 = arith.constant 0 : i32
    %dma_start3A_385 = tpu.memref_slice %arg5[%dma_start3A_379, %dma_start3A_384] : memref<16x32xi32, #tpu.memory_space<vmem>> -> memref<1x32xi32, #tpu.memory_space<vmem>>
    %dma_start3A_386 = tpu.memref_squeeze %dma_start3A_385 : memref<1x32xi32, #tpu.memory_space<vmem>> -> memref<32xi32, #tpu.memory_space<vmem>>
    %dma_start3A_387 = arith.constant 0 : i32
    %dma_start3A_388 = arith.constant 0 : i32
    %dma_start3A_389 = tpu.memref_slice %arg4[%dma_start3A_387, %dma_start3A_388] : memref<23552x512xi32, #tpu.memory_space<hbm>> -> memref<23552x512xi32, #tpu.memory_space<hbm>>
    tpu.enqueue_indirect_dma source(%dma_start3A_383 : memref<32x512xi32, #tpu.memory_space<vmem>>) target(%dma_start3A_389 : memref<23552x512xi32, #tpu.memory_space<hbm>>) offsets(%dma_start3A_386 : memref<32xi32, #tpu.memory_space<vmem>>) semaphore(%arg10 : memref<!tpu.dma_semaphore, #tpu.memory_space<semaphore_mem>>)
    %dma_wait3A_390 = arith.constant 1 : i32
    %dma_wait3A_391 = arith.constant 0 : i32
    %dma_wait3A_392 = arith.constant 0 : i32
    %dma_wait3A_393 = tpu.memref_slice %arg6[%dma_wait3A_390, %dma_wait3A_391, %dma_wait3A_392] : memref<2x32x1024xf32, #tpu.memory_space<vmem>> -> memref<1x32x1024xf32, #tpu.memory_space<vmem>>
    %dma_wait3A_394 = tpu.memref_squeeze %dma_wait3A_393 : memref<1x32x1024xf32, #tpu.memory_space<vmem>> -> memref<32x1024xf32, #tpu.memory_space<vmem>>
    %dma_wait3A_395 = arith.constant 0 : i32
    %dma_wait3A_396 = tpu.memref_slice %arg2[%add3A_349, %dma_wait3A_395] : memref<16384x1024xf32, #tpu.memory_space<hbm>> -> memref<32x1024xf32, #tpu.memory_space<hbm>>
    %dma_wait3A_397 = arith.constant 0 : i32
    %dma_wait3A_398 = arith.constant 0 : i32
    %dma_wait3A_399 = tpu.memref_slice %arg6[%dma_wait3A_390, %dma_wait3A_397, %dma_wait3A_398] : memref<2x32x1024xf32, #tpu.memory_space<vmem>> -> memref<1x32x1024xf32, #tpu.memory_space<vmem>>
    %dma_wait3A_400 = tpu.memref_squeeze %dma_wait3A_399 : memref<1x32x1024xf32, #tpu.memory_space<vmem>> -> memref<32x1024xf32, #tpu.memory_space<vmem>>
    %dma_wait3A_401 = arith.constant 0 : i32
    %dma_wait3A_402 = tpu.memref_slice %arg2[%add3A_349, %dma_wait3A_401] : memref<16384x1024xf32, #tpu.memory_space<hbm>> -> memref<32x1024xf32, #tpu.memory_space<hbm>>
    tpu.wait_dma2 semaphore(%arg9 : memref<!tpu.dma_semaphore, #tpu.memory_space<semaphore_mem>>) src(%dma_wait3A_402 : memref<32x1024xf32, #tpu.memory_space<hbm>>) dst(%dma_wait3A_400 : memref<32x1024xf32, #tpu.memory_space<vmem>>)
    %mul3A_403 = arith.constant 512 : i32
    %mul3A_404 = arith.muli %add3A, %mul3A_403 : i32
    %add3A_405 = arith.constant 256 : i32
    %add3A_406 = arith.addi %mul3A_404, %add3A_405 : i32
    %dma_start3A_407 = arith.constant 0 : i32
    %dma_start3A_408 = arith.constant 0 : i32
    %dma_start3A_409 = arith.constant 0 : i32
    %dma_start3A_410 = tpu.memref_slice %arg6[%dma_start3A_407, %dma_start3A_408, %dma_start3A_409] : memref<2x32x1024xf32, #tpu.memory_space<vmem>> -> memref<1x32x1024xf32, #tpu.memory_space<vmem>>
    %dma_start3A_411 = tpu.memref_squeeze %dma_start3A_410 : memref<1x32x1024xf32, #tpu.memory_space<vmem>> -> memref<32x1024xf32, #tpu.memory_space<vmem>>
    %dma_start3A_412 = arith.constant 0 : i32
    %dma_start3A_413 = tpu.memref_slice %arg2[%add3A_406, %dma_start3A_412] : memref<16384x1024xf32, #tpu.memory_space<hbm>> -> memref<32x1024xf32, #tpu.memory_space<hbm>>
    %dma_start3A_414 = arith.constant 0 : i32
    %dma_start3A_415 = arith.constant 0 : i32
    %dma_start3A_416 = tpu.memref_slice %arg6[%dma_start3A_407, %dma_start3A_414, %dma_start3A_415] : memref<2x32x1024xf32, #tpu.memory_space<vmem>> -> memref<1x32x1024xf32, #tpu.memory_space<vmem>>
    %dma_start3A_417 = tpu.memref_squeeze %dma_start3A_416 : memref<1x32x1024xf32, #tpu.memory_space<vmem>> -> memref<32x1024xf32, #tpu.memory_space<vmem>>
    %dma_start3A_418 = arith.constant 0 : i32
    %dma_start3A_419 = tpu.memref_slice %arg2[%add3A_406, %dma_start3A_418] : memref<16384x1024xf32, #tpu.memory_space<hbm>> -> memref<32x1024xf32, #tpu.memory_space<hbm>>
    tpu.enqueue_dma source(%dma_start3A_419 : memref<32x1024xf32, #tpu.memory_space<hbm>>) target(%dma_start3A_417 : memref<32x1024xf32, #tpu.memory_space<vmem>>) target_semaphore(%arg8 : memref<!tpu.dma_semaphore, #tpu.memory_space<semaphore_mem>>)
    %dma_wait3A_420 = arith.constant 1 : i32
    %dma_wait3A_421 = arith.constant 5 : i32
    %dma_wait3A_422 = arith.constant 0 : i32
    %dma_wait3A_423 = arith.constant 0 : i32
    %dma_wait3A_424 = tpu.memref_slice %arg7[%dma_wait3A_420, %dma_wait3A_422, %dma_wait3A_423] : memref<2x32x512xi32, #tpu.memory_space<vmem>> -> memref<1x32x512xi32, #tpu.memory_space<vmem>>
    %dma_wait3A_425 = tpu.memref_squeeze %dma_wait3A_424 : memref<1x32x512xi32, #tpu.memory_space<vmem>> -> memref<32x512xi32, #tpu.memory_space<vmem>>
    %dma_wait3A_426 = arith.constant 0 : i32
    %dma_wait3A_427 = tpu.memref_slice %arg5[%dma_wait3A_421, %dma_wait3A_426] : memref<16x32xi32, #tpu.memory_space<vmem>> -> memref<1x32xi32, #tpu.memory_space<vmem>>
    %dma_wait3A_428 = tpu.memref_squeeze %dma_wait3A_427 : memref<1x32xi32, #tpu.memory_space<vmem>> -> memref<32xi32, #tpu.memory_space<vmem>>
    %dma_wait3A_429 = arith.constant 0 : i32
    %dma_wait3A_430 = arith.constant 0 : i32
    %dma_wait3A_431 = tpu.memref_slice %arg4[%dma_wait3A_429, %dma_wait3A_430] : memref<23552x512xi32, #tpu.memory_space<hbm>> -> memref<23552x512xi32, #tpu.memory_space<hbm>>
    tpu.wait_indirect_dma semaphore(%arg11 : memref<!tpu.dma_semaphore, #tpu.memory_space<semaphore_mem>>) src(%dma_wait3A_425 : memref<32x512xi32, #tpu.memory_space<vmem>>) dst(%dma_wait3A_431 : memref<23552x512xi32, #tpu.memory_space<hbm>>)
    %parallel_loop3A_432 = arith.constant 0 : i32
    %parallel_loop3A_433 = arith.constant 1024 : i32
    %parallel_loop3A_434 = arith.constant 1 : i32
    scf.for %parallel_loop3A_910 = %parallel_loop3A_432 to %parallel_loop3A_433 step %parallel_loop3A_434  : i32 {
      %parallel_loop3A_911 = arith.constant 32 : i32
      %parallel_loop3A_912 = arith.divsi %parallel_loop3A_910, %parallel_loop3A_911 : i32
      %parallel_loop3A_913 = arith.constant 0 : i32
      %parallel_loop3A_914 = arith.cmpi sgt, %parallel_loop3A_910, %parallel_loop3A_913 : i32
      %parallel_loop3A_915 = arith.extui %parallel_loop3A_914 : i1 to i32
      %parallel_loop3A_916 = arith.constant 0 : i32
      %parallel_loop3A_917 = arith.cmpi slt, %parallel_loop3A_910, %parallel_loop3A_916 : i32
      %parallel_loop3A_918 = arith.extui %parallel_loop3A_917 : i1 to i32
      %parallel_loop3A_919 = arith.subi %parallel_loop3A_915, %parallel_loop3A_918 : i32
      %parallel_loop3A_920 = arith.constant 0 : i32
      %parallel_loop3A_921 = arith.cmpi sgt, %parallel_loop3A_911, %parallel_loop3A_920 : i32
      %parallel_loop3A_922 = arith.extui %parallel_loop3A_921 : i1 to i32
      %parallel_loop3A_923 = arith.constant 0 : i32
      %parallel_loop3A_924 = arith.cmpi slt, %parallel_loop3A_911, %parallel_loop3A_923 : i32
      %parallel_loop3A_925 = arith.extui %parallel_loop3A_924 : i1 to i32
      %parallel_loop3A_926 = arith.subi %parallel_loop3A_922, %parallel_loop3A_925 : i32
      %parallel_loop3A_927 = arith.cmpi ne, %parallel_loop3A_919, %parallel_loop3A_926 : i32
      %parallel_loop3A_928 = arith.remsi %parallel_loop3A_910, %parallel_loop3A_911 : i32
      %parallel_loop3A_929 = arith.constant 0 : i32
      %parallel_loop3A_930 = arith.cmpi ne, %parallel_loop3A_928, %parallel_loop3A_929 : i32
      %parallel_loop3A_931 = arith.andi %parallel_loop3A_927, %parallel_loop3A_930 : i1
      %parallel_loop3A_932 = arith.constant 1 : i32
      %parallel_loop3A_933 = arith.subi %parallel_loop3A_912, %parallel_loop3A_932 : i32
      %parallel_loop3A_934 = arith.select %parallel_loop3A_931, %parallel_loop3A_933, %parallel_loop3A_912 : i32
      %parallel_loop3A_935 = arith.constant 32 : i32
      %parallel_loop3A_936 = arith.constant 0 : i32
      %parallel_loop3A_937 = arith.cmpi eq, %parallel_loop3A_935, %parallel_loop3A_936 : i32
      %parallel_loop3A_938 = arith.constant 1 : i32
      %parallel_loop3A_939 = arith.select %parallel_loop3A_937, %parallel_loop3A_938, %parallel_loop3A_935 : i32
      %parallel_loop3A_940 = arith.remsi %parallel_loop3A_910, %parallel_loop3A_939 : i32
      %parallel_loop3A_941 = arith.constant 0 : i32
      %parallel_loop3A_942 = arith.cmpi ne, %parallel_loop3A_940, %parallel_loop3A_941 : i32
      %parallel_loop3A_943 = arith.constant 0 : i32
      %parallel_loop3A_944 = arith.cmpi slt, %parallel_loop3A_940, %parallel_loop3A_943 : i32
      %parallel_loop3A_945 = arith.constant 0 : i32
      %parallel_loop3A_946 = arith.cmpi slt, %parallel_loop3A_939, %parallel_loop3A_945 : i32
      %parallel_loop3A_947 = arith.xori %parallel_loop3A_944, %parallel_loop3A_946 : i1
      %parallel_loop3A_948 = arith.andi %parallel_loop3A_947, %parallel_loop3A_942 : i1
      %parallel_loop3A_949 = arith.addi %parallel_loop3A_940, %parallel_loop3A_939 : i32
      %parallel_loop3A_950 = arith.select %parallel_loop3A_948, %parallel_loop3A_949, %parallel_loop3A_940 : i32
      %parallel_loop3A_951 = arith.constant 16 : i32
      %parallel_loop3A_952 = arith.muli %parallel_loop3A_950, %parallel_loop3A_951 : i32
      %parallel_loop3A_953 = arith.constant 1 : i32
      %parallel_loop3A_954 = arith.index_cast %parallel_loop3A_953 : i32 to index
      %parallel_loop3A_955 = arith.index_cast %parallel_loop3A_934 : i32 to index
      %parallel_loop3A_956 = arith.index_cast %parallel_loop3A_952 : i32 to index
      %parallel_loop3A_957 = tpu.vector_load %arg6[%parallel_loop3A_954, %parallel_loop3A_955, %parallel_loop3A_956] {strides = array<i32>} : memref<2x32x1024xf32, #tpu.memory_space<vmem>>, vector<16xf32>,
      %parallel_loop3A_958 = arith.constant 512 : i32
      %parallel_loop3A_959 = arith.addi %parallel_loop3A_952, %parallel_loop3A_958 : i32
      %parallel_loop3A_960 = arith.constant 1 : i32
      %parallel_loop3A_961 = arith.index_cast %parallel_loop3A_960 : i32 to index
      %parallel_loop3A_962 = arith.index_cast %parallel_loop3A_934 : i32 to index
      %parallel_loop3A_963 = arith.index_cast %parallel_loop3A_959 : i32 to index
      %parallel_loop3A_964 = tpu.vector_load %arg6[%parallel_loop3A_961, %parallel_loop3A_962, %parallel_loop3A_963] {strides = array<i32>} : memref<2x32x1024xf32, #tpu.memory_space<vmem>>, vector<16xf32>,
      %parallel_loop3A_965 = tpu.pack_subelements %parallel_loop3A_957, %parallel_loop3A_964 {pack_format = #tpu.pack_format<interleaved>, positions = array<i32: 0, 1>} : vector<16xf32>, vector<16xf32> -> vector<32xbf16>
      %parallel_loop3A_966 = vector.bitcast %parallel_loop3A_965 : vector<32xbf16> to vector<16xi32>
      %parallel_loop3A_967 = arith.constant 1 : i32
      %parallel_loop3A_968 = arith.index_cast %parallel_loop3A_967 : i32 to index
      %parallel_loop3A_969 = arith.index_cast %parallel_loop3A_934 : i32 to index
      %parallel_loop3A_970 = arith.index_cast %parallel_loop3A_952 : i32 to index
      %parallel_loop3A_971 = tpu.vector_load %arg7[%parallel_loop3A_968, %parallel_loop3A_969, %parallel_loop3A_970] {strides = array<i32>} : memref<2x32x512xi32, #tpu.memory_space<vmem>>, vector<16xi32>,
      tpu.vector_store %arg7[%parallel_loop3A_968, %parallel_loop3A_969, %parallel_loop3A_970], %parallel_loop3A_966 {strides = array<i32>} : memref<2x32x512xi32, #tpu.memory_space<vmem>>, vector<16xi32>,
    } {sc.loop_unroll_factor = 8 : i64, sc.parallel_access}
    %dma_start3A_435 = arith.constant 1 : i32
    %dma_start3A_436 = arith.constant 7 : i32
    %dma_start3A_437 = arith.constant 0 : i32
    %dma_start3A_438 = arith.constant 0 : i32
    %dma_start3A_439 = tpu.memref_slice %arg7[%dma_start3A_435, %dma_start3A_437, %dma_start3A_438] : memref<2x32x512xi32, #tpu.memory_space<vmem>> -> memref<1x32x512xi32, #tpu.memory_space<vmem>>
    %dma_start3A_440 = tpu.memref_squeeze %dma_start3A_439 : memref<1x32x512xi32, #tpu.memory_space<vmem>> -> memref<32x512xi32, #tpu.memory_space<vmem>>
    %dma_start3A_441 = arith.constant 0 : i32
    %dma_start3A_442 = tpu.memref_slice %arg5[%dma_start3A_436, %dma_start3A_441] : memref<16x32xi32, #tpu.memory_space<vmem>> -> memref<1x32xi32, #tpu.memory_space<vmem>>
    %dma_start3A_443 = tpu.memref_squeeze %dma_start3A_442 : memref<1x32xi32, #tpu.memory_space<vmem>> -> memref<32xi32, #tpu.memory_space<vmem>>
    %dma_start3A_444 = arith.constant 0 : i32
    %dma_start3A_445 = arith.constant 0 : i32
    %dma_start3A_446 = tpu.memref_slice %arg4[%dma_start3A_444, %dma_start3A_445] : memref<23552x512xi32, #tpu.memory_space<hbm>> -> memref<23552x512xi32, #tpu.memory_space<hbm>>
    tpu.enqueue_indirect_dma source(%dma_start3A_440 : memref<32x512xi32, #tpu.memory_space<vmem>>) target(%dma_start3A_446 : memref<23552x512xi32, #tpu.memory_space<hbm>>) offsets(%dma_start3A_443 : memref<32xi32, #tpu.memory_space<vmem>>) semaphore(%arg11 : memref<!tpu.dma_semaphore, #tpu.memory_space<semaphore_mem>>)
    %dma_wait3A_447 = arith.constant 0 : i32
    %dma_wait3A_448 = arith.constant 0 : i32
    %dma_wait3A_449 = arith.constant 0 : i32
    %dma_wait3A_450 = tpu.memref_slice %arg6[%dma_wait3A_447, %dma_wait3A_448, %dma_wait3A_449] : memref<2x32x1024xf32, #tpu.memory_space<vmem>> -> memref<1x32x1024xf32, #tpu.memory_space<vmem>>
    %dma_wait3A_451 = tpu.memref_squeeze %dma_wait3A_450 : memref<1x32x1024xf32, #tpu.memory_space<vmem>> -> memref<32x1024xf32, #tpu.memory_space<vmem>>
    %dma_wait3A_452 = arith.constant 0 : i32
    %dma_wait3A_453 = tpu.memref_slice %arg2[%add3A_406, %dma_wait3A_452] : memref<16384x1024xf32, #tpu.memory_space<hbm>> -> memref<32x1024xf32, #tpu.memory_space<hbm>>
    %dma_wait3A_454 = arith.constant 0 : i32
    %dma_wait3A_455 = arith.constant 0 : i32
    %dma_wait3A_456 = tpu.memref_slice %arg6[%dma_wait3A_447, %dma_wait3A_454, %dma_wait3A_455] : memref<2x32x1024xf32, #tpu.memory_space<vmem>> -> memref<1x32x1024xf32, #tpu.memory_space<vmem>>
    %dma_wait3A_457 = tpu.memref_squeeze %dma_wait3A_456 : memref<1x32x1024xf32, #tpu.memory_space<vmem>> -> memref<32x1024xf32, #tpu.memory_space<vmem>>
    %dma_wait3A_458 = arith.constant 0 : i32
    %dma_wait3A_459 = tpu.memref_slice %arg2[%add3A_406, %dma_wait3A_458] : memref<16384x1024xf32, #tpu.memory_space<hbm>> -> memref<32x1024xf32, #tpu.memory_space<hbm>>
    tpu.wait_dma2 semaphore(%arg8 : memref<!tpu.dma_semaphore, #tpu.memory_space<semaphore_mem>>) src(%dma_wait3A_459 : memref<32x1024xf32, #tpu.memory_space<hbm>>) dst(%dma_wait3A_457 : memref<32x1024xf32, #tpu.memory_space<vmem>>)
    %mul3A_460 = arith.constant 512 : i32
    %mul3A_461 = arith.muli %add3A, %mul3A_460 : i32
    %add3A_462 = arith.constant 288 : i32
    %add3A_463 = arith.addi %mul3A_461, %add3A_462 : i32
    %dma_start3A_464 = arith.constant 1 : i32
    %dma_start3A_465 = arith.constant 0 : i32
    %dma_start3A_466 = arith.constant 0 : i32
    %dma_start3A_467 = tpu.memref_slice %arg6[%dma_start3A_464, %dma_start3A_465, %dma_start3A_466] : memref<2x32x1024xf32, #tpu.memory_space<vmem>> -> memref<1x32x1024xf32, #tpu.memory_space<vmem>>
    %dma_start3A_468 = tpu.memref_squeeze %dma_start3A_467 : memref<1x32x1024xf32, #tpu.memory_space<vmem>> -> memref<32x1024xf32, #tpu.memory_space<vmem>>
    %dma_start3A_469 = arith.constant 0 : i32
    %dma_start3A_470 = tpu.memref_slice %arg2[%add3A_463, %dma_start3A_469] : memref<16384x1024xf32, #tpu.memory_space<hbm>> -> memref<32x1024xf32, #tpu.memory_space<hbm>>
    %dma_start3A_471 = arith.constant 0 : i32
    %dma_start3A_472 = arith.constant 0 : i32
    %dma_start3A_473 = tpu.memref_slice %arg6[%dma_start3A_464, %dma_start3A_471, %dma_start3A_472] : memref<2x32x1024xf32, #tpu.memory_space<vmem>> -> memref<1x32x1024xf32, #tpu.memory_space<vmem>>
    %dma_start3A_474 = tpu.memref_squeeze %dma_start3A_473 : memref<1x32x1024xf32, #tpu.memory_space<vmem>> -> memref<32x1024xf32, #tpu.memory_space<vmem>>
    %dma_start3A_475 = arith.constant 0 : i32
    %dma_start3A_476 = tpu.memref_slice %arg2[%add3A_463, %dma_start3A_475] : memref<16384x1024xf32, #tpu.memory_space<hbm>> -> memref<32x1024xf32, #tpu.memory_space<hbm>>
    tpu.enqueue_dma source(%dma_start3A_476 : memref<32x1024xf32, #tpu.memory_space<hbm>>) target(%dma_start3A_474 : memref<32x1024xf32, #tpu.memory_space<vmem>>) target_semaphore(%arg9 : memref<!tpu.dma_semaphore, #tpu.memory_space<semaphore_mem>>)
    %dma_wait3A_477 = arith.constant 0 : i32
    %dma_wait3A_478 = arith.constant 6 : i32
    %dma_wait3A_479 = arith.constant 0 : i32
    %dma_wait3A_480 = arith.constant 0 : i32
    %dma_wait3A_481 = tpu.memref_slice %arg7[%dma_wait3A_477, %dma_wait3A_479, %dma_wait3A_480] : memref<2x32x512xi32, #tpu.memory_space<vmem>> -> memref<1x32x512xi32, #tpu.memory_space<vmem>>
    %dma_wait3A_482 = tpu.memref_squeeze %dma_wait3A_481 : memref<1x32x512xi32, #tpu.memory_space<vmem>> -> memref<32x512xi32, #tpu.memory_space<vmem>>
    %dma_wait3A_483 = arith.constant 0 : i32
    %dma_wait3A_484 = tpu.memref_slice %arg5[%dma_wait3A_478, %dma_wait3A_483] : memref<16x32xi32, #tpu.memory_space<vmem>> -> memref<1x32xi32, #tpu.memory_space<vmem>>
    %dma_wait3A_485 = tpu.memref_squeeze %dma_wait3A_484 : memref<1x32xi32, #tpu.memory_space<vmem>> -> memref<32xi32, #tpu.memory_space<vmem>>
    %dma_wait3A_486 = arith.constant 0 : i32
    %dma_wait3A_487 = arith.constant 0 : i32
    %dma_wait3A_488 = tpu.memref_slice %arg4[%dma_wait3A_486, %dma_wait3A_487] : memref<23552x512xi32, #tpu.memory_space<hbm>> -> memref<23552x512xi32, #tpu.memory_space<hbm>>
    tpu.wait_indirect_dma semaphore(%arg10 : memref<!tpu.dma_semaphore, #tpu.memory_space<semaphore_mem>>) src(%dma_wait3A_482 : memref<32x512xi32, #tpu.memory_space<vmem>>) dst(%dma_wait3A_488 : memref<23552x512xi32, #tpu.memory_space<hbm>>)
    %parallel_loop3A_489 = arith.constant 0 : i32
    %parallel_loop3A_490 = arith.constant 1024 : i32
    %parallel_loop3A_491 = arith.constant 1 : i32
    scf.for %parallel_loop3A_910 = %parallel_loop3A_489 to %parallel_loop3A_490 step %parallel_loop3A_491  : i32 {
      %parallel_loop3A_911 = arith.constant 32 : i32
      %parallel_loop3A_912 = arith.divsi %parallel_loop3A_910, %parallel_loop3A_911 : i32
      %parallel_loop3A_913 = arith.constant 0 : i32
      %parallel_loop3A_914 = arith.cmpi sgt, %parallel_loop3A_910, %parallel_loop3A_913 : i32
      %parallel_loop3A_915 = arith.extui %parallel_loop3A_914 : i1 to i32
      %parallel_loop3A_916 = arith.constant 0 : i32
      %parallel_loop3A_917 = arith.cmpi slt, %parallel_loop3A_910, %parallel_loop3A_916 : i32
      %parallel_loop3A_918 = arith.extui %parallel_loop3A_917 : i1 to i32
      %parallel_loop3A_919 = arith.subi %parallel_loop3A_915, %parallel_loop3A_918 : i32
      %parallel_loop3A_920 = arith.constant 0 : i32
      %parallel_loop3A_921 = arith.cmpi sgt, %parallel_loop3A_911, %parallel_loop3A_920 : i32
      %parallel_loop3A_922 = arith.extui %parallel_loop3A_921 : i1 to i32
      %parallel_loop3A_923 = arith.constant 0 : i32
      %parallel_loop3A_924 = arith.cmpi slt, %parallel_loop3A_911, %parallel_loop3A_923 : i32
      %parallel_loop3A_925 = arith.extui %parallel_loop3A_924 : i1 to i32
      %parallel_loop3A_926 = arith.subi %parallel_loop3A_922, %parallel_loop3A_925 : i32
      %parallel_loop3A_927 = arith.cmpi ne, %parallel_loop3A_919, %parallel_loop3A_926 : i32
      %parallel_loop3A_928 = arith.remsi %parallel_loop3A_910, %parallel_loop3A_911 : i32
      %parallel_loop3A_929 = arith.constant 0 : i32
      %parallel_loop3A_930 = arith.cmpi ne, %parallel_loop3A_928, %parallel_loop3A_929 : i32
      %parallel_loop3A_931 = arith.andi %parallel_loop3A_927, %parallel_loop3A_930 : i1
      %parallel_loop3A_932 = arith.constant 1 : i32
      %parallel_loop3A_933 = arith.subi %parallel_loop3A_912, %parallel_loop3A_932 : i32
      %parallel_loop3A_934 = arith.select %parallel_loop3A_931, %parallel_loop3A_933, %parallel_loop3A_912 : i32
      %parallel_loop3A_935 = arith.constant 32 : i32
      %parallel_loop3A_936 = arith.constant 0 : i32
      %parallel_loop3A_937 = arith.cmpi eq, %parallel_loop3A_935, %parallel_loop3A_936 : i32
      %parallel_loop3A_938 = arith.constant 1 : i32
      %parallel_loop3A_939 = arith.select %parallel_loop3A_937, %parallel_loop3A_938, %parallel_loop3A_935 : i32
      %parallel_loop3A_940 = arith.remsi %parallel_loop3A_910, %parallel_loop3A_939 : i32
      %parallel_loop3A_941 = arith.constant 0 : i32
      %parallel_loop3A_942 = arith.cmpi ne, %parallel_loop3A_940, %parallel_loop3A_941 : i32
      %parallel_loop3A_943 = arith.constant 0 : i32
      %parallel_loop3A_944 = arith.cmpi slt, %parallel_loop3A_940, %parallel_loop3A_943 : i32
      %parallel_loop3A_945 = arith.constant 0 : i32
      %parallel_loop3A_946 = arith.cmpi slt, %parallel_loop3A_939, %parallel_loop3A_945 : i32
      %parallel_loop3A_947 = arith.xori %parallel_loop3A_944, %parallel_loop3A_946 : i1
      %parallel_loop3A_948 = arith.andi %parallel_loop3A_947, %parallel_loop3A_942 : i1
      %parallel_loop3A_949 = arith.addi %parallel_loop3A_940, %parallel_loop3A_939 : i32
      %parallel_loop3A_950 = arith.select %parallel_loop3A_948, %parallel_loop3A_949, %parallel_loop3A_940 : i32
      %parallel_loop3A_951 = arith.constant 16 : i32
      %parallel_loop3A_952 = arith.muli %parallel_loop3A_950, %parallel_loop3A_951 : i32
      %parallel_loop3A_953 = arith.constant 0 : i32
      %parallel_loop3A_954 = arith.index_cast %parallel_loop3A_953 : i32 to index
      %parallel_loop3A_955 = arith.index_cast %parallel_loop3A_934 : i32 to index
      %parallel_loop3A_956 = arith.index_cast %parallel_loop3A_952 : i32 to index
      %parallel_loop3A_957 = tpu.vector_load %arg6[%parallel_loop3A_954, %parallel_loop3A_955, %parallel_loop3A_956] {strides = array<i32>} : memref<2x32x1024xf32, #tpu.memory_space<vmem>>, vector<16xf32>,
      %parallel_loop3A_958 = arith.constant 512 : i32
      %parallel_loop3A_959 = arith.addi %parallel_loop3A_952, %parallel_loop3A_958 : i32
      %parallel_loop3A_960 = arith.constant 0 : i32
      %parallel_loop3A_961 = arith.index_cast %parallel_loop3A_960 : i32 to index
      %parallel_loop3A_962 = arith.index_cast %parallel_loop3A_934 : i32 to index
      %parallel_loop3A_963 = arith.index_cast %parallel_loop3A_959 : i32 to index
      %parallel_loop3A_964 = tpu.vector_load %arg6[%parallel_loop3A_961, %parallel_loop3A_962, %parallel_loop3A_963] {strides = array<i32>} : memref<2x32x1024xf32, #tpu.memory_space<vmem>>, vector<16xf32>,
      %parallel_loop3A_965 = tpu.pack_subelements %parallel_loop3A_957, %parallel_loop3A_964 {pack_format = #tpu.pack_format<interleaved>, positions = array<i32: 0, 1>} : vector<16xf32>, vector<16xf32> -> vector<32xbf16>
      %parallel_loop3A_966 = vector.bitcast %parallel_loop3A_965 : vector<32xbf16> to vector<16xi32>
      %parallel_loop3A_967 = arith.constant 0 : i32
      %parallel_loop3A_968 = arith.index_cast %parallel_loop3A_967 : i32 to index
      %parallel_loop3A_969 = arith.index_cast %parallel_loop3A_934 : i32 to index
      %parallel_loop3A_970 = arith.index_cast %parallel_loop3A_952 : i32 to index
      %parallel_loop3A_971 = tpu.vector_load %arg7[%parallel_loop3A_968, %parallel_loop3A_969, %parallel_loop3A_970] {strides = array<i32>} : memref<2x32x512xi32, #tpu.memory_space<vmem>>, vector<16xi32>,
      tpu.vector_store %arg7[%parallel_loop3A_968, %parallel_loop3A_969, %parallel_loop3A_970], %parallel_loop3A_966 {strides = array<i32>} : memref<2x32x512xi32, #tpu.memory_space<vmem>>, vector<16xi32>,
    } {sc.loop_unroll_factor = 8 : i64, sc.parallel_access}
    %dma_start3A_492 = arith.constant 0 : i32
    %dma_start3A_493 = arith.constant 8 : i32
    %dma_start3A_494 = arith.constant 0 : i32
    %dma_start3A_495 = arith.constant 0 : i32
    %dma_start3A_496 = tpu.memref_slice %arg7[%dma_start3A_492, %dma_start3A_494, %dma_start3A_495] : memref<2x32x512xi32, #tpu.memory_space<vmem>> -> memref<1x32x512xi32, #tpu.memory_space<vmem>>
    %dma_start3A_497 = tpu.memref_squeeze %dma_start3A_496 : memref<1x32x512xi32, #tpu.memory_space<vmem>> -> memref<32x512xi32, #tpu.memory_space<vmem>>
    %dma_start3A_498 = arith.constant 0 : i32
    %dma_start3A_499 = tpu.memref_slice %arg5[%dma_start3A_493, %dma_start3A_498] : memref<16x32xi32, #tpu.memory_space<vmem>> -> memref<1x32xi32, #tpu.memory_space<vmem>>
    %dma_start3A_500 = tpu.memref_squeeze %dma_start3A_499 : memref<1x32xi32, #tpu.memory_space<vmem>> -> memref<32xi32, #tpu.memory_space<vmem>>
    %dma_start3A_501 = arith.constant 0 : i32
    %dma_start3A_502 = arith.constant 0 : i32
    %dma_start3A_503 = tpu.memref_slice %arg4[%dma_start3A_501, %dma_start3A_502] : memref<23552x512xi32, #tpu.memory_space<hbm>> -> memref<23552x512xi32, #tpu.memory_space<hbm>>
    tpu.enqueue_indirect_dma source(%dma_start3A_497 : memref<32x512xi32, #tpu.memory_space<vmem>>) target(%dma_start3A_503 : memref<23552x512xi32, #tpu.memory_space<hbm>>) offsets(%dma_start3A_500 : memref<32xi32, #tpu.memory_space<vmem>>) semaphore(%arg10 : memref<!tpu.dma_semaphore, #tpu.memory_space<semaphore_mem>>)
    %dma_wait3A_504 = arith.constant 1 : i32
    %dma_wait3A_505 = arith.constant 0 : i32
    %dma_wait3A_506 = arith.constant 0 : i32
    %dma_wait3A_507 = tpu.memref_slice %arg6[%dma_wait3A_504, %dma_wait3A_505, %dma_wait3A_506] : memref<2x32x1024xf32, #tpu.memory_space<vmem>> -> memref<1x32x1024xf32, #tpu.memory_space<vmem>>
    %dma_wait3A_508 = tpu.memref_squeeze %dma_wait3A_507 : memref<1x32x1024xf32, #tpu.memory_space<vmem>> -> memref<32x1024xf32, #tpu.memory_space<vmem>>
    %dma_wait3A_509 = arith.constant 0 : i32
    %dma_wait3A_510 = tpu.memref_slice %arg2[%add3A_463, %dma_wait3A_509] : memref<16384x1024xf32, #tpu.memory_space<hbm>> -> memref<32x1024xf32, #tpu.memory_space<hbm>>
    %dma_wait3A_511 = arith.constant 0 : i32
    %dma_wait3A_512 = arith.constant 0 : i32
    %dma_wait3A_513 = tpu.memref_slice %arg6[%dma_wait3A_504, %dma_wait3A_511, %dma_wait3A_512] : memref<2x32x1024xf32, #tpu.memory_space<vmem>> -> memref<1x32x1024xf32, #tpu.memory_space<vmem>>
    %dma_wait3A_514 = tpu.memref_squeeze %dma_wait3A_513 : memref<1x32x1024xf32, #tpu.memory_space<vmem>> -> memref<32x1024xf32, #tpu.memory_space<vmem>>
    %dma_wait3A_515 = arith.constant 0 : i32
    %dma_wait3A_516 = tpu.memref_slice %arg2[%add3A_463, %dma_wait3A_515] : memref<16384x1024xf32, #tpu.memory_space<hbm>> -> memref<32x1024xf32, #tpu.memory_space<hbm>>
    tpu.wait_dma2 semaphore(%arg9 : memref<!tpu.dma_semaphore, #tpu.memory_space<semaphore_mem>>) src(%dma_wait3A_516 : memref<32x1024xf32, #tpu.memory_space<hbm>>) dst(%dma_wait3A_514 : memref<32x1024xf32, #tpu.memory_space<vmem>>)
    %mul3A_517 = arith.constant 512 : i32
    %mul3A_518 = arith.muli %add3A, %mul3A_517 : i32
    %add3A_519 = arith.constant 320 : i32
    %add3A_520 = arith.addi %mul3A_518, %add3A_519 : i32
    %dma_start3A_521 = arith.constant 0 : i32
    %dma_start3A_522 = arith.constant 0 : i32
    %dma_start3A_523 = arith.constant 0 : i32
    %dma_start3A_524 = tpu.memref_slice %arg6[%dma_start3A_521, %dma_start3A_522, %dma_start3A_523] : memref<2x32x1024xf32, #tpu.memory_space<vmem>> -> memref<1x32x1024xf32, #tpu.memory_space<vmem>>
    %dma_start3A_525 = tpu.memref_squeeze %dma_start3A_524 : memref<1x32x1024xf32, #tpu.memory_space<vmem>> -> memref<32x1024xf32, #tpu.memory_space<vmem>>
    %dma_start3A_526 = arith.constant 0 : i32
    %dma_start3A_527 = tpu.memref_slice %arg2[%add3A_520, %dma_start3A_526] : memref<16384x1024xf32, #tpu.memory_space<hbm>> -> memref<32x1024xf32, #tpu.memory_space<hbm>>
    %dma_start3A_528 = arith.constant 0 : i32
    %dma_start3A_529 = arith.constant 0 : i32
    %dma_start3A_530 = tpu.memref_slice %arg6[%dma_start3A_521, %dma_start3A_528, %dma_start3A_529] : memref<2x32x1024xf32, #tpu.memory_space<vmem>> -> memref<1x32x1024xf32, #tpu.memory_space<vmem>>
    %dma_start3A_531 = tpu.memref_squeeze %dma_start3A_530 : memref<1x32x1024xf32, #tpu.memory_space<vmem>> -> memref<32x1024xf32, #tpu.memory_space<vmem>>
    %dma_start3A_532 = arith.constant 0 : i32
    %dma_start3A_533 = tpu.memref_slice %arg2[%add3A_520, %dma_start3A_532] : memref<16384x1024xf32, #tpu.memory_space<hbm>> -> memref<32x1024xf32, #tpu.memory_space<hbm>>
    tpu.enqueue_dma source(%dma_start3A_533 : memref<32x1024xf32, #tpu.memory_space<hbm>>) target(%dma_start3A_531 : memref<32x1024xf32, #tpu.memory_space<vmem>>) target_semaphore(%arg8 : memref<!tpu.dma_semaphore, #tpu.memory_space<semaphore_mem>>)
    %dma_wait3A_534 = arith.constant 1 : i32
    %dma_wait3A_535 = arith.constant 7 : i32
    %dma_wait3A_536 = arith.constant 0 : i32
    %dma_wait3A_537 = arith.constant 0 : i32
    %dma_wait3A_538 = tpu.memref_slice %arg7[%dma_wait3A_534, %dma_wait3A_536, %dma_wait3A_537] : memref<2x32x512xi32, #tpu.memory_space<vmem>> -> memref<1x32x512xi32, #tpu.memory_space<vmem>>
    %dma_wait3A_539 = tpu.memref_squeeze %dma_wait3A_538 : memref<1x32x512xi32, #tpu.memory_space<vmem>> -> memref<32x512xi32, #tpu.memory_space<vmem>>
    %dma_wait3A_540 = arith.constant 0 : i32
    %dma_wait3A_541 = tpu.memref_slice %arg5[%dma_wait3A_535, %dma_wait3A_540] : memref<16x32xi32, #tpu.memory_space<vmem>> -> memref<1x32xi32, #tpu.memory_space<vmem>>
    %dma_wait3A_542 = tpu.memref_squeeze %dma_wait3A_541 : memref<1x32xi32, #tpu.memory_space<vmem>> -> memref<32xi32, #tpu.memory_space<vmem>>
    %dma_wait3A_543 = arith.constant 0 : i32
    %dma_wait3A_544 = arith.constant 0 : i32
    %dma_wait3A_545 = tpu.memref_slice %arg4[%dma_wait3A_543, %dma_wait3A_544] : memref<23552x512xi32, #tpu.memory_space<hbm>> -> memref<23552x512xi32, #tpu.memory_space<hbm>>
    tpu.wait_indirect_dma semaphore(%arg11 : memref<!tpu.dma_semaphore, #tpu.memory_space<semaphore_mem>>) src(%dma_wait3A_539 : memref<32x512xi32, #tpu.memory_space<vmem>>) dst(%dma_wait3A_545 : memref<23552x512xi32, #tpu.memory_space<hbm>>)
    %parallel_loop3A_546 = arith.constant 0 : i32
    %parallel_loop3A_547 = arith.constant 1024 : i32
    %parallel_loop3A_548 = arith.constant 1 : i32
    scf.for %parallel_loop3A_910 = %parallel_loop3A_546 to %parallel_loop3A_547 step %parallel_loop3A_548  : i32 {
      %parallel_loop3A_911 = arith.constant 32 : i32
      %parallel_loop3A_912 = arith.divsi %parallel_loop3A_910, %parallel_loop3A_911 : i32
      %parallel_loop3A_913 = arith.constant 0 : i32
      %parallel_loop3A_914 = arith.cmpi sgt, %parallel_loop3A_910, %parallel_loop3A_913 : i32
      %parallel_loop3A_915 = arith.extui %parallel_loop3A_914 : i1 to i32
      %parallel_loop3A_916 = arith.constant 0 : i32
      %parallel_loop3A_917 = arith.cmpi slt, %parallel_loop3A_910, %parallel_loop3A_916 : i32
      %parallel_loop3A_918 = arith.extui %parallel_loop3A_917 : i1 to i32
      %parallel_loop3A_919 = arith.subi %parallel_loop3A_915, %parallel_loop3A_918 : i32
      %parallel_loop3A_920 = arith.constant 0 : i32
      %parallel_loop3A_921 = arith.cmpi sgt, %parallel_loop3A_911, %parallel_loop3A_920 : i32
      %parallel_loop3A_922 = arith.extui %parallel_loop3A_921 : i1 to i32
      %parallel_loop3A_923 = arith.constant 0 : i32
      %parallel_loop3A_924 = arith.cmpi slt, %parallel_loop3A_911, %parallel_loop3A_923 : i32
      %parallel_loop3A_925 = arith.extui %parallel_loop3A_924 : i1 to i32
      %parallel_loop3A_926 = arith.subi %parallel_loop3A_922, %parallel_loop3A_925 : i32
      %parallel_loop3A_927 = arith.cmpi ne, %parallel_loop3A_919, %parallel_loop3A_926 : i32
      %parallel_loop3A_928 = arith.remsi %parallel_loop3A_910, %parallel_loop3A_911 : i32
      %parallel_loop3A_929 = arith.constant 0 : i32
      %parallel_loop3A_930 = arith.cmpi ne, %parallel_loop3A_928, %parallel_loop3A_929 : i32
      %parallel_loop3A_931 = arith.andi %parallel_loop3A_927, %parallel_loop3A_930 : i1
      %parallel_loop3A_932 = arith.constant 1 : i32
      %parallel_loop3A_933 = arith.subi %parallel_loop3A_912, %parallel_loop3A_932 : i32
      %parallel_loop3A_934 = arith.select %parallel_loop3A_931, %parallel_loop3A_933, %parallel_loop3A_912 : i32
      %parallel_loop3A_935 = arith.constant 32 : i32
      %parallel_loop3A_936 = arith.constant 0 : i32
      %parallel_loop3A_937 = arith.cmpi eq, %parallel_loop3A_935, %parallel_loop3A_936 : i32
      %parallel_loop3A_938 = arith.constant 1 : i32
      %parallel_loop3A_939 = arith.select %parallel_loop3A_937, %parallel_loop3A_938, %parallel_loop3A_935 : i32
      %parallel_loop3A_940 = arith.remsi %parallel_loop3A_910, %parallel_loop3A_939 : i32
      %parallel_loop3A_941 = arith.constant 0 : i32
      %parallel_loop3A_942 = arith.cmpi ne, %parallel_loop3A_940, %parallel_loop3A_941 : i32
      %parallel_loop3A_943 = arith.constant 0 : i32
      %parallel_loop3A_944 = arith.cmpi slt, %parallel_loop3A_940, %parallel_loop3A_943 : i32
      %parallel_loop3A_945 = arith.constant 0 : i32
      %parallel_loop3A_946 = arith.cmpi slt, %parallel_loop3A_939, %parallel_loop3A_945 : i32
      %parallel_loop3A_947 = arith.xori %parallel_loop3A_944, %parallel_loop3A_946 : i1
      %parallel_loop3A_948 = arith.andi %parallel_loop3A_947, %parallel_loop3A_942 : i1
      %parallel_loop3A_949 = arith.addi %parallel_loop3A_940, %parallel_loop3A_939 : i32
      %parallel_loop3A_950 = arith.select %parallel_loop3A_948, %parallel_loop3A_949, %parallel_loop3A_940 : i32
      %parallel_loop3A_951 = arith.constant 16 : i32
      %parallel_loop3A_952 = arith.muli %parallel_loop3A_950, %parallel_loop3A_951 : i32
      %parallel_loop3A_953 = arith.constant 1 : i32
      %parallel_loop3A_954 = arith.index_cast %parallel_loop3A_953 : i32 to index
      %parallel_loop3A_955 = arith.index_cast %parallel_loop3A_934 : i32 to index
      %parallel_loop3A_956 = arith.index_cast %parallel_loop3A_952 : i32 to index
      %parallel_loop3A_957 = tpu.vector_load %arg6[%parallel_loop3A_954, %parallel_loop3A_955, %parallel_loop3A_956] {strides = array<i32>} : memref<2x32x1024xf32, #tpu.memory_space<vmem>>, vector<16xf32>,
      %parallel_loop3A_958 = arith.constant 512 : i32
      %parallel_loop3A_959 = arith.addi %parallel_loop3A_952, %parallel_loop3A_958 : i32
      %parallel_loop3A_960 = arith.constant 1 : i32
      %parallel_loop3A_961 = arith.index_cast %parallel_loop3A_960 : i32 to index
      %parallel_loop3A_962 = arith.index_cast %parallel_loop3A_934 : i32 to index
      %parallel_loop3A_963 = arith.index_cast %parallel_loop3A_959 : i32 to index
      %parallel_loop3A_964 = tpu.vector_load %arg6[%parallel_loop3A_961, %parallel_loop3A_962, %parallel_loop3A_963] {strides = array<i32>} : memref<2x32x1024xf32, #tpu.memory_space<vmem>>, vector<16xf32>,
      %parallel_loop3A_965 = tpu.pack_subelements %parallel_loop3A_957, %parallel_loop3A_964 {pack_format = #tpu.pack_format<interleaved>, positions = array<i32: 0, 1>} : vector<16xf32>, vector<16xf32> -> vector<32xbf16>
      %parallel_loop3A_966 = vector.bitcast %parallel_loop3A_965 : vector<32xbf16> to vector<16xi32>
      %parallel_loop3A_967 = arith.constant 1 : i32
      %parallel_loop3A_968 = arith.index_cast %parallel_loop3A_967 : i32 to index
      %parallel_loop3A_969 = arith.index_cast %parallel_loop3A_934 : i32 to index
      %parallel_loop3A_970 = arith.index_cast %parallel_loop3A_952 : i32 to index
      %parallel_loop3A_971 = tpu.vector_load %arg7[%parallel_loop3A_968, %parallel_loop3A_969, %parallel_loop3A_970] {strides = array<i32>} : memref<2x32x512xi32, #tpu.memory_space<vmem>>, vector<16xi32>,
      tpu.vector_store %arg7[%parallel_loop3A_968, %parallel_loop3A_969, %parallel_loop3A_970], %parallel_loop3A_966 {strides = array<i32>} : memref<2x32x512xi32, #tpu.memory_space<vmem>>, vector<16xi32>,
    } {sc.loop_unroll_factor = 8 : i64, sc.parallel_access}
    %dma_start3A_549 = arith.constant 1 : i32
    %dma_start3A_550 = arith.constant 9 : i32
    %dma_start3A_551 = arith.constant 0 : i32
    %dma_start3A_552 = arith.constant 0 : i32
    %dma_start3A_553 = tpu.memref_slice %arg7[%dma_start3A_549, %dma_start3A_551, %dma_start3A_552] : memref<2x32x512xi32, #tpu.memory_space<vmem>> -> memref<1x32x512xi32, #tpu.memory_space<vmem>>
    %dma_start3A_554 = tpu.memref_squeeze %dma_start3A_553 : memref<1x32x512xi32, #tpu.memory_space<vmem>> -> memref<32x512xi32, #tpu.memory_space<vmem>>
    %dma_start3A_555 = arith.constant 0 : i32
    %dma_start3A_556 = tpu.memref_slice %arg5[%dma_start3A_550, %dma_start3A_555] : memref<16x32xi32, #tpu.memory_space<vmem>> -> memref<1x32xi32, #tpu.memory_space<vmem>>
    %dma_start3A_557 = tpu.memref_squeeze %dma_start3A_556 : memref<1x32xi32, #tpu.memory_space<vmem>> -> memref<32xi32, #tpu.memory_space<vmem>>
    %dma_start3A_558 = arith.constant 0 : i32
    %dma_start3A_559 = arith.constant 0 : i32
    %dma_start3A_560 = tpu.memref_slice %arg4[%dma_start3A_558, %dma_start3A_559] : memref<23552x512xi32, #tpu.memory_space<hbm>> -> memref<23552x512xi32, #tpu.memory_space<hbm>>
    tpu.enqueue_indirect_dma source(%dma_start3A_554 : memref<32x512xi32, #tpu.memory_space<vmem>>) target(%dma_start3A_560 : memref<23552x512xi32, #tpu.memory_space<hbm>>) offsets(%dma_start3A_557 : memref<32xi32, #tpu.memory_space<vmem>>) semaphore(%arg11 : memref<!tpu.dma_semaphore, #tpu.memory_space<semaphore_mem>>)
    %dma_wait3A_561 = arith.constant 0 : i32
    %dma_wait3A_562 = arith.constant 0 : i32
    %dma_wait3A_563 = arith.constant 0 : i32
    %dma_wait3A_564 = tpu.memref_slice %arg6[%dma_wait3A_561, %dma_wait3A_562, %dma_wait3A_563] : memref<2x32x1024xf32, #tpu.memory_space<vmem>> -> memref<1x32x1024xf32, #tpu.memory_space<vmem>>
    %dma_wait3A_565 = tpu.memref_squeeze %dma_wait3A_564 : memref<1x32x1024xf32, #tpu.memory_space<vmem>> -> memref<32x1024xf32, #tpu.memory_space<vmem>>
    %dma_wait3A_566 = arith.constant 0 : i32
    %dma_wait3A_567 = tpu.memref_slice %arg2[%add3A_520, %dma_wait3A_566] : memref<16384x1024xf32, #tpu.memory_space<hbm>> -> memref<32x1024xf32, #tpu.memory_space<hbm>>
    %dma_wait3A_568 = arith.constant 0 : i32
    %dma_wait3A_569 = arith.constant 0 : i32
    %dma_wait3A_570 = tpu.memref_slice %arg6[%dma_wait3A_561, %dma_wait3A_568, %dma_wait3A_569] : memref<2x32x1024xf32, #tpu.memory_space<vmem>> -> memref<1x32x1024xf32, #tpu.memory_space<vmem>>
    %dma_wait3A_571 = tpu.memref_squeeze %dma_wait3A_570 : memref<1x32x1024xf32, #tpu.memory_space<vmem>> -> memref<32x1024xf32, #tpu.memory_space<vmem>>
    %dma_wait3A_572 = arith.constant 0 : i32
    %dma_wait3A_573 = tpu.memref_slice %arg2[%add3A_520, %dma_wait3A_572] : memref<16384x1024xf32, #tpu.memory_space<hbm>> -> memref<32x1024xf32, #tpu.memory_space<hbm>>
    tpu.wait_dma2 semaphore(%arg8 : memref<!tpu.dma_semaphore, #tpu.memory_space<semaphore_mem>>) src(%dma_wait3A_573 : memref<32x1024xf32, #tpu.memory_space<hbm>>) dst(%dma_wait3A_571 : memref<32x1024xf32, #tpu.memory_space<vmem>>)
    %mul3A_574 = arith.constant 512 : i32
    %mul3A_575 = arith.muli %add3A, %mul3A_574 : i32
    %add3A_576 = arith.constant 352 : i32
    %add3A_577 = arith.addi %mul3A_575, %add3A_576 : i32
    %dma_start3A_578 = arith.constant 1 : i32
    %dma_start3A_579 = arith.constant 0 : i32
    %dma_start3A_580 = arith.constant 0 : i32
    %dma_start3A_581 = tpu.memref_slice %arg6[%dma_start3A_578, %dma_start3A_579, %dma_start3A_580] : memref<2x32x1024xf32, #tpu.memory_space<vmem>> -> memref<1x32x1024xf32, #tpu.memory_space<vmem>>
    %dma_start3A_582 = tpu.memref_squeeze %dma_start3A_581 : memref<1x32x1024xf32, #tpu.memory_space<vmem>> -> memref<32x1024xf32, #tpu.memory_space<vmem>>
    %dma_start3A_583 = arith.constant 0 : i32
    %dma_start3A_584 = tpu.memref_slice %arg2[%add3A_577, %dma_start3A_583] : memref<16384x1024xf32, #tpu.memory_space<hbm>> -> memref<32x1024xf32, #tpu.memory_space<hbm>>
    %dma_start3A_585 = arith.constant 0 : i32
    %dma_start3A_586 = arith.constant 0 : i32
    %dma_start3A_587 = tpu.memref_slice %arg6[%dma_start3A_578, %dma_start3A_585, %dma_start3A_586] : memref<2x32x1024xf32, #tpu.memory_space<vmem>> -> memref<1x32x1024xf32, #tpu.memory_space<vmem>>
    %dma_start3A_588 = tpu.memref_squeeze %dma_start3A_587 : memref<1x32x1024xf32, #tpu.memory_space<vmem>> -> memref<32x1024xf32, #tpu.memory_space<vmem>>
    %dma_start3A_589 = arith.constant 0 : i32
    %dma_start3A_590 = tpu.memref_slice %arg2[%add3A_577, %dma_start3A_589] : memref<16384x1024xf32, #tpu.memory_space<hbm>> -> memref<32x1024xf32, #tpu.memory_space<hbm>>
    tpu.enqueue_dma source(%dma_start3A_590 : memref<32x1024xf32, #tpu.memory_space<hbm>>) target(%dma_start3A_588 : memref<32x1024xf32, #tpu.memory_space<vmem>>) target_semaphore(%arg9 : memref<!tpu.dma_semaphore, #tpu.memory_space<semaphore_mem>>)
    %dma_wait3A_591 = arith.constant 0 : i32
    %dma_wait3A_592 = arith.constant 8 : i32
    %dma_wait3A_593 = arith.constant 0 : i32
    %dma_wait3A_594 = arith.constant 0 : i32
    %dma_wait3A_595 = tpu.memref_slice %arg7[%dma_wait3A_591, %dma_wait3A_593, %dma_wait3A_594] : memref<2x32x512xi32, #tpu.memory_space<vmem>> -> memref<1x32x512xi32, #tpu.memory_space<vmem>>
    %dma_wait3A_596 = tpu.memref_squeeze %dma_wait3A_595 : memref<1x32x512xi32, #tpu.memory_space<vmem>> -> memref<32x512xi32, #tpu.memory_space<vmem>>
    %dma_wait3A_597 = arith.constant 0 : i32
    %dma_wait3A_598 = tpu.memref_slice %arg5[%dma_wait3A_592, %dma_wait3A_597] : memref<16x32xi32, #tpu.memory_space<vmem>> -> memref<1x32xi32, #tpu.memory_space<vmem>>
    %dma_wait3A_599 = tpu.memref_squeeze %dma_wait3A_598 : memref<1x32xi32, #tpu.memory_space<vmem>> -> memref<32xi32, #tpu.memory_space<vmem>>
    %dma_wait3A_600 = arith.constant 0 : i32
    %dma_wait3A_601 = arith.constant 0 : i32
    %dma_wait3A_602 = tpu.memref_slice %arg4[%dma_wait3A_600, %dma_wait3A_601] : memref<23552x512xi32, #tpu.memory_space<hbm>> -> memref<23552x512xi32, #tpu.memory_space<hbm>>
    tpu.wait_indirect_dma semaphore(%arg10 : memref<!tpu.dma_semaphore, #tpu.memory_space<semaphore_mem>>) src(%dma_wait3A_596 : memref<32x512xi32, #tpu.memory_space<vmem>>) dst(%dma_wait3A_602 : memref<23552x512xi32, #tpu.memory_space<hbm>>)
    %parallel_loop3A_603 = arith.constant 0 : i32
    %parallel_loop3A_604 = arith.constant 1024 : i32
    %parallel_loop3A_605 = arith.constant 1 : i32
    scf.for %parallel_loop3A_910 = %parallel_loop3A_603 to %parallel_loop3A_604 step %parallel_loop3A_605  : i32 {
      %parallel_loop3A_911 = arith.constant 32 : i32
      %parallel_loop3A_912 = arith.divsi %parallel_loop3A_910, %parallel_loop3A_911 : i32
      %parallel_loop3A_913 = arith.constant 0 : i32
      %parallel_loop3A_914 = arith.cmpi sgt, %parallel_loop3A_910, %parallel_loop3A_913 : i32
      %parallel_loop3A_915 = arith.extui %parallel_loop3A_914 : i1 to i32
      %parallel_loop3A_916 = arith.constant 0 : i32
      %parallel_loop3A_917 = arith.cmpi slt, %parallel_loop3A_910, %parallel_loop3A_916 : i32
      %parallel_loop3A_918 = arith.extui %parallel_loop3A_917 : i1 to i32
      %parallel_loop3A_919 = arith.subi %parallel_loop3A_915, %parallel_loop3A_918 : i32
      %parallel_loop3A_920 = arith.constant 0 : i32
      %parallel_loop3A_921 = arith.cmpi sgt, %parallel_loop3A_911, %parallel_loop3A_920 : i32
      %parallel_loop3A_922 = arith.extui %parallel_loop3A_921 : i1 to i32
      %parallel_loop3A_923 = arith.constant 0 : i32
      %parallel_loop3A_924 = arith.cmpi slt, %parallel_loop3A_911, %parallel_loop3A_923 : i32
      %parallel_loop3A_925 = arith.extui %parallel_loop3A_924 : i1 to i32
      %parallel_loop3A_926 = arith.subi %parallel_loop3A_922, %parallel_loop3A_925 : i32
      %parallel_loop3A_927 = arith.cmpi ne, %parallel_loop3A_919, %parallel_loop3A_926 : i32
      %parallel_loop3A_928 = arith.remsi %parallel_loop3A_910, %parallel_loop3A_911 : i32
      %parallel_loop3A_929 = arith.constant 0 : i32
      %parallel_loop3A_930 = arith.cmpi ne, %parallel_loop3A_928, %parallel_loop3A_929 : i32
      %parallel_loop3A_931 = arith.andi %parallel_loop3A_927, %parallel_loop3A_930 : i1
      %parallel_loop3A_932 = arith.constant 1 : i32
      %parallel_loop3A_933 = arith.subi %parallel_loop3A_912, %parallel_loop3A_932 : i32
      %parallel_loop3A_934 = arith.select %parallel_loop3A_931, %parallel_loop3A_933, %parallel_loop3A_912 : i32
      %parallel_loop3A_935 = arith.constant 32 : i32
      %parallel_loop3A_936 = arith.constant 0 : i32
      %parallel_loop3A_937 = arith.cmpi eq, %parallel_loop3A_935, %parallel_loop3A_936 : i32
      %parallel_loop3A_938 = arith.constant 1 : i32
      %parallel_loop3A_939 = arith.select %parallel_loop3A_937, %parallel_loop3A_938, %parallel_loop3A_935 : i32
      %parallel_loop3A_940 = arith.remsi %parallel_loop3A_910, %parallel_loop3A_939 : i32
      %parallel_loop3A_941 = arith.constant 0 : i32
      %parallel_loop3A_942 = arith.cmpi ne, %parallel_loop3A_940, %parallel_loop3A_941 : i32
      %parallel_loop3A_943 = arith.constant 0 : i32
      %parallel_loop3A_944 = arith.cmpi slt, %parallel_loop3A_940, %parallel_loop3A_943 : i32
      %parallel_loop3A_945 = arith.constant 0 : i32
      %parallel_loop3A_946 = arith.cmpi slt, %parallel_loop3A_939, %parallel_loop3A_945 : i32
      %parallel_loop3A_947 = arith.xori %parallel_loop3A_944, %parallel_loop3A_946 : i1
      %parallel_loop3A_948 = arith.andi %parallel_loop3A_947, %parallel_loop3A_942 : i1
      %parallel_loop3A_949 = arith.addi %parallel_loop3A_940, %parallel_loop3A_939 : i32
      %parallel_loop3A_950 = arith.select %parallel_loop3A_948, %parallel_loop3A_949, %parallel_loop3A_940 : i32
      %parallel_loop3A_951 = arith.constant 16 : i32
      %parallel_loop3A_952 = arith.muli %parallel_loop3A_950, %parallel_loop3A_951 : i32
      %parallel_loop3A_953 = arith.constant 0 : i32
      %parallel_loop3A_954 = arith.index_cast %parallel_loop3A_953 : i32 to index
      %parallel_loop3A_955 = arith.index_cast %parallel_loop3A_934 : i32 to index
      %parallel_loop3A_956 = arith.index_cast %parallel_loop3A_952 : i32 to index
      %parallel_loop3A_957 = tpu.vector_load %arg6[%parallel_loop3A_954, %parallel_loop3A_955, %parallel_loop3A_956] {strides = array<i32>} : memref<2x32x1024xf32, #tpu.memory_space<vmem>>, vector<16xf32>,
      %parallel_loop3A_958 = arith.constant 512 : i32
      %parallel_loop3A_959 = arith.addi %parallel_loop3A_952, %parallel_loop3A_958 : i32
      %parallel_loop3A_960 = arith.constant 0 : i32
      %parallel_loop3A_961 = arith.index_cast %parallel_loop3A_960 : i32 to index
      %parallel_loop3A_962 = arith.index_cast %parallel_loop3A_934 : i32 to index
      %parallel_loop3A_963 = arith.index_cast %parallel_loop3A_959 : i32 to index
      %parallel_loop3A_964 = tpu.vector_load %arg6[%parallel_loop3A_961, %parallel_loop3A_962, %parallel_loop3A_963] {strides = array<i32>} : memref<2x32x1024xf32, #tpu.memory_space<vmem>>, vector<16xf32>,
      %parallel_loop3A_965 = tpu.pack_subelements %parallel_loop3A_957, %parallel_loop3A_964 {pack_format = #tpu.pack_format<interleaved>, positions = array<i32: 0, 1>} : vector<16xf32>, vector<16xf32> -> vector<32xbf16>
      %parallel_loop3A_966 = vector.bitcast %parallel_loop3A_965 : vector<32xbf16> to vector<16xi32>
      %parallel_loop3A_967 = arith.constant 0 : i32
      %parallel_loop3A_968 = arith.index_cast %parallel_loop3A_967 : i32 to index
      %parallel_loop3A_969 = arith.index_cast %parallel_loop3A_934 : i32 to index
      %parallel_loop3A_970 = arith.index_cast %parallel_loop3A_952 : i32 to index
      %parallel_loop3A_971 = tpu.vector_load %arg7[%parallel_loop3A_968, %parallel_loop3A_969, %parallel_loop3A_970] {strides = array<i32>} : memref<2x32x512xi32, #tpu.memory_space<vmem>>, vector<16xi32>,
      tpu.vector_store %arg7[%parallel_loop3A_968, %parallel_loop3A_969, %parallel_loop3A_970], %parallel_loop3A_966 {strides = array<i32>} : memref<2x32x512xi32, #tpu.memory_space<vmem>>, vector<16xi32>,
    } {sc.loop_unroll_factor = 8 : i64, sc.parallel_access}
    %dma_start3A_606 = arith.constant 0 : i32
    %dma_start3A_607 = arith.constant 10 : i32
    %dma_start3A_608 = arith.constant 0 : i32
    %dma_start3A_609 = arith.constant 0 : i32
    %dma_start3A_610 = tpu.memref_slice %arg7[%dma_start3A_606, %dma_start3A_608, %dma_start3A_609] : memref<2x32x512xi32, #tpu.memory_space<vmem>> -> memref<1x32x512xi32, #tpu.memory_space<vmem>>
    %dma_start3A_611 = tpu.memref_squeeze %dma_start3A_610 : memref<1x32x512xi32, #tpu.memory_space<vmem>> -> memref<32x512xi32, #tpu.memory_space<vmem>>
    %dma_start3A_612 = arith.constant 0 : i32
    %dma_start3A_613 = tpu.memref_slice %arg5[%dma_start3A_607, %dma_start3A_612] : memref<16x32xi32, #tpu.memory_space<vmem>> -> memref<1x32xi32, #tpu.memory_space<vmem>>
    %dma_start3A_614 = tpu.memref_squeeze %dma_start3A_613 : memref<1x32xi32, #tpu.memory_space<vmem>> -> memref<32xi32, #tpu.memory_space<vmem>>
    %dma_start3A_615 = arith.constant 0 : i32
    %dma_start3A_616 = arith.constant 0 : i32
    %dma_start3A_617 = tpu.memref_slice %arg4[%dma_start3A_615, %dma_start3A_616] : memref<23552x512xi32, #tpu.memory_space<hbm>> -> memref<23552x512xi32, #tpu.memory_space<hbm>>
    tpu.enqueue_indirect_dma source(%dma_start3A_611 : memref<32x512xi32, #tpu.memory_space<vmem>>) target(%dma_start3A_617 : memref<23552x512xi32, #tpu.memory_space<hbm>>) offsets(%dma_start3A_614 : memref<32xi32, #tpu.memory_space<vmem>>) semaphore(%arg10 : memref<!tpu.dma_semaphore, #tpu.memory_space<semaphore_mem>>)
    %dma_wait3A_618 = arith.constant 1 : i32
    %dma_wait3A_619 = arith.constant 0 : i32
    %dma_wait3A_620 = arith.constant 0 : i32
    %dma_wait3A_621 = tpu.memref_slice %arg6[%dma_wait3A_618, %dma_wait3A_619, %dma_wait3A_620] : memref<2x32x1024xf32, #tpu.memory_space<vmem>> -> memref<1x32x1024xf32, #tpu.memory_space<vmem>>
    %dma_wait3A_622 = tpu.memref_squeeze %dma_wait3A_621 : memref<1x32x1024xf32, #tpu.memory_space<vmem>> -> memref<32x1024xf32, #tpu.memory_space<vmem>>
    %dma_wait3A_623 = arith.constant 0 : i32
    %dma_wait3A_624 = tpu.memref_slice %arg2[%add3A_577, %dma_wait3A_623] : memref<16384x1024xf32, #tpu.memory_space<hbm>> -> memref<32x1024xf32, #tpu.memory_space<hbm>>
    %dma_wait3A_625 = arith.constant 0 : i32
    %dma_wait3A_626 = arith.constant 0 : i32
    %dma_wait3A_627 = tpu.memref_slice %arg6[%dma_wait3A_618, %dma_wait3A_625, %dma_wait3A_626] : memref<2x32x1024xf32, #tpu.memory_space<vmem>> -> memref<1x32x1024xf32, #tpu.memory_space<vmem>>
    %dma_wait3A_628 = tpu.memref_squeeze %dma_wait3A_627 : memref<1x32x1024xf32, #tpu.memory_space<vmem>> -> memref<32x1024xf32, #tpu.memory_space<vmem>>
    %dma_wait3A_629 = arith.constant 0 : i32
    %dma_wait3A_630 = tpu.memref_slice %arg2[%add3A_577, %dma_wait3A_629] : memref<16384x1024xf32, #tpu.memory_space<hbm>> -> memref<32x1024xf32, #tpu.memory_space<hbm>>
    tpu.wait_dma2 semaphore(%arg9 : memref<!tpu.dma_semaphore, #tpu.memory_space<semaphore_mem>>) src(%dma_wait3A_630 : memref<32x1024xf32, #tpu.memory_space<hbm>>) dst(%dma_wait3A_628 : memref<32x1024xf32, #tpu.memory_space<vmem>>)
    %mul3A_631 = arith.constant 512 : i32
    %mul3A_632 = arith.muli %add3A, %mul3A_631 : i32
    %add3A_633 = arith.constant 384 : i32
    %add3A_634 = arith.addi %mul3A_632, %add3A_633 : i32
    %dma_start3A_635 = arith.constant 0 : i32
    %dma_start3A_636 = arith.constant 0 : i32
    %dma_start3A_637 = arith.constant 0 : i32
    %dma_start3A_638 = tpu.memref_slice %arg6[%dma_start3A_635, %dma_start3A_636, %dma_start3A_637] : memref<2x32x1024xf32, #tpu.memory_space<vmem>> -> memref<1x32x1024xf32, #tpu.memory_space<vmem>>
    %dma_start3A_639 = tpu.memref_squeeze %dma_start3A_638 : memref<1x32x1024xf32, #tpu.memory_space<vmem>> -> memref<32x1024xf32, #tpu.memory_space<vmem>>
    %dma_start3A_640 = arith.constant 0 : i32
    %dma_start3A_641 = tpu.memref_slice %arg2[%add3A_634, %dma_start3A_640] : memref<16384x1024xf32, #tpu.memory_space<hbm>> -> memref<32x1024xf32, #tpu.memory_space<hbm>>
    %dma_start3A_642 = arith.constant 0 : i32
    %dma_start3A_643 = arith.constant 0 : i32
    %dma_start3A_644 = tpu.memref_slice %arg6[%dma_start3A_635, %dma_start3A_642, %dma_start3A_643] : memref<2x32x1024xf32, #tpu.memory_space<vmem>> -> memref<1x32x1024xf32, #tpu.memory_space<vmem>>
    %dma_start3A_645 = tpu.memref_squeeze %dma_start3A_644 : memref<1x32x1024xf32, #tpu.memory_space<vmem>> -> memref<32x1024xf32, #tpu.memory_space<vmem>>
    %dma_start3A_646 = arith.constant 0 : i32
    %dma_start3A_647 = tpu.memref_slice %arg2[%add3A_634, %dma_start3A_646] : memref<16384x1024xf32, #tpu.memory_space<hbm>> -> memref<32x1024xf32, #tpu.memory_space<hbm>>
    tpu.enqueue_dma source(%dma_start3A_647 : memref<32x1024xf32, #tpu.memory_space<hbm>>) target(%dma_start3A_645 : memref<32x1024xf32, #tpu.memory_space<vmem>>) target_semaphore(%arg8 : memref<!tpu.dma_semaphore, #tpu.memory_space<semaphore_mem>>)
    %dma_wait3A_648 = arith.constant 1 : i32
    %dma_wait3A_649 = arith.constant 9 : i32
    %dma_wait3A_650 = arith.constant 0 : i32
    %dma_wait3A_651 = arith.constant 0 : i32
    %dma_wait3A_652 = tpu.memref_slice %arg7[%dma_wait3A_648, %dma_wait3A_650, %dma_wait3A_651] : memref<2x32x512xi32, #tpu.memory_space<vmem>> -> memref<1x32x512xi32, #tpu.memory_space<vmem>>
    %dma_wait3A_653 = tpu.memref_squeeze %dma_wait3A_652 : memref<1x32x512xi32, #tpu.memory_space<vmem>> -> memref<32x512xi32, #tpu.memory_space<vmem>>
    %dma_wait3A_654 = arith.constant 0 : i32
    %dma_wait3A_655 = tpu.memref_slice %arg5[%dma_wait3A_649, %dma_wait3A_654] : memref<16x32xi32, #tpu.memory_space<vmem>> -> memref<1x32xi32, #tpu.memory_space<vmem>>
    %dma_wait3A_656 = tpu.memref_squeeze %dma_wait3A_655 : memref<1x32xi32, #tpu.memory_space<vmem>> -> memref<32xi32, #tpu.memory_space<vmem>>
    %dma_wait3A_657 = arith.constant 0 : i32
    %dma_wait3A_658 = arith.constant 0 : i32
    %dma_wait3A_659 = tpu.memref_slice %arg4[%dma_wait3A_657, %dma_wait3A_658] : memref<23552x512xi32, #tpu.memory_space<hbm>> -> memref<23552x512xi32, #tpu.memory_space<hbm>>
    tpu.wait_indirect_dma semaphore(%arg11 : memref<!tpu.dma_semaphore, #tpu.memory_space<semaphore_mem>>) src(%dma_wait3A_653 : memref<32x512xi32, #tpu.memory_space<vmem>>) dst(%dma_wait3A_659 : memref<23552x512xi32, #tpu.memory_space<hbm>>)
    %parallel_loop3A_660 = arith.constant 0 : i32
    %parallel_loop3A_661 = arith.constant 1024 : i32
    %parallel_loop3A_662 = arith.constant 1 : i32
    scf.for %parallel_loop3A_910 = %parallel_loop3A_660 to %parallel_loop3A_661 step %parallel_loop3A_662  : i32 {
      %parallel_loop3A_911 = arith.constant 32 : i32
      %parallel_loop3A_912 = arith.divsi %parallel_loop3A_910, %parallel_loop3A_911 : i32
      %parallel_loop3A_913 = arith.constant 0 : i32
      %parallel_loop3A_914 = arith.cmpi sgt, %parallel_loop3A_910, %parallel_loop3A_913 : i32
      %parallel_loop3A_915 = arith.extui %parallel_loop3A_914 : i1 to i32
      %parallel_loop3A_916 = arith.constant 0 : i32
      %parallel_loop3A_917 = arith.cmpi slt, %parallel_loop3A_910, %parallel_loop3A_916 : i32
      %parallel_loop3A_918 = arith.extui %parallel_loop3A_917 : i1 to i32
      %parallel_loop3A_919 = arith.subi %parallel_loop3A_915, %parallel_loop3A_918 : i32
      %parallel_loop3A_920 = arith.constant 0 : i32
      %parallel_loop3A_921 = arith.cmpi sgt, %parallel_loop3A_911, %parallel_loop3A_920 : i32
      %parallel_loop3A_922 = arith.extui %parallel_loop3A_921 : i1 to i32
      %parallel_loop3A_923 = arith.constant 0 : i32
      %parallel_loop3A_924 = arith.cmpi slt, %parallel_loop3A_911, %parallel_loop3A_923 : i32
      %parallel_loop3A_925 = arith.extui %parallel_loop3A_924 : i1 to i32
      %parallel_loop3A_926 = arith.subi %parallel_loop3A_922, %parallel_loop3A_925 : i32
      %parallel_loop3A_927 = arith.cmpi ne, %parallel_loop3A_919, %parallel_loop3A_926 : i32
      %parallel_loop3A_928 = arith.remsi %parallel_loop3A_910, %parallel_loop3A_911 : i32
      %parallel_loop3A_929 = arith.constant 0 : i32
      %parallel_loop3A_930 = arith.cmpi ne, %parallel_loop3A_928, %parallel_loop3A_929 : i32
      %parallel_loop3A_931 = arith.andi %parallel_loop3A_927, %parallel_loop3A_930 : i1
      %parallel_loop3A_932 = arith.constant 1 : i32
      %parallel_loop3A_933 = arith.subi %parallel_loop3A_912, %parallel_loop3A_932 : i32
      %parallel_loop3A_934 = arith.select %parallel_loop3A_931, %parallel_loop3A_933, %parallel_loop3A_912 : i32
      %parallel_loop3A_935 = arith.constant 32 : i32
      %parallel_loop3A_936 = arith.constant 0 : i32
      %parallel_loop3A_937 = arith.cmpi eq, %parallel_loop3A_935, %parallel_loop3A_936 : i32
      %parallel_loop3A_938 = arith.constant 1 : i32
      %parallel_loop3A_939 = arith.select %parallel_loop3A_937, %parallel_loop3A_938, %parallel_loop3A_935 : i32
      %parallel_loop3A_940 = arith.remsi %parallel_loop3A_910, %parallel_loop3A_939 : i32
      %parallel_loop3A_941 = arith.constant 0 : i32
      %parallel_loop3A_942 = arith.cmpi ne, %parallel_loop3A_940, %parallel_loop3A_941 : i32
      %parallel_loop3A_943 = arith.constant 0 : i32
      %parallel_loop3A_944 = arith.cmpi slt, %parallel_loop3A_940, %parallel_loop3A_943 : i32
      %parallel_loop3A_945 = arith.constant 0 : i32
      %parallel_loop3A_946 = arith.cmpi slt, %parallel_loop3A_939, %parallel_loop3A_945 : i32
      %parallel_loop3A_947 = arith.xori %parallel_loop3A_944, %parallel_loop3A_946 : i1
      %parallel_loop3A_948 = arith.andi %parallel_loop3A_947, %parallel_loop3A_942 : i1
      %parallel_loop3A_949 = arith.addi %parallel_loop3A_940, %parallel_loop3A_939 : i32
      %parallel_loop3A_950 = arith.select %parallel_loop3A_948, %parallel_loop3A_949, %parallel_loop3A_940 : i32
      %parallel_loop3A_951 = arith.constant 16 : i32
      %parallel_loop3A_952 = arith.muli %parallel_loop3A_950, %parallel_loop3A_951 : i32
      %parallel_loop3A_953 = arith.constant 1 : i32
      %parallel_loop3A_954 = arith.index_cast %parallel_loop3A_953 : i32 to index
      %parallel_loop3A_955 = arith.index_cast %parallel_loop3A_934 : i32 to index
      %parallel_loop3A_956 = arith.index_cast %parallel_loop3A_952 : i32 to index
      %parallel_loop3A_957 = tpu.vector_load %arg6[%parallel_loop3A_954, %parallel_loop3A_955, %parallel_loop3A_956] {strides = array<i32>} : memref<2x32x1024xf32, #tpu.memory_space<vmem>>, vector<16xf32>,
      %parallel_loop3A_958 = arith.constant 512 : i32
      %parallel_loop3A_959 = arith.addi %parallel_loop3A_952, %parallel_loop3A_958 : i32
      %parallel_loop3A_960 = arith.constant 1 : i32
      %parallel_loop3A_961 = arith.index_cast %parallel_loop3A_960 : i32 to index
      %parallel_loop3A_962 = arith.index_cast %parallel_loop3A_934 : i32 to index
      %parallel_loop3A_963 = arith.index_cast %parallel_loop3A_959 : i32 to index
      %parallel_loop3A_964 = tpu.vector_load %arg6[%parallel_loop3A_961, %parallel_loop3A_962, %parallel_loop3A_963] {strides = array<i32>} : memref<2x32x1024xf32, #tpu.memory_space<vmem>>, vector<16xf32>,
      %parallel_loop3A_965 = tpu.pack_subelements %parallel_loop3A_957, %parallel_loop3A_964 {pack_format = #tpu.pack_format<interleaved>, positions = array<i32: 0, 1>} : vector<16xf32>, vector<16xf32> -> vector<32xbf16>
      %parallel_loop3A_966 = vector.bitcast %parallel_loop3A_965 : vector<32xbf16> to vector<16xi32>
      %parallel_loop3A_967 = arith.constant 1 : i32
      %parallel_loop3A_968 = arith.index_cast %parallel_loop3A_967 : i32 to index
      %parallel_loop3A_969 = arith.index_cast %parallel_loop3A_934 : i32 to index
      %parallel_loop3A_970 = arith.index_cast %parallel_loop3A_952 : i32 to index
      %parallel_loop3A_971 = tpu.vector_load %arg7[%parallel_loop3A_968, %parallel_loop3A_969, %parallel_loop3A_970] {strides = array<i32>} : memref<2x32x512xi32, #tpu.memory_space<vmem>>, vector<16xi32>,
      tpu.vector_store %arg7[%parallel_loop3A_968, %parallel_loop3A_969, %parallel_loop3A_970], %parallel_loop3A_966 {strides = array<i32>} : memref<2x32x512xi32, #tpu.memory_space<vmem>>, vector<16xi32>,
    } {sc.loop_unroll_factor = 8 : i64, sc.parallel_access}
    %dma_start3A_663 = arith.constant 1 : i32
    %dma_start3A_664 = arith.constant 11 : i32
    %dma_start3A_665 = arith.constant 0 : i32
    %dma_start3A_666 = arith.constant 0 : i32
    %dma_start3A_667 = tpu.memref_slice %arg7[%dma_start3A_663, %dma_start3A_665, %dma_start3A_666] : memref<2x32x512xi32, #tpu.memory_space<vmem>> -> memref<1x32x512xi32, #tpu.memory_space<vmem>>
    %dma_start3A_668 = tpu.memref_squeeze %dma_start3A_667 : memref<1x32x512xi32, #tpu.memory_space<vmem>> -> memref<32x512xi32, #tpu.memory_space<vmem>>
    %dma_start3A_669 = arith.constant 0 : i32
    %dma_start3A_670 = tpu.memref_slice %arg5[%dma_start3A_664, %dma_start3A_669] : memref<16x32xi32, #tpu.memory_space<vmem>> -> memref<1x32xi32, #tpu.memory_space<vmem>>
    %dma_start3A_671 = tpu.memref_squeeze %dma_start3A_670 : memref<1x32xi32, #tpu.memory_space<vmem>> -> memref<32xi32, #tpu.memory_space<vmem>>
    %dma_start3A_672 = arith.constant 0 : i32
    %dma_start3A_673 = arith.constant 0 : i32
    %dma_start3A_674 = tpu.memref_slice %arg4[%dma_start3A_672, %dma_start3A_673] : memref<23552x512xi32, #tpu.memory_space<hbm>> -> memref<23552x512xi32, #tpu.memory_space<hbm>>
    tpu.enqueue_indirect_dma source(%dma_start3A_668 : memref<32x512xi32, #tpu.memory_space<vmem>>) target(%dma_start3A_674 : memref<23552x512xi32, #tpu.memory_space<hbm>>) offsets(%dma_start3A_671 : memref<32xi32, #tpu.memory_space<vmem>>) semaphore(%arg11 : memref<!tpu.dma_semaphore, #tpu.memory_space<semaphore_mem>>)
    %dma_wait3A_675 = arith.constant 0 : i32
    %dma_wait3A_676 = arith.constant 0 : i32
    %dma_wait3A_677 = arith.constant 0 : i32
    %dma_wait3A_678 = tpu.memref_slice %arg6[%dma_wait3A_675, %dma_wait3A_676, %dma_wait3A_677] : memref<2x32x1024xf32, #tpu.memory_space<vmem>> -> memref<1x32x1024xf32, #tpu.memory_space<vmem>>
    %dma_wait3A_679 = tpu.memref_squeeze %dma_wait3A_678 : memref<1x32x1024xf32, #tpu.memory_space<vmem>> -> memref<32x1024xf32, #tpu.memory_space<vmem>>
    %dma_wait3A_680 = arith.constant 0 : i32
    %dma_wait3A_681 = tpu.memref_slice %arg2[%add3A_634, %dma_wait3A_680] : memref<16384x1024xf32, #tpu.memory_space<hbm>> -> memref<32x1024xf32, #tpu.memory_space<hbm>>
    %dma_wait3A_682 = arith.constant 0 : i32
    %dma_wait3A_683 = arith.constant 0 : i32
    %dma_wait3A_684 = tpu.memref_slice %arg6[%dma_wait3A_675, %dma_wait3A_682, %dma_wait3A_683] : memref<2x32x1024xf32, #tpu.memory_space<vmem>> -> memref<1x32x1024xf32, #tpu.memory_space<vmem>>
    %dma_wait3A_685 = tpu.memref_squeeze %dma_wait3A_684 : memref<1x32x1024xf32, #tpu.memory_space<vmem>> -> memref<32x1024xf32, #tpu.memory_space<vmem>>
    %dma_wait3A_686 = arith.constant 0 : i32
    %dma_wait3A_687 = tpu.memref_slice %arg2[%add3A_634, %dma_wait3A_686] : memref<16384x1024xf32, #tpu.memory_space<hbm>> -> memref<32x1024xf32, #tpu.memory_space<hbm>>
    tpu.wait_dma2 semaphore(%arg8 : memref<!tpu.dma_semaphore, #tpu.memory_space<semaphore_mem>>) src(%dma_wait3A_687 : memref<32x1024xf32, #tpu.memory_space<hbm>>) dst(%dma_wait3A_685 : memref<32x1024xf32, #tpu.memory_space<vmem>>)
    %mul3A_688 = arith.constant 512 : i32
    %mul3A_689 = arith.muli %add3A, %mul3A_688 : i32
    %add3A_690 = arith.constant 416 : i32
    %add3A_691 = arith.addi %mul3A_689, %add3A_690 : i32
    %dma_start3A_692 = arith.constant 1 : i32
    %dma_start3A_693 = arith.constant 0 : i32
    %dma_start3A_694 = arith.constant 0 : i32
    %dma_start3A_695 = tpu.memref_slice %arg6[%dma_start3A_692, %dma_start3A_693, %dma_start3A_694] : memref<2x32x1024xf32, #tpu.memory_space<vmem>> -> memref<1x32x1024xf32, #tpu.memory_space<vmem>>
    %dma_start3A_696 = tpu.memref_squeeze %dma_start3A_695 : memref<1x32x1024xf32, #tpu.memory_space<vmem>> -> memref<32x1024xf32, #tpu.memory_space<vmem>>
    %dma_start3A_697 = arith.constant 0 : i32
    %dma_start3A_698 = tpu.memref_slice %arg2[%add3A_691, %dma_start3A_697] : memref<16384x1024xf32, #tpu.memory_space<hbm>> -> memref<32x1024xf32, #tpu.memory_space<hbm>>
    %dma_start3A_699 = arith.constant 0 : i32
    %dma_start3A_700 = arith.constant 0 : i32
    %dma_start3A_701 = tpu.memref_slice %arg6[%dma_start3A_692, %dma_start3A_699, %dma_start3A_700] : memref<2x32x1024xf32, #tpu.memory_space<vmem>> -> memref<1x32x1024xf32, #tpu.memory_space<vmem>>
    %dma_start3A_702 = tpu.memref_squeeze %dma_start3A_701 : memref<1x32x1024xf32, #tpu.memory_space<vmem>> -> memref<32x1024xf32, #tpu.memory_space<vmem>>
    %dma_start3A_703 = arith.constant 0 : i32
    %dma_start3A_704 = tpu.memref_slice %arg2[%add3A_691, %dma_start3A_703] : memref<16384x1024xf32, #tpu.memory_space<hbm>> -> memref<32x1024xf32, #tpu.memory_space<hbm>>
    tpu.enqueue_dma source(%dma_start3A_704 : memref<32x1024xf32, #tpu.memory_space<hbm>>) target(%dma_start3A_702 : memref<32x1024xf32, #tpu.memory_space<vmem>>) target_semaphore(%arg9 : memref<!tpu.dma_semaphore, #tpu.memory_space<semaphore_mem>>)
    %dma_wait3A_705 = arith.constant 0 : i32
    %dma_wait3A_706 = arith.constant 10 : i32
    %dma_wait3A_707 = arith.constant 0 : i32
    %dma_wait3A_708 = arith.constant 0 : i32
    %dma_wait3A_709 = tpu.memref_slice %arg7[%dma_wait3A_705, %dma_wait3A_707, %dma_wait3A_708] : memref<2x32x512xi32, #tpu.memory_space<vmem>> -> memref<1x32x512xi32, #tpu.memory_space<vmem>>
    %dma_wait3A_710 = tpu.memref_squeeze %dma_wait3A_709 : memref<1x32x512xi32, #tpu.memory_space<vmem>> -> memref<32x512xi32, #tpu.memory_space<vmem>>
    %dma_wait3A_711 = arith.constant 0 : i32
    %dma_wait3A_712 = tpu.memref_slice %arg5[%dma_wait3A_706, %dma_wait3A_711] : memref<16x32xi32, #tpu.memory_space<vmem>> -> memref<1x32xi32, #tpu.memory_space<vmem>>
    %dma_wait3A_713 = tpu.memref_squeeze %dma_wait3A_712 : memref<1x32xi32, #tpu.memory_space<vmem>> -> memref<32xi32, #tpu.memory_space<vmem>>
    %dma_wait3A_714 = arith.constant 0 : i32
    %dma_wait3A_715 = arith.constant 0 : i32
    %dma_wait3A_716 = tpu.memref_slice %arg4[%dma_wait3A_714, %dma_wait3A_715] : memref<23552x512xi32, #tpu.memory_space<hbm>> -> memref<23552x512xi32, #tpu.memory_space<hbm>>
    tpu.wait_indirect_dma semaphore(%arg10 : memref<!tpu.dma_semaphore, #tpu.memory_space<semaphore_mem>>) src(%dma_wait3A_710 : memref<32x512xi32, #tpu.memory_space<vmem>>) dst(%dma_wait3A_716 : memref<23552x512xi32, #tpu.memory_space<hbm>>)
    %parallel_loop3A_717 = arith.constant 0 : i32
    %parallel_loop3A_718 = arith.constant 1024 : i32
    %parallel_loop3A_719 = arith.constant 1 : i32
    scf.for %parallel_loop3A_910 = %parallel_loop3A_717 to %parallel_loop3A_718 step %parallel_loop3A_719  : i32 {
      %parallel_loop3A_911 = arith.constant 32 : i32
      %parallel_loop3A_912 = arith.divsi %parallel_loop3A_910, %parallel_loop3A_911 : i32
      %parallel_loop3A_913 = arith.constant 0 : i32
      %parallel_loop3A_914 = arith.cmpi sgt, %parallel_loop3A_910, %parallel_loop3A_913 : i32
      %parallel_loop3A_915 = arith.extui %parallel_loop3A_914 : i1 to i32
      %parallel_loop3A_916 = arith.constant 0 : i32
      %parallel_loop3A_917 = arith.cmpi slt, %parallel_loop3A_910, %parallel_loop3A_916 : i32
      %parallel_loop3A_918 = arith.extui %parallel_loop3A_917 : i1 to i32
      %parallel_loop3A_919 = arith.subi %parallel_loop3A_915, %parallel_loop3A_918 : i32
      %parallel_loop3A_920 = arith.constant 0 : i32
      %parallel_loop3A_921 = arith.cmpi sgt, %parallel_loop3A_911, %parallel_loop3A_920 : i32
      %parallel_loop3A_922 = arith.extui %parallel_loop3A_921 : i1 to i32
      %parallel_loop3A_923 = arith.constant 0 : i32
      %parallel_loop3A_924 = arith.cmpi slt, %parallel_loop3A_911, %parallel_loop3A_923 : i32
      %parallel_loop3A_925 = arith.extui %parallel_loop3A_924 : i1 to i32
      %parallel_loop3A_926 = arith.subi %parallel_loop3A_922, %parallel_loop3A_925 : i32
      %parallel_loop3A_927 = arith.cmpi ne, %parallel_loop3A_919, %parallel_loop3A_926 : i32
      %parallel_loop3A_928 = arith.remsi %parallel_loop3A_910, %parallel_loop3A_911 : i32
      %parallel_loop3A_929 = arith.constant 0 : i32
      %parallel_loop3A_930 = arith.cmpi ne, %parallel_loop3A_928, %parallel_loop3A_929 : i32
      %parallel_loop3A_931 = arith.andi %parallel_loop3A_927, %parallel_loop3A_930 : i1
      %parallel_loop3A_932 = arith.constant 1 : i32
      %parallel_loop3A_933 = arith.subi %parallel_loop3A_912, %parallel_loop3A_932 : i32
      %parallel_loop3A_934 = arith.select %parallel_loop3A_931, %parallel_loop3A_933, %parallel_loop3A_912 : i32
      %parallel_loop3A_935 = arith.constant 32 : i32
      %parallel_loop3A_936 = arith.constant 0 : i32
      %parallel_loop3A_937 = arith.cmpi eq, %parallel_loop3A_935, %parallel_loop3A_936 : i32
      %parallel_loop3A_938 = arith.constant 1 : i32
      %parallel_loop3A_939 = arith.select %parallel_loop3A_937, %parallel_loop3A_938, %parallel_loop3A_935 : i32
      %parallel_loop3A_940 = arith.remsi %parallel_loop3A_910, %parallel_loop3A_939 : i32
      %parallel_loop3A_941 = arith.constant 0 : i32
      %parallel_loop3A_942 = arith.cmpi ne, %parallel_loop3A_940, %parallel_loop3A_941 : i32
      %parallel_loop3A_943 = arith.constant 0 : i32
      %parallel_loop3A_944 = arith.cmpi slt, %parallel_loop3A_940, %parallel_loop3A_943 : i32
      %parallel_loop3A_945 = arith.constant 0 : i32
      %parallel_loop3A_946 = arith.cmpi slt, %parallel_loop3A_939, %parallel_loop3A_945 : i32
      %parallel_loop3A_947 = arith.xori %parallel_loop3A_944, %parallel_loop3A_946 : i1
      %parallel_loop3A_948 = arith.andi %parallel_loop3A_947, %parallel_loop3A_942 : i1
      %parallel_loop3A_949 = arith.addi %parallel_loop3A_940, %parallel_loop3A_939 : i32
      %parallel_loop3A_950 = arith.select %parallel_loop3A_948, %parallel_loop3A_949, %parallel_loop3A_940 : i32
      %parallel_loop3A_951 = arith.constant 16 : i32
      %parallel_loop3A_952 = arith.muli %parallel_loop3A_950, %parallel_loop3A_951 : i32
      %parallel_loop3A_953 = arith.constant 0 : i32
      %parallel_loop3A_954 = arith.index_cast %parallel_loop3A_953 : i32 to index
      %parallel_loop3A_955 = arith.index_cast %parallel_loop3A_934 : i32 to index
      %parallel_loop3A_956 = arith.index_cast %parallel_loop3A_952 : i32 to index
      %parallel_loop3A_957 = tpu.vector_load %arg6[%parallel_loop3A_954, %parallel_loop3A_955, %parallel_loop3A_956] {strides = array<i32>} : memref<2x32x1024xf32, #tpu.memory_space<vmem>>, vector<16xf32>,
      %parallel_loop3A_958 = arith.constant 512 : i32
      %parallel_loop3A_959 = arith.addi %parallel_loop3A_952, %parallel_loop3A_958 : i32
      %parallel_loop3A_960 = arith.constant 0 : i32
      %parallel_loop3A_961 = arith.index_cast %parallel_loop3A_960 : i32 to index
      %parallel_loop3A_962 = arith.index_cast %parallel_loop3A_934 : i32 to index
      %parallel_loop3A_963 = arith.index_cast %parallel_loop3A_959 : i32 to index
      %parallel_loop3A_964 = tpu.vector_load %arg6[%parallel_loop3A_961, %parallel_loop3A_962, %parallel_loop3A_963] {strides = array<i32>} : memref<2x32x1024xf32, #tpu.memory_space<vmem>>, vector<16xf32>,
      %parallel_loop3A_965 = tpu.pack_subelements %parallel_loop3A_957, %parallel_loop3A_964 {pack_format = #tpu.pack_format<interleaved>, positions = array<i32: 0, 1>} : vector<16xf32>, vector<16xf32> -> vector<32xbf16>
      %parallel_loop3A_966 = vector.bitcast %parallel_loop3A_965 : vector<32xbf16> to vector<16xi32>
      %parallel_loop3A_967 = arith.constant 0 : i32
      %parallel_loop3A_968 = arith.index_cast %parallel_loop3A_967 : i32 to index
      %parallel_loop3A_969 = arith.index_cast %parallel_loop3A_934 : i32 to index
      %parallel_loop3A_970 = arith.index_cast %parallel_loop3A_952 : i32 to index
      %parallel_loop3A_971 = tpu.vector_load %arg7[%parallel_loop3A_968, %parallel_loop3A_969, %parallel_loop3A_970] {strides = array<i32>} : memref<2x32x512xi32, #tpu.memory_space<vmem>>, vector<16xi32>,
      tpu.vector_store %arg7[%parallel_loop3A_968, %parallel_loop3A_969, %parallel_loop3A_970], %parallel_loop3A_966 {strides = array<i32>} : memref<2x32x512xi32, #tpu.memory_space<vmem>>, vector<16xi32>,
    } {sc.loop_unroll_factor = 8 : i64, sc.parallel_access}
    %dma_start3A_720 = arith.constant 0 : i32
    %dma_start3A_721 = arith.constant 12 : i32
    %dma_start3A_722 = arith.constant 0 : i32
    %dma_start3A_723 = arith.constant 0 : i32
    %dma_start3A_724 = tpu.memref_slice %arg7[%dma_start3A_720, %dma_start3A_722, %dma_start3A_723] : memref<2x32x512xi32, #tpu.memory_space<vmem>> -> memref<1x32x512xi32, #tpu.memory_space<vmem>>
    %dma_start3A_725 = tpu.memref_squeeze %dma_start3A_724 : memref<1x32x512xi32, #tpu.memory_space<vmem>> -> memref<32x512xi32, #tpu.memory_space<vmem>>
    %dma_start3A_726 = arith.constant 0 : i32
    %dma_start3A_727 = tpu.memref_slice %arg5[%dma_start3A_721, %dma_start3A_726] : memref<16x32xi32, #tpu.memory_space<vmem>> -> memref<1x32xi32, #tpu.memory_space<vmem>>
    %dma_start3A_728 = tpu.memref_squeeze %dma_start3A_727 : memref<1x32xi32, #tpu.memory_space<vmem>> -> memref<32xi32, #tpu.memory_space<vmem>>
    %dma_start3A_729 = arith.constant 0 : i32
    %dma_start3A_730 = arith.constant 0 : i32
    %dma_start3A_731 = tpu.memref_slice %arg4[%dma_start3A_729, %dma_start3A_730] : memref<23552x512xi32, #tpu.memory_space<hbm>> -> memref<23552x512xi32, #tpu.memory_space<hbm>>
    tpu.enqueue_indirect_dma source(%dma_start3A_725 : memref<32x512xi32, #tpu.memory_space<vmem>>) target(%dma_start3A_731 : memref<23552x512xi32, #tpu.memory_space<hbm>>) offsets(%dma_start3A_728 : memref<32xi32, #tpu.memory_space<vmem>>) semaphore(%arg10 : memref<!tpu.dma_semaphore, #tpu.memory_space<semaphore_mem>>)
    %dma_wait3A_732 = arith.constant 1 : i32
    %dma_wait3A_733 = arith.constant 0 : i32
    %dma_wait3A_734 = arith.constant 0 : i32
    %dma_wait3A_735 = tpu.memref_slice %arg6[%dma_wait3A_732, %dma_wait3A_733, %dma_wait3A_734] : memref<2x32x1024xf32, #tpu.memory_space<vmem>> -> memref<1x32x1024xf32, #tpu.memory_space<vmem>>
    %dma_wait3A_736 = tpu.memref_squeeze %dma_wait3A_735 : memref<1x32x1024xf32, #tpu.memory_space<vmem>> -> memref<32x1024xf32, #tpu.memory_space<vmem>>
    %dma_wait3A_737 = arith.constant 0 : i32
    %dma_wait3A_738 = tpu.memref_slice %arg2[%add3A_691, %dma_wait3A_737] : memref<16384x1024xf32, #tpu.memory_space<hbm>> -> memref<32x1024xf32, #tpu.memory_space<hbm>>
    %dma_wait3A_739 = arith.constant 0 : i32
    %dma_wait3A_740 = arith.constant 0 : i32
    %dma_wait3A_741 = tpu.memref_slice %arg6[%dma_wait3A_732, %dma_wait3A_739, %dma_wait3A_740] : memref<2x32x1024xf32, #tpu.memory_space<vmem>> -> memref<1x32x1024xf32, #tpu.memory_space<vmem>>
    %dma_wait3A_742 = tpu.memref_squeeze %dma_wait3A_741 : memref<1x32x1024xf32, #tpu.memory_space<vmem>> -> memref<32x1024xf32, #tpu.memory_space<vmem>>
    %dma_wait3A_743 = arith.constant 0 : i32
    %dma_wait3A_744 = tpu.memref_slice %arg2[%add3A_691, %dma_wait3A_743] : memref<16384x1024xf32, #tpu.memory_space<hbm>> -> memref<32x1024xf32, #tpu.memory_space<hbm>>
    tpu.wait_dma2 semaphore(%arg9 : memref<!tpu.dma_semaphore, #tpu.memory_space<semaphore_mem>>) src(%dma_wait3A_744 : memref<32x1024xf32, #tpu.memory_space<hbm>>) dst(%dma_wait3A_742 : memref<32x1024xf32, #tpu.memory_space<vmem>>)
    %mul3A_745 = arith.constant 512 : i32
    %mul3A_746 = arith.muli %add3A, %mul3A_745 : i32
    %add3A_747 = arith.constant 448 : i32
    %add3A_748 = arith.addi %mul3A_746, %add3A_747 : i32
    %dma_start3A_749 = arith.constant 0 : i32
    %dma_start3A_750 = arith.constant 0 : i32
    %dma_start3A_751 = arith.constant 0 : i32
    %dma_start3A_752 = tpu.memref_slice %arg6[%dma_start3A_749, %dma_start3A_750, %dma_start3A_751] : memref<2x32x1024xf32, #tpu.memory_space<vmem>> -> memref<1x32x1024xf32, #tpu.memory_space<vmem>>
    %dma_start3A_753 = tpu.memref_squeeze %dma_start3A_752 : memref<1x32x1024xf32, #tpu.memory_space<vmem>> -> memref<32x1024xf32, #tpu.memory_space<vmem>>
    %dma_start3A_754 = arith.constant 0 : i32
    %dma_start3A_755 = tpu.memref_slice %arg2[%add3A_748, %dma_start3A_754] : memref<16384x1024xf32, #tpu.memory_space<hbm>> -> memref<32x1024xf32, #tpu.memory_space<hbm>>
    %dma_start3A_756 = arith.constant 0 : i32
    %dma_start3A_757 = arith.constant 0 : i32
    %dma_start3A_758 = tpu.memref_slice %arg6[%dma_start3A_749, %dma_start3A_756, %dma_start3A_757] : memref<2x32x1024xf32, #tpu.memory_space<vmem>> -> memref<1x32x1024xf32, #tpu.memory_space<vmem>>
    %dma_start3A_759 = tpu.memref_squeeze %dma_start3A_758 : memref<1x32x1024xf32, #tpu.memory_space<vmem>> -> memref<32x1024xf32, #tpu.memory_space<vmem>>
    %dma_start3A_760 = arith.constant 0 : i32
    %dma_start3A_761 = tpu.memref_slice %arg2[%add3A_748, %dma_start3A_760] : memref<16384x1024xf32, #tpu.memory_space<hbm>> -> memref<32x1024xf32, #tpu.memory_space<hbm>>
    tpu.enqueue_dma source(%dma_start3A_761 : memref<32x1024xf32, #tpu.memory_space<hbm>>) target(%dma_start3A_759 : memref<32x1024xf32, #tpu.memory_space<vmem>>) target_semaphore(%arg8 : memref<!tpu.dma_semaphore, #tpu.memory_space<semaphore_mem>>)
    %dma_wait3A_762 = arith.constant 1 : i32
    %dma_wait3A_763 = arith.constant 11 : i32
    %dma_wait3A_764 = arith.constant 0 : i32
    %dma_wait3A_765 = arith.constant 0 : i32
    %dma_wait3A_766 = tpu.memref_slice %arg7[%dma_wait3A_762, %dma_wait3A_764, %dma_wait3A_765] : memref<2x32x512xi32, #tpu.memory_space<vmem>> -> memref<1x32x512xi32, #tpu.memory_space<vmem>>
    %dma_wait3A_767 = tpu.memref_squeeze %dma_wait3A_766 : memref<1x32x512xi32, #tpu.memory_space<vmem>> -> memref<32x512xi32, #tpu.memory_space<vmem>>
    %dma_wait3A_768 = arith.constant 0 : i32
    %dma_wait3A_769 = tpu.memref_slice %arg5[%dma_wait3A_763, %dma_wait3A_768] : memref<16x32xi32, #tpu.memory_space<vmem>> -> memref<1x32xi32, #tpu.memory_space<vmem>>
    %dma_wait3A_770 = tpu.memref_squeeze %dma_wait3A_769 : memref<1x32xi32, #tpu.memory_space<vmem>> -> memref<32xi32, #tpu.memory_space<vmem>>
    %dma_wait3A_771 = arith.constant 0 : i32
    %dma_wait3A_772 = arith.constant 0 : i32
    %dma_wait3A_773 = tpu.memref_slice %arg4[%dma_wait3A_771, %dma_wait3A_772] : memref<23552x512xi32, #tpu.memory_space<hbm>> -> memref<23552x512xi32, #tpu.memory_space<hbm>>
    tpu.wait_indirect_dma semaphore(%arg11 : memref<!tpu.dma_semaphore, #tpu.memory_space<semaphore_mem>>) src(%dma_wait3A_767 : memref<32x512xi32, #tpu.memory_space<vmem>>) dst(%dma_wait3A_773 : memref<23552x512xi32, #tpu.memory_space<hbm>>)
    %parallel_loop3A_774 = arith.constant 0 : i32
    %parallel_loop3A_775 = arith.constant 1024 : i32
    %parallel_loop3A_776 = arith.constant 1 : i32
    scf.for %parallel_loop3A_910 = %parallel_loop3A_774 to %parallel_loop3A_775 step %parallel_loop3A_776  : i32 {
      %parallel_loop3A_911 = arith.constant 32 : i32
      %parallel_loop3A_912 = arith.divsi %parallel_loop3A_910, %parallel_loop3A_911 : i32
      %parallel_loop3A_913 = arith.constant 0 : i32
      %parallel_loop3A_914 = arith.cmpi sgt, %parallel_loop3A_910, %parallel_loop3A_913 : i32
      %parallel_loop3A_915 = arith.extui %parallel_loop3A_914 : i1 to i32
      %parallel_loop3A_916 = arith.constant 0 : i32
      %parallel_loop3A_917 = arith.cmpi slt, %parallel_loop3A_910, %parallel_loop3A_916 : i32
      %parallel_loop3A_918 = arith.extui %parallel_loop3A_917 : i1 to i32
      %parallel_loop3A_919 = arith.subi %parallel_loop3A_915, %parallel_loop3A_918 : i32
      %parallel_loop3A_920 = arith.constant 0 : i32
      %parallel_loop3A_921 = arith.cmpi sgt, %parallel_loop3A_911, %parallel_loop3A_920 : i32
      %parallel_loop3A_922 = arith.extui %parallel_loop3A_921 : i1 to i32
      %parallel_loop3A_923 = arith.constant 0 : i32
      %parallel_loop3A_924 = arith.cmpi slt, %parallel_loop3A_911, %parallel_loop3A_923 : i32
      %parallel_loop3A_925 = arith.extui %parallel_loop3A_924 : i1 to i32
      %parallel_loop3A_926 = arith.subi %parallel_loop3A_922, %parallel_loop3A_925 : i32
      %parallel_loop3A_927 = arith.cmpi ne, %parallel_loop3A_919, %parallel_loop3A_926 : i32
      %parallel_loop3A_928 = arith.remsi %parallel_loop3A_910, %parallel_loop3A_911 : i32
      %parallel_loop3A_929 = arith.constant 0 : i32
      %parallel_loop3A_930 = arith.cmpi ne, %parallel_loop3A_928, %parallel_loop3A_929 : i32
      %parallel_loop3A_931 = arith.andi %parallel_loop3A_927, %parallel_loop3A_930 : i1
      %parallel_loop3A_932 = arith.constant 1 : i32
      %parallel_loop3A_933 = arith.subi %parallel_loop3A_912, %parallel_loop3A_932 : i32
      %parallel_loop3A_934 = arith.select %parallel_loop3A_931, %parallel_loop3A_933, %parallel_loop3A_912 : i32
      %parallel_loop3A_935 = arith.constant 32 : i32
      %parallel_loop3A_936 = arith.constant 0 : i32
      %parallel_loop3A_937 = arith.cmpi eq, %parallel_loop3A_935, %parallel_loop3A_936 : i32
      %parallel_loop3A_938 = arith.constant 1 : i32
      %parallel_loop3A_939 = arith.select %parallel_loop3A_937, %parallel_loop3A_938, %parallel_loop3A_935 : i32
      %parallel_loop3A_940 = arith.remsi %parallel_loop3A_910, %parallel_loop3A_939 : i32
      %parallel_loop3A_941 = arith.constant 0 : i32
      %parallel_loop3A_942 = arith.cmpi ne, %parallel_loop3A_940, %parallel_loop3A_941 : i32
      %parallel_loop3A_943 = arith.constant 0 : i32
      %parallel_loop3A_944 = arith.cmpi slt, %parallel_loop3A_940, %parallel_loop3A_943 : i32
      %parallel_loop3A_945 = arith.constant 0 : i32
      %parallel_loop3A_946 = arith.cmpi slt, %parallel_loop3A_939, %parallel_loop3A_945 : i32
      %parallel_loop3A_947 = arith.xori %parallel_loop3A_944, %parallel_loop3A_946 : i1
      %parallel_loop3A_948 = arith.andi %parallel_loop3A_947, %parallel_loop3A_942 : i1
      %parallel_loop3A_949 = arith.addi %parallel_loop3A_940, %parallel_loop3A_939 : i32
      %parallel_loop3A_950 = arith.select %parallel_loop3A_948, %parallel_loop3A_949, %parallel_loop3A_940 : i32
      %parallel_loop3A_951 = arith.constant 16 : i32
      %parallel_loop3A_952 = arith.muli %parallel_loop3A_950, %parallel_loop3A_951 : i32
      %parallel_loop3A_953 = arith.constant 1 : i32
      %parallel_loop3A_954 = arith.index_cast %parallel_loop3A_953 : i32 to index
      %parallel_loop3A_955 = arith.index_cast %parallel_loop3A_934 : i32 to index
      %parallel_loop3A_956 = arith.index_cast %parallel_loop3A_952 : i32 to index
      %parallel_loop3A_957 = tpu.vector_load %arg6[%parallel_loop3A_954, %parallel_loop3A_955, %parallel_loop3A_956] {strides = array<i32>} : memref<2x32x1024xf32, #tpu.memory_space<vmem>>, vector<16xf32>,
      %parallel_loop3A_958 = arith.constant 512 : i32
      %parallel_loop3A_959 = arith.addi %parallel_loop3A_952, %parallel_loop3A_958 : i32
      %parallel_loop3A_960 = arith.constant 1 : i32
      %parallel_loop3A_961 = arith.index_cast %parallel_loop3A_960 : i32 to index
      %parallel_loop3A_962 = arith.index_cast %parallel_loop3A_934 : i32 to index
      %parallel_loop3A_963 = arith.index_cast %parallel_loop3A_959 : i32 to index
      %parallel_loop3A_964 = tpu.vector_load %arg6[%parallel_loop3A_961, %parallel_loop3A_962, %parallel_loop3A_963] {strides = array<i32>} : memref<2x32x1024xf32, #tpu.memory_space<vmem>>, vector<16xf32>,
      %parallel_loop3A_965 = tpu.pack_subelements %parallel_loop3A_957, %parallel_loop3A_964 {pack_format = #tpu.pack_format<interleaved>, positions = array<i32: 0, 1>} : vector<16xf32>, vector<16xf32> -> vector<32xbf16>
      %parallel_loop3A_966 = vector.bitcast %parallel_loop3A_965 : vector<32xbf16> to vector<16xi32>
      %parallel_loop3A_967 = arith.constant 1 : i32
      %parallel_loop3A_968 = arith.index_cast %parallel_loop3A_967 : i32 to index
      %parallel_loop3A_969 = arith.index_cast %parallel_loop3A_934 : i32 to index
      %parallel_loop3A_970 = arith.index_cast %parallel_loop3A_952 : i32 to index
      %parallel_loop3A_971 = tpu.vector_load %arg7[%parallel_loop3A_968, %parallel_loop3A_969, %parallel_loop3A_970] {strides = array<i32>} : memref<2x32x512xi32, #tpu.memory_space<vmem>>, vector<16xi32>,
      tpu.vector_store %arg7[%parallel_loop3A_968, %parallel_loop3A_969, %parallel_loop3A_970], %parallel_loop3A_966 {strides = array<i32>} : memref<2x32x512xi32, #tpu.memory_space<vmem>>, vector<16xi32>,
    } {sc.loop_unroll_factor = 8 : i64, sc.parallel_access}
    %dma_start3A_777 = arith.constant 1 : i32
    %dma_start3A_778 = arith.constant 13 : i32
    %dma_start3A_779 = arith.constant 0 : i32
    %dma_start3A_780 = arith.constant 0 : i32
    %dma_start3A_781 = tpu.memref_slice %arg7[%dma_start3A_777, %dma_start3A_779, %dma_start3A_780] : memref<2x32x512xi32, #tpu.memory_space<vmem>> -> memref<1x32x512xi32, #tpu.memory_space<vmem>>
    %dma_start3A_782 = tpu.memref_squeeze %dma_start3A_781 : memref<1x32x512xi32, #tpu.memory_space<vmem>> -> memref<32x512xi32, #tpu.memory_space<vmem>>
    %dma_start3A_783 = arith.constant 0 : i32
    %dma_start3A_784 = tpu.memref_slice %arg5[%dma_start3A_778, %dma_start3A_783] : memref<16x32xi32, #tpu.memory_space<vmem>> -> memref<1x32xi32, #tpu.memory_space<vmem>>
    %dma_start3A_785 = tpu.memref_squeeze %dma_start3A_784 : memref<1x32xi32, #tpu.memory_space<vmem>> -> memref<32xi32, #tpu.memory_space<vmem>>
    %dma_start3A_786 = arith.constant 0 : i32
    %dma_start3A_787 = arith.constant 0 : i32
    %dma_start3A_788 = tpu.memref_slice %arg4[%dma_start3A_786, %dma_start3A_787] : memref<23552x512xi32, #tpu.memory_space<hbm>> -> memref<23552x512xi32, #tpu.memory_space<hbm>>
    tpu.enqueue_indirect_dma source(%dma_start3A_782 : memref<32x512xi32, #tpu.memory_space<vmem>>) target(%dma_start3A_788 : memref<23552x512xi32, #tpu.memory_space<hbm>>) offsets(%dma_start3A_785 : memref<32xi32, #tpu.memory_space<vmem>>) semaphore(%arg11 : memref<!tpu.dma_semaphore, #tpu.memory_space<semaphore_mem>>)
    %dma_wait3A_789 = arith.constant 0 : i32
    %dma_wait3A_790 = arith.constant 0 : i32
    %dma_wait3A_791 = arith.constant 0 : i32
    %dma_wait3A_792 = tpu.memref_slice %arg6[%dma_wait3A_789, %dma_wait3A_790, %dma_wait3A_791] : memref<2x32x1024xf32, #tpu.memory_space<vmem>> -> memref<1x32x1024xf32, #tpu.memory_space<vmem>>
    %dma_wait3A_793 = tpu.memref_squeeze %dma_wait3A_792 : memref<1x32x1024xf32, #tpu.memory_space<vmem>> -> memref<32x1024xf32, #tpu.memory_space<vmem>>
    %dma_wait3A_794 = arith.constant 0 : i32
    %dma_wait3A_795 = tpu.memref_slice %arg2[%add3A_748, %dma_wait3A_794] : memref<16384x1024xf32, #tpu.memory_space<hbm>> -> memref<32x1024xf32, #tpu.memory_space<hbm>>
    %dma_wait3A_796 = arith.constant 0 : i32
    %dma_wait3A_797 = arith.constant 0 : i32
    %dma_wait3A_798 = tpu.memref_slice %arg6[%dma_wait3A_789, %dma_wait3A_796, %dma_wait3A_797] : memref<2x32x1024xf32, #tpu.memory_space<vmem>> -> memref<1x32x1024xf32, #tpu.memory_space<vmem>>
    %dma_wait3A_799 = tpu.memref_squeeze %dma_wait3A_798 : memref<1x32x1024xf32, #tpu.memory_space<vmem>> -> memref<32x1024xf32, #tpu.memory_space<vmem>>
    %dma_wait3A_800 = arith.constant 0 : i32
    %dma_wait3A_801 = tpu.memref_slice %arg2[%add3A_748, %dma_wait3A_800] : memref<16384x1024xf32, #tpu.memory_space<hbm>> -> memref<32x1024xf32, #tpu.memory_space<hbm>>
    tpu.wait_dma2 semaphore(%arg8 : memref<!tpu.dma_semaphore, #tpu.memory_space<semaphore_mem>>) src(%dma_wait3A_801 : memref<32x1024xf32, #tpu.memory_space<hbm>>) dst(%dma_wait3A_799 : memref<32x1024xf32, #tpu.memory_space<vmem>>)
    %mul3A_802 = arith.constant 512 : i32
    %mul3A_803 = arith.muli %add3A, %mul3A_802 : i32
    %add3A_804 = arith.constant 480 : i32
    %add3A_805 = arith.addi %mul3A_803, %add3A_804 : i32
    %dma_start3A_806 = arith.constant 1 : i32
    %dma_start3A_807 = arith.constant 0 : i32
    %dma_start3A_808 = arith.constant 0 : i32
    %dma_start3A_809 = tpu.memref_slice %arg6[%dma_start3A_806, %dma_start3A_807, %dma_start3A_808] : memref<2x32x1024xf32, #tpu.memory_space<vmem>> -> memref<1x32x1024xf32, #tpu.memory_space<vmem>>
    %dma_start3A_810 = tpu.memref_squeeze %dma_start3A_809 : memref<1x32x1024xf32, #tpu.memory_space<vmem>> -> memref<32x1024xf32, #tpu.memory_space<vmem>>
    %dma_start3A_811 = arith.constant 0 : i32
    %dma_start3A_812 = tpu.memref_slice %arg2[%add3A_805, %dma_start3A_811] : memref<16384x1024xf32, #tpu.memory_space<hbm>> -> memref<32x1024xf32, #tpu.memory_space<hbm>>
    %dma_start3A_813 = arith.constant 0 : i32
    %dma_start3A_814 = arith.constant 0 : i32
    %dma_start3A_815 = tpu.memref_slice %arg6[%dma_start3A_806, %dma_start3A_813, %dma_start3A_814] : memref<2x32x1024xf32, #tpu.memory_space<vmem>> -> memref<1x32x1024xf32, #tpu.memory_space<vmem>>
    %dma_start3A_816 = tpu.memref_squeeze %dma_start3A_815 : memref<1x32x1024xf32, #tpu.memory_space<vmem>> -> memref<32x1024xf32, #tpu.memory_space<vmem>>
    %dma_start3A_817 = arith.constant 0 : i32
    %dma_start3A_818 = tpu.memref_slice %arg2[%add3A_805, %dma_start3A_817] : memref<16384x1024xf32, #tpu.memory_space<hbm>> -> memref<32x1024xf32, #tpu.memory_space<hbm>>
    tpu.enqueue_dma source(%dma_start3A_818 : memref<32x1024xf32, #tpu.memory_space<hbm>>) target(%dma_start3A_816 : memref<32x1024xf32, #tpu.memory_space<vmem>>) target_semaphore(%arg9 : memref<!tpu.dma_semaphore, #tpu.memory_space<semaphore_mem>>)
    %dma_wait3A_819 = arith.constant 0 : i32
    %dma_wait3A_820 = arith.constant 12 : i32
    %dma_wait3A_821 = arith.constant 0 : i32
    %dma_wait3A_822 = arith.constant 0 : i32
    %dma_wait3A_823 = tpu.memref_slice %arg7[%dma_wait3A_819, %dma_wait3A_821, %dma_wait3A_822] : memref<2x32x512xi32, #tpu.memory_space<vmem>> -> memref<1x32x512xi32, #tpu.memory_space<vmem>>
    %dma_wait3A_824 = tpu.memref_squeeze %dma_wait3A_823 : memref<1x32x512xi32, #tpu.memory_space<vmem>> -> memref<32x512xi32, #tpu.memory_space<vmem>>
    %dma_wait3A_825 = arith.constant 0 : i32
    %dma_wait3A_826 = tpu.memref_slice %arg5[%dma_wait3A_820, %dma_wait3A_825] : memref<16x32xi32, #tpu.memory_space<vmem>> -> memref<1x32xi32, #tpu.memory_space<vmem>>
    %dma_wait3A_827 = tpu.memref_squeeze %dma_wait3A_826 : memref<1x32xi32, #tpu.memory_space<vmem>> -> memref<32xi32, #tpu.memory_space<vmem>>
    %dma_wait3A_828 = arith.constant 0 : i32
    %dma_wait3A_829 = arith.constant 0 : i32
    %dma_wait3A_830 = tpu.memref_slice %arg4[%dma_wait3A_828, %dma_wait3A_829] : memref<23552x512xi32, #tpu.memory_space<hbm>> -> memref<23552x512xi32, #tpu.memory_space<hbm>>
    tpu.wait_indirect_dma semaphore(%arg10 : memref<!tpu.dma_semaphore, #tpu.memory_space<semaphore_mem>>) src(%dma_wait3A_824 : memref<32x512xi32, #tpu.memory_space<vmem>>) dst(%dma_wait3A_830 : memref<23552x512xi32, #tpu.memory_space<hbm>>)
    %parallel_loop3A_831 = arith.constant 0 : i32
    %parallel_loop3A_832 = arith.constant 1024 : i32
    %parallel_loop3A_833 = arith.constant 1 : i32
    scf.for %parallel_loop3A_910 = %parallel_loop3A_831 to %parallel_loop3A_832 step %parallel_loop3A_833  : i32 {
      %parallel_loop3A_911 = arith.constant 32 : i32
      %parallel_loop3A_912 = arith.divsi %parallel_loop3A_910, %parallel_loop3A_911 : i32
      %parallel_loop3A_913 = arith.constant 0 : i32
      %parallel_loop3A_914 = arith.cmpi sgt, %parallel_loop3A_910, %parallel_loop3A_913 : i32
      %parallel_loop3A_915 = arith.extui %parallel_loop3A_914 : i1 to i32
      %parallel_loop3A_916 = arith.constant 0 : i32
      %parallel_loop3A_917 = arith.cmpi slt, %parallel_loop3A_910, %parallel_loop3A_916 : i32
      %parallel_loop3A_918 = arith.extui %parallel_loop3A_917 : i1 to i32
      %parallel_loop3A_919 = arith.subi %parallel_loop3A_915, %parallel_loop3A_918 : i32
      %parallel_loop3A_920 = arith.constant 0 : i32
      %parallel_loop3A_921 = arith.cmpi sgt, %parallel_loop3A_911, %parallel_loop3A_920 : i32
      %parallel_loop3A_922 = arith.extui %parallel_loop3A_921 : i1 to i32
      %parallel_loop3A_923 = arith.constant 0 : i32
      %parallel_loop3A_924 = arith.cmpi slt, %parallel_loop3A_911, %parallel_loop3A_923 : i32
      %parallel_loop3A_925 = arith.extui %parallel_loop3A_924 : i1 to i32
      %parallel_loop3A_926 = arith.subi %parallel_loop3A_922, %parallel_loop3A_925 : i32
      %parallel_loop3A_927 = arith.cmpi ne, %parallel_loop3A_919, %parallel_loop3A_926 : i32
      %parallel_loop3A_928 = arith.remsi %parallel_loop3A_910, %parallel_loop3A_911 : i32
      %parallel_loop3A_929 = arith.constant 0 : i32
      %parallel_loop3A_930 = arith.cmpi ne, %parallel_loop3A_928, %parallel_loop3A_929 : i32
      %parallel_loop3A_931 = arith.andi %parallel_loop3A_927, %parallel_loop3A_930 : i1
      %parallel_loop3A_932 = arith.constant 1 : i32
      %parallel_loop3A_933 = arith.subi %parallel_loop3A_912, %parallel_loop3A_932 : i32
      %parallel_loop3A_934 = arith.select %parallel_loop3A_931, %parallel_loop3A_933, %parallel_loop3A_912 : i32
      %parallel_loop3A_935 = arith.constant 32 : i32
      %parallel_loop3A_936 = arith.constant 0 : i32
      %parallel_loop3A_937 = arith.cmpi eq, %parallel_loop3A_935, %parallel_loop3A_936 : i32
      %parallel_loop3A_938 = arith.constant 1 : i32
      %parallel_loop3A_939 = arith.select %parallel_loop3A_937, %parallel_loop3A_938, %parallel_loop3A_935 : i32
      %parallel_loop3A_940 = arith.remsi %parallel_loop3A_910, %parallel_loop3A_939 : i32
      %parallel_loop3A_941 = arith.constant 0 : i32
      %parallel_loop3A_942 = arith.cmpi ne, %parallel_loop3A_940, %parallel_loop3A_941 : i32
      %parallel_loop3A_943 = arith.constant 0 : i32
      %parallel_loop3A_944 = arith.cmpi slt, %parallel_loop3A_940, %parallel_loop3A_943 : i32
      %parallel_loop3A_945 = arith.constant 0 : i32
      %parallel_loop3A_946 = arith.cmpi slt, %parallel_loop3A_939, %parallel_loop3A_945 : i32
      %parallel_loop3A_947 = arith.xori %parallel_loop3A_944, %parallel_loop3A_946 : i1
      %parallel_loop3A_948 = arith.andi %parallel_loop3A_947, %parallel_loop3A_942 : i1
      %parallel_loop3A_949 = arith.addi %parallel_loop3A_940, %parallel_loop3A_939 : i32
      %parallel_loop3A_950 = arith.select %parallel_loop3A_948, %parallel_loop3A_949, %parallel_loop3A_940 : i32
      %parallel_loop3A_951 = arith.constant 16 : i32
      %parallel_loop3A_952 = arith.muli %parallel_loop3A_950, %parallel_loop3A_951 : i32
      %parallel_loop3A_953 = arith.constant 0 : i32
      %parallel_loop3A_954 = arith.index_cast %parallel_loop3A_953 : i32 to index
      %parallel_loop3A_955 = arith.index_cast %parallel_loop3A_934 : i32 to index
      %parallel_loop3A_956 = arith.index_cast %parallel_loop3A_952 : i32 to index
      %parallel_loop3A_957 = tpu.vector_load %arg6[%parallel_loop3A_954, %parallel_loop3A_955, %parallel_loop3A_956] {strides = array<i32>} : memref<2x32x1024xf32, #tpu.memory_space<vmem>>, vector<16xf32>,
      %parallel_loop3A_958 = arith.constant 512 : i32
      %parallel_loop3A_959 = arith.addi %parallel_loop3A_952, %parallel_loop3A_958 : i32
      %parallel_loop3A_960 = arith.constant 0 : i32
      %parallel_loop3A_961 = arith.index_cast %parallel_loop3A_960 : i32 to index
      %parallel_loop3A_962 = arith.index_cast %parallel_loop3A_934 : i32 to index
      %parallel_loop3A_963 = arith.index_cast %parallel_loop3A_959 : i32 to index
      %parallel_loop3A_964 = tpu.vector_load %arg6[%parallel_loop3A_961, %parallel_loop3A_962, %parallel_loop3A_963] {strides = array<i32>} : memref<2x32x1024xf32, #tpu.memory_space<vmem>>, vector<16xf32>,
      %parallel_loop3A_965 = tpu.pack_subelements %parallel_loop3A_957, %parallel_loop3A_964 {pack_format = #tpu.pack_format<interleaved>, positions = array<i32: 0, 1>} : vector<16xf32>, vector<16xf32> -> vector<32xbf16>
      %parallel_loop3A_966 = vector.bitcast %parallel_loop3A_965 : vector<32xbf16> to vector<16xi32>
      %parallel_loop3A_967 = arith.constant 0 : i32
      %parallel_loop3A_968 = arith.index_cast %parallel_loop3A_967 : i32 to index
      %parallel_loop3A_969 = arith.index_cast %parallel_loop3A_934 : i32 to index
      %parallel_loop3A_970 = arith.index_cast %parallel_loop3A_952 : i32 to index
      %parallel_loop3A_971 = tpu.vector_load %arg7[%parallel_loop3A_968, %parallel_loop3A_969, %parallel_loop3A_970] {strides = array<i32>} : memref<2x32x512xi32, #tpu.memory_space<vmem>>, vector<16xi32>,
      tpu.vector_store %arg7[%parallel_loop3A_968, %parallel_loop3A_969, %parallel_loop3A_970], %parallel_loop3A_966 {strides = array<i32>} : memref<2x32x512xi32, #tpu.memory_space<vmem>>, vector<16xi32>,
    } {sc.loop_unroll_factor = 8 : i64, sc.parallel_access}
    %dma_start3A_834 = arith.constant 0 : i32
    %dma_start3A_835 = arith.constant 14 : i32
    %dma_start3A_836 = arith.constant 0 : i32
    %dma_start3A_837 = arith.constant 0 : i32
    %dma_start3A_838 = tpu.memref_slice %arg7[%dma_start3A_834, %dma_start3A_836, %dma_start3A_837] : memref<2x32x512xi32, #tpu.memory_space<vmem>> -> memref<1x32x512xi32, #tpu.memory_space<vmem>>
    %dma_start3A_839 = tpu.memref_squeeze %dma_start3A_838 : memref<1x32x512xi32, #tpu.memory_space<vmem>> -> memref<32x512xi32, #tpu.memory_space<vmem>>
    %dma_start3A_840 = arith.constant 0 : i32
    %dma_start3A_841 = tpu.memref_slice %arg5[%dma_start3A_835, %dma_start3A_840] : memref<16x32xi32, #tpu.memory_space<vmem>> -> memref<1x32xi32, #tpu.memory_space<vmem>>
    %dma_start3A_842 = tpu.memref_squeeze %dma_start3A_841 : memref<1x32xi32, #tpu.memory_space<vmem>> -> memref<32xi32, #tpu.memory_space<vmem>>
    %dma_start3A_843 = arith.constant 0 : i32
    %dma_start3A_844 = arith.constant 0 : i32
    %dma_start3A_845 = tpu.memref_slice %arg4[%dma_start3A_843, %dma_start3A_844] : memref<23552x512xi32, #tpu.memory_space<hbm>> -> memref<23552x512xi32, #tpu.memory_space<hbm>>
    tpu.enqueue_indirect_dma source(%dma_start3A_839 : memref<32x512xi32, #tpu.memory_space<vmem>>) target(%dma_start3A_845 : memref<23552x512xi32, #tpu.memory_space<hbm>>) offsets(%dma_start3A_842 : memref<32xi32, #tpu.memory_space<vmem>>) semaphore(%arg10 : memref<!tpu.dma_semaphore, #tpu.memory_space<semaphore_mem>>)
    %dma_wait3A_846 = arith.constant 1 : i32
    %dma_wait3A_847 = arith.constant 0 : i32
    %dma_wait3A_848 = arith.constant 0 : i32
    %dma_wait3A_849 = tpu.memref_slice %arg6[%dma_wait3A_846, %dma_wait3A_847, %dma_wait3A_848] : memref<2x32x1024xf32, #tpu.memory_space<vmem>> -> memref<1x32x1024xf32, #tpu.memory_space<vmem>>
    %dma_wait3A_850 = tpu.memref_squeeze %dma_wait3A_849 : memref<1x32x1024xf32, #tpu.memory_space<vmem>> -> memref<32x1024xf32, #tpu.memory_space<vmem>>
    %dma_wait3A_851 = arith.constant 0 : i32
    %dma_wait3A_852 = tpu.memref_slice %arg2[%add3A_805, %dma_wait3A_851] : memref<16384x1024xf32, #tpu.memory_space<hbm>> -> memref<32x1024xf32, #tpu.memory_space<hbm>>
    %dma_wait3A_853 = arith.constant 0 : i32
    %dma_wait3A_854 = arith.constant 0 : i32
    %dma_wait3A_855 = tpu.memref_slice %arg6[%dma_wait3A_846, %dma_wait3A_853, %dma_wait3A_854] : memref<2x32x1024xf32, #tpu.memory_space<vmem>> -> memref<1x32x1024xf32, #tpu.memory_space<vmem>>
    %dma_wait3A_856 = tpu.memref_squeeze %dma_wait3A_855 : memref<1x32x1024xf32, #tpu.memory_space<vmem>> -> memref<32x1024xf32, #tpu.memory_space<vmem>>
    %dma_wait3A_857 = arith.constant 0 : i32
    %dma_wait3A_858 = tpu.memref_slice %arg2[%add3A_805, %dma_wait3A_857] : memref<16384x1024xf32, #tpu.memory_space<hbm>> -> memref<32x1024xf32, #tpu.memory_space<hbm>>
    tpu.wait_dma2 semaphore(%arg9 : memref<!tpu.dma_semaphore, #tpu.memory_space<semaphore_mem>>) src(%dma_wait3A_858 : memref<32x1024xf32, #tpu.memory_space<hbm>>) dst(%dma_wait3A_856 : memref<32x1024xf32, #tpu.memory_space<vmem>>)
    %dma_wait3A_859 = arith.constant 1 : i32
    %dma_wait3A_860 = arith.constant 13 : i32
    %dma_wait3A_861 = arith.constant 0 : i32
    %dma_wait3A_862 = arith.constant 0 : i32
    %dma_wait3A_863 = tpu.memref_slice %arg7[%dma_wait3A_859, %dma_wait3A_861, %dma_wait3A_862] : memref<2x32x512xi32, #tpu.memory_space<vmem>> -> memref<1x32x512xi32, #tpu.memory_space<vmem>>
    %dma_wait3A_864 = tpu.memref_squeeze %dma_wait3A_863 : memref<1x32x512xi32, #tpu.memory_space<vmem>> -> memref<32x512xi32, #tpu.memory_space<vmem>>
    %dma_wait3A_865 = arith.constant 0 : i32
    %dma_wait3A_866 = tpu.memref_slice %arg5[%dma_wait3A_860, %dma_wait3A_865] : memref<16x32xi32, #tpu.memory_space<vmem>> -> memref<1x32xi32, #tpu.memory_space<vmem>>
    %dma_wait3A_867 = tpu.memref_squeeze %dma_wait3A_866 : memref<1x32xi32, #tpu.memory_space<vmem>> -> memref<32xi32, #tpu.memory_space<vmem>>
    %dma_wait3A_868 = arith.constant 0 : i32
    %dma_wait3A_869 = arith.constant 0 : i32
    %dma_wait3A_870 = tpu.memref_slice %arg4[%dma_wait3A_868, %dma_wait3A_869] : memref<23552x512xi32, #tpu.memory_space<hbm>> -> memref<23552x512xi32, #tpu.memory_space<hbm>>
    tpu.wait_indirect_dma semaphore(%arg11 : memref<!tpu.dma_semaphore, #tpu.memory_space<semaphore_mem>>) src(%dma_wait3A_864 : memref<32x512xi32, #tpu.memory_space<vmem>>) dst(%dma_wait3A_870 : memref<23552x512xi32, #tpu.memory_space<hbm>>)
    %parallel_loop3A_871 = arith.constant 0 : i32
    %parallel_loop3A_872 = arith.constant 1024 : i32
    %parallel_loop3A_873 = arith.constant 1 : i32
    scf.for %parallel_loop3A_910 = %parallel_loop3A_871 to %parallel_loop3A_872 step %parallel_loop3A_873  : i32 {
      %parallel_loop3A_911 = arith.constant 32 : i32
      %parallel_loop3A_912 = arith.divsi %parallel_loop3A_910, %parallel_loop3A_911 : i32
      %parallel_loop3A_913 = arith.constant 0 : i32
      %parallel_loop3A_914 = arith.cmpi sgt, %parallel_loop3A_910, %parallel_loop3A_913 : i32
      %parallel_loop3A_915 = arith.extui %parallel_loop3A_914 : i1 to i32
      %parallel_loop3A_916 = arith.constant 0 : i32
      %parallel_loop3A_917 = arith.cmpi slt, %parallel_loop3A_910, %parallel_loop3A_916 : i32
      %parallel_loop3A_918 = arith.extui %parallel_loop3A_917 : i1 to i32
      %parallel_loop3A_919 = arith.subi %parallel_loop3A_915, %parallel_loop3A_918 : i32
      %parallel_loop3A_920 = arith.constant 0 : i32
      %parallel_loop3A_921 = arith.cmpi sgt, %parallel_loop3A_911, %parallel_loop3A_920 : i32
      %parallel_loop3A_922 = arith.extui %parallel_loop3A_921 : i1 to i32
      %parallel_loop3A_923 = arith.constant 0 : i32
      %parallel_loop3A_924 = arith.cmpi slt, %parallel_loop3A_911, %parallel_loop3A_923 : i32
      %parallel_loop3A_925 = arith.extui %parallel_loop3A_924 : i1 to i32
      %parallel_loop3A_926 = arith.subi %parallel_loop3A_922, %parallel_loop3A_925 : i32
      %parallel_loop3A_927 = arith.cmpi ne, %parallel_loop3A_919, %parallel_loop3A_926 : i32
      %parallel_loop3A_928 = arith.remsi %parallel_loop3A_910, %parallel_loop3A_911 : i32
      %parallel_loop3A_929 = arith.constant 0 : i32
      %parallel_loop3A_930 = arith.cmpi ne, %parallel_loop3A_928, %parallel_loop3A_929 : i32
      %parallel_loop3A_931 = arith.andi %parallel_loop3A_927, %parallel_loop3A_930 : i1
      %parallel_loop3A_932 = arith.constant 1 : i32
      %parallel_loop3A_933 = arith.subi %parallel_loop3A_912, %parallel_loop3A_932 : i32
      %parallel_loop3A_934 = arith.select %parallel_loop3A_931, %parallel_loop3A_933, %parallel_loop3A_912 : i32
      %parallel_loop3A_935 = arith.constant 32 : i32
      %parallel_loop3A_936 = arith.constant 0 : i32
      %parallel_loop3A_937 = arith.cmpi eq, %parallel_loop3A_935, %parallel_loop3A_936 : i32
      %parallel_loop3A_938 = arith.constant 1 : i32
      %parallel_loop3A_939 = arith.select %parallel_loop3A_937, %parallel_loop3A_938, %parallel_loop3A_935 : i32
      %parallel_loop3A_940 = arith.remsi %parallel_loop3A_910, %parallel_loop3A_939 : i32
      %parallel_loop3A_941 = arith.constant 0 : i32
      %parallel_loop3A_942 = arith.cmpi ne, %parallel_loop3A_940, %parallel_loop3A_941 : i32
      %parallel_loop3A_943 = arith.constant 0 : i32
      %parallel_loop3A_944 = arith.cmpi slt, %parallel_loop3A_940, %parallel_loop3A_943 : i32
      %parallel_loop3A_945 = arith.constant 0 : i32
      %parallel_loop3A_946 = arith.cmpi slt, %parallel_loop3A_939, %parallel_loop3A_945 : i32
      %parallel_loop3A_947 = arith.xori %parallel_loop3A_944, %parallel_loop3A_946 : i1
      %parallel_loop3A_948 = arith.andi %parallel_loop3A_947, %parallel_loop3A_942 : i1
      %parallel_loop3A_949 = arith.addi %parallel_loop3A_940, %parallel_loop3A_939 : i32
      %parallel_loop3A_950 = arith.select %parallel_loop3A_948, %parallel_loop3A_949, %parallel_loop3A_940 : i32
      %parallel_loop3A_951 = arith.constant 16 : i32
      %parallel_loop3A_952 = arith.muli %parallel_loop3A_950, %parallel_loop3A_951 : i32
      %parallel_loop3A_953 = arith.constant 1 : i32
      %parallel_loop3A_954 = arith.index_cast %parallel_loop3A_953 : i32 to index
      %parallel_loop3A_955 = arith.index_cast %parallel_loop3A_934 : i32 to index
      %parallel_loop3A_956 = arith.index_cast %parallel_loop3A_952 : i32 to index
      %parallel_loop3A_957 = tpu.vector_load %arg6[%parallel_loop3A_954, %parallel_loop3A_955, %parallel_loop3A_956] {strides = array<i32>} : memref<2x32x1024xf32, #tpu.memory_space<vmem>>, vector<16xf32>,
      %parallel_loop3A_958 = arith.constant 512 : i32
      %parallel_loop3A_959 = arith.addi %parallel_loop3A_952, %parallel_loop3A_958 : i32
      %parallel_loop3A_960 = arith.constant 1 : i32
      %parallel_loop3A_961 = arith.index_cast %parallel_loop3A_960 : i32 to index
      %parallel_loop3A_962 = arith.index_cast %parallel_loop3A_934 : i32 to index
      %parallel_loop3A_963 = arith.index_cast %parallel_loop3A_959 : i32 to index
      %parallel_loop3A_964 = tpu.vector_load %arg6[%parallel_loop3A_961, %parallel_loop3A_962, %parallel_loop3A_963] {strides = array<i32>} : memref<2x32x1024xf32, #tpu.memory_space<vmem>>, vector<16xf32>,
      %parallel_loop3A_965 = tpu.pack_subelements %parallel_loop3A_957, %parallel_loop3A_964 {pack_format = #tpu.pack_format<interleaved>, positions = array<i32: 0, 1>} : vector<16xf32>, vector<16xf32> -> vector<32xbf16>
      %parallel_loop3A_966 = vector.bitcast %parallel_loop3A_965 : vector<32xbf16> to vector<16xi32>
      %parallel_loop3A_967 = arith.constant 1 : i32
      %parallel_loop3A_968 = arith.index_cast %parallel_loop3A_967 : i32 to index
      %parallel_loop3A_969 = arith.index_cast %parallel_loop3A_934 : i32 to index
      %parallel_loop3A_970 = arith.index_cast %parallel_loop3A_952 : i32 to index
      %parallel_loop3A_971 = tpu.vector_load %arg7[%parallel_loop3A_968, %parallel_loop3A_969, %parallel_loop3A_970] {strides = array<i32>} : memref<2x32x512xi32, #tpu.memory_space<vmem>>, vector<16xi32>,
      tpu.vector_store %arg7[%parallel_loop3A_968, %parallel_loop3A_969, %parallel_loop3A_970], %parallel_loop3A_966 {strides = array<i32>} : memref<2x32x512xi32, #tpu.memory_space<vmem>>, vector<16xi32>,
    } {sc.loop_unroll_factor = 8 : i64, sc.parallel_access}
    %dma_start3A_874 = arith.constant 1 : i32
    %dma_start3A_875 = arith.constant 15 : i32
    %dma_start3A_876 = arith.constant 0 : i32
    %dma_start3A_877 = arith.constant 0 : i32
    %dma_start3A_878 = tpu.memref_slice %arg7[%dma_start3A_874, %dma_start3A_876, %dma_start3A_877] : memref<2x32x512xi32, #tpu.memory_space<vmem>> -> memref<1x32x512xi32, #tpu.memory_space<vmem>>
    %dma_start3A_879 = tpu.memref_squeeze %dma_start3A_878 : memref<1x32x512xi32, #tpu.memory_space<vmem>> -> memref<32x512xi32, #tpu.memory_space<vmem>>
    %dma_start3A_880 = arith.constant 0 : i32
    %dma_start3A_881 = tpu.memref_slice %arg5[%dma_start3A_875, %dma_start3A_880] : memref<16x32xi32, #tpu.memory_space<vmem>> -> memref<1x32xi32, #tpu.memory_space<vmem>>
    %dma_start3A_882 = tpu.memref_squeeze %dma_start3A_881 : memref<1x32xi32, #tpu.memory_space<vmem>> -> memref<32xi32, #tpu.memory_space<vmem>>
    %dma_start3A_883 = arith.constant 0 : i32
    %dma_start3A_884 = arith.constant 0 : i32
    %dma_start3A_885 = tpu.memref_slice %arg4[%dma_start3A_883, %dma_start3A_884] : memref<23552x512xi32, #tpu.memory_space<hbm>> -> memref<23552x512xi32, #tpu.memory_space<hbm>>
    tpu.enqueue_indirect_dma source(%dma_start3A_879 : memref<32x512xi32, #tpu.memory_space<vmem>>) target(%dma_start3A_885 : memref<23552x512xi32, #tpu.memory_space<hbm>>) offsets(%dma_start3A_882 : memref<32xi32, #tpu.memory_space<vmem>>) semaphore(%arg11 : memref<!tpu.dma_semaphore, #tpu.memory_space<semaphore_mem>>)
    %dma_wait3A_886 = arith.constant 0 : i32
    %dma_wait3A_887 = arith.constant 14 : i32
    %dma_wait3A_888 = arith.constant 0 : i32
    %dma_wait3A_889 = arith.constant 0 : i32
    %dma_wait3A_890 = tpu.memref_slice %arg7[%dma_wait3A_886, %dma_wait3A_888, %dma_wait3A_889] : memref<2x32x512xi32, #tpu.memory_space<vmem>> -> memref<1x32x512xi32, #tpu.memory_space<vmem>>
    %dma_wait3A_891 = tpu.memref_squeeze %dma_wait3A_890 : memref<1x32x512xi32, #tpu.memory_space<vmem>> -> memref<32x512xi32, #tpu.memory_space<vmem>>
    %dma_wait3A_892 = arith.constant 0 : i32
    %dma_wait3A_893 = tpu.memref_slice %arg5[%dma_wait3A_887, %dma_wait3A_892] : memref<16x32xi32, #tpu.memory_space<vmem>> -> memref<1x32xi32, #tpu.memory_space<vmem>>
    %dma_wait3A_894 = tpu.memref_squeeze %dma_wait3A_893 : memref<1x32xi32, #tpu.memory_space<vmem>> -> memref<32xi32, #tpu.memory_space<vmem>>
    %dma_wait3A_895 = arith.constant 0 : i32
    %dma_wait3A_896 = arith.constant 0 : i32
    %dma_wait3A_897 = tpu.memref_slice %arg4[%dma_wait3A_895, %dma_wait3A_896] : memref<23552x512xi32, #tpu.memory_space<hbm>> -> memref<23552x512xi32, #tpu.memory_space<hbm>>
    tpu.wait_indirect_dma semaphore(%arg10 : memref<!tpu.dma_semaphore, #tpu.memory_space<semaphore_mem>>) src(%dma_wait3A_891 : memref<32x512xi32, #tpu.memory_space<vmem>>) dst(%dma_wait3A_897 : memref<23552x512xi32, #tpu.memory_space<hbm>>)
    %dma_wait3A_898 = arith.constant 1 : i32
    %dma_wait3A_899 = arith.constant 15 : i32
    %dma_wait3A_900 = arith.constant 0 : i32
    %dma_wait3A_901 = arith.constant 0 : i32
    %dma_wait3A_902 = tpu.memref_slice %arg7[%dma_wait3A_898, %dma_wait3A_900, %dma_wait3A_901] : memref<2x32x512xi32, #tpu.memory_space<vmem>> -> memref<1x32x512xi32, #tpu.memory_space<vmem>>
    %dma_wait3A_903 = tpu.memref_squeeze %dma_wait3A_902 : memref<1x32x512xi32, #tpu.memory_space<vmem>> -> memref<32x512xi32, #tpu.memory_space<vmem>>
    %dma_wait3A_904 = arith.constant 0 : i32
    %dma_wait3A_905 = tpu.memref_slice %arg5[%dma_wait3A_899, %dma_wait3A_904] : memref<16x32xi32, #tpu.memory_space<vmem>> -> memref<1x32xi32, #tpu.memory_space<vmem>>
    %dma_wait3A_906 = tpu.memref_squeeze %dma_wait3A_905 : memref<1x32xi32, #tpu.memory_space<vmem>> -> memref<32xi32, #tpu.memory_space<vmem>>
    %dma_wait3A_907 = arith.constant 0 : i32
    %dma_wait3A_908 = arith.constant 0 : i32
    %dma_wait3A_909 = tpu.memref_slice %arg4[%dma_wait3A_907, %dma_wait3A_908] : memref<23552x512xi32, #tpu.memory_space<hbm>> -> memref<23552x512xi32, #tpu.memory_space<hbm>>
    tpu.wait_indirect_dma semaphore(%arg11 : memref<!tpu.dma_semaphore, #tpu.memory_space<semaphore_mem>>) src(%dma_wait3A_903 : memref<32x512xi32, #tpu.memory_space<vmem>>) dst(%dma_wait3A_909 : memref<23552x512xi32, #tpu.memory_space<hbm>>)
    return
  }
}

#map = affine_map<(d0, d1) -> (0)>
module attributes {stable_mosaic.version = 14 : i64} {
  func.func @k(%arg0: i32, %arg1: i32, %arg2: memref<23552xf32, #tpu.memory_space<hbm>>, %arg3: memref<16384xi32, #tpu.memory_space<hbm>>, %arg4: memref<16384xf32, #tpu.memory_space<hbm>>, %arg5: memref<23552xf32, #tpu.memory_space<vmem>>, %arg6: memref<512xi32, #tpu.memory_space<vmem>>, %arg7: memref<512xf32, #tpu.memory_space<vmem>>) attributes {dimension_semantics = [#tpu.dimension_semantics<core_parallel>, #tpu.dimension_semantics<subcore_parallel>], iteration_bounds = array<i64: 2, 16>, scalar_prefetch = 0 : i64, scratch_operands = 3 : i64, tpu.core_type = #tpu.core_type<sc_vector_subcore>, window_params = [{transform_indices = #map}, {transform_indices = #map}, {transform_indices = #map}]} {
    %mul3A = arith.constant 2 : i32
    %mul3A_0 = arith.muli %arg1, %mul3A : i32
    %add3A = arith.addi %mul3A_0, %arg0 : i32
    %mul3A_1 = arith.constant 512 : i32
    %mul3A_2 = arith.muli %add3A, %mul3A_1 : i32
    "tpu.region"() ({
      %run_scoped3A = tpu.sem_alloc : memref<!tpu.dma_semaphore, #tpu.memory_space<semaphore_mem>>
      tpu.enqueue_dma source(%arg2 : memref<23552xf32, #tpu.memory_space<hbm>>) target(%arg5 : memref<23552xf32, #tpu.memory_space<vmem>>) target_semaphore(%run_scoped3A : memref<!tpu.dma_semaphore, #tpu.memory_space<semaphore_mem>>)
      tpu.wait_dma2 semaphore(%run_scoped3A : memref<!tpu.dma_semaphore, #tpu.memory_space<semaphore_mem>>) src(%arg2 : memref<23552xf32, #tpu.memory_space<hbm>>) dst(%arg5 : memref<23552xf32, #tpu.memory_space<vmem>>)
      tpu.yield
    }) : () -> ()
    "tpu.region"() ({
      %run_scoped3A = tpu.sem_alloc : memref<!tpu.dma_semaphore, #tpu.memory_space<semaphore_mem>>
      %dma_start3A = tpu.memref_slice %arg3[%mul3A_2] : memref<16384xi32, #tpu.memory_space<hbm>> -> memref<512xi32, #tpu.memory_space<hbm>>
      %dma_start3A_160 = tpu.memref_slice %arg3[%mul3A_2] : memref<16384xi32, #tpu.memory_space<hbm>> -> memref<512xi32, #tpu.memory_space<hbm>>
      tpu.enqueue_dma source(%dma_start3A_160 : memref<512xi32, #tpu.memory_space<hbm>>) target(%arg6 : memref<512xi32, #tpu.memory_space<vmem>>) target_semaphore(%run_scoped3A : memref<!tpu.dma_semaphore, #tpu.memory_space<semaphore_mem>>)
      %dma_wait3A = tpu.memref_slice %arg3[%mul3A_2] : memref<16384xi32, #tpu.memory_space<hbm>> -> memref<512xi32, #tpu.memory_space<hbm>>
      %dma_wait3A_161 = tpu.memref_slice %arg3[%mul3A_2] : memref<16384xi32, #tpu.memory_space<hbm>> -> memref<512xi32, #tpu.memory_space<hbm>>
      tpu.wait_dma2 semaphore(%run_scoped3A : memref<!tpu.dma_semaphore, #tpu.memory_space<semaphore_mem>>) src(%dma_wait3A_161 : memref<512xi32, #tpu.memory_space<hbm>>) dst(%arg6 : memref<512xi32, #tpu.memory_space<vmem>>)
      tpu.yield
    }) : () -> ()
    %get3A = arith.constant 0 : index
    %get3A_3 = tpu.vector_load %arg6[%get3A] {strides = array<i32>} : memref<512xi32, #tpu.memory_space<vmem>>, vector<16xi32>,
    %gather3A = tpu.vector_load_idx %arg5[%get3A_3] : memref<23552xf32, #tpu.memory_space<vmem>>[vector<16xi32>], vector<16xf32>,
    %swap3A = arith.constant 0 : index
    %swap3A_4 = tpu.vector_load %arg7[%swap3A] {strides = array<i32>} : memref<512xf32, #tpu.memory_space<vmem>>, vector<16xf32>,
    tpu.vector_store %arg7[%swap3A], %gather3A {strides = array<i32>} : memref<512xf32, #tpu.memory_space<vmem>>, vector<16xf32>,
    %get3A_5 = arith.constant 16 : index
    %get3A_6 = tpu.vector_load %arg6[%get3A_5] {strides = array<i32>} : memref<512xi32, #tpu.memory_space<vmem>>, vector<16xi32>,
    %gather3A_7 = tpu.vector_load_idx %arg5[%get3A_6] : memref<23552xf32, #tpu.memory_space<vmem>>[vector<16xi32>], vector<16xf32>,
    %swap3A_8 = arith.constant 16 : index
    %swap3A_9 = tpu.vector_load %arg7[%swap3A_8] {strides = array<i32>} : memref<512xf32, #tpu.memory_space<vmem>>, vector<16xf32>,
    tpu.vector_store %arg7[%swap3A_8], %gather3A_7 {strides = array<i32>} : memref<512xf32, #tpu.memory_space<vmem>>, vector<16xf32>,
    %get3A_10 = arith.constant 32 : index
    %get3A_11 = tpu.vector_load %arg6[%get3A_10] {strides = array<i32>} : memref<512xi32, #tpu.memory_space<vmem>>, vector<16xi32>,
    %gather3A_12 = tpu.vector_load_idx %arg5[%get3A_11] : memref<23552xf32, #tpu.memory_space<vmem>>[vector<16xi32>], vector<16xf32>,
    %swap3A_13 = arith.constant 32 : index
    %swap3A_14 = tpu.vector_load %arg7[%swap3A_13] {strides = array<i32>} : memref<512xf32, #tpu.memory_space<vmem>>, vector<16xf32>,
    tpu.vector_store %arg7[%swap3A_13], %gather3A_12 {strides = array<i32>} : memref<512xf32, #tpu.memory_space<vmem>>, vector<16xf32>,
    %get3A_15 = arith.constant 48 : index
    %get3A_16 = tpu.vector_load %arg6[%get3A_15] {strides = array<i32>} : memref<512xi32, #tpu.memory_space<vmem>>, vector<16xi32>,
    %gather3A_17 = tpu.vector_load_idx %arg5[%get3A_16] : memref<23552xf32, #tpu.memory_space<vmem>>[vector<16xi32>], vector<16xf32>,
    %swap3A_18 = arith.constant 48 : index
    %swap3A_19 = tpu.vector_load %arg7[%swap3A_18] {strides = array<i32>} : memref<512xf32, #tpu.memory_space<vmem>>, vector<16xf32>,
    tpu.vector_store %arg7[%swap3A_18], %gather3A_17 {strides = array<i32>} : memref<512xf32, #tpu.memory_space<vmem>>, vector<16xf32>,
    %get3A_20 = arith.constant 64 : index
    %get3A_21 = tpu.vector_load %arg6[%get3A_20] {strides = array<i32>} : memref<512xi32, #tpu.memory_space<vmem>>, vector<16xi32>,
    %gather3A_22 = tpu.vector_load_idx %arg5[%get3A_21] : memref<23552xf32, #tpu.memory_space<vmem>>[vector<16xi32>], vector<16xf32>,
    %swap3A_23 = arith.constant 64 : index
    %swap3A_24 = tpu.vector_load %arg7[%swap3A_23] {strides = array<i32>} : memref<512xf32, #tpu.memory_space<vmem>>, vector<16xf32>,
    tpu.vector_store %arg7[%swap3A_23], %gather3A_22 {strides = array<i32>} : memref<512xf32, #tpu.memory_space<vmem>>, vector<16xf32>,
    %get3A_25 = arith.constant 80 : index
    %get3A_26 = tpu.vector_load %arg6[%get3A_25] {strides = array<i32>} : memref<512xi32, #tpu.memory_space<vmem>>, vector<16xi32>,
    %gather3A_27 = tpu.vector_load_idx %arg5[%get3A_26] : memref<23552xf32, #tpu.memory_space<vmem>>[vector<16xi32>], vector<16xf32>,
    %swap3A_28 = arith.constant 80 : index
    %swap3A_29 = tpu.vector_load %arg7[%swap3A_28] {strides = array<i32>} : memref<512xf32, #tpu.memory_space<vmem>>, vector<16xf32>,
    tpu.vector_store %arg7[%swap3A_28], %gather3A_27 {strides = array<i32>} : memref<512xf32, #tpu.memory_space<vmem>>, vector<16xf32>,
    %get3A_30 = arith.constant 96 : index
    %get3A_31 = tpu.vector_load %arg6[%get3A_30] {strides = array<i32>} : memref<512xi32, #tpu.memory_space<vmem>>, vector<16xi32>,
    %gather3A_32 = tpu.vector_load_idx %arg5[%get3A_31] : memref<23552xf32, #tpu.memory_space<vmem>>[vector<16xi32>], vector<16xf32>,
    %swap3A_33 = arith.constant 96 : index
    %swap3A_34 = tpu.vector_load %arg7[%swap3A_33] {strides = array<i32>} : memref<512xf32, #tpu.memory_space<vmem>>, vector<16xf32>,
    tpu.vector_store %arg7[%swap3A_33], %gather3A_32 {strides = array<i32>} : memref<512xf32, #tpu.memory_space<vmem>>, vector<16xf32>,
    %get3A_35 = arith.constant 112 : index
    %get3A_36 = tpu.vector_load %arg6[%get3A_35] {strides = array<i32>} : memref<512xi32, #tpu.memory_space<vmem>>, vector<16xi32>,
    %gather3A_37 = tpu.vector_load_idx %arg5[%get3A_36] : memref<23552xf32, #tpu.memory_space<vmem>>[vector<16xi32>], vector<16xf32>,
    %swap3A_38 = arith.constant 112 : index
    %swap3A_39 = tpu.vector_load %arg7[%swap3A_38] {strides = array<i32>} : memref<512xf32, #tpu.memory_space<vmem>>, vector<16xf32>,
    tpu.vector_store %arg7[%swap3A_38], %gather3A_37 {strides = array<i32>} : memref<512xf32, #tpu.memory_space<vmem>>, vector<16xf32>,
    %get3A_40 = arith.constant 128 : index
    %get3A_41 = tpu.vector_load %arg6[%get3A_40] {strides = array<i32>} : memref<512xi32, #tpu.memory_space<vmem>>, vector<16xi32>,
    %gather3A_42 = tpu.vector_load_idx %arg5[%get3A_41] : memref<23552xf32, #tpu.memory_space<vmem>>[vector<16xi32>], vector<16xf32>,
    %swap3A_43 = arith.constant 128 : index
    %swap3A_44 = tpu.vector_load %arg7[%swap3A_43] {strides = array<i32>} : memref<512xf32, #tpu.memory_space<vmem>>, vector<16xf32>,
    tpu.vector_store %arg7[%swap3A_43], %gather3A_42 {strides = array<i32>} : memref<512xf32, #tpu.memory_space<vmem>>, vector<16xf32>,
    %get3A_45 = arith.constant 144 : index
    %get3A_46 = tpu.vector_load %arg6[%get3A_45] {strides = array<i32>} : memref<512xi32, #tpu.memory_space<vmem>>, vector<16xi32>,
    %gather3A_47 = tpu.vector_load_idx %arg5[%get3A_46] : memref<23552xf32, #tpu.memory_space<vmem>>[vector<16xi32>], vector<16xf32>,
    %swap3A_48 = arith.constant 144 : index
    %swap3A_49 = tpu.vector_load %arg7[%swap3A_48] {strides = array<i32>} : memref<512xf32, #tpu.memory_space<vmem>>, vector<16xf32>,
    tpu.vector_store %arg7[%swap3A_48], %gather3A_47 {strides = array<i32>} : memref<512xf32, #tpu.memory_space<vmem>>, vector<16xf32>,
    %get3A_50 = arith.constant 160 : index
    %get3A_51 = tpu.vector_load %arg6[%get3A_50] {strides = array<i32>} : memref<512xi32, #tpu.memory_space<vmem>>, vector<16xi32>,
    %gather3A_52 = tpu.vector_load_idx %arg5[%get3A_51] : memref<23552xf32, #tpu.memory_space<vmem>>[vector<16xi32>], vector<16xf32>,
    %swap3A_53 = arith.constant 160 : index
    %swap3A_54 = tpu.vector_load %arg7[%swap3A_53] {strides = array<i32>} : memref<512xf32, #tpu.memory_space<vmem>>, vector<16xf32>,
    tpu.vector_store %arg7[%swap3A_53], %gather3A_52 {strides = array<i32>} : memref<512xf32, #tpu.memory_space<vmem>>, vector<16xf32>,
    %get3A_55 = arith.constant 176 : index
    %get3A_56 = tpu.vector_load %arg6[%get3A_55] {strides = array<i32>} : memref<512xi32, #tpu.memory_space<vmem>>, vector<16xi32>,
    %gather3A_57 = tpu.vector_load_idx %arg5[%get3A_56] : memref<23552xf32, #tpu.memory_space<vmem>>[vector<16xi32>], vector<16xf32>,
    %swap3A_58 = arith.constant 176 : index
    %swap3A_59 = tpu.vector_load %arg7[%swap3A_58] {strides = array<i32>} : memref<512xf32, #tpu.memory_space<vmem>>, vector<16xf32>,
    tpu.vector_store %arg7[%swap3A_58], %gather3A_57 {strides = array<i32>} : memref<512xf32, #tpu.memory_space<vmem>>, vector<16xf32>,
    %get3A_60 = arith.constant 192 : index
    %get3A_61 = tpu.vector_load %arg6[%get3A_60] {strides = array<i32>} : memref<512xi32, #tpu.memory_space<vmem>>, vector<16xi32>,
    %gather3A_62 = tpu.vector_load_idx %arg5[%get3A_61] : memref<23552xf32, #tpu.memory_space<vmem>>[vector<16xi32>], vector<16xf32>,
    %swap3A_63 = arith.constant 192 : index
    %swap3A_64 = tpu.vector_load %arg7[%swap3A_63] {strides = array<i32>} : memref<512xf32, #tpu.memory_space<vmem>>, vector<16xf32>,
    tpu.vector_store %arg7[%swap3A_63], %gather3A_62 {strides = array<i32>} : memref<512xf32, #tpu.memory_space<vmem>>, vector<16xf32>,
    %get3A_65 = arith.constant 208 : index
    %get3A_66 = tpu.vector_load %arg6[%get3A_65] {strides = array<i32>} : memref<512xi32, #tpu.memory_space<vmem>>, vector<16xi32>,
    %gather3A_67 = tpu.vector_load_idx %arg5[%get3A_66] : memref<23552xf32, #tpu.memory_space<vmem>>[vector<16xi32>], vector<16xf32>,
    %swap3A_68 = arith.constant 208 : index
    %swap3A_69 = tpu.vector_load %arg7[%swap3A_68] {strides = array<i32>} : memref<512xf32, #tpu.memory_space<vmem>>, vector<16xf32>,
    tpu.vector_store %arg7[%swap3A_68], %gather3A_67 {strides = array<i32>} : memref<512xf32, #tpu.memory_space<vmem>>, vector<16xf32>,
    %get3A_70 = arith.constant 224 : index
    %get3A_71 = tpu.vector_load %arg6[%get3A_70] {strides = array<i32>} : memref<512xi32, #tpu.memory_space<vmem>>, vector<16xi32>,
    %gather3A_72 = tpu.vector_load_idx %arg5[%get3A_71] : memref<23552xf32, #tpu.memory_space<vmem>>[vector<16xi32>], vector<16xf32>,
    %swap3A_73 = arith.constant 224 : index
    %swap3A_74 = tpu.vector_load %arg7[%swap3A_73] {strides = array<i32>} : memref<512xf32, #tpu.memory_space<vmem>>, vector<16xf32>,
    tpu.vector_store %arg7[%swap3A_73], %gather3A_72 {strides = array<i32>} : memref<512xf32, #tpu.memory_space<vmem>>, vector<16xf32>,
    %get3A_75 = arith.constant 240 : index
    %get3A_76 = tpu.vector_load %arg6[%get3A_75] {strides = array<i32>} : memref<512xi32, #tpu.memory_space<vmem>>, vector<16xi32>,
    %gather3A_77 = tpu.vector_load_idx %arg5[%get3A_76] : memref<23552xf32, #tpu.memory_space<vmem>>[vector<16xi32>], vector<16xf32>,
    %swap3A_78 = arith.constant 240 : index
    %swap3A_79 = tpu.vector_load %arg7[%swap3A_78] {strides = array<i32>} : memref<512xf32, #tpu.memory_space<vmem>>, vector<16xf32>,
    tpu.vector_store %arg7[%swap3A_78], %gather3A_77 {strides = array<i32>} : memref<512xf32, #tpu.memory_space<vmem>>, vector<16xf32>,
    %get3A_80 = arith.constant 256 : index
    %get3A_81 = tpu.vector_load %arg6[%get3A_80] {strides = array<i32>} : memref<512xi32, #tpu.memory_space<vmem>>, vector<16xi32>,
    %gather3A_82 = tpu.vector_load_idx %arg5[%get3A_81] : memref<23552xf32, #tpu.memory_space<vmem>>[vector<16xi32>], vector<16xf32>,
    %swap3A_83 = arith.constant 256 : index
    %swap3A_84 = tpu.vector_load %arg7[%swap3A_83] {strides = array<i32>} : memref<512xf32, #tpu.memory_space<vmem>>, vector<16xf32>,
    tpu.vector_store %arg7[%swap3A_83], %gather3A_82 {strides = array<i32>} : memref<512xf32, #tpu.memory_space<vmem>>, vector<16xf32>,
    %get3A_85 = arith.constant 272 : index
    %get3A_86 = tpu.vector_load %arg6[%get3A_85] {strides = array<i32>} : memref<512xi32, #tpu.memory_space<vmem>>, vector<16xi32>,
    %gather3A_87 = tpu.vector_load_idx %arg5[%get3A_86] : memref<23552xf32, #tpu.memory_space<vmem>>[vector<16xi32>], vector<16xf32>,
    %swap3A_88 = arith.constant 272 : index
    %swap3A_89 = tpu.vector_load %arg7[%swap3A_88] {strides = array<i32>} : memref<512xf32, #tpu.memory_space<vmem>>, vector<16xf32>,
    tpu.vector_store %arg7[%swap3A_88], %gather3A_87 {strides = array<i32>} : memref<512xf32, #tpu.memory_space<vmem>>, vector<16xf32>,
    %get3A_90 = arith.constant 288 : index
    %get3A_91 = tpu.vector_load %arg6[%get3A_90] {strides = array<i32>} : memref<512xi32, #tpu.memory_space<vmem>>, vector<16xi32>,
    %gather3A_92 = tpu.vector_load_idx %arg5[%get3A_91] : memref<23552xf32, #tpu.memory_space<vmem>>[vector<16xi32>], vector<16xf32>,
    %swap3A_93 = arith.constant 288 : index
    %swap3A_94 = tpu.vector_load %arg7[%swap3A_93] {strides = array<i32>} : memref<512xf32, #tpu.memory_space<vmem>>, vector<16xf32>,
    tpu.vector_store %arg7[%swap3A_93], %gather3A_92 {strides = array<i32>} : memref<512xf32, #tpu.memory_space<vmem>>, vector<16xf32>,
    %get3A_95 = arith.constant 304 : index
    %get3A_96 = tpu.vector_load %arg6[%get3A_95] {strides = array<i32>} : memref<512xi32, #tpu.memory_space<vmem>>, vector<16xi32>,
    %gather3A_97 = tpu.vector_load_idx %arg5[%get3A_96] : memref<23552xf32, #tpu.memory_space<vmem>>[vector<16xi32>], vector<16xf32>,
    %swap3A_98 = arith.constant 304 : index
    %swap3A_99 = tpu.vector_load %arg7[%swap3A_98] {strides = array<i32>} : memref<512xf32, #tpu.memory_space<vmem>>, vector<16xf32>,
    tpu.vector_store %arg7[%swap3A_98], %gather3A_97 {strides = array<i32>} : memref<512xf32, #tpu.memory_space<vmem>>, vector<16xf32>,
    %get3A_100 = arith.constant 320 : index
    %get3A_101 = tpu.vector_load %arg6[%get3A_100] {strides = array<i32>} : memref<512xi32, #tpu.memory_space<vmem>>, vector<16xi32>,
    %gather3A_102 = tpu.vector_load_idx %arg5[%get3A_101] : memref<23552xf32, #tpu.memory_space<vmem>>[vector<16xi32>], vector<16xf32>,
    %swap3A_103 = arith.constant 320 : index
    %swap3A_104 = tpu.vector_load %arg7[%swap3A_103] {strides = array<i32>} : memref<512xf32, #tpu.memory_space<vmem>>, vector<16xf32>,
    tpu.vector_store %arg7[%swap3A_103], %gather3A_102 {strides = array<i32>} : memref<512xf32, #tpu.memory_space<vmem>>, vector<16xf32>,
    %get3A_105 = arith.constant 336 : index
    %get3A_106 = tpu.vector_load %arg6[%get3A_105] {strides = array<i32>} : memref<512xi32, #tpu.memory_space<vmem>>, vector<16xi32>,
    %gather3A_107 = tpu.vector_load_idx %arg5[%get3A_106] : memref<23552xf32, #tpu.memory_space<vmem>>[vector<16xi32>], vector<16xf32>,
    %swap3A_108 = arith.constant 336 : index
    %swap3A_109 = tpu.vector_load %arg7[%swap3A_108] {strides = array<i32>} : memref<512xf32, #tpu.memory_space<vmem>>, vector<16xf32>,
    tpu.vector_store %arg7[%swap3A_108], %gather3A_107 {strides = array<i32>} : memref<512xf32, #tpu.memory_space<vmem>>, vector<16xf32>,
    %get3A_110 = arith.constant 352 : index
    %get3A_111 = tpu.vector_load %arg6[%get3A_110] {strides = array<i32>} : memref<512xi32, #tpu.memory_space<vmem>>, vector<16xi32>,
    %gather3A_112 = tpu.vector_load_idx %arg5[%get3A_111] : memref<23552xf32, #tpu.memory_space<vmem>>[vector<16xi32>], vector<16xf32>,
    %swap3A_113 = arith.constant 352 : index
    %swap3A_114 = tpu.vector_load %arg7[%swap3A_113] {strides = array<i32>} : memref<512xf32, #tpu.memory_space<vmem>>, vector<16xf32>,
    tpu.vector_store %arg7[%swap3A_113], %gather3A_112 {strides = array<i32>} : memref<512xf32, #tpu.memory_space<vmem>>, vector<16xf32>,
    %get3A_115 = arith.constant 368 : index
    %get3A_116 = tpu.vector_load %arg6[%get3A_115] {strides = array<i32>} : memref<512xi32, #tpu.memory_space<vmem>>, vector<16xi32>,
    %gather3A_117 = tpu.vector_load_idx %arg5[%get3A_116] : memref<23552xf32, #tpu.memory_space<vmem>>[vector<16xi32>], vector<16xf32>,
    %swap3A_118 = arith.constant 368 : index
    %swap3A_119 = tpu.vector_load %arg7[%swap3A_118] {strides = array<i32>} : memref<512xf32, #tpu.memory_space<vmem>>, vector<16xf32>,
    tpu.vector_store %arg7[%swap3A_118], %gather3A_117 {strides = array<i32>} : memref<512xf32, #tpu.memory_space<vmem>>, vector<16xf32>,
    %get3A_120 = arith.constant 384 : index
    %get3A_121 = tpu.vector_load %arg6[%get3A_120] {strides = array<i32>} : memref<512xi32, #tpu.memory_space<vmem>>, vector<16xi32>,
    %gather3A_122 = tpu.vector_load_idx %arg5[%get3A_121] : memref<23552xf32, #tpu.memory_space<vmem>>[vector<16xi32>], vector<16xf32>,
    %swap3A_123 = arith.constant 384 : index
    %swap3A_124 = tpu.vector_load %arg7[%swap3A_123] {strides = array<i32>} : memref<512xf32, #tpu.memory_space<vmem>>, vector<16xf32>,
    tpu.vector_store %arg7[%swap3A_123], %gather3A_122 {strides = array<i32>} : memref<512xf32, #tpu.memory_space<vmem>>, vector<16xf32>,
    %get3A_125 = arith.constant 400 : index
    %get3A_126 = tpu.vector_load %arg6[%get3A_125] {strides = array<i32>} : memref<512xi32, #tpu.memory_space<vmem>>, vector<16xi32>,
    %gather3A_127 = tpu.vector_load_idx %arg5[%get3A_126] : memref<23552xf32, #tpu.memory_space<vmem>>[vector<16xi32>], vector<16xf32>,
    %swap3A_128 = arith.constant 400 : index
    %swap3A_129 = tpu.vector_load %arg7[%swap3A_128] {strides = array<i32>} : memref<512xf32, #tpu.memory_space<vmem>>, vector<16xf32>,
    tpu.vector_store %arg7[%swap3A_128], %gather3A_127 {strides = array<i32>} : memref<512xf32, #tpu.memory_space<vmem>>, vector<16xf32>,
    %get3A_130 = arith.constant 416 : index
    %get3A_131 = tpu.vector_load %arg6[%get3A_130] {strides = array<i32>} : memref<512xi32, #tpu.memory_space<vmem>>, vector<16xi32>,
    %gather3A_132 = tpu.vector_load_idx %arg5[%get3A_131] : memref<23552xf32, #tpu.memory_space<vmem>>[vector<16xi32>], vector<16xf32>,
    %swap3A_133 = arith.constant 416 : index
    %swap3A_134 = tpu.vector_load %arg7[%swap3A_133] {strides = array<i32>} : memref<512xf32, #tpu.memory_space<vmem>>, vector<16xf32>,
    tpu.vector_store %arg7[%swap3A_133], %gather3A_132 {strides = array<i32>} : memref<512xf32, #tpu.memory_space<vmem>>, vector<16xf32>,
    %get3A_135 = arith.constant 432 : index
    %get3A_136 = tpu.vector_load %arg6[%get3A_135] {strides = array<i32>} : memref<512xi32, #tpu.memory_space<vmem>>, vector<16xi32>,
    %gather3A_137 = tpu.vector_load_idx %arg5[%get3A_136] : memref<23552xf32, #tpu.memory_space<vmem>>[vector<16xi32>], vector<16xf32>,
    %swap3A_138 = arith.constant 432 : index
    %swap3A_139 = tpu.vector_load %arg7[%swap3A_138] {strides = array<i32>} : memref<512xf32, #tpu.memory_space<vmem>>, vector<16xf32>,
    tpu.vector_store %arg7[%swap3A_138], %gather3A_137 {strides = array<i32>} : memref<512xf32, #tpu.memory_space<vmem>>, vector<16xf32>,
    %get3A_140 = arith.constant 448 : index
    %get3A_141 = tpu.vector_load %arg6[%get3A_140] {strides = array<i32>} : memref<512xi32, #tpu.memory_space<vmem>>, vector<16xi32>,
    %gather3A_142 = tpu.vector_load_idx %arg5[%get3A_141] : memref<23552xf32, #tpu.memory_space<vmem>>[vector<16xi32>], vector<16xf32>,
    %swap3A_143 = arith.constant 448 : index
    %swap3A_144 = tpu.vector_load %arg7[%swap3A_143] {strides = array<i32>} : memref<512xf32, #tpu.memory_space<vmem>>, vector<16xf32>,
    tpu.vector_store %arg7[%swap3A_143], %gather3A_142 {strides = array<i32>} : memref<512xf32, #tpu.memory_space<vmem>>, vector<16xf32>,
    %get3A_145 = arith.constant 464 : index
    %get3A_146 = tpu.vector_load %arg6[%get3A_145] {strides = array<i32>} : memref<512xi32, #tpu.memory_space<vmem>>, vector<16xi32>,
    %gather3A_147 = tpu.vector_load_idx %arg5[%get3A_146] : memref<23552xf32, #tpu.memory_space<vmem>>[vector<16xi32>], vector<16xf32>,
    %swap3A_148 = arith.constant 464 : index
    %swap3A_149 = tpu.vector_load %arg7[%swap3A_148] {strides = array<i32>} : memref<512xf32, #tpu.memory_space<vmem>>, vector<16xf32>,
    tpu.vector_store %arg7[%swap3A_148], %gather3A_147 {strides = array<i32>} : memref<512xf32, #tpu.memory_space<vmem>>, vector<16xf32>,
    %get3A_150 = arith.constant 480 : index
    %get3A_151 = tpu.vector_load %arg6[%get3A_150] {strides = array<i32>} : memref<512xi32, #tpu.memory_space<vmem>>, vector<16xi32>,
    %gather3A_152 = tpu.vector_load_idx %arg5[%get3A_151] : memref<23552xf32, #tpu.memory_space<vmem>>[vector<16xi32>], vector<16xf32>,
    %swap3A_153 = arith.constant 480 : index
    %swap3A_154 = tpu.vector_load %arg7[%swap3A_153] {strides = array<i32>} : memref<512xf32, #tpu.memory_space<vmem>>, vector<16xf32>,
    tpu.vector_store %arg7[%swap3A_153], %gather3A_152 {strides = array<i32>} : memref<512xf32, #tpu.memory_space<vmem>>, vector<16xf32>,
    %get3A_155 = arith.constant 496 : index
    %get3A_156 = tpu.vector_load %arg6[%get3A_155] {strides = array<i32>} : memref<512xi32, #tpu.memory_space<vmem>>, vector<16xi32>,
    %gather3A_157 = tpu.vector_load_idx %arg5[%get3A_156] : memref<23552xf32, #tpu.memory_space<vmem>>[vector<16xi32>], vector<16xf32>,
    %swap3A_158 = arith.constant 496 : index
    %swap3A_159 = tpu.vector_load %arg7[%swap3A_158] {strides = array<i32>} : memref<512xf32, #tpu.memory_space<vmem>>, vector<16xf32>,
    tpu.vector_store %arg7[%swap3A_158], %gather3A_157 {strides = array<i32>} : memref<512xf32, #tpu.memory_space<vmem>>, vector<16xf32>,
    "tpu.region"() ({
      %run_scoped3A = tpu.sem_alloc : memref<!tpu.dma_semaphore, #tpu.memory_space<semaphore_mem>>
      %dma_start3A = tpu.memref_slice %arg4[%mul3A_2] : memref<16384xf32, #tpu.memory_space<hbm>> -> memref<512xf32, #tpu.memory_space<hbm>>
      %dma_start3A_160 = tpu.memref_slice %arg4[%mul3A_2] : memref<16384xf32, #tpu.memory_space<hbm>> -> memref<512xf32, #tpu.memory_space<hbm>>
      tpu.enqueue_dma source(%arg7 : memref<512xf32, #tpu.memory_space<vmem>>) target(%dma_start3A_160 : memref<512xf32, #tpu.memory_space<hbm>>) target_semaphore(%run_scoped3A : memref<!tpu.dma_semaphore, #tpu.memory_space<semaphore_mem>>)
      %dma_wait3A = tpu.memref_slice %arg4[%mul3A_2] : memref<16384xf32, #tpu.memory_space<hbm>> -> memref<512xf32, #tpu.memory_space<hbm>>
      %dma_wait3A_161 = tpu.memref_slice %arg4[%mul3A_2] : memref<16384xf32, #tpu.memory_space<hbm>> -> memref<512xf32, #tpu.memory_space<hbm>>
      tpu.wait_dma2 semaphore(%run_scoped3A : memref<!tpu.dma_semaphore, #tpu.memory_space<semaphore_mem>>) src(%arg7 : memref<512xf32, #tpu.memory_space<vmem>>) dst(%dma_wait3A_161 : memref<512xf32, #tpu.memory_space<hbm>>)
      tpu.yield
    }) : () -> ()
    return
  }
}

module attributes {stable_mosaic.version = 14 : i64} {
  func.func @_mlp_body(%arg0: i32, %arg1: memref<23xi32, #tpu.memory_space<smem>>, %arg2: memref<1024x512xi32, #tpu.memory_space<vmem>>, %arg3: memref<1x512x512xf32, #tpu.memory_space<vmem>>, %arg4: memref<1x512x512xf32, #tpu.memory_space<vmem>>, %arg5: memref<1x1x512xf32, #tpu.memory_space<vmem>>, %arg6: memref<1x512x512xf32, #tpu.memory_space<vmem>>, %arg7: memref<1x1x512xf32, #tpu.memory_space<vmem>>, %arg8: memref<1x1x512xf32, #tpu.memory_space<vmem>>, %arg9: memref<1x1x1xf32, #tpu.memory_space<vmem>>, %arg10: memref<1x1024x1xf32, #tpu.memory_space<vmem>>) attributes {dimension_semantics = [#tpu.dimension_semantics<arbitrary>], iteration_bounds = array<i64: 23>, scalar_prefetch = 1 : i64, scratch_operands = 0 : i64, tpu.core_type = #tpu.core_type<tc>, window_params = [{transform_indices = @transform_0, window_bounds = array<i64: 1024, 512>}, {transform_indices = @transform_1, window_bounds = array<i64: 1, 512, 512>}, {transform_indices = @transform_2, window_bounds = array<i64: 1, 512, 512>}, {transform_indices = @transform_3, window_bounds = array<i64: 1, 1, 512>}, {transform_indices = @transform_4, window_bounds = array<i64: 1, 512, 512>}, {transform_indices = @transform_5, window_bounds = array<i64: 1, 1, 512>}, {transform_indices = @transform_6, window_bounds = array<i64: 1, 1, 512>}, {transform_indices = @transform_7, window_bounds = array<i64: 1, 1, 1>}, {transform_indices = @transform_8, window_bounds = array<i64: 1, 1024, 1>}]} {
    %get3A = arith.constant 0 : index
    %get3A_0 = arith.constant 0 : index
    %get3A_1 = vector.load %arg2[%get3A, %get3A_0] : memref<1024x512xi32, #tpu.memory_space<vmem>>, vector<1024x512xi32>
    %shift_left3A = arith.constant 16 : i32
    %shift_left3A_2 = vector.broadcast %shift_left3A : i32 to vector<1024x512xi32>
    %shift_left3A_3 = arith.shli %get3A_1, %shift_left3A_2 : vector<1024x512xi32>
    %bitcast_convert_type3A = tpu.bitcast %shift_left3A_3 : vector<1024x512xi32> -> vector<1024x512xf32>
    %and3A = arith.constant -65536 : i32
    %and3A_4 = vector.broadcast %and3A : i32 to vector<1024x512xi32>
    %and3A_5 = arith.andi %get3A_1, %and3A_4 : vector<1024x512xi32>
    %bitcast_convert_type3A_6 = tpu.bitcast %and3A_5 : vector<1024x512xi32> -> vector<1024x512xf32>
    %get3A_7 = arith.constant 0 : index
    %get3A_8 = arith.constant 0 : index
    %get3A_9 = arith.constant 0 : index
    %get3A_10 = vector.load %arg3[%get3A_7, %get3A_8, %get3A_9] : memref<1x512x512xf32, #tpu.memory_space<vmem>>, vector<1x512x512xf32>
    %get3A_11 = vector.shape_cast %get3A_10 : vector<1x512x512xf32> to vector<512x512xf32>
    %dot_general3A = arith.constant dense<0.000000e+00> : vector<1024x512xf32>
    %dot_general3A_12 = tpu.matmul %bitcast_convert_type3A, %get3A_11, %dot_general3A {dimension_numbers = #tpu.dot_dimension_numbers<[1], [0], [0], [1], [0, 0, 1, 1], [], []>, transpose_lhs_hint = false} : vector<1024x512xf32>, vector<512x512xf32>, vector<1024x512xf32> -> vector<1024x512xf32>
    %get3A_13 = arith.constant 0 : index
    %get3A_14 = arith.constant 0 : index
    %get3A_15 = arith.constant 0 : index
    %get3A_16 = vector.load %arg4[%get3A_13, %get3A_14, %get3A_15] : memref<1x512x512xf32, #tpu.memory_space<vmem>>, vector<1x512x512xf32>
    %get3A_17 = vector.shape_cast %get3A_16 : vector<1x512x512xf32> to vector<512x512xf32>
    %dot_general3A_18 = arith.constant dense<0.000000e+00> : vector<1024x512xf32>
    %dot_general3A_19 = tpu.matmul %bitcast_convert_type3A_6, %get3A_17, %dot_general3A_18 {dimension_numbers = #tpu.dot_dimension_numbers<[1], [0], [0], [1], [0, 0, 1, 1], [], []>, transpose_lhs_hint = false} : vector<1024x512xf32>, vector<512x512xf32>, vector<1024x512xf32> -> vector<1024x512xf32>
    %add3A = arith.addf %dot_general3A_12, %dot_general3A_19 : vector<1024x512xf32>
    %get3A_20 = arith.constant 0 : index
    %get3A_21 = arith.constant 0 : index
    %get3A_22 = arith.constant 0 : index
    %get3A_23 = vector.load %arg5[%get3A_20, %get3A_21, %get3A_22] : memref<1x1x512xf32, #tpu.memory_space<vmem>>, vector<1x1x512xf32>
    %get3A_24 = vector.shape_cast %get3A_23 : vector<1x1x512xf32> to vector<1x512xf32>
    %add3A_25 = vector.broadcast %get3A_24 : vector<1x512xf32> to vector<1024x512xf32>
    %add3A_26 = arith.addf %add3A, %add3A_25 : vector<1024x512xf32>
    %tanh3A = math.tanh %add3A_26 : vector<1024x512xf32>
    %get3A_27 = arith.constant 0 : index
    %get3A_28 = arith.constant 0 : index
    %get3A_29 = arith.constant 0 : index
    %get3A_30 = vector.load %arg6[%get3A_27, %get3A_28, %get3A_29] : memref<1x512x512xf32, #tpu.memory_space<vmem>>, vector<1x512x512xf32>
    %get3A_31 = vector.shape_cast %get3A_30 : vector<1x512x512xf32> to vector<512x512xf32>
    %dot_general3A_32 = arith.constant dense<0.000000e+00> : vector<1024x512xf32>
    %dot_general3A_33 = tpu.matmul %tanh3A, %get3A_31, %dot_general3A_32 {dimension_numbers = #tpu.dot_dimension_numbers<[1], [0], [0], [1], [0, 0, 1, 1], [], []>, transpose_lhs_hint = false} : vector<1024x512xf32>, vector<512x512xf32>, vector<1024x512xf32> -> vector<1024x512xf32>
    %get3A_34 = arith.constant 0 : index
    %get3A_35 = arith.constant 0 : index
    %get3A_36 = arith.constant 0 : index
    %get3A_37 = vector.load %arg7[%get3A_34, %get3A_35, %get3A_36] : memref<1x1x512xf32, #tpu.memory_space<vmem>>, vector<1x1x512xf32>
    %get3A_38 = vector.shape_cast %get3A_37 : vector<1x1x512xf32> to vector<1x512xf32>
    %add3A_39 = vector.broadcast %get3A_38 : vector<1x512xf32> to vector<1024x512xf32>
    %add3A_40 = arith.addf %dot_general3A_33, %add3A_39 : vector<1024x512xf32>
    %tanh3A_41 = math.tanh %add3A_40 : vector<1024x512xf32>
    %get3A_42 = arith.constant 0 : index
    %get3A_43 = arith.constant 0 : index
    %get3A_44 = arith.constant 0 : index
    %get3A_45 = vector.load %arg8[%get3A_42, %get3A_43, %get3A_44] : memref<1x1x512xf32, #tpu.memory_space<vmem>>, vector<1x1x512xf32>
    %get3A_46 = vector.shape_cast %get3A_45 : vector<1x1x512xf32> to vector<1x512xf32>
    %mul3A = vector.broadcast %get3A_46 : vector<1x512xf32> to vector<1024x512xf32>
    %mul3A_47 = arith.mulf %tanh3A_41, %mul3A : vector<1024x512xf32>
    %reduce_sum3A = arith.constant dense<0.000000e+00> : vector<1024xf32>
    %reduce_sum3A_48 = vector.multi_reduction <add>, %mul3A_47, %reduce_sum3A [1] : vector<1024x512xf32> to vector<1024xf32>
    %broadcast_in_dim3A = vector.shape_cast %reduce_sum3A_48 : vector<1024xf32> to vector<1024x1xf32>
    %get3A_49 = arith.constant 0 : index
    %get3A_50 = arith.constant 0 : index
    %get3A_51 = arith.constant 0 : index
    %get3A_52 = vector.load %arg9[%get3A_49, %get3A_50, %get3A_51] : memref<1x1x1xf32, #tpu.memory_space<vmem>>, vector<1x1x1xf32>
    %get3A_53 = vector.shape_cast %get3A_52 : vector<1x1x1xf32> to vector<1x1xf32>
    %add3A_54 = vector.broadcast %get3A_53 : vector<1x1xf32> to vector<1024x1xf32>
    %add3A_55 = arith.addf %broadcast_in_dim3A, %add3A_54 : vector<1024x1xf32>
    %swap3A = arith.constant 0 : index
    %swap3A_56 = arith.constant 0 : index
    %swap3A_57 = arith.constant 0 : index
    %swap3A_58 = vector.load %arg10[%swap3A, %swap3A_56, %swap3A_57] : memref<1x1024x1xf32, #tpu.memory_space<vmem>>, vector<1x1024x1xf32>
    %swap3A_59 = vector.shape_cast %swap3A_58 : vector<1x1024x1xf32> to vector<1024x1xf32>
    %swap3A_60 = vector.shape_cast %add3A_55 : vector<1024x1xf32> to vector<1x1024x1xf32>
    tpu.vector_store %arg10[%swap3A, %swap3A_56, %swap3A_57], %swap3A_60 {strides = array<i32>} : memref<1x1024x1xf32, #tpu.memory_space<vmem>>, vector<1x1024x1xf32>,
    return
  }
  func.func @transform_0(%arg0: i32, %arg1: memref<23xi32, #tpu.memory_space<smem>>) -> (i32, i32) {
    %c0_i32 = arith.constant 0 : i32
    %c0_i32_0 = arith.constant 0 : i32
    return %arg0, %c0_i32 : i32, i32
  }
  func.func @transform_1(%arg0: i32, %arg1: memref<23xi32, #tpu.memory_space<smem>>) -> (i32, i32, i32) {
    %get3A = arith.index_cast %arg0 : i32 to index
    %get3A_0 = memref.load %arg1[%get3A] : memref<23xi32, #tpu.memory_space<smem>>
    %c0_i32 = arith.constant 0 : i32
    %c0_i32_1 = arith.constant 0 : i32
    %c0_i32_2 = arith.constant 0 : i32
    return %get3A_0, %c0_i32, %c0_i32_1 : i32, i32, i32
  }
  func.func @transform_2(%arg0: i32, %arg1: memref<23xi32, #tpu.memory_space<smem>>) -> (i32, i32, i32) {
    %get3A = arith.index_cast %arg0 : i32 to index
    %get3A_0 = memref.load %arg1[%get3A] : memref<23xi32, #tpu.memory_space<smem>>
    %c1_i32 = arith.constant 1 : i32
    %c0_i32 = arith.constant 0 : i32
    %c0_i32_1 = arith.constant 0 : i32
    return %get3A_0, %c1_i32, %c0_i32 : i32, i32, i32
  }
  func.func @transform_3(%arg0: i32, %arg1: memref<23xi32, #tpu.memory_space<smem>>) -> (i32, i32, i32) {
    %get3A = arith.index_cast %arg0 : i32 to index
    %get3A_0 = memref.load %arg1[%get3A] : memref<23xi32, #tpu.memory_space<smem>>
    %c0_i32 = arith.constant 0 : i32
    %c0_i32_1 = arith.constant 0 : i32
    %c0_i32_2 = arith.constant 0 : i32
    return %get3A_0, %c0_i32, %c0_i32_1 : i32, i32, i32
  }
  func.func @transform_4(%arg0: i32, %arg1: memref<23xi32, #tpu.memory_space<smem>>) -> (i32, i32, i32) {
    %get3A = arith.index_cast %arg0 : i32 to index
    %get3A_0 = memref.load %arg1[%get3A] : memref<23xi32, #tpu.memory_space<smem>>
    %c0_i32 = arith.constant 0 : i32
    %c0_i32_1 = arith.constant 0 : i32
    %c0_i32_2 = arith.constant 0 : i32
    return %get3A_0, %c0_i32, %c0_i32_1 : i32, i32, i32
  }
  func.func @transform_5(%arg0: i32, %arg1: memref<23xi32, #tpu.memory_space<smem>>) -> (i32, i32, i32) {
    %get3A = arith.index_cast %arg0 : i32 to index
    %get3A_0 = memref.load %arg1[%get3A] : memref<23xi32, #tpu.memory_space<smem>>
    %c0_i32 = arith.constant 0 : i32
    %c0_i32_1 = arith.constant 0 : i32
    %c0_i32_2 = arith.constant 0 : i32
    return %get3A_0, %c0_i32, %c0_i32_1 : i32, i32, i32
  }
  func.func @transform_6(%arg0: i32, %arg1: memref<23xi32, #tpu.memory_space<smem>>) -> (i32, i32, i32) {
    %get3A = arith.index_cast %arg0 : i32 to index
    %get3A_0 = memref.load %arg1[%get3A] : memref<23xi32, #tpu.memory_space<smem>>
    %c0_i32 = arith.constant 0 : i32
    %c0_i32_1 = arith.constant 0 : i32
    %c0_i32_2 = arith.constant 0 : i32
    return %get3A_0, %c0_i32, %c0_i32_1 : i32, i32, i32
  }
  func.func @transform_7(%arg0: i32, %arg1: memref<23xi32, #tpu.memory_space<smem>>) -> (i32, i32, i32) {
    %get3A = arith.index_cast %arg0 : i32 to index
    %get3A_0 = memref.load %arg1[%get3A] : memref<23xi32, #tpu.memory_space<smem>>
    %c0_i32 = arith.constant 0 : i32
    %c0_i32_1 = arith.constant 0 : i32
    %c0_i32_2 = arith.constant 0 : i32
    return %get3A_0, %c0_i32, %c0_i32_1 : i32, i32, i32
  }
  func.func @transform_8(%arg0: i32, %arg1: memref<23xi32, #tpu.memory_space<smem>>) -> (i32, i32, i32) {
    %c0_i32 = arith.constant 0 : i32
    %c0_i32_0 = arith.constant 0 : i32
    %c0_i32_1 = arith.constant 0 : i32
    return %arg0, %c0_i32, %c0_i32_0 : i32, i32, i32
  }
}

</mosaic_0001>

<sc_bundles>
// kernel: kernel.5.cloned.1.call-start
scs
__scs_entry_jumppad:
0x0: {  	(pc) =	sbr.rel $0x88, $3  }
0x1: {  	(tag) =	ssettag $0x0;
	lr =	simm.s32 $0x1  }
0x2: {  	[smem:$0x3F99] =	sst lr;
	_ =	strace $0xD0000000  }
0x3: {  	_ = 	snop  }
0x4: {  	_ = 	snop  }
0x5: {  	_ = 	snop  }
0x6: {  	_ = 	snop  }
0x7: {  	_ = 	snop  }
__scs_overlays_trampoline_lowered:
0x8: {  	[smem:$0x3FA8] =	sst s0  }
0x9: {  	[smem:$0x3FA9] =	sst s1  }
0xa: {  	[smem:$0x3FAA] =	sst s2  }
0xb: {  	[smem:$0x3FAB] =	sst s3  }
0xc: {  	[smem:$0x3FAC] =	sst s4  }
0xd: {  	[smem:$0x3FAD] =	sst s5  }
0xe: {  	[smem:$0x3FAE] =	sst s6  }
0xf: {  	[smem:$0x3FAF] =	sst s7  }
0x10: {  	[smem:$0x3FB0] =	sst s8  }
0x11: {  	[smem:$0x3FB1] =	sst s9;
	s0 =	simm.s32 @!p0 $0x0  }
0x12: {  	s1 =	sld [smem:$0x3F97];
	s0 =	simm.s32 @p0 $0x1  }
0x13: {  	[smem:$0x3FB2] =	sst s0;
	s0 =	simm.s32 @!p1 $0x0  }
0x14: {  	s2 =	sld [smem:$0x3F96];
	s0 =	simm.s32 @p1 $0x1  }
0x15: {  	[smem:$0x3FB3] =	sst s0;
	s0 =	simm.s32 @!p2 $0x0  }
0x16: {  	s3 =	sld [smem:$0x3FDB];
	s0 =	simm.s32 @p2 $0x1  }
0x17: {  	s4 =	simm.s32 $0x1BF5;
	[smem:$0x3FB5] =	sst s0  }
0x18: {  	s0 =	sld [smem:$0x3F98];
	_ =	swait.ge [sflag:s4], $0x0  }
0x19: {  	s7 =	sld [smem:$0x3F99]  }
0x1a: {  	s8 =	sadd.s32 $0xFFFFE003, lr  }
0x1b: {  	s9 =	sadd.s32 $0xFFFFFEF7, lr;
	s5 =	simm.s32 $0xFFFFFFFF;
	p2 =	slt.u32 s8, $0xFFFFF086  }
0x1c: {  	p1 =	slt.u32 s9, $0xF7A;
	s5 =	simm.s32 @!p2 $0x0  }
0x1d: {  	s5 =	simm.s32 @p1 $0x1;
	p0 =	seq.s32 s7, s2  }
0x1e: {  	s7 =	smul.u32 @!p0 $0xF7A, s2;
	p2 =	seq.s32 @!p0 s5, $0x0  }
0x1f: {  	s9 =	smul.u32 $0xF7A, s1;
	s8 =	simm.s32 @!p0 $0x1BF5;
	p2 =	por !p2, p0  }
0x20: {  	[sflag:s8] =	ssyncset.s32 @!p0 $0xFFFFF086;
	s6 =	sadd.s32 @!p0 s3, s7;
	s7 =	simm.s32 @!p0 $0x108  }
0x21: {  	s3 =	sadd.s32 s3, s9;
	s6 =	sadd.s32 @!p0 $0x88, s6;
	s7 =	simm.s32 @p2 $0x1082  }
0x22: {  	[simem:s7], [sflag:s8] =	dma.local @!p0 [hbm:s6], $0xF7A  }
0x23: {  	s9 =	sor.u32 $0xD0000000, s2;
	s6 =	simm.s32 $0x108;
	_ =	swait.ge @!p0 [sflag:s8], $0x0  }
0x24: {  	s3 =	sadd.s32 $0x88, s3;
	s6 =	simm.s32 @!p1 $0x1082;
	[sflag:s4] =	ssyncset.s32 $0xFFFFF086  }
0x25: {  	[simem:s6], [sflag:s4] =	dma.local [hbm:s3], $0xF7A  }
0x26: {  	[smem:$0x3F99] =	sst s1;
	(tag) =	ssettag s2;
	_ =	strace s9  }
0x27: {  	s1 =	sld [smem:$0x3FA9]  }
0x28: {  	s2 =	sld [smem:$0x3FAA]  }
0x29: {  	s4 =	sld [smem:$0x3FAC]  }
0x2a: {  	p0 =	seq.s32 s5, $0x0;
	s5 =	sld [smem:$0x3FAD]  }
0x2b: {  	s6 =	sld [smem:$0x3FAE]  }
0x2c: {  	s7 =	sld [smem:$0x3FAF]  }
0x2d: {  	s3 =	simm.s32 $0x108;
	s8 =	sld [smem:$0x3FB0]  }
0x2e: {  	s3 =	simm.s32 @!p0 $0x1082;
	s9 =	sld [smem:$0x3FB1]  }
0x2f: {  	lr =	sadd.s32 s0, s3;
	s0 =	sld [smem:$0x3FA8]  }
0x30: {  	s3 =	sld [smem:$0x3FAB]  }
0x31: {  	[smem:$0x3FB4] =	sst s10  }
0x32: {  	s10 =	sld [smem:$0x3FB2];
	_ =	sdelay $0x3  }
0x33: {  	p0 =	seq.s32 s10, $0x1;
	s10 =	sld [smem:$0x3FB4];
	_ =	sdelay $0x3  }
0x34: {  	[smem:$0x3FB4] =	sst s10  }
0x35: {  	s10 =	sld [smem:$0x3FB3];
	_ =	sdelay $0x3  }
0x36: {  	p1 =	seq.s32 s10, $0x1;
	s10 =	sld [smem:$0x3FB4];
	_ =	sdelay $0x3  }
0x37: {  	[smem:$0x3FB4] =	sst s10  }
0x38: {  	s10 =	sld [smem:$0x3FB5]  }
0x39: {  	_ = 	snop;
	(pc) =	sbr.ind lr, $3  }
0x3a: {  	_ = 	snop  }
0x3b: {  	_ = 	snop  }
0x3c: {  	p2 =	seq.s32 s10, $0x1;
	s10 =	sld [smem:$0x3FB4]  }
0x3d: {  	_ =	shalt  }
0x3e: {  	_ =	shalt  }
0x3f: {  	_ =	shalt  }
0x40: {  	_ =	shalt  }
0x41: {  	_ =	shalt  }
0x42: {  	_ =	shalt  }
0x43: {  	_ =	shalt  }
0x44: {  	_ =	shalt  }
0x45: {  	_ =	shalt  }
0x46: {  	_ =	shalt  }
0x47: {  	_ =	shalt  }
0x48: {  	_ =	shalt  }
0x49: {  	_ =	shalt  }
0x4a: {  	_ =	shalt  }
0x4b: {  	_ =	shalt  }
0x4c: {  	_ =	shalt  }
0x4d: {  	_ =	shalt  }
0x4e: {  	_ =	shalt  }
0x4f: {  	_ =	shalt  }
0x50: {  	_ =	shalt  }
0x51: {  	_ =	shalt  }
0x52: {  	_ =	shalt  }
0x53: {  	_ =	shalt  }
0x54: {  	_ =	shalt  }
0x55: {  	_ =	shalt  }
0x56: {  	_ =	shalt  }
0x57: {  	_ =	shalt  }
0x58: {  	_ =	shalt  }
0x59: {  	_ =	shalt  }
0x5a: {  	_ =	shalt  }
0x5b: {  	_ =	shalt  }
0x5c: {  	_ =	shalt  }
0x5d: {  	_ =	shalt  }
0x5e: {  	_ =	shalt  }
0x5f: {  	_ =	shalt  }
0x60: {  	_ =	shalt  }
0x61: {  	_ =	shalt  }
0x62: {  	_ =	shalt  }
0x63: {  	_ =	shalt  }
0x64: {  	_ =	shalt  }
0x65: {  	_ =	shalt  }
0x66: {  	_ =	shalt  }
0x67: {  	_ =	shalt  }
0x68: {  	_ =	shalt  }
0x69: {  	_ =	shalt  }
0x6a: {  	_ =	shalt  }
0x6b: {  	_ =	shalt  }
0x6c: {  	_ =	shalt  }
0x6d: {  	_ =	shalt  }
0x6e: {  	_ =	shalt  }
0x6f: {  	_ =	shalt  }
0x70: {  	_ =	shalt  }
0x71: {  	_ =	shalt  }
0x72: {  	_ =	shalt  }
0x73: {  	_ =	shalt  }
0x74: {  	_ =	shalt  }
0x75: {  	_ =	shalt  }
0x76: {  	_ =	shalt  }
0x77: {  	_ =	shalt  }
0x78: {  	_ =	shalt  }
0x79: {  	_ =	shalt  }
0x7a: {  	_ =	shalt  }
0x7b: {  	_ =	shalt  }
0x7c: {  	_ =	shalt  }
0x7d: {  	_ =	shalt  }
0x7e: {  	_ =	shalt  }
0x7f: {  	_ =	shalt  }
0x80: {  	_ =	shalt  }
0x81: {  	_ =	shalt  }
0x82: {  	_ =	shalt  }
0x83: {  	_ =	shalt  }
0x84: {  	_ =	shalt  }
0x85: {  	_ =	shalt  }
0x86: {  	_ =	shalt  }
0x87: {  	_ =	shalt  }
.Lfunc_end0:
.L_simem_size_0:
called_computation_lowered:
.L_overlay_start_0:
0x88: {  	s2 =	sld [smem:$0x3FD9]  }
0x89: {  	s3 =	sld [smem:$0x3FFE];
	_ =	sdelay $0x1  }
0x8a: {  	s1 =	srdreg.scid  }
0x8b: {  	s0 =	sand.u32 $0x1, s1  }
0x8c: {  	s17 =	sshll.u32 s0, $0xA;
	s2 =	sadd.s32 s3, s2  }
0x8d: {  	s2 =	sadd.s32 s2, s17  }
0x8e: {  	[smem:$0x3FC0] =	sst s2  }
0x8f: {  	_ = 	snop  }
0x90: {  	s2 =	sld [smem:$0x3FC9];
	(tm) =	ssettm $0x1  }
0x91: {  	s18 =	sld [smem:$0x3FFB];
	_ =	sdelay $0x3  }
0x92: {  	_ =	strace s18  }
0x93: {  	s3 =	sld [smem:$0x3FFC];
	_ =	sdelay $0x3  }
0x94: {  	_ =	strace s3  }
0x95: {  	s3 =	sld [smem:$0x3FFD];
	_ =	sdelay $0x3  }
0x96: {  	_ =	strace s3  }
0x97: {  	_ =	strace $0x8FFFFFFF  }
0x98: {  	s19 =	sld [smem:$0x3FDB];
	_ =	sdelay $0x1  }
0x99: {  	s4 =	simm.s32 $_scs_section_size  }
0x9a: {  	s5 =	simm.s32 $_size__tile_overlayer_lowered;
	s6 =	simm.s32 $_tile_overlayer_lowered  }
0x9b: {  	s22 =	simm.s32 $0x1BFF;
	s21 =	sshll.u32 s6, $0x1;
	s3 =	sadd.s32 s4, s19  }
0x9c: {  	s7 =	simm.s32 $0x0;
	s20 =	sshll.u32 s5, $0x1;
	s5 =	sadd.s32 s21, s3  }
0x9d: {  	[timem:s7], [sflag:s22] =	dma.local [hbm:s5], s20  }
0x9e: {  	_ =	swait.ge [sflag:s22], s20  }
0x9f: {  	s4 =	ssub.s32 $0x0, s20;
	[sflag:s22] =	ssyncset.done $0x0  }
0xa0: {  	[sflag:s22] =	ssyncadd.s32 s4;
	_ =	sdelay $0x1  }
0xa1: {  	s23 =	simm.s32 $0x1B8B  }
0xa2: {  	_ =	swait.ge [sflag:s23], $0x1  }
0xa3: {  	[sflag:s23] =	ssyncset.done $0x0  }
0xa4: {  	s25 =	simm.s32 $0x1B8E;
	s24 =	sld [smem:$0x3FFE];
	[sflag:s23] =	ssyncadd.s32 $0xFFFFFFFF  }
0xa5: {  	s26 =	simm.s32 $execute0_lowered;
	[smem:$0x3FD2] =	sst s25  }
0xa6: {  	s5 =	sshll.u32 s26, $0x1;
	_ =	strace $0x80000046;
	[dreg:$0x1] =	wrdreg $0xFFFFFFFF  }
0xa7: {  	s28 =	simm.s32 $_size_execute0_lowered;
	s3 =	sadd.s32 s3, s5;
	[dreg:$0x0] =	wrdreg $0x0  }
0xa8: {  	s5 =	sshll.u32 s28, $0x1;
	[dreg:$0x2] =	wrdreg s3  }
0xa9: {  	[dreg:$0x3] =	wrdreg s5  }
0xaa: {  	[dreg:$0x4] =	wrdreg $0xC0  }
0xab: {  	_ =	task [dreg:s7], $0x5FFFF  }
0xac: {  	[dreg:$0x1] =	wrdreg $0xFFFFFFFF  }
0xad: {  	[dreg:$0x0] =	wrdreg $0x60  }
0xae: {  	[dreg:$0x2] =	wrdreg s2  }
0xaf: {  	[dreg:$0x3] =	wrdreg s24  }
0xb0: {  	[dreg:$0x4] =	wrdreg $0x9  }
0xb1: {  	_ =	task.clear_ibuf [dreg:s7], $0x5FFFF;
	_ =	strace $0x90000046  }
0xb2: {  	s29 =	simm.s32 $0x9;
	_ =	strace $0x80000048  }
0xb3: {  	_ =	swait.ge [sflag:s29], $0x1  }
0xb4: {  	[sflag:s29] =	ssyncadd.s32 $0xFFFFFFFF  }
0xb5: {  	_ =	strace $0x90000048  }
0xb6: {  	_ =	sfence  }
0xb7: {  	s30 =	sld [smem:$0x0];
	_ =	sdelay $0x2  }
0xb8: {  	s31 =	sshll.u32 s1, $0xD;
	s1 =	sshrl.u32 s1, $0x2  }
0xb9: {  	s3 =	sand.u32 $0x4000, s31;
	s1 =	sadd.s32 s1, s30  }
0xba: {  	s0 =	sor.u32 s3, s0;
	s1 =	sshll.u32 s1, $0x11  }
0xbb: {  	s0 =	sor.u32 s1, s0  }
0xbc: {  	s0 =	sadd.s32 $0x8F2B, s0  }
0xbd: {  	[sflag:s0] =	ssyncadd.remote.s32 $0x1  }
0xbe: {  	_ =	sfence.sel $0xFFFF  }
0xbf: {  	[dreg:$0x0] =	wrdreg $0xFFFFFFFF;
	(pc) =	sbr.abs _section_cstart, $3  }
0xc0: {  	[dreg:$0x1] =	wrdreg $0xFFFFFFFF  }
0xc1: {  	_ =	task.clear_ibuf [dreg:s7], $0x2FFFF;
	_ =	strace $0x9FFFFFFF  }
0xc2: {  	(tm) =	ssettm $0x7FFFFFFF  }
0xc3: {  	_ =	shalt  }
tec
execute0_lowered:
.L_overlay_start_1:
0x0: {  	(tag) =	ssettag $0x1  }
0x1: {  	s3 =	srdreg.scid;
	s4 =	stileid.u32  }
0x2: {  	s0 =	rddreg [dreg:$0x0];
	s3 =	sand.u32 $0x1, s3;
	s4 =	sshll.u32 s4, $0x1  }
0x3: {  	s1 =	rddreg [dreg:$0x1];
	s4 =	sor.u32 s3, s4  }
0x4: {  	s2 =	simm.s32 $0x0;
	s5 =	sshll.u32 s4, $0x8;
	s4 =	sshll.u32 s4, $0x10  }
0x5: {  	[smem:$0x7FF] =	sst s2;
	s5 =	sadd.s32 s5, s1;
	s0 =	sadd.s32 s0, s4  }
0x6: {  	_ =	strace $0x80000047;
	s15 =	sadd.s32 $0x800, s5;
	[dreg:$0x3] =	wrdreg s0  }
0x7: {  	s16 =	sadd.s32 $0x1000, s0;
	[dreg:$0x4] =	wrdreg s15  }
0x8: {  	s17 =	sadd.s32 $0x2000, s0;
	[dreg:$0x5] =	wrdreg s16  }
0x9: {  	s8 =	simm.s32 $0x2;
	s18 =	sadd.s32 $0x3000, s0;
	[dreg:$0x6] =	wrdreg s17  }
0xa: {  	s9 =	simm.s32 $0x14800;
	s19 =	sadd.s32 $0x4000, s0;
	[dreg:$0x7] =	wrdreg s18  }
0xb: {  	s10 =	simm.s32 $0x15000;
	s20 =	sadd.s32 $0x5000, s0;
	[dreg:$0x8] =	wrdreg s19  }
0xc: {  	s11 =	simm.s32 $0x15800;
	s21 =	sadd.s32 $0x6000, s0;
	[dreg:$0x9] =	wrdreg s20  }
0xd: {  	s12 =	simm.s32 $0x16000;
	s22 =	sadd.s32 $0x7000, s0;
	[dreg:$0xa] =	wrdreg s21  }
0xe: {  	s13 =	simm.s32 $0x16800;
	s23 =	sadd.s32 $0x8000, s0;
	[dreg:$0xb] =	wrdreg s22  }
0xf: {  	s14 =	simm.s32 $0x17000;
	s24 =	sadd.s32 $0x9000, s0;
	[dreg:$0xc] =	wrdreg s23  }
0x10: {  	s6 =	ssub.s32 $0x2, s3;
	s25 =	sadd.s32 $0xA000, s0;
	[dreg:$0xd] =	wrdreg s24  }
0x11: {  	s3 =	sadd.s32 $0x2800, s1;
	s26 =	sadd.s32 $0xB000, s0;
	[dreg:$0xe] =	wrdreg s25  }
0x12: {  	s7 =	sshrl.u32 s6, $0x1;
	s28 =	sadd.s32 $0xC000, s0;
	[dreg:$0xf] =	wrdreg s26  }
0x13: {  	s6 =	ssub.s32 s6, s7;
	s29 =	sadd.s32 $0xD000, s0;
	[dreg:$0x10] =	wrdreg s28  }
0x14: {  	s7 =	sadd.s32 $0x2900, s1;
	s30 =	sadd.s32 $0xE000, s0;
	[dreg:$0x11] =	wrdreg s29  }
0x15: {  	s1 =	simm.s32 $0x13000;
	s0 =	sadd.s32 $0xF000, s0;
	[dreg:$0x12] =	wrdreg s30  }
0x16: {  	s31 =	smax.u32 s6, $0x1;
	s5 =	simm.s32 $0x13800;
	[dreg:$0x13] =	wrdreg s0  }
0x17: {  	v2 =	vlaneseq.u32;
	s6 =	simm.s32 $0x14000;
	[dreg:$0x14] =	wrdreg s31;
	s25 =	simm.s32 $0x1  }
0x18: {  	vm0 =	vmmov $0xffff;
	v1 =	vshrl.u32 v2, $0x3;
	s0 =	simm.s32 $0x12800;
	s15 =	simm.s32 $0x17800;
	s16 =	simm.s32 $0x18000  }
0x19: {  	v0 =	vand.u32 $0x7, v2;
	v2 =	vor.u32 $0x8, v2;
	v1 =	vmul.u32 $0x8, v1;
	s17 =	simm.s32 $0x3;
	s18 =	simm.s32 $0x4;
	s19 =	simm.s32 $0x0  }
.LBB2_1:
0x1a: {  	s4 =	rddreg [dreg:$0x4];
	s22 =	simm.s32 $0x5  }
0x1b: {  	[tilespmem:s2], [sflag:$0x5] =	stream.linear.gather [hbm4b:s4+s2], $0x800, $0x38;
	[tilespmem:$0x18800] =	vst v63  }
0x1c: {  	s20 =	simm.s32 $0x800;
	_ =	swait.ge [sflag:s22], $0x800  }
0x1d: {  	s26 =	simm.s32 $0x8800;
	s28 =	simm.s32 $0x0;
	[sflag:s22] =	ssyncset.done $0x0  }
0x1e: {  	s4 =	sand.u32 $0x3FFFE000, s28;
	s23 =	rddreg [dreg:$0x3];
	[sflag:s22] =	ssyncadd.s32 $0xFFFFF800  }
0x1f: {  	[tilespmem:s20], [sflag:$0x1] =	stream.linear.gather [hbm4b:s23+s2], $0x8000, $0x38;
	[tilespmem:$0x18800] =	vst v63  }
0x20: {  	s21 =	sand.u32 $0xC00, s2;
	s4 =	sor.u32 $0x800, s4;
	_ =	swait.ge [sflag:s25], $0x8000  }
0x21: {  	s29 =	simm.s32 $0x0;
	s22 =	sadd.s32 s21, s4;
	[sflag:s25] =	ssyncset.done $0x0  }
0x22: {  	s23 =	sand.u32 $0x380, s2;
	s24 =	rddreg [dreg:$0x5];
	[sflag:s25] =	ssyncadd.s32 $0xFFFF8000  }
0x23: {  	[tilespmem:s26], [sflag:$0x2] =	stream.linear.gather [hbm4b:s24+s2], $0x8000, $0x38;
	[tilespmem:$0x18800] =	vst v63  }
0x24: {  	s20 =	sor.u32 s23, s22;
	s24 =	sand.u32 $0xC00, s29  }
0x25: {  	s4 =	sadd.s32 s24, s4;
	v5 =	vld [tilespmem:s20+$0x70]  }
0x26: {  	v6 =	vld [tilespmem:s20+$0x1070];
	s4 =	sor.u32 s23, s4  }
0x27: {  	v9 =	vld [tilespmem:s4+$0x0]  }
0x28: {  	s30 =	simm.s32 $0x0;
	v10 =	vld [tilespmem:s4+$0x1000]  }
0x29: {  	s31 =	sand.u32 $0x3FFFF000, s30;
	v4 =	vld [tilespmem:s20+$0x10]  }
0x2a: {  	v7 =	vld [tilespmem:s20+$0x1010];
	s4 =	sadd.s32 $0x10800, s31  }
0x2b: {  	v3 =	vld [tilespmem:s20+$0x20];
	s21 =	sadd.s32 s21, s4  }
0x2c: {  	v8 =	vld [tilespmem:s20+$0x1020];
	s4 =	sadd.s32 s24, s4;
	s21 =	sor.u32 s23, s21;
	v5 =	vpack.i.f32.bf16 v6, v5  }
0x2d: {  	s22 =	simm.s32 $0x0;
	s4 =	sor.u32 s23, s4;
	[tilespmem:s21+$0x70] =	vst v5;
	v5 =	vld [tilespmem:s20+$0x30];
	v6 =	vpack.i.f32.bf16 v10, v9  }
0x2e: {  	s24 =	simm.s32 $0x0;
	s23 =	simm.s32 $0x0;
	[tilespmem:s4+$0x0] =	vst v6;
	v6 =	vld [tilespmem:s20+$0x1030];
	s4 =	simm.s32 $0x0  }
.LBB2_2:
0x2f: {  	s22 =	sadd.s32 $0x8, s22;
	v4 =	vpack.i.f32.bf16 v7, v4;
	v7 =	vld [tilespmem:s20+$0x40];
	s4 =	sadd.s32 $0x80, s4  }
0x30: {  	s26 =	sshll.u32 s4, $0x3;
	s28 =	sshll.u32 s22, $0x5;
	p0 =	slt.u32 s22, $0x3F8;
	[tilespmem:s21+$0x10] =	vst v4;
	v4 =	vld [tilespmem:s20+$0x1040]  }
0x31: {  	s23 =	sadd.s32 $0x400, s23;
	s26 =	sand.u32 $0xC00, s26;
	s28 =	sand.u32 $0x3FFFE000, s28;
	v3 =	vpack.i.f32.bf16 v8, v3;
	v8 =	vld [tilespmem:s20+$0x50]  }
0x32: {  	s24 =	sadd.s32 $0x20, s24;
	s29 =	sand.u32 $0xC00, s23;
	s28 =	sor.u32 $0x800, s28;
	[tilespmem:s21+$0x20] =	vst v3;
	v3 =	vld [tilespmem:s20+$0x1050]  }
0x33: {  	s30 =	sand.u32 $0x380, s24;
	s31 =	sadd.s32 s26, s28;
	s28 =	sadd.s32 s29, s28;
	v5 =	vpack.i.f32.bf16 v6, v5;
	v6 =	vld [tilespmem:s20+$0x60]  }
0x34: {  	s31 =	sor.u32 s30, s31;
	[tilespmem:s21+$0x30] =	vst v5;
	v5 =	vld [tilespmem:s20+$0x1060];
	s20 =	sor.u32 s30, s28  }
0x35: {  	v9 =	vld [tilespmem:s20+$0x70];
	v4 =	vpack.i.f32.bf16 v4, v7  }
0x36: {  	v10 =	vld [tilespmem:s20+$0x1070];
	[tilespmem:s21+$0x40] =	vst v4  }
0x37: {  	s28 =	sshll.u32 s22, $0x4;
	v11 =	vld [tilespmem:s31+$0x0];
	v3 =	vpack.i.f32.bf16 v3, v8  }
0x38: {  	s28 =	sand.u32 $0x3FFFF000, s28;
	v12 =	vld [tilespmem:s31+$0x1000];
	[tilespmem:s21+$0x50] =	vst v3  }
0x39: {  	s28 =	sadd.s32 $0x10800, s28;
	v4 =	vld [tilespmem:s20+$0x10];
	v3 =	vpack.i.f32.bf16 v5, v6  }
.Ltmp0:
0x3a: {  	s26 =	sadd.s32 s26, s28;
	s28 =	sadd.s32 s29, s28;
	v7 =	vld [tilespmem:s20+$0x1010];
	[tilespmem:s21+$0x60] =	vst v3;
	(pc) =	sbr.rel @p0 .LBB2_2-.Ltmp0, $4  }
0x3b: {  	s26 =	sor.u32 s30, s26;
	s21 =	sor.u32 s30, s28;
	v3 =	vld [tilespmem:s20+$0x20];
	v5 =	vpack.i.f32.bf16 v10, v9  }
0x3c: {  	v8 =	vld [tilespmem:s20+$0x1020];
	[tilespmem:s21+$0x70] =	vst v5  }
0x3d: {  	v6 =	vpack.i.f32.bf16 v12, v11;
	v5 =	vld [tilespmem:s20+$0x30]  }
0x3e: {  	[tilespmem:s26+$0x0] =	vst v6;
	v6 =	vld [tilespmem:s20+$0x1030]  }
0x3f: {  	v9 =	vld [tilespmem:s20+$0x40]  }
0x40: {  	v10 =	vld [tilespmem:s20+$0x1040]  }
0x41: {  	v11 =	vld [tilespmem:s20+$0x50]  }
0x42: {  	v12 =	vld [tilespmem:s20+$0x1050]  }
0x43: {  	v13 =	vld [tilespmem:s20+$0x60]  }
0x44: {  	v4 =	vpack.i.f32.bf16 v7, v4;
	v7 =	vld [tilespmem:s20+$0x1060]  }
0x45: {  	[tilespmem:s21+$0x10] =	vst v4;
	v3 =	vpack.i.f32.bf16 v8, v3  }
0x46: {  	[tilespmem:s21+$0x20] =	vst v3;
	v3 =	vpack.i.f32.bf16 v6, v5  }
0x47: {  	[tilespmem:s21+$0x30] =	vst v3;
	v3 =	vpack.i.f32.bf16 v10, v9  }
0x48: {  	[tilespmem:s21+$0x40] =	vst v3;
	v3 =	vpack.i.f32.bf16 v12, v11  }
0x49: {  	[tilespmem:s21+$0x50] =	vst v3;
	v3 =	vpack.i.f32.bf16 v7, v13  }
0x4a: {  	[tilespmem:s21+$0x60] =	vst v3  }
0x4b: {  	v3 =	vld [tilespmem:$0x0];
	_ =	sdelay $0x4  }
0x4c: {  	v4 =	vshll.u32 v3, $0x2  }
0x4d: {  	v3 =	vand.u32 $0x7, v3;
	v4 =	vand.u32 $0xFFFFFFE0, v4  }
0x4e: {  	v3 =	vor.u32 v3, v4  }
0x4f: {  	v4 =	vperm.xlane v3, v0;
	_ =	sdelay $0x1  }
0x50: {  	v4 =	vadd.s32 v1, v4;
	_ =	sdelay $0x1  }
0x51: {  	v3 =	vperm.xlane v3, v2;
	_ =	sdelay $0x1  }
0x52: {  	s20 =	simm.s32 $0x0;
	s4 =	simm.s32 $0x10800;
	v3 =	vadd.s32 v1, v3  }
0x53: {  	[hbm4b:s3+s20] =	stream.indirect_vreg.scatter [tilespmem:s4], [sflag:$0x3], $0x80, v4, vm0, $0xb8;
	[tilespmem:$0x18800] =	vst v63  }
0x54: {  	s21 =	simm.s32 $0x11000  }
0x55: {  	[hbm4b:s7+s20] =	stream.indirect_vreg.scatter [tilespmem:s21], [sflag:$0x3], $0x80, v4, vm0, $0xb8;
	[tilespmem:$0x18800] =	vst v63  }
0x56: {  	s22 =	simm.s32 $0x11800  }
0x57: {  	[hbm4b:s3+s20] =	stream.indirect_vreg.scatter [tilespmem:s22], [sflag:$0x3], $0x80, v3, vm0, $0xb8;
	[tilespmem:$0x18800] =	vst v63  }
0x58: {  	s23 =	simm.s32 $0x12000  }
0x59: {  	[hbm4b:s7+s20] =	stream.indirect_vreg.scatter [tilespmem:s23], [sflag:$0x3], $0x80, v3, vm0, $0xb8;
	[tilespmem:$0x18800] =	vst v63  }
0x5a: {  	v3 =	vld [tilespmem:$0x10];
	_ =	sdelay $0x4  }
0x5b: {  	v4 =	vshll.u32 v3, $0x2  }
0x5c: {  	v3 =	vand.u32 $0x7, v3;
	v4 =	vand.u32 $0xFFFFFFE0, v4  }
0x5d: {  	v3 =	vor.u32 v3, v4  }
0x5e: {  	v4 =	vperm.xlane v3, v0;
	_ =	sdelay $0x1  }
0x5f: {  	v4 =	vadd.s32 v1, v4;
	_ =	sdelay $0x1  }
0x60: {  	v3 =	vperm.xlane v3, v2;
	_ =	sdelay $0x1  }
0x61: {  	v3 =	vadd.s32 v1, v3  }
0x62: {  	[hbm4b:s3+s20] =	stream.indirect_vreg.scatter [tilespmem:s0], [sflag:$0x3], $0x80, v4, vm0, $0xb8;
	[tilespmem:$0x18800] =	vst v63  }
0x63: {  	_ = 	snop  }
0x64: {  	[hbm4b:s7+s20] =	stream.indirect_vreg.scatter [tilespmem:s1], [sflag:$0x3], $0x80, v4, vm0, $0xb8;
	[tilespmem:$0x18800] =	vst v63  }
0x65: {  	_ = 	snop  }
0x66: {  	[hbm4b:s3+s20] =	stream.indirect_vreg.scatter [tilespmem:s5], [sflag:$0x3], $0x80, v3, vm0, $0xb8;
	[tilespmem:$0x18800] =	vst v63  }
0x67: {  	s28 =	simm.s32 $0x0  }
0x68: {  	[hbm4b:s7+s20] =	stream.indirect_vreg.scatter [tilespmem:s6], [sflag:$0x3], $0x80, v3, vm0, $0xb8;
	[tilespmem:$0x18800] =	vst v63  }
0x69: {  	s4 =	sand.u32 $0x3FFFE000, s28;
	_ =	swait.ge [sflag:s8], $0x8000  }
0x6a: {  	s26 =	simm.s32 $0x800;
	s4 =	sadd.s32 $0x8800, s4;
	[sflag:s8] =	ssyncset.done $0x0  }
0x6b: {  	s22 =	sand.u32 $0xC00, s20;
	s24 =	rddreg [dreg:$0x6];
	[sflag:s8] =	ssyncadd.s32 $0xFFFF8000  }
0x6c: {  	[tilespmem:s26], [sflag:$0x1] =	stream.linear.gather [hbm4b:s24+s20], $0x8000, $0x38;
	[tilespmem:$0x18800] =	vst v63  }
0x6d: {  	s29 =	simm.s32 $0x0;
	s23 =	sand.u32 $0x380, s20;
	s24 =	sadd.s32 s22, s4  }
0x6e: {  	s26 =	sand.u32 $0xC00, s29;
	s21 =	sor.u32 s23, s24  }
0x6f: {  	s4 =	sadd.s32 s26, s4;
	v4 =	vld [tilespmem:s21+$0x70]  }
0x70: {  	s4 =	sor.u32 s23, s4;
	v6 =	vld [tilespmem:s21+$0x1070]  }
0x71: {  	v9 =	vld [tilespmem:s4+$0x0]  }
0x72: {  	s30 =	simm.s32 $0x0;
	v10 =	vld [tilespmem:s4+$0x1000]  }
0x73: {  	s31 =	sand.u32 $0x3FFFF000, s30;
	v5 =	vld [tilespmem:s21+$0x10]  }
0x74: {  	s22 =	sor.u32 s22, s31;
	v8 =	vld [tilespmem:s21+$0x1010]  }
0x75: {  	s22 =	sor.u32 s23, s22;
	v3 =	vld [tilespmem:s21+$0x20]  }
0x76: {  	s22 =	sadd.s32 $0x10800, s22;
	v7 =	vld [tilespmem:s21+$0x1020];
	s4 =	sor.u32 s26, s31;
	v4 =	vpack.i.f32.bf16 v6, v4  }
0x77: {  	s23 =	sor.u32 s23, s4;
	[tilespmem:s22+$0x4070] =	vst v4;
	v6 =	vpack.i.f32.bf16 v10, v9;
	v4 =	vld [tilespmem:s21+$0x30]  }
0x78: {  	s24 =	simm.s32 $0x0;
	s4 =	simm.s32 $0x0;
	[tilespmem:s23+$0x14800] =	vst v6;
	v6 =	vld [tilespmem:s21+$0x1030];
	s23 =	simm.s32 $0x0  }
.LBB2_4:
0x79: {  	s4 =	sadd.s32 $0x8, s4;
	v5 =	vpack.i.f32.bf16 v8, v5;
	v8 =	vld [tilespmem:s21+$0x40];
	s20 =	sadd.s32 $0x80, s20  }
0x7a: {  	s26 =	sshll.u32 s20, $0x3;
	s28 =	sshll.u32 s4, $0x5;
	p0 =	slt.u32 s4, $0x3F8;
	[tilespmem:s22+$0x4010] =	vst v5;
	v5 =	vld [tilespmem:s21+$0x1040]  }
0x7b: {  	s23 =	sadd.s32 $0x400, s23;
	s26 =	sand.u32 $0xC00, s26;
	s28 =	sand.u32 $0x3FFFE000, s28;
	v3 =	vpack.i.f32.bf16 v7, v3;
	v7 =	vld [tilespmem:s21+$0x50]  }
0x7c: {  	s24 =	sadd.s32 $0x20, s24;
	s29 =	sand.u32 $0xC00, s23;
	s28 =	sadd.s32 $0x8800, s28;
	[tilespmem:s22+$0x4020] =	vst v3;
	v3 =	vld [tilespmem:s21+$0x1050]  }
0x7d: {  	s30 =	sand.u32 $0x380, s24;
	s31 =	sadd.s32 s26, s28;
	s28 =	sadd.s32 s29, s28;
	v4 =	vpack.i.f32.bf16 v6, v4;
	v6 =	vld [tilespmem:s21+$0x60]  }
0x7e: {  	s31 =	sor.u32 s30, s31;
	[tilespmem:s22+$0x4030] =	vst v4;
	v4 =	vld [tilespmem:s21+$0x1060];
	s21 =	sor.u32 s30, s28  }
0x7f: {  	v9 =	vld [tilespmem:s21+$0x70];
	v5 =	vpack.i.f32.bf16 v5, v8  }
0x80: {  	v10 =	vld [tilespmem:s21+$0x1070];
	[tilespmem:s22+$0x4040] =	vst v5  }
0x81: {  	s28 =	sshll.u32 s4, $0x4;
	v11 =	vld [tilespmem:s31+$0x0];
	v3 =	vpack.i.f32.bf16 v3, v7  }
0x82: {  	s28 =	sand.u32 $0x3FFFF000, s28;
	v12 =	vld [tilespmem:s31+$0x1000];
	[tilespmem:s22+$0x4050] =	vst v3  }
0x83: {  	s29 =	sor.u32 s29, s28;
	s26 =	sor.u32 s26, s28;
	v5 =	vld [tilespmem:s21+$0x10];
	v3 =	vpack.i.f32.bf16 v4, v6  }
.Ltmp1:
0x84: {  	s26 =	sor.u32 s30, s26;
	s28 =	sor.u32 s30, s29;
	v8 =	vld [tilespmem:s21+$0x1010];
	[tilespmem:s22+$0x4060] =	vst v3;
	(pc) =	sbr.rel @p0 .LBB2_4-.Ltmp1, $4  }
0x85: {  	s22 =	sadd.s32 $0x10800, s28;
	v3 =	vld [tilespmem:s21+$0x20];
	v4 =	vpack.i.f32.bf16 v10, v9  }
0x86: {  	v7 =	vld [tilespmem:s21+$0x1020];
	[tilespmem:s22+$0x4070] =	vst v4  }
0x87: {  	v6 =	vpack.i.f32.bf16 v12, v11;
	v4 =	vld [tilespmem:s21+$0x30]  }
0x88: {  	[tilespmem:s26+$0x14800] =	vst v6;
	v6 =	vld [tilespmem:s21+$0x1030]  }
0x89: {  	v9 =	vld [tilespmem:s21+$0x40]  }
0x8a: {  	v10 =	vld [tilespmem:s21+$0x1040]  }
0x8b: {  	v11 =	vld [tilespmem:s21+$0x50]  }
0x8c: {  	v12 =	vld [tilespmem:s21+$0x1050]  }
0x8d: {  	v13 =	vld [tilespmem:s21+$0x60]  }
0x8e: {  	v5 =	vpack.i.f32.bf16 v8, v5;
	v8 =	vld [tilespmem:s21+$0x1060]  }
0x8f: {  	[tilespmem:s22+$0x4010] =	vst v5;
	v3 =	vpack.i.f32.bf16 v7, v3  }
0x90: {  	[tilespmem:s22+$0x4020] =	vst v3;
	v3 =	vpack.i.f32.bf16 v6, v4  }
0x91: {  	[tilespmem:s22+$0x4030] =	vst v3;
	v3 =	vpack.i.f32.bf16 v10, v9  }
0x92: {  	[tilespmem:s22+$0x4040] =	vst v3;
	v3 =	vpack.i.f32.bf16 v12, v11  }
0x93: {  	[tilespmem:s22+$0x4050] =	vst v3;
	v3 =	vpack.i.f32.bf16 v8, v13  }
0x94: {  	[tilespmem:s22+$0x4060] =	vst v3  }
0x95: {  	v3 =	vld [tilespmem:$0x80];
	_ =	sdelay $0x4  }
0x96: {  	v4 =	vshll.u32 v3, $0x2  }
0x97: {  	v3 =	vand.u32 $0x7, v3;
	v4 =	vand.u32 $0xFFFFFFE0, v4  }
0x98: {  	v3 =	vor.u32 v3, v4  }
0x99: {  	v4 =	vperm.xlane v3, v0;
	_ =	sdelay $0x1  }
0x9a: {  	v4 =	vadd.s32 v1, v4;
	_ =	sdelay $0x1  }
0x9b: {  	v3 =	vperm.xlane v3, v2;
	_ =	sdelay $0x1  }
0x9c: {  	s20 =	simm.s32 $0x0;
	v3 =	vadd.s32 v1, v3  }
0x9d: {  	[hbm4b:s3+s20] =	stream.indirect_vreg.scatter [tilespmem:s9], [sflag:$0x4], $0x80, v4, vm0, $0xb8;
	[tilespmem:$0x18800] =	vst v63  }
0x9e: {  	_ = 	snop  }
0x9f: {  	[hbm4b:s7+s20] =	stream.indirect_vreg.scatter [tilespmem:s10], [sflag:$0x4], $0x80, v4, vm0, $0xb8;
	[tilespmem:$0x18800] =	vst v63  }
0xa0: {  	_ = 	snop  }
0xa1: {  	[hbm4b:s3+s20] =	stream.indirect_vreg.scatter [tilespmem:s11], [sflag:$0x4], $0x80, v3, vm0, $0xb8;
	[tilespmem:$0x18800] =	vst v63  }
0xa2: {  	_ = 	snop  }
0xa3: {  	[hbm4b:s7+s20] =	stream.indirect_vreg.scatter [tilespmem:s12], [sflag:$0x4], $0x80, v3, vm0, $0xb8;
	[tilespmem:$0x18800] =	vst v63  }
0xa4: {  	v3 =	vld [tilespmem:$0x90];
	_ =	sdelay $0x4  }
0xa5: {  	v4 =	vshll.u32 v3, $0x2  }
0xa6: {  	v3 =	vand.u32 $0x7, v3;
	v4 =	vand.u32 $0xFFFFFFE0, v4  }
0xa7: {  	v3 =	vor.u32 v3, v4  }
0xa8: {  	v4 =	vperm.xlane v3, v0;
	_ =	sdelay $0x1  }
0xa9: {  	v4 =	vadd.s32 v1, v4;
	_ =	sdelay $0x1  }
0xaa: {  	v3 =	vperm.xlane v3, v2;
	_ =	sdelay $0x1  }
0xab: {  	v3 =	vadd.s32 v1, v3  }
0xac: {  	[hbm4b:s3+s20] =	stream.indirect_vreg.scatter [tilespmem:s13], [sflag:$0x4], $0x80, v4, vm0, $0xb8;
	[tilespmem:$0x18800] =	vst v63  }
0xad: {  	_ = 	snop  }
0xae: {  	[hbm4b:s7+s20] =	stream.indirect_vreg.scatter [tilespmem:s14], [sflag:$0x4], $0x80, v4, vm0, $0xb8;
	[tilespmem:$0x18800] =	vst v63  }
0xaf: {  	_ = 	snop  }
0xb0: {  	[hbm4b:s3+s20] =	stream.indirect_vreg.scatter [tilespmem:s15], [sflag:$0x4], $0x80, v3, vm0, $0xb8;
	[tilespmem:$0x18800] =	vst v63  }
0xb1: {  	_ = 	snop  }
0xb2: {  	[hbm4b:s7+s20] =	stream.indirect_vreg.scatter [tilespmem:s16], [sflag:$0x4], $0x80, v3, vm0, $0xb8;
	[tilespmem:$0x18800] =	vst v63  }
0xb3: {  	_ =	swait.ge [sflag:s25], $0x8000  }
0xb4: {  	s24 =	simm.s32 $0x8800;
	[sflag:s25] =	ssyncset.done $0x0  }
0xb5: {  	s26 =	simm.s32 $0x0;
	s4 =	rddreg [dreg:$0x7];
	[sflag:s25] =	ssyncadd.s32 $0xFFFF8000  }
0xb6: {  	[tilespmem:s24], [sflag:$0x2] =	stream.linear.gather [hbm4b:s4+s20], $0x8000, $0x38;
	[tilespmem:$0x18800] =	vst v63  }
0xb7: {  	s29 =	simm.s32 $0x0;
	s4 =	sand.u32 $0x3FFFE000, s26  }
0xb8: {  	s28 =	sand.u32 $0xC00, s20;
	_ =	swait.ge [sflag:s17], $0x4000;
	s4 =	sor.u32 $0x800, s4  }
0xb9: {  	s23 =	sand.u32 $0x380, s20;
	[sflag:s17] =	ssyncset.done $0x0;
	s24 =	sadd.s32 s28, s4  }
0xba: {  	s26 =	sand.u32 $0xC00, s29;
	[sflag:s17] =	ssyncadd.s32 $0xFFFFC000;
	s21 =	sor.u32 s23, s24  }
0xbb: {  	s4 =	sadd.s32 s26, s4;
	v4 =	vld [tilespmem:s21+$0x70]  }
0xbc: {  	s4 =	sor.u32 s23, s4;
	v6 =	vld [tilespmem:s21+$0x1070]  }
0xbd: {  	v9 =	vld [tilespmem:s4+$0x0]  }
0xbe: {  	s30 =	simm.s32 $0x0;
	v10 =	vld [tilespmem:s4+$0x1000]  }
0xbf: {  	s31 =	sand.u32 $0x3FFFF000, s30;
	v5 =	vld [tilespmem:s21+$0x10]  }
0xc0: {  	s4 =	sadd.s32 $0x10800, s31;
	v7 =	vld [tilespmem:s21+$0x1010]  }
0xc1: {  	v3 =	vld [tilespmem:s21+$0x20];
	s22 =	sadd.s32 s28, s4  }
0xc2: {  	v8 =	vld [tilespmem:s21+$0x1020];
	s4 =	sadd.s32 s26, s4;
	s22 =	sor.u32 s23, s22;
	v4 =	vpack.i.f32.bf16 v6, v4  }
0xc3: {  	s23 =	sor.u32 s23, s4;
	v6 =	vpack.i.f32.bf16 v10, v9;
	[tilespmem:s22+$0x70] =	vst v4;
	v4 =	vld [tilespmem:s21+$0x30]  }
0xc4: {  	s24 =	simm.s32 $0x0;
	s4 =	simm.s32 $0x0;
	[tilespmem:s23+$0x0] =	vst v6;
	v6 =	vld [tilespmem:s21+$0x1030];
	s23 =	simm.s32 $0x0  }
.LBB2_6:
0xc5: {  	s4 =	sadd.s32 $0x8, s4;
	v5 =	vpack.i.f32.bf16 v7, v5;
	v7 =	vld [tilespmem:s21+$0x40];
	s20 =	sadd.s32 $0x80, s20  }
0xc6: {  	s26 =	sshll.u32 s20, $0x3;
	s28 =	sshll.u32 s4, $0x5;
	p0 =	slt.u32 s4, $0x3F8;
	[tilespmem:s22+$0x10] =	vst v5;
	v5 =	vld [tilespmem:s21+$0x1040]  }
0xc7: {  	s23 =	sadd.s32 $0x400, s23;
	s26 =	sand.u32 $0xC00, s26;
	s28 =	sand.u32 $0x3FFFE000, s28;
	v3 =	vpack.i.f32.bf16 v8, v3;
	v8 =	vld [tilespmem:s21+$0x50]  }
0xc8: {  	s24 =	sadd.s32 $0x20, s24;
	s29 =	sand.u32 $0xC00, s23;
	s28 =	sor.u32 $0x800, s28;
	[tilespmem:s22+$0x20] =	vst v3;
	v3 =	vld [tilespmem:s21+$0x1050]  }
0xc9: {  	s30 =	sand.u32 $0x380, s24;
	s31 =	sadd.s32 s26, s28;
	s28 =	sadd.s32 s29, s28;
	v4 =	vpack.i.f32.bf16 v6, v4;
	v6 =	vld [tilespmem:s21+$0x60]  }
0xca: {  	s31 =	sor.u32 s30, s31;
	[tilespmem:s22+$0x30] =	vst v4;
	v4 =	vld [tilespmem:s21+$0x1060];
	s21 =	sor.u32 s30, s28  }
0xcb: {  	v9 =	vld [tilespmem:s21+$0x70];
	v5 =	vpack.i.f32.bf16 v5, v7  }
0xcc: {  	v10 =	vld [tilespmem:s21+$0x1070];
	[tilespmem:s22+$0x40] =	vst v5  }
0xcd: {  	s28 =	sshll.u32 s4, $0x4;
	v11 =	vld [tilespmem:s31+$0x0];
	v3 =	vpack.i.f32.bf16 v3, v8  }
0xce: {  	s28 =	sand.u32 $0x3FFFF000, s28;
	v12 =	vld [tilespmem:s31+$0x1000];
	[tilespmem:s22+$0x50] =	vst v3  }
0xcf: {  	s28 =	sadd.s32 $0x10800, s28;
	v5 =	vld [tilespmem:s21+$0x10];
	v3 =	vpack.i.f32.bf16 v4, v6  }
.Ltmp2:
0xd0: {  	s26 =	sadd.s32 s26, s28;
	s28 =	sadd.s32 s29, s28;
	v7 =	vld [tilespmem:s21+$0x1010];
	[tilespmem:s22+$0x60] =	vst v3;
	(pc) =	sbr.rel @p0 .LBB2_6-.Ltmp2, $4  }
0xd1: {  	s26 =	sor.u32 s30, s26;
	s22 =	sor.u32 s30, s28;
	v3 =	vld [tilespmem:s21+$0x20];
	v4 =	vpack.i.f32.bf16 v10, v9  }
0xd2: {  	v8 =	vld [tilespmem:s21+$0x1020];
	[tilespmem:s22+$0x70] =	vst v4  }
0xd3: {  	v6 =	vpack.i.f32.bf16 v12, v11;
	v4 =	vld [tilespmem:s21+$0x30]  }
0xd4: {  	[tilespmem:s26+$0x0] =	vst v6;
	v6 =	vld [tilespmem:s21+$0x1030]  }
0xd5: {  	v9 =	vld [tilespmem:s21+$0x40]  }
0xd6: {  	v10 =	vld [tilespmem:s21+$0x1040]  }
0xd7: {  	v11 =	vld [tilespmem:s21+$0x50]  }
0xd8: {  	v12 =	vld [tilespmem:s21+$0x1050]  }
0xd9: {  	v13 =	vld [tilespmem:s21+$0x60]  }
0xda: {  	v5 =	vpack.i.f32.bf16 v7, v5;
	v7 =	vld [tilespmem:s21+$0x1060]  }
0xdb: {  	[tilespmem:s22+$0x10] =	vst v5;
	v3 =	vpack.i.f32.bf16 v8, v3  }
0xdc: {  	[tilespmem:s22+$0x20] =	vst v3;
	v3 =	vpack.i.f32.bf16 v6, v4  }
0xdd: {  	[tilespmem:s22+$0x30] =	vst v3;
	v3 =	vpack.i.f32.bf16 v10, v9  }
0xde: {  	[tilespmem:s22+$0x40] =	vst v3;
	v3 =	vpack.i.f32.bf16 v12, v11  }
0xdf: {  	[tilespmem:s22+$0x50] =	vst v3;
	v3 =	vpack.i.f32.bf16 v7, v13  }
0xe0: {  	[tilespmem:s22+$0x60] =	vst v3  }
0xe1: {  	v3 =	vld [tilespmem:$0x100];
	_ =	sdelay $0x4  }
0xe2: {  	v4 =	vshll.u32 v3, $0x2  }
0xe3: {  	v3 =	vand.u32 $0x7, v3;
	v4 =	vand.u32 $0xFFFFFFE0, v4  }
0xe4: {  	v3 =	vor.u32 v3, v4  }
0xe5: {  	v4 =	vperm.xlane v3, v0;
	_ =	sdelay $0x1  }
0xe6: {  	v4 =	vadd.s32 v1, v4;
	_ =	sdelay $0x1  }
0xe7: {  	v3 =	vperm.xlane v3, v2;
	_ =	sdelay $0x1  }
0xe8: {  	s20 =	simm.s32 $0x0;
	s4 =	simm.s32 $0x10800;
	v3 =	vadd.s32 v1, v3  }
0xe9: {  	[hbm4b:s3+s20] =	stream.indirect_vreg.scatter [tilespmem:s4], [sflag:$0x3], $0x80, v4, vm0, $0xb8;
	[tilespmem:$0x18800] =	vst v63  }
0xea: {  	s31 =	simm.s32 $0x11000  }
0xeb: {  	[hbm4b:s7+s20] =	stream.indirect_vreg.scatter [tilespmem:s31], [sflag:$0x3], $0x80, v4, vm0, $0xb8;
	[tilespmem:$0x18800] =	vst v63  }
0xec: {  	s21 =	simm.s32 $0x11800  }
0xed: {  	[hbm4b:s3+s20] =	stream.indirect_vreg.scatter [tilespmem:s21], [sflag:$0x3], $0x80, v3, vm0, $0xb8;
	[tilespmem:$0x18800] =	vst v63  }
0xee: {  	s22 =	simm.s32 $0x12000  }
0xef: {  	[hbm4b:s7+s20] =	stream.indirect_vreg.scatter [tilespmem:s22], [sflag:$0x3], $0x80, v3, vm0, $0xb8;
	[tilespmem:$0x18800] =	vst v63  }
0xf0: {  	v3 =	vld [tilespmem:$0x110];
	_ =	sdelay $0x4  }
0xf1: {  	v4 =	vshll.u32 v3, $0x2  }
0xf2: {  	v3 =	vand.u32 $0x7, v3;
	v4 =	vand.u32 $0xFFFFFFE0, v4  }
0xf3: {  	v3 =	vor.u32 v3, v4  }
0xf4: {  	v4 =	vperm.xlane v3, v0;
	_ =	sdelay $0x1  }
0xf5: {  	v4 =	vadd.s32 v1, v4;
	_ =	sdelay $0x1  }
0xf6: {  	v3 =	vperm.xlane v3, v2;
	_ =	sdelay $0x1  }
0xf7: {  	v3 =	vadd.s32 v1, v3  }
0xf8: {  	[hbm4b:s3+s20] =	stream.indirect_vreg.scatter [tilespmem:s0], [sflag:$0x3], $0x80, v4, vm0, $0xb8;
	[tilespmem:$0x18800] =	vst v63  }
0xf9: {  	_ = 	snop  }
0xfa: {  	[hbm4b:s7+s20] =	stream.indirect_vreg.scatter [tilespmem:s1], [sflag:$0x3], $0x80, v4, vm0, $0xb8;
	[tilespmem:$0x18800] =	vst v63  }
0xfb: {  	_ = 	snop  }
0xfc: {  	[hbm4b:s3+s20] =	stream.indirect_vreg.scatter [tilespmem:s5], [sflag:$0x3], $0x80, v3, vm0, $0xb8;
	[tilespmem:$0x18800] =	vst v63  }
0xfd: {  	_ = 	snop  }
0xfe: {  	[hbm4b:s7+s20] =	stream.indirect_vreg.scatter [tilespmem:s6], [sflag:$0x3], $0x80, v3, vm0, $0xb8;
	[tilespmem:$0x18800] =	vst v63  }
0xff: {  	s24 =	simm.s32 $0x800;
	_ =	swait.ge [sflag:s8], $0x8000  }
0x100: {  	s26 =	simm.s32 $0x0;
	s29 =	simm.s32 $0x0;
	[sflag:s8] =	ssyncset.done $0x0  }
0x101: {  	s4 =	sand.u32 $0x3FFFE000, s26;
	s23 =	rddreg [dreg:$0x8];
	[sflag:s8] =	ssyncadd.s32 $0xFFFF8000  }
0x102: {  	[tilespmem:s24], [sflag:$0x1] =	stream.linear.gather [hbm4b:s23+s20], $0x8000, $0x38;
	[tilespmem:$0x18800] =	vst v63  }
0x103: {  	s28 =	sand.u32 $0xC00, s20;
	s4 =	sadd.s32 $0x8800, s4;
	_ =	swait.ge [sflag:s18], $0x4000  }
0x104: {  	s23 =	sand.u32 $0x380, s20;
	s24 =	sadd.s32 s28, s4;
	[sflag:s18] =	ssyncset.done $0x0  }
0x105: {  	s26 =	sand.u32 $0xC00, s29;
	s21 =	sor.u32 s23, s24;
	[sflag:s18] =	ssyncadd.s32 $0xFFFFC000  }
0x106: {  	s4 =	sadd.s32 s26, s4;
	v4 =	vld [tilespmem:s21+$0x70]  }
0x107: {  	s4 =	sor.u32 s23, s4;
	v6 =	vld [tilespmem:s21+$0x1070]  }
0x108: {  	v9 =	vld [tilespmem:s4+$0x0]  }
0x109: {  	s30 =	simm.s32 $0x0;
	v10 =	vld [tilespmem:s4+$0x1000]  }
0x10a: {  	s31 =	sand.u32 $0x3FFFF000, s30;
	v5 =	vld [tilespmem:s21+$0x10]  }
0x10b: {  	s22 =	sor.u32 s28, s31;
	v8 =	vld [tilespmem:s21+$0x1010]  }
0x10c: {  	s22 =	sor.u32 s23, s22;
	v3 =	vld [tilespmem:s21+$0x20]  }
0x10d: {  	s22 =	sadd.s32 $0x10800, s22;
	s4 =	sor.u32 s26, s31;
	v7 =	vld [tilespmem:s21+$0x1020];
	v4 =	vpack.i.f32.bf16 v6, v4  }
0x10e: {  	s23 =	sor.u32 s23, s4;
	v6 =	vpack.i.f32.bf16 v10, v9;
	[tilespmem:s22+$0x4070] =	vst v4;
	v4 =	vld [tilespmem:s21+$0x30]  }
0x10f: {  	s24 =	simm.s32 $0x0;
	s4 =	simm.s32 $0x0;
	[tilespmem:s23+$0x14800] =	vst v6;
	v6 =	vld [tilespmem:s21+$0x1030];
	s23 =	simm.s32 $0x0  }
.LBB2_8:
0x110: {  	s4 =	sadd.s32 $0x8, s4;
	v5 =	vpack.i.f32.bf16 v8, v5;
	v8 =	vld [tilespmem:s21+$0x40];
	s20 =	sadd.s32 $0x80, s20  }
0x111: {  	s26 =	sshll.u32 s20, $0x3;
	s28 =	sshll.u32 s4, $0x5;
	p0 =	slt.u32 s4, $0x3F8;
	[tilespmem:s22+$0x4010] =	vst v5;
	v5 =	vld [tilespmem:s21+$0x1040]  }
0x112: {  	s23 =	sadd.s32 $0x400, s23;
	s26 =	sand.u32 $0xC00, s26;
	s28 =	sand.u32 $0x3FFFE000, s28;
	v3 =	vpack.i.f32.bf16 v7, v3;
	v7 =	vld [tilespmem:s21+$0x50]  }
0x113: {  	s24 =	sadd.s32 $0x20, s24;
	s29 =	sand.u32 $0xC00, s23;
	s28 =	sadd.s32 $0x8800, s28;
	[tilespmem:s22+$0x4020] =	vst v3;
	v3 =	vld [tilespmem:s21+$0x1050]  }
0x114: {  	s30 =	sand.u32 $0x380, s24;
	s31 =	sadd.s32 s26, s28;
	s28 =	sadd.s32 s29, s28;
	v4 =	vpack.i.f32.bf16 v6, v4;
	v6 =	vld [tilespmem:s21+$0x60]  }
0x115: {  	s31 =	sor.u32 s30, s31;
	[tilespmem:s22+$0x4030] =	vst v4;
	v4 =	vld [tilespmem:s21+$0x1060];
	s21 =	sor.u32 s30, s28  }
0x116: {  	v9 =	vld [tilespmem:s21+$0x70];
	v5 =	vpack.i.f32.bf16 v5, v8  }
0x117: {  	v10 =	vld [tilespmem:s21+$0x1070];
	[tilespmem:s22+$0x4040] =	vst v5  }
0x118: {  	s28 =	sshll.u32 s4, $0x4;
	v11 =	vld [tilespmem:s31+$0x0];
	v3 =	vpack.i.f32.bf16 v3, v7  }
0x119: {  	s28 =	sand.u32 $0x3FFFF000, s28;
	v12 =	vld [tilespmem:s31+$0x1000];
	[tilespmem:s22+$0x4050] =	vst v3  }
0x11a: {  	s29 =	sor.u32 s29, s28;
	s26 =	sor.u32 s26, s28;
	v5 =	vld [tilespmem:s21+$0x10];
	v3 =	vpack.i.f32.bf16 v4, v6  }
.Ltmp3:
0x11b: {  	s26 =	sor.u32 s30, s26;
	s28 =	sor.u32 s30, s29;
	v8 =	vld [tilespmem:s21+$0x1010];
	[tilespmem:s22+$0x4060] =	vst v3;
	(pc) =	sbr.rel @p0 .LBB2_8-.Ltmp3, $4  }
0x11c: {  	s22 =	sadd.s32 $0x10800, s28;
	v3 =	vld [tilespmem:s21+$0x20];
	v4 =	vpack.i.f32.bf16 v10, v9  }
0x11d: {  	v7 =	vld [tilespmem:s21+$0x1020];
	[tilespmem:s22+$0x4070] =	vst v4  }
0x11e: {  	v6 =	vpack.i.f32.bf16 v12, v11;
	v4 =	vld [tilespmem:s21+$0x30]  }
0x11f: {  	[tilespmem:s26+$0x14800] =	vst v6;
	v6 =	vld [tilespmem:s21+$0x1030]  }
0x120: {  	v9 =	vld [tilespmem:s21+$0x40]  }
0x121: {  	v10 =	vld [tilespmem:s21+$0x1040]  }
0x122: {  	v11 =	vld [tilespmem:s21+$0x50]  }
0x123: {  	v12 =	vld [tilespmem:s21+$0x1050]  }
0x124: {  	v13 =	vld [tilespmem:s21+$0x60]  }
0x125: {  	v5 =	vpack.i.f32.bf16 v8, v5;
	v8 =	vld [tilespmem:s21+$0x1060]  }
0x126: {  	[tilespmem:s22+$0x4010] =	vst v5;
	v3 =	vpack.i.f32.bf16 v7, v3  }
0x127: {  	[tilespmem:s22+$0x4020] =	vst v3;
	v3 =	vpack.i.f32.bf16 v6, v4  }
0x128: {  	[tilespmem:s22+$0x4030] =	vst v3;
	v3 =	vpack.i.f32.bf16 v10, v9  }
0x129: {  	[tilespmem:s22+$0x4040] =	vst v3;
	v3 =	vpack.i.f32.bf16 v12, v11  }
0x12a: {  	[tilespmem:s22+$0x4050] =	vst v3;
	v3 =	vpack.i.f32.bf16 v8, v13  }
0x12b: {  	[tilespmem:s22+$0x4060] =	vst v3  }
0x12c: {  	v3 =	vld [tilespmem:$0x180];
	_ =	sdelay $0x4  }
0x12d: {  	v4 =	vshll.u32 v3, $0x2  }
0x12e: {  	v3 =	vand.u32 $0x7, v3;
	v4 =	vand.u32 $0xFFFFFFE0, v4  }
0x12f: {  	v3 =	vor.u32 v3, v4  }
0x130: {  	v4 =	vperm.xlane v3, v0;
	_ =	sdelay $0x1  }
0x131: {  	v4 =	vadd.s32 v1, v4;
	_ =	sdelay $0x1  }
0x132: {  	v3 =	vperm.xlane v3, v2;
	_ =	sdelay $0x1  }
0x133: {  	s20 =	simm.s32 $0x0;
	v3 =	vadd.s32 v1, v3  }
0x134: {  	[hbm4b:s3+s20] =	stream.indirect_vreg.scatter [tilespmem:s9], [sflag:$0x4], $0x80, v4, vm0, $0xb8;
	[tilespmem:$0x18800] =	vst v63  }
0x135: {  	_ = 	snop  }
0x136: {  	[hbm4b:s7+s20] =	stream.indirect_vreg.scatter [tilespmem:s10], [sflag:$0x4], $0x80, v4, vm0, $0xb8;
	[tilespmem:$0x18800] =	vst v63  }
0x137: {  	_ = 	snop  }
0x138: {  	[hbm4b:s3+s20] =	stream.indirect_vreg.scatter [tilespmem:s11], [sflag:$0x4], $0x80, v3, vm0, $0xb8;
	[tilespmem:$0x18800] =	vst v63  }
0x139: {  	_ = 	snop  }
0x13a: {  	[hbm4b:s7+s20] =	stream.indirect_vreg.scatter [tilespmem:s12], [sflag:$0x4], $0x80, v3, vm0, $0xb8;
	[tilespmem:$0x18800] =	vst v63  }
0x13b: {  	v3 =	vld [tilespmem:$0x190];
	_ =	sdelay $0x4  }
0x13c: {  	v4 =	vshll.u32 v3, $0x2  }
0x13d: {  	v3 =	vand.u32 $0x7, v3;
	v4 =	vand.u32 $0xFFFFFFE0, v4  }
0x13e: {  	v3 =	vor.u32 v3, v4  }
0x13f: {  	v4 =	vperm.xlane v3, v0;
	_ =	sdelay $0x1  }
0x140: {  	v4 =	vadd.s32 v1, v4;
	_ =	sdelay $0x1  }
0x141: {  	v3 =	vperm.xlane v3, v2;
	_ =	sdelay $0x1  }
0x142: {  	v3 =	vadd.s32 v1, v3  }
0x143: {  	[hbm4b:s3+s20] =	stream.indirect_vreg.scatter [tilespmem:s13], [sflag:$0x4], $0x80, v4, vm0, $0xb8;
	[tilespmem:$0x18800] =	vst v63  }
0x144: {  	_ = 	snop  }
0x145: {  	[hbm4b:s7+s20] =	stream.indirect_vreg.scatter [tilespmem:s14], [sflag:$0x4], $0x80, v4, vm0, $0xb8;
	[tilespmem:$0x18800] =	vst v63  }
0x146: {  	_ = 	snop  }
0x147: {  	[hbm4b:s3+s20] =	stream.indirect_vreg.scatter [tilespmem:s15], [sflag:$0x4], $0x80, v3, vm0, $0xb8;
	[tilespmem:$0x18800] =	vst v63  }
0x148: {  	_ = 	snop  }
0x149: {  	[hbm4b:s7+s20] =	stream.indirect_vreg.scatter [tilespmem:s16], [sflag:$0x4], $0x80, v3, vm0, $0xb8;
	[tilespmem:$0x18800] =	vst v63  }
0x14a: {  	_ =	swait.ge [sflag:s25], $0x8000  }
0x14b: {  	s24 =	simm.s32 $0x8800;
	[sflag:s25] =	ssyncset.done $0x0  }
0x14c: {  	s26 =	simm.s32 $0x0;
	s4 =	rddreg [dreg:$0x9];
	[sflag:s25] =	ssyncadd.s32 $0xFFFF8000  }
0x14d: {  	[tilespmem:s24], [sflag:$0x2] =	stream.linear.gather [hbm4b:s4+s20], $0x8000, $0x38;
	[tilespmem:$0x18800] =	vst v63  }
0x14e: {  	s29 =	simm.s32 $0x0;
	s4 =	sand.u32 $0x3FFFE000, s26  }
0x14f: {  	s28 =	sand.u32 $0xC00, s20;
	_ =	swait.ge [sflag:s17], $0x4000;
	s4 =	sor.u32 $0x800, s4  }
0x150: {  	s23 =	sand.u32 $0x380, s20;
	[sflag:s17] =	ssyncset.done $0x0;
	s24 =	sadd.s32 s28, s4  }
0x151: {  	s26 =	sand.u32 $0xC00, s29;
	[sflag:s17] =	ssyncadd.s32 $0xFFFFC000;
	s21 =	sor.u32 s23, s24  }
0x152: {  	s4 =	sadd.s32 s26, s4;
	v4 =	vld [tilespmem:s21+$0x70]  }
0x153: {  	s4 =	sor.u32 s23, s4;
	v6 =	vld [tilespmem:s21+$0x1070]  }
0x154: {  	v9 =	vld [tilespmem:s4+$0x0]  }
0x155: {  	s30 =	simm.s32 $0x0;
	v10 =	vld [tilespmem:s4+$0x1000]  }
0x156: {  	s31 =	sand.u32 $0x3FFFF000, s30;
	v5 =	vld [tilespmem:s21+$0x10]  }
0x157: {  	s4 =	sadd.s32 $0x10800, s31;
	v7 =	vld [tilespmem:s21+$0x1010]  }
0x158: {  	v3 =	vld [tilespmem:s21+$0x20];
	s22 =	sadd.s32 s28, s4  }
0x159: {  	v8 =	vld [tilespmem:s21+$0x1020];
	s4 =	sadd.s32 s26, s4;
	s22 =	sor.u32 s23, s22;
	v4 =	vpack.i.f32.bf16 v6, v4  }
0x15a: {  	s23 =	sor.u32 s23, s4;
	v6 =	vpack.i.f32.bf16 v10, v9;
	[tilespmem:s22+$0x70] =	vst v4;
	v4 =	vld [tilespmem:s21+$0x30]  }
0x15b: {  	s24 =	simm.s32 $0x0;
	s4 =	simm.s32 $0x0;
	[tilespmem:s23+$0x0] =	vst v6;
	v6 =	vld [tilespmem:s21+$0x1030];
	s23 =	simm.s32 $0x0  }
.LBB2_10:
0x15c: {  	s4 =	sadd.s32 $0x8, s4;
	v5 =	vpack.i.f32.bf16 v7, v5;
	v7 =	vld [tilespmem:s21+$0x40];
	s20 =	sadd.s32 $0x80, s20  }
0x15d: {  	s26 =	sshll.u32 s20, $0x3;
	s28 =	sshll.u32 s4, $0x5;
	p0 =	slt.u32 s4, $0x3F8;
	[tilespmem:s22+$0x10] =	vst v5;
	v5 =	vld [tilespmem:s21+$0x1040]  }
0x15e: {  	s23 =	sadd.s32 $0x400, s23;
	s26 =	sand.u32 $0xC00, s26;
	s28 =	sand.u32 $0x3FFFE000, s28;
	v3 =	vpack.i.f32.bf16 v8, v3;
	v8 =	vld [tilespmem:s21+$0x50]  }
0x15f: {  	s24 =	sadd.s32 $0x20, s24;
	s29 =	sand.u32 $0xC00, s23;
	s28 =	sor.u32 $0x800, s28;
	[tilespmem:s22+$0x20] =	vst v3;
	v3 =	vld [tilespmem:s21+$0x1050]  }
0x160: {  	s30 =	sand.u32 $0x380, s24;
	s31 =	sadd.s32 s26, s28;
	s28 =	sadd.s32 s29, s28;
	v4 =	vpack.i.f32.bf16 v6, v4;
	v6 =	vld [tilespmem:s21+$0x60]  }
0x161: {  	s31 =	sor.u32 s30, s31;
	[tilespmem:s22+$0x30] =	vst v4;
	v4 =	vld [tilespmem:s21+$0x1060];
	s21 =	sor.u32 s30, s28  }
0x162: {  	v9 =	vld [tilespmem:s21+$0x70];
	v5 =	vpack.i.f32.bf16 v5, v7  }
0x163: {  	v10 =	vld [tilespmem:s21+$0x1070];
	[tilespmem:s22+$0x40] =	vst v5  }
0x164: {  	s28 =	sshll.u32 s4, $0x4;
	v11 =	vld [tilespmem:s31+$0x0];
	v3 =	vpack.i.f32.bf16 v3, v8  }
0x165: {  	s28 =	sand.u32 $0x3FFFF000, s28;
	v12 =	vld [tilespmem:s31+$0x1000];
	[tilespmem:s22+$0x50] =	vst v3  }
0x166: {  	s28 =	sadd.s32 $0x10800, s28;
	v5 =	vld [tilespmem:s21+$0x10];
	v3 =	vpack.i.f32.bf16 v4, v6  }
.Ltmp4:
0x167: {  	s26 =	sadd.s32 s26, s28;
	s28 =	sadd.s32 s29, s28;
	v7 =	vld [tilespmem:s21+$0x1010];
	[tilespmem:s22+$0x60] =	vst v3;
	(pc) =	sbr.rel @p0 .LBB2_10-.Ltmp4, $4  }
0x168: {  	s26 =	sor.u32 s30, s26;
	s22 =	sor.u32 s30, s28;
	v3 =	vld [tilespmem:s21+$0x20];
	v4 =	vpack.i.f32.bf16 v10, v9  }
0x169: {  	v8 =	vld [tilespmem:s21+$0x1020];
	[tilespmem:s22+$0x70] =	vst v4  }
0x16a: {  	v6 =	vpack.i.f32.bf16 v12, v11;
	v4 =	vld [tilespmem:s21+$0x30]  }
0x16b: {  	[tilespmem:s26+$0x0] =	vst v6;
	v6 =	vld [tilespmem:s21+$0x1030]  }
0x16c: {  	v9 =	vld [tilespmem:s21+$0x40]  }
0x16d: {  	v10 =	vld [tilespmem:s21+$0x1040]  }
0x16e: {  	v11 =	vld [tilespmem:s21+$0x50]  }
0x16f: {  	v12 =	vld [tilespmem:s21+$0x1050]  }
0x170: {  	v13 =	vld [tilespmem:s21+$0x60]  }
0x171: {  	v5 =	vpack.i.f32.bf16 v7, v5;
	v7 =	vld [tilespmem:s21+$0x1060]  }
0x172: {  	[tilespmem:s22+$0x10] =	vst v5;
	v3 =	vpack.i.f32.bf16 v8, v3  }
0x173: {  	[tilespmem:s22+$0x20] =	vst v3;
	v3 =	vpack.i.f32.bf16 v6, v4  }
0x174: {  	[tilespmem:s22+$0x30] =	vst v3;
	v3 =	vpack.i.f32.bf16 v10, v9  }
0x175: {  	[tilespmem:s22+$0x40] =	vst v3;
	v3 =	vpack.i.f32.bf16 v12, v11  }
0x176: {  	[tilespmem:s22+$0x50] =	vst v3;
	v3 =	vpack.i.f32.bf16 v7, v13  }
0x177: {  	[tilespmem:s22+$0x60] =	vst v3  }
0x178: {  	v3 =	vld [tilespmem:$0x200];
	_ =	sdelay $0x4  }
0x179: {  	v4 =	vshll.u32 v3, $0x2  }
0x17a: {  	v3 =	vand.u32 $0x7, v3;
	v4 =	vand.u32 $0xFFFFFFE0, v4  }
0x17b: {  	v3 =	vor.u32 v3, v4  }
0x17c: {  	v4 =	vperm.xlane v3, v0;
	_ =	sdelay $0x1  }
0x17d: {  	v4 =	vadd.s32 v1, v4;
	_ =	sdelay $0x1  }
0x17e: {  	v3 =	vperm.xlane v3, v2;
	_ =	sdelay $0x1  }
0x17f: {  	s20 =	simm.s32 $0x0;
	s4 =	simm.s32 $0x10800;
	v3 =	vadd.s32 v1, v3  }
0x180: {  	[hbm4b:s3+s20] =	stream.indirect_vreg.scatter [tilespmem:s4], [sflag:$0x3], $0x80, v4, vm0, $0xb8;
	[tilespmem:$0x18800] =	vst v63  }
0x181: {  	s31 =	simm.s32 $0x11000  }
0x182: {  	[hbm4b:s7+s20] =	stream.indirect_vreg.scatter [tilespmem:s31], [sflag:$0x3], $0x80, v4, vm0, $0xb8;
	[tilespmem:$0x18800] =	vst v63  }
0x183: {  	s21 =	simm.s32 $0x11800  }
0x184: {  	[hbm4b:s3+s20] =	stream.indirect_vreg.scatter [tilespmem:s21], [sflag:$0x3], $0x80, v3, vm0, $0xb8;
	[tilespmem:$0x18800] =	vst v63  }
0x185: {  	s22 =	simm.s32 $0x12000  }
0x186: {  	[hbm4b:s7+s20] =	stream.indirect_vreg.scatter [tilespmem:s22], [sflag:$0x3], $0x80, v3, vm0, $0xb8;
	[tilespmem:$0x18800] =	vst v63  }
0x187: {  	v3 =	vld [tilespmem:$0x210];
	_ =	sdelay $0x4  }
0x188: {  	v4 =	vshll.u32 v3, $0x2  }
0x189: {  	v3 =	vand.u32 $0x7, v3;
	v4 =	vand.u32 $0xFFFFFFE0, v4  }
0x18a: {  	v3 =	vor.u32 v3, v4  }
0x18b: {  	v4 =	vperm.xlane v3, v0;
	_ =	sdelay $0x1  }
0x18c: {  	v4 =	vadd.s32 v1, v4;
	_ =	sdelay $0x1  }
0x18d: {  	v3 =	vperm.xlane v3, v2;
	_ =	sdelay $0x1  }
0x18e: {  	v3 =	vadd.s32 v1, v3  }
0x18f: {  	[hbm4b:s3+s20] =	stream.indirect_vreg.scatter [tilespmem:s0], [sflag:$0x3], $0x80, v4, vm0, $0xb8;
	[tilespmem:$0x18800] =	vst v63  }
0x190: {  	_ = 	snop  }
0x191: {  	[hbm4b:s7+s20] =	stream.indirect_vreg.scatter [tilespmem:s1], [sflag:$0x3], $0x80, v4, vm0, $0xb8;
	[tilespmem:$0x18800] =	vst v63  }
0x192: {  	_ = 	snop  }
0x193: {  	[hbm4b:s3+s20] =	stream.indirect_vreg.scatter [tilespmem:s5], [sflag:$0x3], $0x80, v3, vm0, $0xb8;
	[tilespmem:$0x18800] =	vst v63  }
0x194: {  	_ = 	snop  }
0x195: {  	[hbm4b:s7+s20] =	stream.indirect_vreg.scatter [tilespmem:s6], [sflag:$0x3], $0x80, v3, vm0, $0xb8;
	[tilespmem:$0x18800] =	vst v63  }
0x196: {  	s24 =	simm.s32 $0x800;
	_ =	swait.ge [sflag:s8], $0x8000  }
0x197: {  	s26 =	simm.s32 $0x0;
	s29 =	simm.s32 $0x0;
	[sflag:s8] =	ssyncset.done $0x0  }
0x198: {  	s4 =	sand.u32 $0x3FFFE000, s26;
	s23 =	rddreg [dreg:$0xa];
	[sflag:s8] =	ssyncadd.s32 $0xFFFF8000  }
0x199: {  	[tilespmem:s24], [sflag:$0x1] =	stream.linear.gather [hbm4b:s23+s20], $0x8000, $0x38;
	[tilespmem:$0x18800] =	vst v63  }
0x19a: {  	s28 =	sand.u32 $0xC00, s20;
	s4 =	sadd.s32 $0x8800, s4;
	_ =	swait.ge [sflag:s18], $0x4000  }
0x19b: {  	s23 =	sand.u32 $0x380, s20;
	s24 =	sadd.s32 s28, s4;
	[sflag:s18] =	ssyncset.done $0x0  }
0x19c: {  	s26 =	sand.u32 $0xC00, s29;
	s21 =	sor.u32 s23, s24;
	[sflag:s18] =	ssyncadd.s32 $0xFFFFC000  }
0x19d: {  	s4 =	sadd.s32 s26, s4;
	v4 =	vld [tilespmem:s21+$0x70]  }
0x19e: {  	s4 =	sor.u32 s23, s4;
	v6 =	vld [tilespmem:s21+$0x1070]  }
0x19f: {  	v9 =	vld [tilespmem:s4+$0x0]  }
0x1a0: {  	s30 =	simm.s32 $0x0;
	v10 =	vld [tilespmem:s4+$0x1000]  }
0x1a1: {  	s31 =	sand.u32 $0x3FFFF000, s30;
	v5 =	vld [tilespmem:s21+$0x10]  }
0x1a2: {  	s22 =	sor.u32 s28, s31;
	v8 =	vld [tilespmem:s21+$0x1010]  }
0x1a3: {  	s22 =	sor.u32 s23, s22;
	v3 =	vld [tilespmem:s21+$0x20]  }
0x1a4: {  	s22 =	sadd.s32 $0x10800, s22;
	s4 =	sor.u32 s26, s31;
	v7 =	vld [tilespmem:s21+$0x1020];
	v4 =	vpack.i.f32.bf16 v6, v4  }
0x1a5: {  	s23 =	sor.u32 s23, s4;
	v6 =	vpack.i.f32.bf16 v10, v9;
	[tilespmem:s22+$0x4070] =	vst v4;
	v4 =	vld [tilespmem:s21+$0x30]  }
0x1a6: {  	s24 =	simm.s32 $0x0;
	s4 =	simm.s32 $0x0;
	[tilespmem:s23+$0x14800] =	vst v6;
	v6 =	vld [tilespmem:s21+$0x1030];
	s23 =	simm.s32 $0x0  }
.LBB2_12:
0x1a7: {  	s4 =	sadd.s32 $0x8, s4;
	v5 =	vpack.i.f32.bf16 v8, v5;
	v8 =	vld [tilespmem:s21+$0x40];
	s20 =	sadd.s32 $0x80, s20  }
0x1a8: {  	s26 =	sshll.u32 s20, $0x3;
	s28 =	sshll.u32 s4, $0x5;
	p0 =	slt.u32 s4, $0x3F8;
	[tilespmem:s22+$0x4010] =	vst v5;
	v5 =	vld [tilespmem:s21+$0x1040]  }
0x1a9: {  	s23 =	sadd.s32 $0x400, s23;
	s26 =	sand.u32 $0xC00, s26;
	s28 =	sand.u32 $0x3FFFE000, s28;
	v3 =	vpack.i.f32.bf16 v7, v3;
	v7 =	vld [tilespmem:s21+$0x50]  }
0x1aa: {  	s24 =	sadd.s32 $0x20, s24;
	s29 =	sand.u32 $0xC00, s23;
	s28 =	sadd.s32 $0x8800, s28;
	[tilespmem:s22+$0x4020] =	vst v3;
	v3 =	vld [tilespmem:s21+$0x1050]  }
0x1ab: {  	s30 =	sand.u32 $0x380, s24;
	s31 =	sadd.s32 s26, s28;
	s28 =	sadd.s32 s29, s28;
	v4 =	vpack.i.f32.bf16 v6, v4;
	v6 =	vld [tilespmem:s21+$0x60]  }
0x1ac: {  	s31 =	sor.u32 s30, s31;
	[tilespmem:s22+$0x4030] =	vst v4;
	v4 =	vld [tilespmem:s21+$0x1060];
	s21 =	sor.u32 s30, s28  }
0x1ad: {  	v9 =	vld [tilespmem:s21+$0x70];
	v5 =	vpack.i.f32.bf16 v5, v8  }
0x1ae: {  	v10 =	vld [tilespmem:s21+$0x1070];
	[tilespmem:s22+$0x4040] =	vst v5  }
0x1af: {  	s28 =	sshll.u32 s4, $0x4;
	v11 =	vld [tilespmem:s31+$0x0];
	v3 =	vpack.i.f32.bf16 v3, v7  }
0x1b0: {  	s28 =	sand.u32 $0x3FFFF000, s28;
	v12 =	vld [tilespmem:s31+$0x1000];
	[tilespmem:s22+$0x4050] =	vst v3  }
0x1b1: {  	s29 =	sor.u32 s29, s28;
	s26 =	sor.u32 s26, s28;
	v5 =	vld [tilespmem:s21+$0x10];
	v3 =	vpack.i.f32.bf16 v4, v6  }
.Ltmp5:
0x1b2: {  	s26 =	sor.u32 s30, s26;
	s28 =	sor.u32 s30, s29;
	v8 =	vld [tilespmem:s21+$0x1010];
	[tilespmem:s22+$0x4060] =	vst v3;
	(pc) =	sbr.rel @p0 .LBB2_12-.Ltmp5, $4  }
0x1b3: {  	s22 =	sadd.s32 $0x10800, s28;
	v3 =	vld [tilespmem:s21+$0x20];
	v4 =	vpack.i.f32.bf16 v10, v9  }
0x1b4: {  	v7 =	vld [tilespmem:s21+$0x1020];
	[tilespmem:s22+$0x4070] =	vst v4  }
0x1b5: {  	v6 =	vpack.i.f32.bf16 v12, v11;
	v4 =	vld [tilespmem:s21+$0x30]  }
0x1b6: {  	[tilespmem:s26+$0x14800] =	vst v6;
	v6 =	vld [tilespmem:s21+$0x1030]  }
0x1b7: {  	v9 =	vld [tilespmem:s21+$0x40]  }
0x1b8: {  	v10 =	vld [tilespmem:s21+$0x1040]  }
0x1b9: {  	v11 =	vld [tilespmem:s21+$0x50]  }
0x1ba: {  	v12 =	vld [tilespmem:s21+$0x1050]  }
0x1bb: {  	v13 =	vld [tilespmem:s21+$0x60]  }
0x1bc: {  	v5 =	vpack.i.f32.bf16 v8, v5;
	v8 =	vld [tilespmem:s21+$0x1060]  }
0x1bd: {  	[tilespmem:s22+$0x4010] =	vst v5;
	v3 =	vpack.i.f32.bf16 v7, v3  }
0x1be: {  	[tilespmem:s22+$0x4020] =	vst v3;
	v3 =	vpack.i.f32.bf16 v6, v4  }
0x1bf: {  	[tilespmem:s22+$0x4030] =	vst v3;
	v3 =	vpack.i.f32.bf16 v10, v9  }
0x1c0: {  	[tilespmem:s22+$0x4040] =	vst v3;
	v3 =	vpack.i.f32.bf16 v12, v11  }
0x1c1: {  	[tilespmem:s22+$0x4050] =	vst v3;
	v3 =	vpack.i.f32.bf16 v8, v13  }
0x1c2: {  	[tilespmem:s22+$0x4060] =	vst v3  }
0x1c3: {  	v3 =	vld [tilespmem:$0x280];
	_ =	sdelay $0x4  }
0x1c4: {  	v4 =	vshll.u32 v3, $0x2  }
0x1c5: {  	v3 =	vand.u32 $0x7, v3;
	v4 =	vand.u32 $0xFFFFFFE0, v4  }
0x1c6: {  	v3 =	vor.u32 v3, v4  }
0x1c7: {  	v4 =	vperm.xlane v3, v0;
	_ =	sdelay $0x1  }
0x1c8: {  	v4 =	vadd.s32 v1, v4;
	_ =	sdelay $0x1  }
0x1c9: {  	v3 =	vperm.xlane v3, v2;
	_ =	sdelay $0x1  }
0x1ca: {  	s20 =	simm.s32 $0x0;
	v3 =	vadd.s32 v1, v3  }
0x1cb: {  	[hbm4b:s3+s20] =	stream.indirect_vreg.scatter [tilespmem:s9], [sflag:$0x4], $0x80, v4, vm0, $0xb8;
	[tilespmem:$0x18800] =	vst v63  }
0x1cc: {  	_ = 	snop  }
0x1cd: {  	[hbm4b:s7+s20] =	stream.indirect_vreg.scatter [tilespmem:s10], [sflag:$0x4], $0x80, v4, vm0, $0xb8;
	[tilespmem:$0x18800] =	vst v63  }
0x1ce: {  	_ = 	snop  }
0x1cf: {  	[hbm4b:s3+s20] =	stream.indirect_vreg.scatter [tilespmem:s11], [sflag:$0x4], $0x80, v3, vm0, $0xb8;
	[tilespmem:$0x18800] =	vst v63  }
0x1d0: {  	_ = 	snop  }
0x1d1: {  	[hbm4b:s7+s20] =	stream.indirect_vreg.scatter [tilespmem:s12], [sflag:$0x4], $0x80, v3, vm0, $0xb8;
	[tilespmem:$0x18800] =	vst v63  }
0x1d2: {  	v3 =	vld [tilespmem:$0x290];
	_ =	sdelay $0x4  }
0x1d3: {  	v4 =	vshll.u32 v3, $0x2  }
0x1d4: {  	v3 =	vand.u32 $0x7, v3;
	v4 =	vand.u32 $0xFFFFFFE0, v4  }
0x1d5: {  	v3 =	vor.u32 v3, v4  }
0x1d6: {  	v4 =	vperm.xlane v3, v0;
	_ =	sdelay $0x1  }
0x1d7: {  	v4 =	vadd.s32 v1, v4;
	_ =	sdelay $0x1  }
0x1d8: {  	v3 =	vperm.xlane v3, v2;
	_ =	sdelay $0x1  }
0x1d9: {  	v3 =	vadd.s32 v1, v3  }
0x1da: {  	[hbm4b:s3+s20] =	stream.indirect_vreg.scatter [tilespmem:s13], [sflag:$0x4], $0x80, v4, vm0, $0xb8;
	[tilespmem:$0x18800] =	vst v63  }
0x1db: {  	_ = 	snop  }
0x1dc: {  	[hbm4b:s7+s20] =	stream.indirect_vreg.scatter [tilespmem:s14], [sflag:$0x4], $0x80, v4, vm0, $0xb8;
	[tilespmem:$0x18800] =	vst v63  }
0x1dd: {  	_ = 	snop  }
0x1de: {  	[hbm4b:s3+s20] =	stream.indirect_vreg.scatter [tilespmem:s15], [sflag:$0x4], $0x80, v3, vm0, $0xb8;
	[tilespmem:$0x18800] =	vst v63  }
0x1df: {  	_ = 	snop  }
0x1e0: {  	[hbm4b:s7+s20] =	stream.indirect_vreg.scatter [tilespmem:s16], [sflag:$0x4], $0x80, v3, vm0, $0xb8;
	[tilespmem:$0x18800] =	vst v63  }
0x1e1: {  	_ =	swait.ge [sflag:s25], $0x8000  }
0x1e2: {  	s24 =	simm.s32 $0x8800;
	[sflag:s25] =	ssyncset.done $0x0  }
0x1e3: {  	s26 =	simm.s32 $0x0;
	s4 =	rddreg [dreg:$0xb];
	[sflag:s25] =	ssyncadd.s32 $0xFFFF8000  }
0x1e4: {  	[tilespmem:s24], [sflag:$0x2] =	stream.linear.gather [hbm4b:s4+s20], $0x8000, $0x38;
	[tilespmem:$0x18800] =	vst v63  }
0x1e5: {  	s29 =	simm.s32 $0x0;
	s4 =	sand.u32 $0x3FFFE000, s26  }
0x1e6: {  	s28 =	sand.u32 $0xC00, s20;
	_ =	swait.ge [sflag:s17], $0x4000;
	s4 =	sor.u32 $0x800, s4  }
0x1e7: {  	s23 =	sand.u32 $0x380, s20;
	[sflag:s17] =	ssyncset.done $0x0;
	s24 =	sadd.s32 s28, s4  }
0x1e8: {  	s26 =	sand.u32 $0xC00, s29;
	[sflag:s17] =	ssyncadd.s32 $0xFFFFC000;
	s21 =	sor.u32 s23, s24  }
0x1e9: {  	s4 =	sadd.s32 s26, s4;
	v4 =	vld [tilespmem:s21+$0x70]  }
0x1ea: {  	s4 =	sor.u32 s23, s4;
	v6 =	vld [tilespmem:s21+$0x1070]  }
0x1eb: {  	v9 =	vld [tilespmem:s4+$0x0]  }
0x1ec: {  	s30 =	simm.s32 $0x0;
	v10 =	vld [tilespmem:s4+$0x1000]  }
0x1ed: {  	s31 =	sand.u32 $0x3FFFF000, s30;
	v5 =	vld [tilespmem:s21+$0x10]  }
0x1ee: {  	s4 =	sadd.s32 $0x10800, s31;
	v7 =	vld [tilespmem:s21+$0x1010]  }
0x1ef: {  	v3 =	vld [tilespmem:s21+$0x20];
	s22 =	sadd.s32 s28, s4  }
0x1f0: {  	v8 =	vld [tilespmem:s21+$0x1020];
	s4 =	sadd.s32 s26, s4;
	s22 =	sor.u32 s23, s22;
	v4 =	vpack.i.f32.bf16 v6, v4  }
0x1f1: {  	s23 =	sor.u32 s23, s4;
	v6 =	vpack.i.f32.bf16 v10, v9;
	[tilespmem:s22+$0x70] =	vst v4;
	v4 =	vld [tilespmem:s21+$0x30]  }
0x1f2: {  	s24 =	simm.s32 $0x0;
	s4 =	simm.s32 $0x0;
	[tilespmem:s23+$0x0] =	vst v6;
	v6 =	vld [tilespmem:s21+$0x1030];
	s23 =	simm.s32 $0x0  }
.LBB2_14:
0x1f3: {  	s4 =	sadd.s32 $0x8, s4;
	v5 =	vpack.i.f32.bf16 v7, v5;
	v7 =	vld [tilespmem:s21+$0x40];
	s20 =	sadd.s32 $0x80, s20  }
0x1f4: {  	s26 =	sshll.u32 s20, $0x3;
	s28 =	sshll.u32 s4, $0x5;
	p0 =	slt.u32 s4, $0x3F8;
	[tilespmem:s22+$0x10] =	vst v5;
	v5 =	vld [tilespmem:s21+$0x1040]  }
0x1f5: {  	s23 =	sadd.s32 $0x400, s23;
	s26 =	sand.u32 $0xC00, s26;
	s28 =	sand.u32 $0x3FFFE000, s28;
	v3 =	vpack.i.f32.bf16 v8, v3;
	v8 =	vld [tilespmem:s21+$0x50]  }
0x1f6: {  	s24 =	sadd.s32 $0x20, s24;
	s29 =	sand.u32 $0xC00, s23;
	s28 =	sor.u32 $0x800, s28;
	[tilespmem:s22+$0x20] =	vst v3;
	v3 =	vld [tilespmem:s21+$0x1050]  }
0x1f7: {  	s30 =	sand.u32 $0x380, s24;
	s31 =	sadd.s32 s26, s28;
	s28 =	sadd.s32 s29, s28;
	v4 =	vpack.i.f32.bf16 v6, v4;
	v6 =	vld [tilespmem:s21+$0x60]  }
0x1f8: {  	s31 =	sor.u32 s30, s31;
	[tilespmem:s22+$0x30] =	vst v4;
	v4 =	vld [tilespmem:s21+$0x1060];
	s21 =	sor.u32 s30, s28  }
0x1f9: {  	v9 =	vld [tilespmem:s21+$0x70];
	v5 =	vpack.i.f32.bf16 v5, v7  }
0x1fa: {  	v10 =	vld [tilespmem:s21+$0x1070];
	[tilespmem:s22+$0x40] =	vst v5  }
0x1fb: {  	s28 =	sshll.u32 s4, $0x4;
	v11 =	vld [tilespmem:s31+$0x0];
	v3 =	vpack.i.f32.bf16 v3, v8  }
0x1fc: {  	s28 =	sand.u32 $0x3FFFF000, s28;
	v12 =	vld [tilespmem:s31+$0x1000];
	[tilespmem:s22+$0x50] =	vst v3  }
0x1fd: {  	s28 =	sadd.s32 $0x10800, s28;
	v5 =	vld [tilespmem:s21+$0x10];
	v3 =	vpack.i.f32.bf16 v4, v6  }
.Ltmp6:
0x1fe: {  	s26 =	sadd.s32 s26, s28;
	s28 =	sadd.s32 s29, s28;
	v7 =	vld [tilespmem:s21+$0x1010];
	[tilespmem:s22+$0x60] =	vst v3;
	(pc) =	sbr.rel @p0 .LBB2_14-.Ltmp6, $4  }
0x1ff: {  	s26 =	sor.u32 s30, s26;
	s22 =	sor.u32 s30, s28;
	v3 =	vld [tilespmem:s21+$0x20];
	v4 =	vpack.i.f32.bf16 v10, v9  }
0x200: {  	v8 =	vld [tilespmem:s21+$0x1020];
	[tilespmem:s22+$0x70] =	vst v4  }
0x201: {  	v6 =	vpack.i.f32.bf16 v12, v11;
	v4 =	vld [tilespmem:s21+$0x30]  }
0x202: {  	[tilespmem:s26+$0x0] =	vst v6;
	v6 =	vld [tilespmem:s21+$0x1030]  }
0x203: {  	v9 =	vld [tilespmem:s21+$0x40]  }
0x204: {  	v10 =	vld [tilespmem:s21+$0x1040]  }
0x205: {  	v11 =	vld [tilespmem:s21+$0x50]  }
0x206: {  	v12 =	vld [tilespmem:s21+$0x1050]  }
0x207: {  	v13 =	vld [tilespmem:s21+$0x60]  }
0x208: {  	v5 =	vpack.i.f32.bf16 v7, v5;
	v7 =	vld [tilespmem:s21+$0x1060]  }
0x209: {  	[tilespmem:s22+$0x10] =	vst v5;
	v3 =	vpack.i.f32.bf16 v8, v3  }
0x20a: {  	[tilespmem:s22+$0x20] =	vst v3;
	v3 =	vpack.i.f32.bf16 v6, v4  }
0x20b: {  	[tilespmem:s22+$0x30] =	vst v3;
	v3 =	vpack.i.f32.bf16 v10, v9  }
0x20c: {  	[tilespmem:s22+$0x40] =	vst v3;
	v3 =	vpack.i.f32.bf16 v12, v11  }
0x20d: {  	[tilespmem:s22+$0x50] =	vst v3;
	v3 =	vpack.i.f32.bf16 v7, v13  }
0x20e: {  	[tilespmem:s22+$0x60] =	vst v3  }
0x20f: {  	v3 =	vld [tilespmem:$0x300];
	_ =	sdelay $0x4  }
0x210: {  	v4 =	vshll.u32 v3, $0x2  }
0x211: {  	v3 =	vand.u32 $0x7, v3;
	v4 =	vand.u32 $0xFFFFFFE0, v4  }
0x212: {  	v3 =	vor.u32 v3, v4  }
0x213: {  	v4 =	vperm.xlane v3, v0;
	_ =	sdelay $0x1  }
0x214: {  	v4 =	vadd.s32 v1, v4;
	_ =	sdelay $0x1  }
0x215: {  	v3 =	vperm.xlane v3, v2;
	_ =	sdelay $0x1  }
0x216: {  	s20 =	simm.s32 $0x0;
	s4 =	simm.s32 $0x10800;
	v3 =	vadd.s32 v1, v3  }
0x217: {  	[hbm4b:s3+s20] =	stream.indirect_vreg.scatter [tilespmem:s4], [sflag:$0x3], $0x80, v4, vm0, $0xb8;
	[tilespmem:$0x18800] =	vst v63  }
0x218: {  	s31 =	simm.s32 $0x11000  }
0x219: {  	[hbm4b:s7+s20] =	stream.indirect_vreg.scatter [tilespmem:s31], [sflag:$0x3], $0x80, v4, vm0, $0xb8;
	[tilespmem:$0x18800] =	vst v63  }
0x21a: {  	s21 =	simm.s32 $0x11800  }
0x21b: {  	[hbm4b:s3+s20] =	stream.indirect_vreg.scatter [tilespmem:s21], [sflag:$0x3], $0x80, v3, vm0, $0xb8;
	[tilespmem:$0x18800] =	vst v63  }
0x21c: {  	s22 =	simm.s32 $0x12000  }
0x21d: {  	[hbm4b:s7+s20] =	stream.indirect_vreg.scatter [tilespmem:s22], [sflag:$0x3], $0x80, v3, vm0, $0xb8;
	[tilespmem:$0x18800] =	vst v63  }
0x21e: {  	v3 =	vld [tilespmem:$0x310];
	_ =	sdelay $0x4  }
0x21f: {  	v4 =	vshll.u32 v3, $0x2  }
0x220: {  	v3 =	vand.u32 $0x7, v3;
	v4 =	vand.u32 $0xFFFFFFE0, v4  }
0x221: {  	v3 =	vor.u32 v3, v4  }
0x222: {  	v4 =	vperm.xlane v3, v0;
	_ =	sdelay $0x1  }
0x223: {  	v4 =	vadd.s32 v1, v4;
	_ =	sdelay $0x1  }
0x224: {  	v3 =	vperm.xlane v3, v2;
	_ =	sdelay $0x1  }
0x225: {  	v3 =	vadd.s32 v1, v3  }
0x226: {  	[hbm4b:s3+s20] =	stream.indirect_vreg.scatter [tilespmem:s0], [sflag:$0x3], $0x80, v4, vm0, $0xb8;
	[tilespmem:$0x18800] =	vst v63  }
0x227: {  	_ = 	snop  }
0x228: {  	[hbm4b:s7+s20] =	stream.indirect_vreg.scatter [tilespmem:s1], [sflag:$0x3], $0x80, v4, vm0, $0xb8;
	[tilespmem:$0x18800] =	vst v63  }
0x229: {  	_ = 	snop  }
0x22a: {  	[hbm4b:s3+s20] =	stream.indirect_vreg.scatter [tilespmem:s5], [sflag:$0x3], $0x80, v3, vm0, $0xb8;
	[tilespmem:$0x18800] =	vst v63  }
0x22b: {  	_ = 	snop  }
0x22c: {  	[hbm4b:s7+s20] =	stream.indirect_vreg.scatter [tilespmem:s6], [sflag:$0x3], $0x80, v3, vm0, $0xb8;
	[tilespmem:$0x18800] =	vst v63  }
0x22d: {  	s24 =	simm.s32 $0x800;
	_ =	swait.ge [sflag:s8], $0x8000  }
0x22e: {  	s26 =	simm.s32 $0x0;
	s29 =	simm.s32 $0x0;
	[sflag:s8] =	ssyncset.done $0x0  }
0x22f: {  	s4 =	sand.u32 $0x3FFFE000, s26;
	s23 =	rddreg [dreg:$0xc];
	[sflag:s8] =	ssyncadd.s32 $0xFFFF8000  }
0x230: {  	[tilespmem:s24], [sflag:$0x1] =	stream.linear.gather [hbm4b:s23+s20], $0x8000, $0x38;
	[tilespmem:$0x18800] =	vst v63  }
0x231: {  	s28 =	sand.u32 $0xC00, s20;
	s4 =	sadd.s32 $0x8800, s4;
	_ =	swait.ge [sflag:s18], $0x4000  }
0x232: {  	s23 =	sand.u32 $0x380, s20;
	s24 =	sadd.s32 s28, s4;
	[sflag:s18] =	ssyncset.done $0x0  }
0x233: {  	s26 =	sand.u32 $0xC00, s29;
	s21 =	sor.u32 s23, s24;
	[sflag:s18] =	ssyncadd.s32 $0xFFFFC000  }
0x234: {  	s4 =	sadd.s32 s26, s4;
	v4 =	vld [tilespmem:s21+$0x70]  }
0x235: {  	s4 =	sor.u32 s23, s4;
	v6 =	vld [tilespmem:s21+$0x1070]  }
0x236: {  	v9 =	vld [tilespmem:s4+$0x0]  }
0x237: {  	s30 =	simm.s32 $0x0;
	v10 =	vld [tilespmem:s4+$0x1000]  }
0x238: {  	s31 =	sand.u32 $0x3FFFF000, s30;
	v5 =	vld [tilespmem:s21+$0x10]  }
0x239: {  	s22 =	sor.u32 s28, s31;
	v8 =	vld [tilespmem:s21+$0x1010]  }
0x23a: {  	s22 =	sor.u32 s23, s22;
	v3 =	vld [tilespmem:s21+$0x20]  }
0x23b: {  	s22 =	sadd.s32 $0x10800, s22;
	s4 =	sor.u32 s26, s31;
	v7 =	vld [tilespmem:s21+$0x1020];
	v4 =	vpack.i.f32.bf16 v6, v4  }
0x23c: {  	s23 =	sor.u32 s23, s4;
	v6 =	vpack.i.f32.bf16 v10, v9;
	[tilespmem:s22+$0x4070] =	vst v4;
	v4 =	vld [tilespmem:s21+$0x30]  }
0x23d: {  	s24 =	simm.s32 $0x0;
	s4 =	simm.s32 $0x0;
	[tilespmem:s23+$0x14800] =	vst v6;
	v6 =	vld [tilespmem:s21+$0x1030];
	s23 =	simm.s32 $0x0  }
.LBB2_16:
0x23e: {  	s4 =	sadd.s32 $0x8, s4;
	v5 =	vpack.i.f32.bf16 v8, v5;
	v8 =	vld [tilespmem:s21+$0x40];
	s20 =	sadd.s32 $0x80, s20  }
0x23f: {  	s26 =	sshll.u32 s20, $0x3;
	s28 =	sshll.u32 s4, $0x5;
	p0 =	slt.u32 s4, $0x3F8;
	[tilespmem:s22+$0x4010] =	vst v5;
	v5 =	vld [tilespmem:s21+$0x1040]  }
0x240: {  	s23 =	sadd.s32 $0x400, s23;
	s26 =	sand.u32 $0xC00, s26;
	s28 =	sand.u32 $0x3FFFE000, s28;
	v3 =	vpack.i.f32.bf16 v7, v3;
	v7 =	vld [tilespmem:s21+$0x50]  }
0x241: {  	s24 =	sadd.s32 $0x20, s24;
	s29 =	sand.u32 $0xC00, s23;
	s28 =	sadd.s32 $0x8800, s28;
	[tilespmem:s22+$0x4020] =	vst v3;
	v3 =	vld [tilespmem:s21+$0x1050]  }
0x242: {  	s30 =	sand.u32 $0x380, s24;
	s31 =	sadd.s32 s26, s28;
	s28 =	sadd.s32 s29, s28;
	v4 =	vpack.i.f32.bf16 v6, v4;
	v6 =	vld [tilespmem:s21+$0x60]  }
0x243: {  	s31 =	sor.u32 s30, s31;
	[tilespmem:s22+$0x4030] =	vst v4;
	v4 =	vld [tilespmem:s21+$0x1060];
	s21 =	sor.u32 s30, s28  }
0x244: {  	v9 =	vld [tilespmem:s21+$0x70];
	v5 =	vpack.i.f32.bf16 v5, v8  }
0x245: {  	v10 =	vld [tilespmem:s21+$0x1070];
	[tilespmem:s22+$0x4040] =	vst v5  }
0x246: {  	s28 =	sshll.u32 s4, $0x4;
	v11 =	vld [tilespmem:s31+$0x0];
	v3 =	vpack.i.f32.bf16 v3, v7  }
0x247: {  	s28 =	sand.u32 $0x3FFFF000, s28;
	v12 =	vld [tilespmem:s31+$0x1000];
	[tilespmem:s22+$0x4050] =	vst v3  }
0x248: {  	s29 =	sor.u32 s29, s28;
	s26 =	sor.u32 s26, s28;
	v5 =	vld [tilespmem:s21+$0x10];
	v3 =	vpack.i.f32.bf16 v4, v6  }
.Ltmp7:
0x249: {  	s26 =	sor.u32 s30, s26;
	s28 =	sor.u32 s30, s29;
	v8 =	vld [tilespmem:s21+$0x1010];
	[tilespmem:s22+$0x4060] =	vst v3;
	(pc) =	sbr.rel @p0 .LBB2_16-.Ltmp7, $4  }
0x24a: {  	s22 =	sadd.s32 $0x10800, s28;
	v3 =	vld [tilespmem:s21+$0x20];
	v4 =	vpack.i.f32.bf16 v10, v9  }
0x24b: {  	v7 =	vld [tilespmem:s21+$0x1020];
	[tilespmem:s22+$0x4070] =	vst v4  }
0x24c: {  	v6 =	vpack.i.f32.bf16 v12, v11;
	v4 =	vld [tilespmem:s21+$0x30]  }
0x24d: {  	[tilespmem:s26+$0x14800] =	vst v6;
	v6 =	vld [tilespmem:s21+$0x1030]  }
0x24e: {  	v9 =	vld [tilespmem:s21+$0x40]  }
0x24f: {  	v10 =	vld [tilespmem:s21+$0x1040]  }
0x250: {  	v11 =	vld [tilespmem:s21+$0x50]  }
0x251: {  	v12 =	vld [tilespmem:s21+$0x1050]  }
0x252: {  	v13 =	vld [tilespmem:s21+$0x60]  }
0x253: {  	v5 =	vpack.i.f32.bf16 v8, v5;
	v8 =	vld [tilespmem:s21+$0x1060]  }
0x254: {  	[tilespmem:s22+$0x4010] =	vst v5;
	v3 =	vpack.i.f32.bf16 v7, v3  }
0x255: {  	[tilespmem:s22+$0x4020] =	vst v3;
	v3 =	vpack.i.f32.bf16 v6, v4  }
0x256: {  	[tilespmem:s22+$0x4030] =	vst v3;
	v3 =	vpack.i.f32.bf16 v10, v9  }
0x257: {  	[tilespmem:s22+$0x4040] =	vst v3;
	v3 =	vpack.i.f32.bf16 v12, v11  }
0x258: {  	[tilespmem:s22+$0x4050] =	vst v3;
	v3 =	vpack.i.f32.bf16 v8, v13  }
0x259: {  	[tilespmem:s22+$0x4060] =	vst v3  }
0x25a: {  	v3 =	vld [tilespmem:$0x380];
	_ =	sdelay $0x4  }
0x25b: {  	v4 =	vshll.u32 v3, $0x2  }
0x25c: {  	v3 =	vand.u32 $0x7, v3;
	v4 =	vand.u32 $0xFFFFFFE0, v4  }
0x25d: {  	v3 =	vor.u32 v3, v4  }
0x25e: {  	v4 =	vperm.xlane v3, v0;
	_ =	sdelay $0x1  }
0x25f: {  	v4 =	vadd.s32 v1, v4;
	_ =	sdelay $0x1  }
0x260: {  	v3 =	vperm.xlane v3, v2;
	_ =	sdelay $0x1  }
0x261: {  	s20 =	simm.s32 $0x0;
	v3 =	vadd.s32 v1, v3  }
0x262: {  	[hbm4b:s3+s20] =	stream.indirect_vreg.scatter [tilespmem:s9], [sflag:$0x4], $0x80, v4, vm0, $0xb8;
	[tilespmem:$0x18800] =	vst v63  }
0x263: {  	_ = 	snop  }
0x264: {  	[hbm4b:s7+s20] =	stream.indirect_vreg.scatter [tilespmem:s10], [sflag:$0x4], $0x80, v4, vm0, $0xb8;
	[tilespmem:$0x18800] =	vst v63  }
0x265: {  	_ = 	snop  }
0x266: {  	[hbm4b:s3+s20] =	stream.indirect_vreg.scatter [tilespmem:s11], [sflag:$0x4], $0x80, v3, vm0, $0xb8;
	[tilespmem:$0x18800] =	vst v63  }
0x267: {  	_ = 	snop  }
0x268: {  	[hbm4b:s7+s20] =	stream.indirect_vreg.scatter [tilespmem:s12], [sflag:$0x4], $0x80, v3, vm0, $0xb8;
	[tilespmem:$0x18800] =	vst v63  }
0x269: {  	v3 =	vld [tilespmem:$0x390];
	_ =	sdelay $0x4  }
0x26a: {  	v4 =	vshll.u32 v3, $0x2  }
0x26b: {  	v3 =	vand.u32 $0x7, v3;
	v4 =	vand.u32 $0xFFFFFFE0, v4  }
0x26c: {  	v3 =	vor.u32 v3, v4  }
0x26d: {  	v4 =	vperm.xlane v3, v0;
	_ =	sdelay $0x1  }
0x26e: {  	v4 =	vadd.s32 v1, v4;
	_ =	sdelay $0x1  }
0x26f: {  	v3 =	vperm.xlane v3, v2;
	_ =	sdelay $0x1  }
0x270: {  	v3 =	vadd.s32 v1, v3  }
0x271: {  	[hbm4b:s3+s20] =	stream.indirect_vreg.scatter [tilespmem:s13], [sflag:$0x4], $0x80, v4, vm0, $0xb8;
	[tilespmem:$0x18800] =	vst v63  }
0x272: {  	_ = 	snop  }
0x273: {  	[hbm4b:s7+s20] =	stream.indirect_vreg.scatter [tilespmem:s14], [sflag:$0x4], $0x80, v4, vm0, $0xb8;
	[tilespmem:$0x18800] =	vst v63  }
0x274: {  	_ = 	snop  }
0x275: {  	[hbm4b:s3+s20] =	stream.indirect_vreg.scatter [tilespmem:s15], [sflag:$0x4], $0x80, v3, vm0, $0xb8;
	[tilespmem:$0x18800] =	vst v63  }
0x276: {  	_ = 	snop  }
0x277: {  	[hbm4b:s7+s20] =	stream.indirect_vreg.scatter [tilespmem:s16], [sflag:$0x4], $0x80, v3, vm0, $0xb8;
	[tilespmem:$0x18800] =	vst v63  }
0x278: {  	_ =	swait.ge [sflag:s25], $0x8000  }
0x279: {  	s24 =	simm.s32 $0x8800;
	[sflag:s25] =	ssyncset.done $0x0  }
0x27a: {  	s26 =	simm.s32 $0x0;
	s4 =	rddreg [dreg:$0xd];
	[sflag:s25] =	ssyncadd.s32 $0xFFFF8000  }
0x27b: {  	[tilespmem:s24], [sflag:$0x2] =	stream.linear.gather [hbm4b:s4+s20], $0x8000, $0x38;
	[tilespmem:$0x18800] =	vst v63  }
0x27c: {  	s29 =	simm.s32 $0x0;
	s4 =	sand.u32 $0x3FFFE000, s26  }
0x27d: {  	s28 =	sand.u32 $0xC00, s20;
	_ =	swait.ge [sflag:s17], $0x4000;
	s4 =	sor.u32 $0x800, s4  }
0x27e: {  	s23 =	sand.u32 $0x380, s20;
	[sflag:s17] =	ssyncset.done $0x0;
	s24 =	sadd.s32 s28, s4  }
0x27f: {  	s26 =	sand.u32 $0xC00, s29;
	[sflag:s17] =	ssyncadd.s32 $0xFFFFC000;
	s21 =	sor.u32 s23, s24  }
0x280: {  	s4 =	sadd.s32 s26, s4;
	v4 =	vld [tilespmem:s21+$0x70]  }
0x281: {  	s4 =	sor.u32 s23, s4;
	v6 =	vld [tilespmem:s21+$0x1070]  }
0x282: {  	v9 =	vld [tilespmem:s4+$0x0]  }
0x283: {  	s30 =	simm.s32 $0x0;
	v10 =	vld [tilespmem:s4+$0x1000]  }
0x284: {  	s31 =	sand.u32 $0x3FFFF000, s30;
	v5 =	vld [tilespmem:s21+$0x10]  }
0x285: {  	s4 =	sadd.s32 $0x10800, s31;
	v7 =	vld [tilespmem:s21+$0x1010]  }
0x286: {  	v3 =	vld [tilespmem:s21+$0x20];
	s22 =	sadd.s32 s28, s4  }
0x287: {  	v8 =	vld [tilespmem:s21+$0x1020];
	s4 =	sadd.s32 s26, s4;
	s22 =	sor.u32 s23, s22;
	v4 =	vpack.i.f32.bf16 v6, v4  }
0x288: {  	s23 =	sor.u32 s23, s4;
	v6 =	vpack.i.f32.bf16 v10, v9;
	[tilespmem:s22+$0x70] =	vst v4;
	v4 =	vld [tilespmem:s21+$0x30]  }
0x289: {  	s24 =	simm.s32 $0x0;
	s4 =	simm.s32 $0x0;
	[tilespmem:s23+$0x0] =	vst v6;
	v6 =	vld [tilespmem:s21+$0x1030];
	s23 =	simm.s32 $0x0  }
.LBB2_18:
0x28a: {  	s4 =	sadd.s32 $0x8, s4;
	v5 =	vpack.i.f32.bf16 v7, v5;
	v7 =	vld [tilespmem:s21+$0x40];
	s20 =	sadd.s32 $0x80, s20  }
0x28b: {  	s26 =	sshll.u32 s20, $0x3;
	s28 =	sshll.u32 s4, $0x5;
	p0 =	slt.u32 s4, $0x3F8;
	[tilespmem:s22+$0x10] =	vst v5;
	v5 =	vld [tilespmem:s21+$0x1040]  }
0x28c: {  	s23 =	sadd.s32 $0x400, s23;
	s26 =	sand.u32 $0xC00, s26;
	s28 =	sand.u32 $0x3FFFE000, s28;
	v3 =	vpack.i.f32.bf16 v8, v3;
	v8 =	vld [tilespmem:s21+$0x50]  }
0x28d: {  	s24 =	sadd.s32 $0x20, s24;
	s29 =	sand.u32 $0xC00, s23;
	s28 =	sor.u32 $0x800, s28;
	[tilespmem:s22+$0x20] =	vst v3;
	v3 =	vld [tilespmem:s21+$0x1050]  }
0x28e: {  	s30 =	sand.u32 $0x380, s24;
	s31 =	sadd.s32 s26, s28;
	s28 =	sadd.s32 s29, s28;
	v4 =	vpack.i.f32.bf16 v6, v4;
	v6 =	vld [tilespmem:s21+$0x60]  }
0x28f: {  	s31 =	sor.u32 s30, s31;
	[tilespmem:s22+$0x30] =	vst v4;
	v4 =	vld [tilespmem:s21+$0x1060];
	s21 =	sor.u32 s30, s28  }
0x290: {  	v9 =	vld [tilespmem:s21+$0x70];
	v5 =	vpack.i.f32.bf16 v5, v7  }
0x291: {  	v10 =	vld [tilespmem:s21+$0x1070];
	[tilespmem:s22+$0x40] =	vst v5  }
0x292: {  	s28 =	sshll.u32 s4, $0x4;
	v11 =	vld [tilespmem:s31+$0x0];
	v3 =	vpack.i.f32.bf16 v3, v8  }
0x293: {  	s28 =	sand.u32 $0x3FFFF000, s28;
	v12 =	vld [tilespmem:s31+$0x1000];
	[tilespmem:s22+$0x50] =	vst v3  }
0x294: {  	s28 =	sadd.s32 $0x10800, s28;
	v5 =	vld [tilespmem:s21+$0x10];
	v3 =	vpack.i.f32.bf16 v4, v6  }
.Ltmp8:
0x295: {  	s26 =	sadd.s32 s26, s28;
	s28 =	sadd.s32 s29, s28;
	v7 =	vld [tilespmem:s21+$0x1010];
	[tilespmem:s22+$0x60] =	vst v3;
	(pc) =	sbr.rel @p0 .LBB2_18-.Ltmp8, $4  }
0x296: {  	s26 =	sor.u32 s30, s26;
	s22 =	sor.u32 s30, s28;
	v3 =	vld [tilespmem:s21+$0x20];
	v4 =	vpack.i.f32.bf16 v10, v9  }
0x297: {  	v8 =	vld [tilespmem:s21+$0x1020];
	[tilespmem:s22+$0x70] =	vst v4  }
0x298: {  	v6 =	vpack.i.f32.bf16 v12, v11;
	v4 =	vld [tilespmem:s21+$0x30]  }
0x299: {  	[tilespmem:s26+$0x0] =	vst v6;
	v6 =	vld [tilespmem:s21+$0x1030]  }
0x29a: {  	v9 =	vld [tilespmem:s21+$0x40]  }
0x29b: {  	v10 =	vld [tilespmem:s21+$0x1040]  }
0x29c: {  	v11 =	vld [tilespmem:s21+$0x50]  }
0x29d: {  	v12 =	vld [tilespmem:s21+$0x1050]  }
0x29e: {  	v13 =	vld [tilespmem:s21+$0x60]  }
0x29f: {  	v5 =	vpack.i.f32.bf16 v7, v5;
	v7 =	vld [tilespmem:s21+$0x1060]  }
0x2a0: {  	[tilespmem:s22+$0x10] =	vst v5;
	v3 =	vpack.i.f32.bf16 v8, v3  }
0x2a1: {  	[tilespmem:s22+$0x20] =	vst v3;
	v3 =	vpack.i.f32.bf16 v6, v4  }
0x2a2: {  	[tilespmem:s22+$0x30] =	vst v3;
	v3 =	vpack.i.f32.bf16 v10, v9  }
0x2a3: {  	[tilespmem:s22+$0x40] =	vst v3;
	v3 =	vpack.i.f32.bf16 v12, v11  }
0x2a4: {  	[tilespmem:s22+$0x50] =	vst v3;
	v3 =	vpack.i.f32.bf16 v7, v13  }
0x2a5: {  	[tilespmem:s22+$0x60] =	vst v3  }
0x2a6: {  	v3 =	vld [tilespmem:$0x400];
	_ =	sdelay $0x4  }
0x2a7: {  	v4 =	vshll.u32 v3, $0x2  }
0x2a8: {  	v3 =	vand.u32 $0x7, v3;
	v4 =	vand.u32 $0xFFFFFFE0, v4  }
0x2a9: {  	v3 =	vor.u32 v3, v4  }
0x2aa: {  	v4 =	vperm.xlane v3, v0;
	_ =	sdelay $0x1  }
0x2ab: {  	v4 =	vadd.s32 v1, v4;
	_ =	sdelay $0x1  }
0x2ac: {  	v3 =	vperm.xlane v3, v2;
	_ =	sdelay $0x1  }
0x2ad: {  	s20 =	simm.s32 $0x0;
	s4 =	simm.s32 $0x10800;
	v3 =	vadd.s32 v1, v3  }
0x2ae: {  	[hbm4b:s3+s20] =	stream.indirect_vreg.scatter [tilespmem:s4], [sflag:$0x3], $0x80, v4, vm0, $0xb8;
	[tilespmem:$0x18800] =	vst v63  }
0x2af: {  	s31 =	simm.s32 $0x11000  }
0x2b0: {  	[hbm4b:s7+s20] =	stream.indirect_vreg.scatter [tilespmem:s31], [sflag:$0x3], $0x80, v4, vm0, $0xb8;
	[tilespmem:$0x18800] =	vst v63  }
0x2b1: {  	s21 =	simm.s32 $0x11800  }
0x2b2: {  	[hbm4b:s3+s20] =	stream.indirect_vreg.scatter [tilespmem:s21], [sflag:$0x3], $0x80, v3, vm0, $0xb8;
	[tilespmem:$0x18800] =	vst v63  }
0x2b3: {  	s22 =	simm.s32 $0x12000  }
0x2b4: {  	[hbm4b:s7+s20] =	stream.indirect_vreg.scatter [tilespmem:s22], [sflag:$0x3], $0x80, v3, vm0, $0xb8;
	[tilespmem:$0x18800] =	vst v63  }
0x2b5: {  	v3 =	vld [tilespmem:$0x410];
	_ =	sdelay $0x4  }
0x2b6: {  	v4 =	vshll.u32 v3, $0x2  }
0x2b7: {  	v3 =	vand.u32 $0x7, v3;
	v4 =	vand.u32 $0xFFFFFFE0, v4  }
0x2b8: {  	v3 =	vor.u32 v3, v4  }
0x2b9: {  	v4 =	vperm.xlane v3, v0;
	_ =	sdelay $0x1  }
0x2ba: {  	v4 =	vadd.s32 v1, v4;
	_ =	sdelay $0x1  }
0x2bb: {  	v3 =	vperm.xlane v3, v2;
	_ =	sdelay $0x1  }
0x2bc: {  	v3 =	vadd.s32 v1, v3  }
0x2bd: {  	[hbm4b:s3+s20] =	stream.indirect_vreg.scatter [tilespmem:s0], [sflag:$0x3], $0x80, v4, vm0, $0xb8;
	[tilespmem:$0x18800] =	vst v63  }
0x2be: {  	_ = 	snop  }
0x2bf: {  	[hbm4b:s7+s20] =	stream.indirect_vreg.scatter [tilespmem:s1], [sflag:$0x3], $0x80, v4, vm0, $0xb8;
	[tilespmem:$0x18800] =	vst v63  }
0x2c0: {  	_ = 	snop  }
0x2c1: {  	[hbm4b:s3+s20] =	stream.indirect_vreg.scatter [tilespmem:s5], [sflag:$0x3], $0x80, v3, vm0, $0xb8;
	[tilespmem:$0x18800] =	vst v63  }
0x2c2: {  	_ = 	snop  }
0x2c3: {  	[hbm4b:s7+s20] =	stream.indirect_vreg.scatter [tilespmem:s6], [sflag:$0x3], $0x80, v3, vm0, $0xb8;
	[tilespmem:$0x18800] =	vst v63  }
0x2c4: {  	s24 =	simm.s32 $0x800;
	_ =	swait.ge [sflag:s8], $0x8000  }
0x2c5: {  	s26 =	simm.s32 $0x0;
	s29 =	simm.s32 $0x0;
	[sflag:s8] =	ssyncset.done $0x0  }
0x2c6: {  	s4 =	sand.u32 $0x3FFFE000, s26;
	s23 =	rddreg [dreg:$0xe];
	[sflag:s8] =	ssyncadd.s32 $0xFFFF8000  }
0x2c7: {  	[tilespmem:s24], [sflag:$0x1] =	stream.linear.gather [hbm4b:s23+s20], $0x8000, $0x38;
	[tilespmem:$0x18800] =	vst v63  }
0x2c8: {  	s28 =	sand.u32 $0xC00, s20;
	s4 =	sadd.s32 $0x8800, s4;
	_ =	swait.ge [sflag:s18], $0x4000  }
0x2c9: {  	s23 =	sand.u32 $0x380, s20;
	s24 =	sadd.s32 s28, s4;
	[sflag:s18] =	ssyncset.done $0x0  }
0x2ca: {  	s26 =	sand.u32 $0xC00, s29;
	s21 =	sor.u32 s23, s24;
	[sflag:s18] =	ssyncadd.s32 $0xFFFFC000  }
0x2cb: {  	s4 =	sadd.s32 s26, s4;
	v4 =	vld [tilespmem:s21+$0x70]  }
0x2cc: {  	s4 =	sor.u32 s23, s4;
	v6 =	vld [tilespmem:s21+$0x1070]  }
0x2cd: {  	v9 =	vld [tilespmem:s4+$0x0]  }
0x2ce: {  	s30 =	simm.s32 $0x0;
	v10 =	vld [tilespmem:s4+$0x1000]  }
0x2cf: {  	s31 =	sand.u32 $0x3FFFF000, s30;
	v5 =	vld [tilespmem:s21+$0x10]  }
0x2d0: {  	s22 =	sor.u32 s28, s31;
	v8 =	vld [tilespmem:s21+$0x1010]  }
0x2d1: {  	s22 =	sor.u32 s23, s22;
	v3 =	vld [tilespmem:s21+$0x20]  }
0x2d2: {  	s22 =	sadd.s32 $0x10800, s22;
	s4 =	sor.u32 s26, s31;
	v7 =	vld [tilespmem:s21+$0x1020];
	v4 =	vpack.i.f32.bf16 v6, v4  }
0x2d3: {  	s23 =	sor.u32 s23, s4;
	v6 =	vpack.i.f32.bf16 v10, v9;
	[tilespmem:s22+$0x4070] =	vst v4;
	v4 =	vld [tilespmem:s21+$0x30]  }
0x2d4: {  	s24 =	simm.s32 $0x0;
	s4 =	simm.s32 $0x0;
	[tilespmem:s23+$0x14800] =	vst v6;
	v6 =	vld [tilespmem:s21+$0x1030];
	s23 =	simm.s32 $0x0  }
.LBB2_20:
0x2d5: {  	s4 =	sadd.s32 $0x8, s4;
	v5 =	vpack.i.f32.bf16 v8, v5;
	v8 =	vld [tilespmem:s21+$0x40];
	s20 =	sadd.s32 $0x80, s20  }
0x2d6: {  	s26 =	sshll.u32 s20, $0x3;
	s28 =	sshll.u32 s4, $0x5;
	p0 =	slt.u32 s4, $0x3F8;
	[tilespmem:s22+$0x4010] =	vst v5;
	v5 =	vld [tilespmem:s21+$0x1040]  }
0x2d7: {  	s23 =	sadd.s32 $0x400, s23;
	s26 =	sand.u32 $0xC00, s26;
	s28 =	sand.u32 $0x3FFFE000, s28;
	v3 =	vpack.i.f32.bf16 v7, v3;
	v7 =	vld [tilespmem:s21+$0x50]  }
0x2d8: {  	s24 =	sadd.s32 $0x20, s24;
	s29 =	sand.u32 $0xC00, s23;
	s28 =	sadd.s32 $0x8800, s28;
	[tilespmem:s22+$0x4020] =	vst v3;
	v3 =	vld [tilespmem:s21+$0x1050]  }
0x2d9: {  	s30 =	sand.u32 $0x380, s24;
	s31 =	sadd.s32 s26, s28;
	s28 =	sadd.s32 s29, s28;
	v4 =	vpack.i.f32.bf16 v6, v4;
	v6 =	vld [tilespmem:s21+$0x60]  }
0x2da: {  	s31 =	sor.u32 s30, s31;
	[tilespmem:s22+$0x4030] =	vst v4;
	v4 =	vld [tilespmem:s21+$0x1060];
	s21 =	sor.u32 s30, s28  }
0x2db: {  	v9 =	vld [tilespmem:s21+$0x70];
	v5 =	vpack.i.f32.bf16 v5, v8  }
0x2dc: {  	v10 =	vld [tilespmem:s21+$0x1070];
	[tilespmem:s22+$0x4040] =	vst v5  }
0x2dd: {  	s28 =	sshll.u32 s4, $0x4;
	v11 =	vld [tilespmem:s31+$0x0];
	v3 =	vpack.i.f32.bf16 v3, v7  }
0x2de: {  	s28 =	sand.u32 $0x3FFFF000, s28;
	v12 =	vld [tilespmem:s31+$0x1000];
	[tilespmem:s22+$0x4050] =	vst v3  }
0x2df: {  	s29 =	sor.u32 s29, s28;
	s26 =	sor.u32 s26, s28;
	v5 =	vld [tilespmem:s21+$0x10];
	v3 =	vpack.i.f32.bf16 v4, v6  }
.Ltmp9:
0x2e0: {  	s26 =	sor.u32 s30, s26;
	s28 =	sor.u32 s30, s29;
	v8 =	vld [tilespmem:s21+$0x1010];
	[tilespmem:s22+$0x4060] =	vst v3;
	(pc) =	sbr.rel @p0 .LBB2_20-.Ltmp9, $4  }
0x2e1: {  	s22 =	sadd.s32 $0x10800, s28;
	v3 =	vld [tilespmem:s21+$0x20];
	v4 =	vpack.i.f32.bf16 v10, v9  }
0x2e2: {  	v7 =	vld [tilespmem:s21+$0x1020];
	[tilespmem:s22+$0x4070] =	vst v4  }
0x2e3: {  	v6 =	vpack.i.f32.bf16 v12, v11;
	v4 =	vld [tilespmem:s21+$0x30]  }
0x2e4: {  	[tilespmem:s26+$0x14800] =	vst v6;
	v6 =	vld [tilespmem:s21+$0x1030]  }
0x2e5: {  	v9 =	vld [tilespmem:s21+$0x40]  }
0x2e6: {  	v10 =	vld [tilespmem:s21+$0x1040]  }
0x2e7: {  	v11 =	vld [tilespmem:s21+$0x50]  }
0x2e8: {  	v12 =	vld [tilespmem:s21+$0x1050]  }
0x2e9: {  	v13 =	vld [tilespmem:s21+$0x60]  }
0x2ea: {  	v5 =	vpack.i.f32.bf16 v8, v5;
	v8 =	vld [tilespmem:s21+$0x1060]  }
0x2eb: {  	[tilespmem:s22+$0x4010] =	vst v5;
	v3 =	vpack.i.f32.bf16 v7, v3  }
0x2ec: {  	[tilespmem:s22+$0x4020] =	vst v3;
	v3 =	vpack.i.f32.bf16 v6, v4  }
0x2ed: {  	[tilespmem:s22+$0x4030] =	vst v3;
	v3 =	vpack.i.f32.bf16 v10, v9  }
0x2ee: {  	[tilespmem:s22+$0x4040] =	vst v3;
	v3 =	vpack.i.f32.bf16 v12, v11  }
0x2ef: {  	[tilespmem:s22+$0x4050] =	vst v3;
	v3 =	vpack.i.f32.bf16 v8, v13  }
0x2f0: {  	[tilespmem:s22+$0x4060] =	vst v3  }
0x2f1: {  	v3 =	vld [tilespmem:$0x480];
	_ =	sdelay $0x4  }
0x2f2: {  	v4 =	vshll.u32 v3, $0x2  }
0x2f3: {  	v3 =	vand.u32 $0x7, v3;
	v4 =	vand.u32 $0xFFFFFFE0, v4  }
0x2f4: {  	v3 =	vor.u32 v3, v4  }
0x2f5: {  	v4 =	vperm.xlane v3, v0;
	_ =	sdelay $0x1  }
0x2f6: {  	v4 =	vadd.s32 v1, v4;
	_ =	sdelay $0x1  }
0x2f7: {  	v3 =	vperm.xlane v3, v2;
	_ =	sdelay $0x1  }
0x2f8: {  	s20 =	simm.s32 $0x0;
	v3 =	vadd.s32 v1, v3  }
0x2f9: {  	[hbm4b:s3+s20] =	stream.indirect_vreg.scatter [tilespmem:s9], [sflag:$0x4], $0x80, v4, vm0, $0xb8;
	[tilespmem:$0x18800] =	vst v63  }
0x2fa: {  	_ = 	snop  }
0x2fb: {  	[hbm4b:s7+s20] =	stream.indirect_vreg.scatter [tilespmem:s10], [sflag:$0x4], $0x80, v4, vm0, $0xb8;
	[tilespmem:$0x18800] =	vst v63  }
0x2fc: {  	_ = 	snop  }
0x2fd: {  	[hbm4b:s3+s20] =	stream.indirect_vreg.scatter [tilespmem:s11], [sflag:$0x4], $0x80, v3, vm0, $0xb8;
	[tilespmem:$0x18800] =	vst v63  }
0x2fe: {  	_ = 	snop  }
0x2ff: {  	[hbm4b:s7+s20] =	stream.indirect_vreg.scatter [tilespmem:s12], [sflag:$0x4], $0x80, v3, vm0, $0xb8;
	[tilespmem:$0x18800] =	vst v63  }
0x300: {  	v3 =	vld [tilespmem:$0x490];
	_ =	sdelay $0x4  }
0x301: {  	v4 =	vshll.u32 v3, $0x2  }
0x302: {  	v3 =	vand.u32 $0x7, v3;
	v4 =	vand.u32 $0xFFFFFFE0, v4  }
0x303: {  	v3 =	vor.u32 v3, v4  }
0x304: {  	v4 =	vperm.xlane v3, v0;
	_ =	sdelay $0x1  }
0x305: {  	v4 =	vadd.s32 v1, v4;
	_ =	sdelay $0x1  }
0x306: {  	v3 =	vperm.xlane v3, v2;
	_ =	sdelay $0x1  }
0x307: {  	v3 =	vadd.s32 v1, v3  }
0x308: {  	[hbm4b:s3+s20] =	stream.indirect_vreg.scatter [tilespmem:s13], [sflag:$0x4], $0x80, v4, vm0, $0xb8;
	[tilespmem:$0x18800] =	vst v63  }
0x309: {  	_ = 	snop  }
0x30a: {  	[hbm4b:s7+s20] =	stream.indirect_vreg.scatter [tilespmem:s14], [sflag:$0x4], $0x80, v4, vm0, $0xb8;
	[tilespmem:$0x18800] =	vst v63  }
0x30b: {  	_ = 	snop  }
0x30c: {  	[hbm4b:s3+s20] =	stream.indirect_vreg.scatter [tilespmem:s15], [sflag:$0x4], $0x80, v3, vm0, $0xb8;
	[tilespmem:$0x18800] =	vst v63  }
0x30d: {  	_ = 	snop  }
0x30e: {  	[hbm4b:s7+s20] =	stream.indirect_vreg.scatter [tilespmem:s16], [sflag:$0x4], $0x80, v3, vm0, $0xb8;
	[tilespmem:$0x18800] =	vst v63  }
0x30f: {  	_ =	swait.ge [sflag:s25], $0x8000  }
0x310: {  	s24 =	simm.s32 $0x8800;
	[sflag:s25] =	ssyncset.done $0x0  }
0x311: {  	s26 =	simm.s32 $0x0;
	s4 =	rddreg [dreg:$0xf];
	[sflag:s25] =	ssyncadd.s32 $0xFFFF8000  }
0x312: {  	[tilespmem:s24], [sflag:$0x2] =	stream.linear.gather [hbm4b:s4+s20], $0x8000, $0x38;
	[tilespmem:$0x18800] =	vst v63  }
0x313: {  	s29 =	simm.s32 $0x0;
	s4 =	sand.u32 $0x3FFFE000, s26  }
0x314: {  	s28 =	sand.u32 $0xC00, s20;
	_ =	swait.ge [sflag:s17], $0x4000;
	s4 =	sor.u32 $0x800, s4  }
0x315: {  	s23 =	sand.u32 $0x380, s20;
	[sflag:s17] =	ssyncset.done $0x0;
	s24 =	sadd.s32 s28, s4  }
0x316: {  	s26 =	sand.u32 $0xC00, s29;
	[sflag:s17] =	ssyncadd.s32 $0xFFFFC000;
	s21 =	sor.u32 s23, s24  }
0x317: {  	s4 =	sadd.s32 s26, s4;
	v4 =	vld [tilespmem:s21+$0x70]  }
0x318: {  	s4 =	sor.u32 s23, s4;
	v6 =	vld [tilespmem:s21+$0x1070]  }
0x319: {  	v9 =	vld [tilespmem:s4+$0x0]  }
0x31a: {  	s30 =	simm.s32 $0x0;
	v10 =	vld [tilespmem:s4+$0x1000]  }
0x31b: {  	s31 =	sand.u32 $0x3FFFF000, s30;
	v5 =	vld [tilespmem:s21+$0x10]  }
0x31c: {  	s4 =	sadd.s32 $0x10800, s31;
	v7 =	vld [tilespmem:s21+$0x1010]  }
0x31d: {  	v3 =	vld [tilespmem:s21+$0x20];
	s22 =	sadd.s32 s28, s4  }
0x31e: {  	v8 =	vld [tilespmem:s21+$0x1020];
	s4 =	sadd.s32 s26, s4;
	s22 =	sor.u32 s23, s22;
	v4 =	vpack.i.f32.bf16 v6, v4  }
0x31f: {  	s23 =	sor.u32 s23, s4;
	v6 =	vpack.i.f32.bf16 v10, v9;
	[tilespmem:s22+$0x70] =	vst v4;
	v4 =	vld [tilespmem:s21+$0x30]  }
0x320: {  	s24 =	simm.s32 $0x0;
	s4 =	simm.s32 $0x0;
	[tilespmem:s23+$0x0] =	vst v6;
	v6 =	vld [tilespmem:s21+$0x1030];
	s23 =	simm.s32 $0x0  }
.LBB2_22:
0x321: {  	s4 =	sadd.s32 $0x8, s4;
	v5 =	vpack.i.f32.bf16 v7, v5;
	v7 =	vld [tilespmem:s21+$0x40];
	s20 =	sadd.s32 $0x80, s20  }
0x322: {  	s26 =	sshll.u32 s20, $0x3;
	s28 =	sshll.u32 s4, $0x5;
	p0 =	slt.u32 s4, $0x3F8;
	[tilespmem:s22+$0x10] =	vst v5;
	v5 =	vld [tilespmem:s21+$0x1040]  }
0x323: {  	s23 =	sadd.s32 $0x400, s23;
	s26 =	sand.u32 $0xC00, s26;
	s28 =	sand.u32 $0x3FFFE000, s28;
	v3 =	vpack.i.f32.bf16 v8, v3;
	v8 =	vld [tilespmem:s21+$0x50]  }
0x324: {  	s24 =	sadd.s32 $0x20, s24;
	s29 =	sand.u32 $0xC00, s23;
	s28 =	sor.u32 $0x800, s28;
	[tilespmem:s22+$0x20] =	vst v3;
	v3 =	vld [tilespmem:s21+$0x1050]  }
0x325: {  	s30 =	sand.u32 $0x380, s24;
	s31 =	sadd.s32 s26, s28;
	s28 =	sadd.s32 s29, s28;
	v4 =	vpack.i.f32.bf16 v6, v4;
	v6 =	vld [tilespmem:s21+$0x60]  }
0x326: {  	s31 =	sor.u32 s30, s31;
	[tilespmem:s22+$0x30] =	vst v4;
	v4 =	vld [tilespmem:s21+$0x1060];
	s21 =	sor.u32 s30, s28  }
0x327: {  	v9 =	vld [tilespmem:s21+$0x70];
	v5 =	vpack.i.f32.bf16 v5, v7  }
0x328: {  	v10 =	vld [tilespmem:s21+$0x1070];
	[tilespmem:s22+$0x40] =	vst v5  }
0x329: {  	s28 =	sshll.u32 s4, $0x4;
	v11 =	vld [tilespmem:s31+$0x0];
	v3 =	vpack.i.f32.bf16 v3, v8  }
0x32a: {  	s28 =	sand.u32 $0x3FFFF000, s28;
	v12 =	vld [tilespmem:s31+$0x1000];
	[tilespmem:s22+$0x50] =	vst v3  }
0x32b: {  	s28 =	sadd.s32 $0x10800, s28;
	v5 =	vld [tilespmem:s21+$0x10];
	v3 =	vpack.i.f32.bf16 v4, v6  }
.Ltmp10:
0x32c: {  	s26 =	sadd.s32 s26, s28;
	s28 =	sadd.s32 s29, s28;
	v7 =	vld [tilespmem:s21+$0x1010];
	[tilespmem:s22+$0x60] =	vst v3;
	(pc) =	sbr.rel @p0 .LBB2_22-.Ltmp10, $4  }
0x32d: {  	s26 =	sor.u32 s30, s26;
	s22 =	sor.u32 s30, s28;
	v3 =	vld [tilespmem:s21+$0x20];
	v4 =	vpack.i.f32.bf16 v10, v9  }
0x32e: {  	v8 =	vld [tilespmem:s21+$0x1020];
	[tilespmem:s22+$0x70] =	vst v4  }
0x32f: {  	v6 =	vpack.i.f32.bf16 v12, v11;
	v4 =	vld [tilespmem:s21+$0x30]  }
0x330: {  	[tilespmem:s26+$0x0] =	vst v6;
	v6 =	vld [tilespmem:s21+$0x1030]  }
0x331: {  	v9 =	vld [tilespmem:s21+$0x40]  }
0x332: {  	v10 =	vld [tilespmem:s21+$0x1040]  }
0x333: {  	v11 =	vld [tilespmem:s21+$0x50]  }
0x334: {  	v12 =	vld [tilespmem:s21+$0x1050]  }
0x335: {  	v13 =	vld [tilespmem:s21+$0x60]  }
0x336: {  	v5 =	vpack.i.f32.bf16 v7, v5;
	v7 =	vld [tilespmem:s21+$0x1060]  }
0x337: {  	[tilespmem:s22+$0x10] =	vst v5;
	v3 =	vpack.i.f32.bf16 v8, v3  }
0x338: {  	[tilespmem:s22+$0x20] =	vst v3;
	v3 =	vpack.i.f32.bf16 v6, v4  }
0x339: {  	[tilespmem:s22+$0x30] =	vst v3;
	v3 =	vpack.i.f32.bf16 v10, v9  }
0x33a: {  	[tilespmem:s22+$0x40] =	vst v3;
	v3 =	vpack.i.f32.bf16 v12, v11  }
0x33b: {  	[tilespmem:s22+$0x50] =	vst v3;
	v3 =	vpack.i.f32.bf16 v7, v13  }
0x33c: {  	[tilespmem:s22+$0x60] =	vst v3  }
0x33d: {  	v3 =	vld [tilespmem:$0x500];
	_ =	sdelay $0x4  }
0x33e: {  	v4 =	vshll.u32 v3, $0x2  }
0x33f: {  	v3 =	vand.u32 $0x7, v3;
	v4 =	vand.u32 $0xFFFFFFE0, v4  }
0x340: {  	v3 =	vor.u32 v3, v4  }
0x341: {  	v4 =	vperm.xlane v3, v0;
	_ =	sdelay $0x1  }
0x342: {  	v4 =	vadd.s32 v1, v4;
	_ =	sdelay $0x1  }
0x343: {  	v3 =	vperm.xlane v3, v2;
	_ =	sdelay $0x1  }
0x344: {  	s20 =	simm.s32 $0x0;
	s4 =	simm.s32 $0x10800;
	v3 =	vadd.s32 v1, v3  }
0x345: {  	[hbm4b:s3+s20] =	stream.indirect_vreg.scatter [tilespmem:s4], [sflag:$0x3], $0x80, v4, vm0, $0xb8;
	[tilespmem:$0x18800] =	vst v63  }
0x346: {  	s31 =	simm.s32 $0x11000  }
0x347: {  	[hbm4b:s7+s20] =	stream.indirect_vreg.scatter [tilespmem:s31], [sflag:$0x3], $0x80, v4, vm0, $0xb8;
	[tilespmem:$0x18800] =	vst v63  }
0x348: {  	s21 =	simm.s32 $0x11800  }
0x349: {  	[hbm4b:s3+s20] =	stream.indirect_vreg.scatter [tilespmem:s21], [sflag:$0x3], $0x80, v3, vm0, $0xb8;
	[tilespmem:$0x18800] =	vst v63  }
0x34a: {  	s22 =	simm.s32 $0x12000  }
0x34b: {  	[hbm4b:s7+s20] =	stream.indirect_vreg.scatter [tilespmem:s22], [sflag:$0x3], $0x80, v3, vm0, $0xb8;
	[tilespmem:$0x18800] =	vst v63  }
0x34c: {  	v3 =	vld [tilespmem:$0x510];
	_ =	sdelay $0x4  }
0x34d: {  	v4 =	vshll.u32 v3, $0x2  }
0x34e: {  	v3 =	vand.u32 $0x7, v3;
	v4 =	vand.u32 $0xFFFFFFE0, v4  }
0x34f: {  	v3 =	vor.u32 v3, v4  }
0x350: {  	v4 =	vperm.xlane v3, v0;
	_ =	sdelay $0x1  }
0x351: {  	v4 =	vadd.s32 v1, v4;
	_ =	sdelay $0x1  }
0x352: {  	v3 =	vperm.xlane v3, v2;
	_ =	sdelay $0x1  }
0x353: {  	v3 =	vadd.s32 v1, v3  }
0x354: {  	[hbm4b:s3+s20] =	stream.indirect_vreg.scatter [tilespmem:s0], [sflag:$0x3], $0x80, v4, vm0, $0xb8;
	[tilespmem:$0x18800] =	vst v63  }
0x355: {  	_ = 	snop  }
0x356: {  	[hbm4b:s7+s20] =	stream.indirect_vreg.scatter [tilespmem:s1], [sflag:$0x3], $0x80, v4, vm0, $0xb8;
	[tilespmem:$0x18800] =	vst v63  }
0x357: {  	_ = 	snop  }
0x358: {  	[hbm4b:s3+s20] =	stream.indirect_vreg.scatter [tilespmem:s5], [sflag:$0x3], $0x80, v3, vm0, $0xb8;
	[tilespmem:$0x18800] =	vst v63  }
0x359: {  	_ = 	snop  }
0x35a: {  	[hbm4b:s7+s20] =	stream.indirect_vreg.scatter [tilespmem:s6], [sflag:$0x3], $0x80, v3, vm0, $0xb8;
	[tilespmem:$0x18800] =	vst v63  }
0x35b: {  	s24 =	simm.s32 $0x800;
	_ =	swait.ge [sflag:s8], $0x8000  }
0x35c: {  	s26 =	simm.s32 $0x0;
	s29 =	simm.s32 $0x0;
	[sflag:s8] =	ssyncset.done $0x0  }
0x35d: {  	s4 =	sand.u32 $0x3FFFE000, s26;
	s23 =	rddreg [dreg:$0x10];
	[sflag:s8] =	ssyncadd.s32 $0xFFFF8000  }
0x35e: {  	[tilespmem:s24], [sflag:$0x1] =	stream.linear.gather [hbm4b:s23+s20], $0x8000, $0x38;
	[tilespmem:$0x18800] =	vst v63  }
0x35f: {  	s28 =	sand.u32 $0xC00, s20;
	s4 =	sadd.s32 $0x8800, s4;
	_ =	swait.ge [sflag:s18], $0x4000  }
0x360: {  	s23 =	sand.u32 $0x380, s20;
	s24 =	sadd.s32 s28, s4;
	[sflag:s18] =	ssyncset.done $0x0  }
0x361: {  	s26 =	sand.u32 $0xC00, s29;
	s21 =	sor.u32 s23, s24;
	[sflag:s18] =	ssyncadd.s32 $0xFFFFC000  }
0x362: {  	s4 =	sadd.s32 s26, s4;
	v4 =	vld [tilespmem:s21+$0x70]  }
0x363: {  	s4 =	sor.u32 s23, s4;
	v6 =	vld [tilespmem:s21+$0x1070]  }
0x364: {  	v9 =	vld [tilespmem:s4+$0x0]  }
0x365: {  	s30 =	simm.s32 $0x0;
	v10 =	vld [tilespmem:s4+$0x1000]  }
0x366: {  	s31 =	sand.u32 $0x3FFFF000, s30;
	v5 =	vld [tilespmem:s21+$0x10]  }
0x367: {  	s22 =	sor.u32 s28, s31;
	v8 =	vld [tilespmem:s21+$0x1010]  }
0x368: {  	s22 =	sor.u32 s23, s22;
	v3 =	vld [tilespmem:s21+$0x20]  }
0x369: {  	s22 =	sadd.s32 $0x10800, s22;
	s4 =	sor.u32 s26, s31;
	v7 =	vld [tilespmem:s21+$0x1020];
	v4 =	vpack.i.f32.bf16 v6, v4  }
0x36a: {  	s23 =	sor.u32 s23, s4;
	v6 =	vpack.i.f32.bf16 v10, v9;
	[tilespmem:s22+$0x4070] =	vst v4;
	v4 =	vld [tilespmem:s21+$0x30]  }
0x36b: {  	s24 =	simm.s32 $0x0;
	s4 =	simm.s32 $0x0;
	[tilespmem:s23+$0x14800] =	vst v6;
	v6 =	vld [tilespmem:s21+$0x1030];
	s23 =	simm.s32 $0x0  }
.LBB2_24:
0x36c: {  	s4 =	sadd.s32 $0x8, s4;
	v5 =	vpack.i.f32.bf16 v8, v5;
	v8 =	vld [tilespmem:s21+$0x40];
	s20 =	sadd.s32 $0x80, s20  }
0x36d: {  	s26 =	sshll.u32 s20, $0x3;
	s28 =	sshll.u32 s4, $0x5;
	p0 =	slt.u32 s4, $0x3F8;
	[tilespmem:s22+$0x4010] =	vst v5;
	v5 =	vld [tilespmem:s21+$0x1040]  }
0x36e: {  	s23 =	sadd.s32 $0x400, s23;
	s26 =	sand.u32 $0xC00, s26;
	s28 =	sand.u32 $0x3FFFE000, s28;
	v3 =	vpack.i.f32.bf16 v7, v3;
	v7 =	vld [tilespmem:s21+$0x50]  }
0x36f: {  	s24 =	sadd.s32 $0x20, s24;
	s29 =	sand.u32 $0xC00, s23;
	s28 =	sadd.s32 $0x8800, s28;
	[tilespmem:s22+$0x4020] =	vst v3;
	v3 =	vld [tilespmem:s21+$0x1050]  }
0x370: {  	s30 =	sand.u32 $0x380, s24;
	s31 =	sadd.s32 s26, s28;
	s28 =	sadd.s32 s29, s28;
	v4 =	vpack.i.f32.bf16 v6, v4;
	v6 =	vld [tilespmem:s21+$0x60]  }
0x371: {  	s31 =	sor.u32 s30, s31;
	[tilespmem:s22+$0x4030] =	vst v4;
	v4 =	vld [tilespmem:s21+$0x1060];
	s21 =	sor.u32 s30, s28  }
0x372: {  	v9 =	vld [tilespmem:s21+$0x70];
	v5 =	vpack.i.f32.bf16 v5, v8  }
0x373: {  	v10 =	vld [tilespmem:s21+$0x1070];
	[tilespmem:s22+$0x4040] =	vst v5  }
0x374: {  	s28 =	sshll.u32 s4, $0x4;
	v11 =	vld [tilespmem:s31+$0x0];
	v3 =	vpack.i.f32.bf16 v3, v7  }
0x375: {  	s28 =	sand.u32 $0x3FFFF000, s28;
	v12 =	vld [tilespmem:s31+$0x1000];
	[tilespmem:s22+$0x4050] =	vst v3  }
0x376: {  	s29 =	sor.u32 s29, s28;
	s26 =	sor.u32 s26, s28;
	v5 =	vld [tilespmem:s21+$0x10];
	v3 =	vpack.i.f32.bf16 v4, v6  }
.Ltmp11:
0x377: {  	s26 =	sor.u32 s30, s26;
	s28 =	sor.u32 s30, s29;
	v8 =	vld [tilespmem:s21+$0x1010];
	[tilespmem:s22+$0x4060] =	vst v3;
	(pc) =	sbr.rel @p0 .LBB2_24-.Ltmp11, $4  }
0x378: {  	s22 =	sadd.s32 $0x10800, s28;
	v3 =	vld [tilespmem:s21+$0x20];
	v4 =	vpack.i.f32.bf16 v10, v9  }
0x379: {  	v7 =	vld [tilespmem:s21+$0x1020];
	[tilespmem:s22+$0x4070] =	vst v4  }
0x37a: {  	v6 =	vpack.i.f32.bf16 v12, v11;
	v4 =	vld [tilespmem:s21+$0x30]  }
0x37b: {  	[tilespmem:s26+$0x14800] =	vst v6;
	v6 =	vld [tilespmem:s21+$0x1030]  }
0x37c: {  	v9 =	vld [tilespmem:s21+$0x40]  }
0x37d: {  	v10 =	vld [tilespmem:s21+$0x1040]  }
0x37e: {  	v11 =	vld [tilespmem:s21+$0x50]  }
0x37f: {  	v12 =	vld [tilespmem:s21+$0x1050]  }
0x380: {  	v13 =	vld [tilespmem:s21+$0x60]  }
0x381: {  	v5 =	vpack.i.f32.bf16 v8, v5;
	v8 =	vld [tilespmem:s21+$0x1060]  }
0x382: {  	[tilespmem:s22+$0x4010] =	vst v5;
	v3 =	vpack.i.f32.bf16 v7, v3  }
0x383: {  	[tilespmem:s22+$0x4020] =	vst v3;
	v3 =	vpack.i.f32.bf16 v6, v4  }
0x384: {  	[tilespmem:s22+$0x4030] =	vst v3;
	v3 =	vpack.i.f32.bf16 v10, v9  }
0x385: {  	[tilespmem:s22+$0x4040] =	vst v3;
	v3 =	vpack.i.f32.bf16 v12, v11  }
0x386: {  	[tilespmem:s22+$0x4050] =	vst v3;
	v3 =	vpack.i.f32.bf16 v8, v13  }
0x387: {  	[tilespmem:s22+$0x4060] =	vst v3  }
0x388: {  	v3 =	vld [tilespmem:$0x580];
	_ =	sdelay $0x4  }
0x389: {  	v4 =	vshll.u32 v3, $0x2  }
0x38a: {  	v3 =	vand.u32 $0x7, v3;
	v4 =	vand.u32 $0xFFFFFFE0, v4  }
0x38b: {  	v3 =	vor.u32 v3, v4  }
0x38c: {  	v4 =	vperm.xlane v3, v0;
	_ =	sdelay $0x1  }
0x38d: {  	v4 =	vadd.s32 v1, v4;
	_ =	sdelay $0x1  }
0x38e: {  	v3 =	vperm.xlane v3, v2;
	_ =	sdelay $0x1  }
0x38f: {  	s20 =	simm.s32 $0x0;
	v3 =	vadd.s32 v1, v3  }
0x390: {  	[hbm4b:s3+s20] =	stream.indirect_vreg.scatter [tilespmem:s9], [sflag:$0x4], $0x80, v4, vm0, $0xb8;
	[tilespmem:$0x18800] =	vst v63  }
0x391: {  	_ = 	snop  }
0x392: {  	[hbm4b:s7+s20] =	stream.indirect_vreg.scatter [tilespmem:s10], [sflag:$0x4], $0x80, v4, vm0, $0xb8;
	[tilespmem:$0x18800] =	vst v63  }
0x393: {  	_ = 	snop  }
0x394: {  	[hbm4b:s3+s20] =	stream.indirect_vreg.scatter [tilespmem:s11], [sflag:$0x4], $0x80, v3, vm0, $0xb8;
	[tilespmem:$0x18800] =	vst v63  }
0x395: {  	_ = 	snop  }
0x396: {  	[hbm4b:s7+s20] =	stream.indirect_vreg.scatter [tilespmem:s12], [sflag:$0x4], $0x80, v3, vm0, $0xb8;
	[tilespmem:$0x18800] =	vst v63  }
0x397: {  	v3 =	vld [tilespmem:$0x590];
	_ =	sdelay $0x4  }
0x398: {  	v4 =	vshll.u32 v3, $0x2  }
0x399: {  	v3 =	vand.u32 $0x7, v3;
	v4 =	vand.u32 $0xFFFFFFE0, v4  }
0x39a: {  	v3 =	vor.u32 v3, v4  }
0x39b: {  	v4 =	vperm.xlane v3, v0;
	_ =	sdelay $0x1  }
0x39c: {  	v4 =	vadd.s32 v1, v4;
	_ =	sdelay $0x1  }
0x39d: {  	v3 =	vperm.xlane v3, v2;
	_ =	sdelay $0x1  }
0x39e: {  	v3 =	vadd.s32 v1, v3  }
0x39f: {  	[hbm4b:s3+s20] =	stream.indirect_vreg.scatter [tilespmem:s13], [sflag:$0x4], $0x80, v4, vm0, $0xb8;
	[tilespmem:$0x18800] =	vst v63  }
0x3a0: {  	_ = 	snop  }
0x3a1: {  	[hbm4b:s7+s20] =	stream.indirect_vreg.scatter [tilespmem:s14], [sflag:$0x4], $0x80, v4, vm0, $0xb8;
	[tilespmem:$0x18800] =	vst v63  }
0x3a2: {  	_ = 	snop  }
0x3a3: {  	[hbm4b:s3+s20] =	stream.indirect_vreg.scatter [tilespmem:s15], [sflag:$0x4], $0x80, v3, vm0, $0xb8;
	[tilespmem:$0x18800] =	vst v63  }
0x3a4: {  	_ = 	snop  }
0x3a5: {  	[hbm4b:s7+s20] =	stream.indirect_vreg.scatter [tilespmem:s16], [sflag:$0x4], $0x80, v3, vm0, $0xb8;
	[tilespmem:$0x18800] =	vst v63  }
0x3a6: {  	_ =	swait.ge [sflag:s25], $0x8000  }
0x3a7: {  	s24 =	simm.s32 $0x8800;
	[sflag:s25] =	ssyncset.done $0x0  }
0x3a8: {  	s26 =	simm.s32 $0x0;
	s4 =	rddreg [dreg:$0x11];
	[sflag:s25] =	ssyncadd.s32 $0xFFFF8000  }
0x3a9: {  	[tilespmem:s24], [sflag:$0x2] =	stream.linear.gather [hbm4b:s4+s20], $0x8000, $0x38;
	[tilespmem:$0x18800] =	vst v63  }
0x3aa: {  	s29 =	simm.s32 $0x0;
	s4 =	sand.u32 $0x3FFFE000, s26  }
0x3ab: {  	s28 =	sand.u32 $0xC00, s20;
	_ =	swait.ge [sflag:s17], $0x4000;
	s4 =	sor.u32 $0x800, s4  }
0x3ac: {  	s23 =	sand.u32 $0x380, s20;
	[sflag:s17] =	ssyncset.done $0x0;
	s24 =	sadd.s32 s28, s4  }
0x3ad: {  	s26 =	sand.u32 $0xC00, s29;
	[sflag:s17] =	ssyncadd.s32 $0xFFFFC000;
	s21 =	sor.u32 s23, s24  }
0x3ae: {  	s4 =	sadd.s32 s26, s4;
	v4 =	vld [tilespmem:s21+$0x70]  }
0x3af: {  	s4 =	sor.u32 s23, s4;
	v6 =	vld [tilespmem:s21+$0x1070]  }
0x3b0: {  	v9 =	vld [tilespmem:s4+$0x0]  }
0x3b1: {  	s30 =	simm.s32 $0x0;
	v10 =	vld [tilespmem:s4+$0x1000]  }
0x3b2: {  	s31 =	sand.u32 $0x3FFFF000, s30;
	v5 =	vld [tilespmem:s21+$0x10]  }
0x3b3: {  	s4 =	sadd.s32 $0x10800, s31;
	v7 =	vld [tilespmem:s21+$0x1010]  }
0x3b4: {  	v3 =	vld [tilespmem:s21+$0x20];
	s22 =	sadd.s32 s28, s4  }
0x3b5: {  	v8 =	vld [tilespmem:s21+$0x1020];
	s4 =	sadd.s32 s26, s4;
	s22 =	sor.u32 s23, s22;
	v4 =	vpack.i.f32.bf16 v6, v4  }
0x3b6: {  	s23 =	sor.u32 s23, s4;
	v6 =	vpack.i.f32.bf16 v10, v9;
	[tilespmem:s22+$0x70] =	vst v4;
	v4 =	vld [tilespmem:s21+$0x30]  }
0x3b7: {  	s24 =	simm.s32 $0x0;
	s4 =	simm.s32 $0x0;
	[tilespmem:s23+$0x0] =	vst v6;
	v6 =	vld [tilespmem:s21+$0x1030];
	s23 =	simm.s32 $0x0  }
.LBB2_26:
0x3b8: {  	s4 =	sadd.s32 $0x8, s4;
	v5 =	vpack.i.f32.bf16 v7, v5;
	v7 =	vld [tilespmem:s21+$0x40];
	s20 =	sadd.s32 $0x80, s20  }
0x3b9: {  	s26 =	sshll.u32 s20, $0x3;
	s28 =	sshll.u32 s4, $0x5;
	p0 =	slt.u32 s4, $0x3F8;
	[tilespmem:s22+$0x10] =	vst v5;
	v5 =	vld [tilespmem:s21+$0x1040]  }
0x3ba: {  	s23 =	sadd.s32 $0x400, s23;
	s26 =	sand.u32 $0xC00, s26;
	s28 =	sand.u32 $0x3FFFE000, s28;
	v3 =	vpack.i.f32.bf16 v8, v3;
	v8 =	vld [tilespmem:s21+$0x50]  }
0x3bb: {  	s24 =	sadd.s32 $0x20, s24;
	s29 =	sand.u32 $0xC00, s23;
	s28 =	sor.u32 $0x800, s28;
	[tilespmem:s22+$0x20] =	vst v3;
	v3 =	vld [tilespmem:s21+$0x1050]  }
0x3bc: {  	s30 =	sand.u32 $0x380, s24;
	s31 =	sadd.s32 s26, s28;
	s28 =	sadd.s32 s29, s28;
	v4 =	vpack.i.f32.bf16 v6, v4;
	v6 =	vld [tilespmem:s21+$0x60]  }
0x3bd: {  	s31 =	sor.u32 s30, s31;
	[tilespmem:s22+$0x30] =	vst v4;
	v4 =	vld [tilespmem:s21+$0x1060];
	s21 =	sor.u32 s30, s28  }
0x3be: {  	v9 =	vld [tilespmem:s21+$0x70];
	v5 =	vpack.i.f32.bf16 v5, v7  }
0x3bf: {  	v10 =	vld [tilespmem:s21+$0x1070];
	[tilespmem:s22+$0x40] =	vst v5  }
0x3c0: {  	s28 =	sshll.u32 s4, $0x4;
	v11 =	vld [tilespmem:s31+$0x0];
	v3 =	vpack.i.f32.bf16 v3, v8  }
0x3c1: {  	s28 =	sand.u32 $0x3FFFF000, s28;
	v12 =	vld [tilespmem:s31+$0x1000];
	[tilespmem:s22+$0x50] =	vst v3  }
0x3c2: {  	s28 =	sadd.s32 $0x10800, s28;
	v5 =	vld [tilespmem:s21+$0x10];
	v3 =	vpack.i.f32.bf16 v4, v6  }
.Ltmp12:
0x3c3: {  	s26 =	sadd.s32 s26, s28;
	s28 =	sadd.s32 s29, s28;
	v7 =	vld [tilespmem:s21+$0x1010];
	[tilespmem:s22+$0x60] =	vst v3;
	(pc) =	sbr.rel @p0 .LBB2_26-.Ltmp12, $4  }
0x3c4: {  	s26 =	sor.u32 s30, s26;
	s22 =	sor.u32 s30, s28;
	v3 =	vld [tilespmem:s21+$0x20];
	v4 =	vpack.i.f32.bf16 v10, v9  }
0x3c5: {  	v8 =	vld [tilespmem:s21+$0x1020];
	[tilespmem:s22+$0x70] =	vst v4  }
0x3c6: {  	v6 =	vpack.i.f32.bf16 v12, v11;
	v4 =	vld [tilespmem:s21+$0x30]  }
0x3c7: {  	[tilespmem:s26+$0x0] =	vst v6;
	v6 =	vld [tilespmem:s21+$0x1030]  }
0x3c8: {  	v9 =	vld [tilespmem:s21+$0x40]  }
0x3c9: {  	v10 =	vld [tilespmem:s21+$0x1040]  }
0x3ca: {  	v11 =	vld [tilespmem:s21+$0x50]  }
0x3cb: {  	v12 =	vld [tilespmem:s21+$0x1050]  }
0x3cc: {  	v13 =	vld [tilespmem:s21+$0x60]  }
0x3cd: {  	v5 =	vpack.i.f32.bf16 v7, v5;
	v7 =	vld [tilespmem:s21+$0x1060]  }
0x3ce: {  	[tilespmem:s22+$0x10] =	vst v5;
	v3 =	vpack.i.f32.bf16 v8, v3  }
0x3cf: {  	[tilespmem:s22+$0x20] =	vst v3;
	v3 =	vpack.i.f32.bf16 v6, v4  }
0x3d0: {  	[tilespmem:s22+$0x30] =	vst v3;
	v3 =	vpack.i.f32.bf16 v10, v9  }
0x3d1: {  	[tilespmem:s22+$0x40] =	vst v3;
	v3 =	vpack.i.f32.bf16 v12, v11  }
0x3d2: {  	[tilespmem:s22+$0x50] =	vst v3;
	v3 =	vpack.i.f32.bf16 v7, v13  }
0x3d3: {  	[tilespmem:s22+$0x60] =	vst v3  }
0x3d4: {  	v3 =	vld [tilespmem:$0x600];
	_ =	sdelay $0x4  }
0x3d5: {  	v4 =	vshll.u32 v3, $0x2  }
0x3d6: {  	v3 =	vand.u32 $0x7, v3;
	v4 =	vand.u32 $0xFFFFFFE0, v4  }
0x3d7: {  	v3 =	vor.u32 v3, v4  }
0x3d8: {  	v4 =	vperm.xlane v3, v0;
	_ =	sdelay $0x1  }
0x3d9: {  	v4 =	vadd.s32 v1, v4;
	_ =	sdelay $0x1  }
0x3da: {  	v3 =	vperm.xlane v3, v2;
	_ =	sdelay $0x1  }
0x3db: {  	s20 =	simm.s32 $0x0;
	s4 =	simm.s32 $0x10800;
	v3 =	vadd.s32 v1, v3  }
0x3dc: {  	[hbm4b:s3+s20] =	stream.indirect_vreg.scatter [tilespmem:s4], [sflag:$0x3], $0x80, v4, vm0, $0xb8;
	[tilespmem:$0x18800] =	vst v63  }
0x3dd: {  	s31 =	simm.s32 $0x11000  }
0x3de: {  	[hbm4b:s7+s20] =	stream.indirect_vreg.scatter [tilespmem:s31], [sflag:$0x3], $0x80, v4, vm0, $0xb8;
	[tilespmem:$0x18800] =	vst v63  }
0x3df: {  	s21 =	simm.s32 $0x11800  }
0x3e0: {  	[hbm4b:s3+s20] =	stream.indirect_vreg.scatter [tilespmem:s21], [sflag:$0x3], $0x80, v3, vm0, $0xb8;
	[tilespmem:$0x18800] =	vst v63  }
0x3e1: {  	s22 =	simm.s32 $0x12000  }
0x3e2: {  	[hbm4b:s7+s20] =	stream.indirect_vreg.scatter [tilespmem:s22], [sflag:$0x3], $0x80, v3, vm0, $0xb8;
	[tilespmem:$0x18800] =	vst v63  }
0x3e3: {  	v3 =	vld [tilespmem:$0x610];
	_ =	sdelay $0x4  }
0x3e4: {  	v4 =	vshll.u32 v3, $0x2  }
0x3e5: {  	v3 =	vand.u32 $0x7, v3;
	v4 =	vand.u32 $0xFFFFFFE0, v4  }
0x3e6: {  	v3 =	vor.u32 v3, v4  }
0x3e7: {  	v4 =	vperm.xlane v3, v0;
	_ =	sdelay $0x1  }
0x3e8: {  	v4 =	vadd.s32 v1, v4;
	_ =	sdelay $0x1  }
0x3e9: {  	v3 =	vperm.xlane v3, v2;
	_ =	sdelay $0x1  }
0x3ea: {  	v3 =	vadd.s32 v1, v3  }
0x3eb: {  	[hbm4b:s3+s20] =	stream.indirect_vreg.scatter [tilespmem:s0], [sflag:$0x3], $0x80, v4, vm0, $0xb8;
	[tilespmem:$0x18800] =	vst v63  }
0x3ec: {  	_ = 	snop  }
0x3ed: {  	[hbm4b:s7+s20] =	stream.indirect_vreg.scatter [tilespmem:s1], [sflag:$0x3], $0x80, v4, vm0, $0xb8;
	[tilespmem:$0x18800] =	vst v63  }
0x3ee: {  	_ = 	snop  }
0x3ef: {  	[hbm4b:s3+s20] =	stream.indirect_vreg.scatter [tilespmem:s5], [sflag:$0x3], $0x80, v3, vm0, $0xb8;
	[tilespmem:$0x18800] =	vst v63  }
0x3f0: {  	_ = 	snop  }
0x3f1: {  	[hbm4b:s7+s20] =	stream.indirect_vreg.scatter [tilespmem:s6], [sflag:$0x3], $0x80, v3, vm0, $0xb8;
	[tilespmem:$0x18800] =	vst v63  }
0x3f2: {  	s24 =	simm.s32 $0x800;
	_ =	swait.ge [sflag:s8], $0x8000  }
0x3f3: {  	s26 =	simm.s32 $0x0;
	s29 =	simm.s32 $0x0;
	[sflag:s8] =	ssyncset.done $0x0  }
0x3f4: {  	s4 =	sand.u32 $0x3FFFE000, s26;
	s23 =	rddreg [dreg:$0x12];
	[sflag:s8] =	ssyncadd.s32 $0xFFFF8000  }
0x3f5: {  	[tilespmem:s24], [sflag:$0x1] =	stream.linear.gather [hbm4b:s23+s20], $0x8000, $0x38;
	[tilespmem:$0x18800] =	vst v63  }
0x3f6: {  	s28 =	sand.u32 $0xC00, s20;
	s4 =	sadd.s32 $0x8800, s4;
	_ =	swait.ge [sflag:s18], $0x4000  }
0x3f7: {  	s23 =	sand.u32 $0x380, s20;
	s24 =	sadd.s32 s28, s4;
	[sflag:s18] =	ssyncset.done $0x0  }
0x3f8: {  	s26 =	sand.u32 $0xC00, s29;
	s21 =	sor.u32 s23, s24;
	[sflag:s18] =	ssyncadd.s32 $0xFFFFC000  }
0x3f9: {  	s4 =	sadd.s32 s26, s4;
	v4 =	vld [tilespmem:s21+$0x70]  }
0x3fa: {  	s4 =	sor.u32 s23, s4;
	v6 =	vld [tilespmem:s21+$0x1070]  }
0x3fb: {  	v9 =	vld [tilespmem:s4+$0x0]  }
0x3fc: {  	s30 =	simm.s32 $0x0;
	v10 =	vld [tilespmem:s4+$0x1000]  }
0x3fd: {  	s31 =	sand.u32 $0x3FFFF000, s30;
	v5 =	vld [tilespmem:s21+$0x10]  }
0x3fe: {  	s22 =	sor.u32 s28, s31;
	v8 =	vld [tilespmem:s21+$0x1010]  }
0x3ff: {  	s22 =	sor.u32 s23, s22;
	v3 =	vld [tilespmem:s21+$0x20]  }
0x400: {  	s22 =	sadd.s32 $0x10800, s22;
	s4 =	sor.u32 s26, s31;
	v7 =	vld [tilespmem:s21+$0x1020];
	v4 =	vpack.i.f32.bf16 v6, v4  }
0x401: {  	s23 =	sor.u32 s23, s4;
	v6 =	vpack.i.f32.bf16 v10, v9;
	[tilespmem:s22+$0x4070] =	vst v4;
	v4 =	vld [tilespmem:s21+$0x30]  }
0x402: {  	s24 =	simm.s32 $0x0;
	s4 =	simm.s32 $0x0;
	[tilespmem:s23+$0x14800] =	vst v6;
	v6 =	vld [tilespmem:s21+$0x1030];
	s23 =	simm.s32 $0x0  }
.LBB2_28:
0x403: {  	s4 =	sadd.s32 $0x8, s4;
	v5 =	vpack.i.f32.bf16 v8, v5;
	v8 =	vld [tilespmem:s21+$0x40];
	s20 =	sadd.s32 $0x80, s20  }
0x404: {  	s26 =	sshll.u32 s20, $0x3;
	s28 =	sshll.u32 s4, $0x5;
	p0 =	slt.u32 s4, $0x3F8;
	[tilespmem:s22+$0x4010] =	vst v5;
	v5 =	vld [tilespmem:s21+$0x1040]  }
0x405: {  	s23 =	sadd.s32 $0x400, s23;
	s26 =	sand.u32 $0xC00, s26;
	s28 =	sand.u32 $0x3FFFE000, s28;
	v3 =	vpack.i.f32.bf16 v7, v3;
	v7 =	vld [tilespmem:s21+$0x50]  }
0x406: {  	s24 =	sadd.s32 $0x20, s24;
	s29 =	sand.u32 $0xC00, s23;
	s28 =	sadd.s32 $0x8800, s28;
	[tilespmem:s22+$0x4020] =	vst v3;
	v3 =	vld [tilespmem:s21+$0x1050]  }
0x407: {  	s30 =	sand.u32 $0x380, s24;
	s31 =	sadd.s32 s26, s28;
	s28 =	sadd.s32 s29, s28;
	v4 =	vpack.i.f32.bf16 v6, v4;
	v6 =	vld [tilespmem:s21+$0x60]  }
0x408: {  	s31 =	sor.u32 s30, s31;
	[tilespmem:s22+$0x4030] =	vst v4;
	v4 =	vld [tilespmem:s21+$0x1060];
	s21 =	sor.u32 s30, s28  }
0x409: {  	v9 =	vld [tilespmem:s21+$0x70];
	v5 =	vpack.i.f32.bf16 v5, v8  }
0x40a: {  	v10 =	vld [tilespmem:s21+$0x1070];
	[tilespmem:s22+$0x4040] =	vst v5  }
0x40b: {  	s28 =	sshll.u32 s4, $0x4;
	v11 =	vld [tilespmem:s31+$0x0];
	v3 =	vpack.i.f32.bf16 v3, v7  }
0x40c: {  	s28 =	sand.u32 $0x3FFFF000, s28;
	v12 =	vld [tilespmem:s31+$0x1000];
	[tilespmem:s22+$0x4050] =	vst v3  }
0x40d: {  	s29 =	sor.u32 s29, s28;
	s26 =	sor.u32 s26, s28;
	v5 =	vld [tilespmem:s21+$0x10];
	v3 =	vpack.i.f32.bf16 v4, v6  }
.Ltmp13:
0x40e: {  	s26 =	sor.u32 s30, s26;
	s28 =	sor.u32 s30, s29;
	v8 =	vld [tilespmem:s21+$0x1010];
	[tilespmem:s22+$0x4060] =	vst v3;
	(pc) =	sbr.rel @p0 .LBB2_28-.Ltmp13, $4  }
0x40f: {  	s22 =	sadd.s32 $0x10800, s28;
	v3 =	vld [tilespmem:s21+$0x20];
	v4 =	vpack.i.f32.bf16 v10, v9  }
0x410: {  	v7 =	vld [tilespmem:s21+$0x1020];
	[tilespmem:s22+$0x4070] =	vst v4  }
0x411: {  	v6 =	vpack.i.f32.bf16 v12, v11;
	v4 =	vld [tilespmem:s21+$0x30]  }
0x412: {  	[tilespmem:s26+$0x14800] =	vst v6;
	v6 =	vld [tilespmem:s21+$0x1030]  }
0x413: {  	v9 =	vld [tilespmem:s21+$0x40]  }
0x414: {  	v10 =	vld [tilespmem:s21+$0x1040]  }
0x415: {  	v11 =	vld [tilespmem:s21+$0x50]  }
0x416: {  	v12 =	vld [tilespmem:s21+$0x1050]  }
0x417: {  	v13 =	vld [tilespmem:s21+$0x60]  }
0x418: {  	v5 =	vpack.i.f32.bf16 v8, v5;
	v8 =	vld [tilespmem:s21+$0x1060]  }
0x419: {  	[tilespmem:s22+$0x4010] =	vst v5;
	v3 =	vpack.i.f32.bf16 v7, v3  }
0x41a: {  	[tilespmem:s22+$0x4020] =	vst v3;
	v3 =	vpack.i.f32.bf16 v6, v4  }
0x41b: {  	[tilespmem:s22+$0x4030] =	vst v3;
	v3 =	vpack.i.f32.bf16 v10, v9  }
0x41c: {  	[tilespmem:s22+$0x4040] =	vst v3;
	v3 =	vpack.i.f32.bf16 v12, v11  }
0x41d: {  	[tilespmem:s22+$0x4050] =	vst v3;
	v3 =	vpack.i.f32.bf16 v8, v13  }
0x41e: {  	[tilespmem:s22+$0x4060] =	vst v3  }
0x41f: {  	v3 =	vld [tilespmem:$0x680];
	_ =	sdelay $0x4  }
0x420: {  	v4 =	vshll.u32 v3, $0x2  }
0x421: {  	v3 =	vand.u32 $0x7, v3;
	v4 =	vand.u32 $0xFFFFFFE0, v4  }
0x422: {  	v3 =	vor.u32 v3, v4  }
0x423: {  	v4 =	vperm.xlane v3, v0;
	_ =	sdelay $0x1  }
0x424: {  	v4 =	vadd.s32 v1, v4;
	_ =	sdelay $0x1  }
0x425: {  	v3 =	vperm.xlane v3, v2;
	_ =	sdelay $0x1  }
0x426: {  	s20 =	simm.s32 $0x0;
	v3 =	vadd.s32 v1, v3  }
0x427: {  	[hbm4b:s3+s20] =	stream.indirect_vreg.scatter [tilespmem:s9], [sflag:$0x4], $0x80, v4, vm0, $0xb8;
	[tilespmem:$0x18800] =	vst v63  }
0x428: {  	_ = 	snop  }
0x429: {  	[hbm4b:s7+s20] =	stream.indirect_vreg.scatter [tilespmem:s10], [sflag:$0x4], $0x80, v4, vm0, $0xb8;
	[tilespmem:$0x18800] =	vst v63  }
0x42a: {  	_ = 	snop  }
0x42b: {  	[hbm4b:s3+s20] =	stream.indirect_vreg.scatter [tilespmem:s11], [sflag:$0x4], $0x80, v3, vm0, $0xb8;
	[tilespmem:$0x18800] =	vst v63  }
0x42c: {  	_ = 	snop  }
0x42d: {  	[hbm4b:s7+s20] =	stream.indirect_vreg.scatter [tilespmem:s12], [sflag:$0x4], $0x80, v3, vm0, $0xb8;
	[tilespmem:$0x18800] =	vst v63  }
0x42e: {  	v3 =	vld [tilespmem:$0x690];
	_ =	sdelay $0x4  }
0x42f: {  	v4 =	vshll.u32 v3, $0x2  }
0x430: {  	v3 =	vand.u32 $0x7, v3;
	v4 =	vand.u32 $0xFFFFFFE0, v4  }
0x431: {  	v3 =	vor.u32 v3, v4  }
0x432: {  	v4 =	vperm.xlane v3, v0;
	_ =	sdelay $0x1  }
0x433: {  	v4 =	vadd.s32 v1, v4;
	_ =	sdelay $0x1  }
0x434: {  	v3 =	vperm.xlane v3, v2;
	_ =	sdelay $0x1  }
0x435: {  	v3 =	vadd.s32 v1, v3  }
0x436: {  	[hbm4b:s3+s20] =	stream.indirect_vreg.scatter [tilespmem:s13], [sflag:$0x4], $0x80, v4, vm0, $0xb8;
	[tilespmem:$0x18800] =	vst v63  }
0x437: {  	_ = 	snop  }
0x438: {  	[hbm4b:s7+s20] =	stream.indirect_vreg.scatter [tilespmem:s14], [sflag:$0x4], $0x80, v4, vm0, $0xb8;
	[tilespmem:$0x18800] =	vst v63  }
0x439: {  	_ = 	snop  }
0x43a: {  	[hbm4b:s3+s20] =	stream.indirect_vreg.scatter [tilespmem:s15], [sflag:$0x4], $0x80, v3, vm0, $0xb8;
	[tilespmem:$0x18800] =	vst v63  }
0x43b: {  	_ = 	snop  }
0x43c: {  	[hbm4b:s7+s20] =	stream.indirect_vreg.scatter [tilespmem:s16], [sflag:$0x4], $0x80, v3, vm0, $0xb8;
	[tilespmem:$0x18800] =	vst v63  }
0x43d: {  	_ =	swait.ge [sflag:s25], $0x8000  }
0x43e: {  	s24 =	simm.s32 $0x8800;
	[sflag:s25] =	ssyncset.done $0x0  }
0x43f: {  	s26 =	simm.s32 $0x0;
	s4 =	rddreg [dreg:$0x13];
	[sflag:s25] =	ssyncadd.s32 $0xFFFF8000  }
0x440: {  	[tilespmem:s24], [sflag:$0x2] =	stream.linear.gather [hbm4b:s4+s20], $0x8000, $0x38;
	[tilespmem:$0x18800] =	vst v63  }
0x441: {  	s29 =	simm.s32 $0x0;
	s4 =	sand.u32 $0x3FFFE000, s26  }
0x442: {  	s28 =	sand.u32 $0xC00, s20;
	_ =	swait.ge [sflag:s17], $0x4000;
	s4 =	sor.u32 $0x800, s4  }
0x443: {  	s23 =	sand.u32 $0x380, s20;
	[sflag:s17] =	ssyncset.done $0x0;
	s24 =	sadd.s32 s28, s4  }
0x444: {  	s26 =	sand.u32 $0xC00, s29;
	[sflag:s17] =	ssyncadd.s32 $0xFFFFC000;
	s21 =	sor.u32 s23, s24  }
0x445: {  	s4 =	sadd.s32 s26, s4;
	v4 =	vld [tilespmem:s21+$0x70]  }
0x446: {  	s4 =	sor.u32 s23, s4;
	v6 =	vld [tilespmem:s21+$0x1070]  }
0x447: {  	v9 =	vld [tilespmem:s4+$0x0]  }
0x448: {  	s30 =	simm.s32 $0x0;
	v10 =	vld [tilespmem:s4+$0x1000]  }
0x449: {  	s31 =	sand.u32 $0x3FFFF000, s30;
	v5 =	vld [tilespmem:s21+$0x10]  }
0x44a: {  	s4 =	sadd.s32 $0x10800, s31;
	v7 =	vld [tilespmem:s21+$0x1010]  }
0x44b: {  	v3 =	vld [tilespmem:s21+$0x20];
	s22 =	sadd.s32 s28, s4  }
0x44c: {  	v8 =	vld [tilespmem:s21+$0x1020];
	s4 =	sadd.s32 s26, s4;
	s22 =	sor.u32 s23, s22;
	v4 =	vpack.i.f32.bf16 v6, v4  }
0x44d: {  	s23 =	sor.u32 s23, s4;
	v6 =	vpack.i.f32.bf16 v10, v9;
	[tilespmem:s22+$0x70] =	vst v4;
	v4 =	vld [tilespmem:s21+$0x30]  }
0x44e: {  	s24 =	simm.s32 $0x0;
	s4 =	simm.s32 $0x0;
	[tilespmem:s23+$0x0] =	vst v6;
	v6 =	vld [tilespmem:s21+$0x1030];
	s23 =	simm.s32 $0x0  }
.LBB2_30:
0x44f: {  	s4 =	sadd.s32 $0x8, s4;
	v5 =	vpack.i.f32.bf16 v7, v5;
	v7 =	vld [tilespmem:s21+$0x40];
	s20 =	sadd.s32 $0x80, s20  }
0x450: {  	s26 =	sshll.u32 s20, $0x3;
	s28 =	sshll.u32 s4, $0x5;
	p0 =	slt.u32 s4, $0x3F8;
	[tilespmem:s22+$0x10] =	vst v5;
	v5 =	vld [tilespmem:s21+$0x1040]  }
0x451: {  	s23 =	sadd.s32 $0x400, s23;
	s26 =	sand.u32 $0xC00, s26;
	s28 =	sand.u32 $0x3FFFE000, s28;
	v3 =	vpack.i.f32.bf16 v8, v3;
	v8 =	vld [tilespmem:s21+$0x50]  }
0x452: {  	s24 =	sadd.s32 $0x20, s24;
	s29 =	sand.u32 $0xC00, s23;
	s28 =	sor.u32 $0x800, s28;
	[tilespmem:s22+$0x20] =	vst v3;
	v3 =	vld [tilespmem:s21+$0x1050]  }
0x453: {  	s30 =	sand.u32 $0x380, s24;
	s31 =	sadd.s32 s26, s28;
	s28 =	sadd.s32 s29, s28;
	v4 =	vpack.i.f32.bf16 v6, v4;
	v6 =	vld [tilespmem:s21+$0x60]  }
0x454: {  	s31 =	sor.u32 s30, s31;
	[tilespmem:s22+$0x30] =	vst v4;
	v4 =	vld [tilespmem:s21+$0x1060];
	s21 =	sor.u32 s30, s28  }
0x455: {  	v9 =	vld [tilespmem:s21+$0x70];
	v5 =	vpack.i.f32.bf16 v5, v7  }
0x456: {  	v10 =	vld [tilespmem:s21+$0x1070];
	[tilespmem:s22+$0x40] =	vst v5  }
0x457: {  	s28 =	sshll.u32 s4, $0x4;
	v11 =	vld [tilespmem:s31+$0x0];
	v3 =	vpack.i.f32.bf16 v3, v8  }
0x458: {  	s28 =	sand.u32 $0x3FFFF000, s28;
	v12 =	vld [tilespmem:s31+$0x1000];
	[tilespmem:s22+$0x50] =	vst v3  }
0x459: {  	s28 =	sadd.s32 $0x10800, s28;
	v5 =	vld [tilespmem:s21+$0x10];
	v3 =	vpack.i.f32.bf16 v4, v6  }
.Ltmp14:
0x45a: {  	s26 =	sadd.s32 s26, s28;
	s28 =	sadd.s32 s29, s28;
	v7 =	vld [tilespmem:s21+$0x1010];
	[tilespmem:s22+$0x60] =	vst v3;
	(pc) =	sbr.rel @p0 .LBB2_30-.Ltmp14, $4  }
0x45b: {  	s26 =	sor.u32 s30, s26;
	s22 =	sor.u32 s30, s28;
	v3 =	vld [tilespmem:s21+$0x20];
	v4 =	vpack.i.f32.bf16 v10, v9  }
0x45c: {  	v8 =	vld [tilespmem:s21+$0x1020];
	[tilespmem:s22+$0x70] =	vst v4  }
0x45d: {  	v6 =	vpack.i.f32.bf16 v12, v11;
	v4 =	vld [tilespmem:s21+$0x30]  }
0x45e: {  	[tilespmem:s26+$0x0] =	vst v6;
	v6 =	vld [tilespmem:s21+$0x1030]  }
0x45f: {  	v9 =	vld [tilespmem:s21+$0x40]  }
0x460: {  	v10 =	vld [tilespmem:s21+$0x1040]  }
0x461: {  	v11 =	vld [tilespmem:s21+$0x50]  }
0x462: {  	v12 =	vld [tilespmem:s21+$0x1050]  }
0x463: {  	v13 =	vld [tilespmem:s21+$0x60]  }
0x464: {  	v5 =	vpack.i.f32.bf16 v7, v5;
	v7 =	vld [tilespmem:s21+$0x1060]  }
0x465: {  	[tilespmem:s22+$0x10] =	vst v5;
	v3 =	vpack.i.f32.bf16 v8, v3  }
0x466: {  	[tilespmem:s22+$0x20] =	vst v3;
	v3 =	vpack.i.f32.bf16 v6, v4  }
0x467: {  	[tilespmem:s22+$0x30] =	vst v3;
	v3 =	vpack.i.f32.bf16 v10, v9  }
0x468: {  	[tilespmem:s22+$0x40] =	vst v3;
	v3 =	vpack.i.f32.bf16 v12, v11  }
0x469: {  	[tilespmem:s22+$0x50] =	vst v3;
	v3 =	vpack.i.f32.bf16 v7, v13  }
0x46a: {  	[tilespmem:s22+$0x60] =	vst v3  }
0x46b: {  	v3 =	vld [tilespmem:$0x700];
	_ =	sdelay $0x4  }
0x46c: {  	v4 =	vshll.u32 v3, $0x2  }
0x46d: {  	v3 =	vand.u32 $0x7, v3;
	v4 =	vand.u32 $0xFFFFFFE0, v4  }
0x46e: {  	v3 =	vor.u32 v3, v4  }
0x46f: {  	v4 =	vperm.xlane v3, v0;
	_ =	sdelay $0x1  }
0x470: {  	v4 =	vadd.s32 v1, v4;
	_ =	sdelay $0x1  }
0x471: {  	v3 =	vperm.xlane v3, v2;
	_ =	sdelay $0x1  }
0x472: {  	s20 =	simm.s32 $0x0;
	s4 =	simm.s32 $0x10800;
	v3 =	vadd.s32 v1, v3  }
0x473: {  	[hbm4b:s3+s20] =	stream.indirect_vreg.scatter [tilespmem:s4], [sflag:$0x3], $0x80, v4, vm0, $0xb8;
	[tilespmem:$0x18800] =	vst v63  }
0x474: {  	s22 =	simm.s32 $0x11000  }
0x475: {  	[hbm4b:s7+s20] =	stream.indirect_vreg.scatter [tilespmem:s22], [sflag:$0x3], $0x80, v4, vm0, $0xb8;
	[tilespmem:$0x18800] =	vst v63  }
0x476: {  	s23 =	simm.s32 $0x11800  }
0x477: {  	[hbm4b:s3+s20] =	stream.indirect_vreg.scatter [tilespmem:s23], [sflag:$0x3], $0x80, v3, vm0, $0xb8;
	[tilespmem:$0x18800] =	vst v63  }
0x478: {  	s24 =	simm.s32 $0x12000  }
0x479: {  	[hbm4b:s7+s20] =	stream.indirect_vreg.scatter [tilespmem:s24], [sflag:$0x3], $0x80, v3, vm0, $0xb8;
	[tilespmem:$0x18800] =	vst v63  }
0x47a: {  	v3 =	vld [tilespmem:$0x710];
	_ =	sdelay $0x4  }
0x47b: {  	v4 =	vshll.u32 v3, $0x2  }
0x47c: {  	v3 =	vand.u32 $0x7, v3;
	v4 =	vand.u32 $0xFFFFFFE0, v4  }
0x47d: {  	v3 =	vor.u32 v3, v4  }
0x47e: {  	v4 =	vperm.xlane v3, v0;
	_ =	sdelay $0x1  }
0x47f: {  	v4 =	vadd.s32 v1, v4;
	_ =	sdelay $0x1  }
0x480: {  	v3 =	vperm.xlane v3, v2;
	_ =	sdelay $0x1  }
0x481: {  	v3 =	vadd.s32 v1, v3  }
0x482: {  	[hbm4b:s3+s20] =	stream.indirect_vreg.scatter [tilespmem:s0], [sflag:$0x3], $0x80, v4, vm0, $0xb8;
	[tilespmem:$0x18800] =	vst v63  }
0x483: {  	_ = 	snop  }
0x484: {  	[hbm4b:s7+s20] =	stream.indirect_vreg.scatter [tilespmem:s1], [sflag:$0x3], $0x80, v4, vm0, $0xb8;
	[tilespmem:$0x18800] =	vst v63  }
0x485: {  	_ = 	snop  }
0x486: {  	[hbm4b:s3+s20] =	stream.indirect_vreg.scatter [tilespmem:s5], [sflag:$0x3], $0x80, v3, vm0, $0xb8;
	[tilespmem:$0x18800] =	vst v63  }
0x487: {  	_ = 	snop  }
0x488: {  	[hbm4b:s7+s20] =	stream.indirect_vreg.scatter [tilespmem:s6], [sflag:$0x3], $0x80, v3, vm0, $0xb8;
	[tilespmem:$0x18800] =	vst v63  }
0x489: {  	_ =	swait.ge [sflag:s8], $0x8000  }
0x48a: {  	s26 =	simm.s32 $0x0;
	[sflag:s8] =	ssyncset.done $0x0  }
0x48b: {  	s29 =	simm.s32 $0x0;
	s4 =	sand.u32 $0x3FFFE000, s26;
	[sflag:s8] =	ssyncadd.s32 $0xFFFF8000  }
0x48c: {  	s28 =	sand.u32 $0xC00, s20;
	s4 =	sadd.s32 $0x8800, s4;
	_ =	swait.ge [sflag:s18], $0x4000  }
0x48d: {  	s23 =	sand.u32 $0x380, s20;
	s24 =	sadd.s32 s28, s4;
	[sflag:s18] =	ssyncset.done $0x0  }
0x48e: {  	s26 =	sand.u32 $0xC00, s29;
	s21 =	sor.u32 s23, s24;
	[sflag:s18] =	ssyncadd.s32 $0xFFFFC000  }
0x48f: {  	s4 =	sadd.s32 s26, s4;
	v4 =	vld [tilespmem:s21+$0x70]  }
0x490: {  	s4 =	sor.u32 s23, s4;
	v6 =	vld [tilespmem:s21+$0x1070]  }
0x491: {  	v9 =	vld [tilespmem:s4+$0x0]  }
0x492: {  	s30 =	simm.s32 $0x0;
	v10 =	vld [tilespmem:s4+$0x1000]  }
0x493: {  	s31 =	sand.u32 $0x3FFFF000, s30;
	v5 =	vld [tilespmem:s21+$0x10]  }
0x494: {  	s22 =	sor.u32 s28, s31;
	v8 =	vld [tilespmem:s21+$0x1010]  }
0x495: {  	s22 =	sor.u32 s23, s22;
	v3 =	vld [tilespmem:s21+$0x20]  }
0x496: {  	s22 =	sadd.s32 $0x10800, s22;
	s4 =	sor.u32 s26, s31;
	v7 =	vld [tilespmem:s21+$0x1020];
	v4 =	vpack.i.f32.bf16 v6, v4  }
0x497: {  	s23 =	sor.u32 s23, s4;
	v6 =	vpack.i.f32.bf16 v10, v9;
	[tilespmem:s22+$0x4070] =	vst v4;
	v4 =	vld [tilespmem:s21+$0x30]  }
0x498: {  	s24 =	simm.s32 $0x0;
	s4 =	simm.s32 $0x0;
	[tilespmem:s23+$0x14800] =	vst v6;
	v6 =	vld [tilespmem:s21+$0x1030];
	s23 =	simm.s32 $0x0  }
.LBB2_32:
0x499: {  	s4 =	sadd.s32 $0x8, s4;
	v5 =	vpack.i.f32.bf16 v8, v5;
	v8 =	vld [tilespmem:s21+$0x40];
	s20 =	sadd.s32 $0x80, s20  }
0x49a: {  	s26 =	sshll.u32 s20, $0x3;
	s28 =	sshll.u32 s4, $0x5;
	p0 =	slt.u32 s4, $0x3F8;
	[tilespmem:s22+$0x4010] =	vst v5;
	v5 =	vld [tilespmem:s21+$0x1040]  }
0x49b: {  	s23 =	sadd.s32 $0x400, s23;
	s26 =	sand.u32 $0xC00, s26;
	s28 =	sand.u32 $0x3FFFE000, s28;
	v3 =	vpack.i.f32.bf16 v7, v3;
	v7 =	vld [tilespmem:s21+$0x50]  }
0x49c: {  	s24 =	sadd.s32 $0x20, s24;
	s29 =	sand.u32 $0xC00, s23;
	s28 =	sadd.s32 $0x8800, s28;
	[tilespmem:s22+$0x4020] =	vst v3;
	v3 =	vld [tilespmem:s21+$0x1050]  }
0x49d: {  	s30 =	sand.u32 $0x380, s24;
	s31 =	sadd.s32 s26, s28;
	s28 =	sadd.s32 s29, s28;
	v4 =	vpack.i.f32.bf16 v6, v4;
	v6 =	vld [tilespmem:s21+$0x60]  }
0x49e: {  	s31 =	sor.u32 s30, s31;
	[tilespmem:s22+$0x4030] =	vst v4;
	v4 =	vld [tilespmem:s21+$0x1060];
	s21 =	sor.u32 s30, s28  }
0x49f: {  	v9 =	vld [tilespmem:s21+$0x70];
	v5 =	vpack.i.f32.bf16 v5, v8  }
0x4a0: {  	v10 =	vld [tilespmem:s21+$0x1070];
	[tilespmem:s22+$0x4040] =	vst v5  }
0x4a1: {  	s28 =	sshll.u32 s4, $0x4;
	v11 =	vld [tilespmem:s31+$0x0];
	v3 =	vpack.i.f32.bf16 v3, v7  }
0x4a2: {  	s28 =	sand.u32 $0x3FFFF000, s28;
	v12 =	vld [tilespmem:s31+$0x1000];
	[tilespmem:s22+$0x4050] =	vst v3  }
0x4a3: {  	s29 =	sor.u32 s29, s28;
	s26 =	sor.u32 s26, s28;
	v5 =	vld [tilespmem:s21+$0x10];
	v3 =	vpack.i.f32.bf16 v4, v6  }
.Ltmp15:
0x4a4: {  	s26 =	sor.u32 s30, s26;
	s28 =	sor.u32 s30, s29;
	v8 =	vld [tilespmem:s21+$0x1010];
	[tilespmem:s22+$0x4060] =	vst v3;
	(pc) =	sbr.rel @p0 .LBB2_32-.Ltmp15, $4  }
0x4a5: {  	s22 =	sadd.s32 $0x10800, s28;
	v3 =	vld [tilespmem:s21+$0x20];
	v4 =	vpack.i.f32.bf16 v10, v9  }
0x4a6: {  	v7 =	vld [tilespmem:s21+$0x1020];
	[tilespmem:s22+$0x4070] =	vst v4  }
0x4a7: {  	v6 =	vpack.i.f32.bf16 v12, v11;
	v4 =	vld [tilespmem:s21+$0x30]  }
0x4a8: {  	[tilespmem:s26+$0x14800] =	vst v6;
	v6 =	vld [tilespmem:s21+$0x1030]  }
0x4a9: {  	v9 =	vld [tilespmem:s21+$0x40]  }
0x4aa: {  	v10 =	vld [tilespmem:s21+$0x1040]  }
0x4ab: {  	v11 =	vld [tilespmem:s21+$0x50]  }
0x4ac: {  	v12 =	vld [tilespmem:s21+$0x1050]  }
0x4ad: {  	v13 =	vld [tilespmem:s21+$0x60]  }
0x4ae: {  	v5 =	vpack.i.f32.bf16 v8, v5;
	v61 =	vld [tilespmem:s21+$0x1060]  }
0x4af: {  	[tilespmem:s22+$0x4010] =	vst v5;
	v3 =	vpack.i.f32.bf16 v7, v3  }
0x4b0: {  	[tilespmem:s22+$0x4020] =	vst v3;
	v3 =	vpack.i.f32.bf16 v6, v4  }
0x4b1: {  	[tilespmem:s22+$0x4030] =	vst v3;
	v3 =	vpack.i.f32.bf16 v10, v9  }
0x4b2: {  	[tilespmem:s22+$0x4040] =	vst v3;
	v3 =	vpack.i.f32.bf16 v12, v11  }
0x4b3: {  	[tilespmem:s22+$0x4050] =	vst v3;
	v3 =	vpack.i.f32.bf16 v61, v13  }
0x4b4: {  	[tilespmem:s22+$0x4060] =	vst v3  }
0x4b5: {  	v3 =	vld [tilespmem:$0x780];
	_ =	sdelay $0x4  }
0x4b6: {  	v62 =	vshll.u32 v3, $0x2  }
0x4b7: {  	v3 =	vand.u32 $0x7, v3;
	v4 =	vand.u32 $0xFFFFFFE0, v62  }
0x4b8: {  	v3 =	vor.u32 v3, v4  }
0x4b9: {  	v4 =	vperm.xlane v3, v0;
	_ =	sdelay $0x1  }
0x4ba: {  	v4 =	vadd.s32 v1, v4;
	_ =	sdelay $0x1  }
0x4bb: {  	v3 =	vperm.xlane v3, v2;
	_ =	sdelay $0x1  }
0x4bc: {  	v3 =	vadd.s32 v1, v3  }
0x4bd: {  	[hbm4b:s3+s2] =	stream.indirect_vreg.scatter [tilespmem:s9], [sflag:$0x4], $0x80, v4, vm0, $0xb8;
	[tilespmem:$0x18800] =	vst v63  }
0x4be: {  	_ = 	snop  }
0x4bf: {  	[hbm4b:s7+s2] =	stream.indirect_vreg.scatter [tilespmem:s10], [sflag:$0x4], $0x80, v4, vm0, $0xb8;
	[tilespmem:$0x18800] =	vst v63  }
0x4c0: {  	_ = 	snop  }
0x4c1: {  	[hbm4b:s3+s2] =	stream.indirect_vreg.scatter [tilespmem:s11], [sflag:$0x4], $0x80, v3, vm0, $0xb8;
	[tilespmem:$0x18800] =	vst v63  }
0x4c2: {  	_ = 	snop  }
0x4c3: {  	[hbm4b:s7+s2] =	stream.indirect_vreg.scatter [tilespmem:s12], [sflag:$0x4], $0x80, v3, vm0, $0xb8;
	[tilespmem:$0x18800] =	vst v63  }
0x4c4: {  	v3 =	vld [tilespmem:$0x790];
	_ =	sdelay $0x4  }
0x4c5: {  	v63 =	vshll.u32 v3, $0x2  }
0x4c6: {  	v3 =	vand.u32 $0x7, v3;
	v4 =	vand.u32 $0xFFFFFFE0, v63  }
0x4c7: {  	v3 =	vor.u32 v3, v4  }
0x4c8: {  	v4 =	vperm.xlane v3, v0;
	_ =	sdelay $0x1  }
0x4c9: {  	v4 =	vadd.s32 v1, v4;
	_ =	sdelay $0x1  }
0x4ca: {  	v3 =	vperm.xlane v3, v2;
	_ =	sdelay $0x1  }
0x4cb: {  	v3 =	vadd.s32 v1, v3  }
0x4cc: {  	[hbm4b:s3+s2] =	stream.indirect_vreg.scatter [tilespmem:s13], [sflag:$0x4], $0x80, v4, vm0, $0xb8;
	[tilespmem:$0x18800] =	vst v63  }
0x4cd: {  	_ = 	snop  }
0x4ce: {  	[hbm4b:s7+s2] =	stream.indirect_vreg.scatter [tilespmem:s14], [sflag:$0x4], $0x80, v4, vm0, $0xb8;
	[tilespmem:$0x18800] =	vst v63  }
0x4cf: {  	_ = 	snop  }
0x4d0: {  	[hbm4b:s3+s2] =	stream.indirect_vreg.scatter [tilespmem:s15], [sflag:$0x4], $0x80, v3, vm0, $0xb8;
	[tilespmem:$0x18800] =	vst v63  }
0x4d1: {  	_ = 	snop  }
0x4d2: {  	[hbm4b:s7+s2] =	stream.indirect_vreg.scatter [tilespmem:s16], [sflag:$0x4], $0x80, v3, vm0, $0xb8;
	[tilespmem:$0x18800] =	vst v63  }
0x4d3: {  	_ =	swait.ge [sflag:s17], $0x4000  }
0x4d4: {  	[sflag:s17] =	ssyncset.done $0x0  }
0x4d5: {  	[sflag:s17] =	ssyncadd.s32 $0xFFFFC000  }
0x4d6: {  	_ =	swait.ge [sflag:s18], $0x4000  }
0x4d7: {  	s19 =	sadd.s32 $0x1, s19;
	s4 =	rddreg [dreg:$0x14]  }
0x4d8: {  	p0 =	sne.s32 s19, s4  }
.Ltmp16:
0x4d9: {  	_ = 	snop;
	(pc) =	sbr.rel @p0 .LBB2_1-.Ltmp16, $3  }
0x4da: {  	_ =	sdelay $0x1  }
0x4db: {  	[sflag:s18] =	ssyncset.done $0x0  }
0x4dc: {  	[sflag:s18] =	ssyncadd.s32 $0xFFFFC000  }
0x4dd: {  	_ =	sfence.sel $0x180000  }
0x4de: {  	[bflag:$0x0] =	sbarrier.arrive $0xFFFF  }
0x4df: {  	_ =	strace $0x90000047  }
0x4e0: {  	s0 =	stileid.u32;
	[bflag:$0x2] =	sbarrier.arrive $0xFFFF  }
0x4e1: {  	p0 =	sne.s32 s0, $0x0;
	s0 =	rddreg [dreg:$0x2]  }
0x4e2: {  	s0 =	sadd.s32 @!p0 $0x100000, s0  }
0x4e3: {  	[sflag:s0] =	ssyncadd.tile.s32 @!p0 $0x1;
	_ =	shalt  }
.Lfunc_end2:
_tile_overlayer_lowered:
.L_overlay_start_2:
0x4e4: {  	(tag) =	ssettag $0x2  }
0x4e5: {  	s0 =	rddreg [dreg:$0x0];
	s2 =	stileid.u32  }
0x4e6: {  	s1 =	rddreg [dreg:$0x1];
	p0 =	sne.s32 s2, $0x0  }
0x4e7: {  	s3 =	rddreg [dreg:$0x2];
	[bflag:$0x3] =	sbarrier.arrive $0xFFFF;
	s2 =	simm.s32 @!p0 $0x1C05  }
0x4e8: {  	[timem:s3], [sflag:s2] =	dma.local @!p0 [hbm:s0], s1  }
0x4e9: {  	s0 =	simm.s32 @!p0 $0x5  }
0x4ea: {  	_ =	swait.ge @!p0 [sflag:s0], s1  }
0x4eb: {  	s1 =	ssub.s32 @!p0 $0x0, s1;
	[sflag:s0] =	ssyncset.done @!p0 $0x0  }
0x4ec: {  	[sflag:s0] =	ssyncadd.s32 @!p0 s1  }
0x4ed: {  	[bflag:$0x3] =	sbarrier.arrive $0xFFFF  }
0x4ee: {  	_ =	shalt  }

// kernel: kernel.8.cloned.1.call-start
scs
__scs_entry_jumppad:
0x0: {  	(pc) =	sbr.rel $0x88, $3  }
0x1: {  	(tag) =	ssettag $0x0;
	lr =	simm.s32 $0x1  }
0x2: {  	[smem:$0x3F99] =	sst lr;
	_ =	strace $0xD0000000  }
0x3: {  	_ = 	snop  }
0x4: {  	_ = 	snop  }
0x5: {  	_ = 	snop  }
0x6: {  	_ = 	snop  }
0x7: {  	_ = 	snop  }
__scs_overlays_trampoline_lowered:
0x8: {  	[smem:$0x3FA8] =	sst s0  }
0x9: {  	[smem:$0x3FA9] =	sst s1  }
0xa: {  	[smem:$0x3FAA] =	sst s2  }
0xb: {  	[smem:$0x3FAB] =	sst s3  }
0xc: {  	[smem:$0x3FAC] =	sst s4  }
0xd: {  	[smem:$0x3FAD] =	sst s5  }
0xe: {  	[smem:$0x3FAE] =	sst s6  }
0xf: {  	[smem:$0x3FAF] =	sst s7  }
0x10: {  	[smem:$0x3FB0] =	sst s8  }
0x11: {  	[smem:$0x3FB1] =	sst s9;
	s0 =	simm.s32 @!p0 $0x0  }
0x12: {  	s1 =	sld [smem:$0x3F97];
	s0 =	simm.s32 @p0 $0x1  }
0x13: {  	[smem:$0x3FB2] =	sst s0;
	s0 =	simm.s32 @!p1 $0x0  }
0x14: {  	s2 =	sld [smem:$0x3F96];
	s0 =	simm.s32 @p1 $0x1  }
0x15: {  	[smem:$0x3FB3] =	sst s0;
	s0 =	simm.s32 @!p2 $0x0  }
0x16: {  	s3 =	sld [smem:$0x3FDB];
	s0 =	simm.s32 @p2 $0x1  }
0x17: {  	s4 =	simm.s32 $0x1BF5;
	[smem:$0x3FB5] =	sst s0  }
0x18: {  	s0 =	sld [smem:$0x3F98];
	_ =	swait.ge [sflag:s4], $0x0  }
0x19: {  	s7 =	sld [smem:$0x3F99]  }
0x1a: {  	s8 =	sadd.s32 $0xFFFFE003, lr  }
0x1b: {  	s9 =	sadd.s32 $0xFFFFFEF7, lr;
	s5 =	simm.s32 $0xFFFFFFFF;
	p2 =	slt.u32 s8, $0xFFFFF086  }
0x1c: {  	p1 =	slt.u32 s9, $0xF7A;
	s5 =	simm.s32 @!p2 $0x0  }
0x1d: {  	s5 =	simm.s32 @p1 $0x1;
	p0 =	seq.s32 s7, s2  }
0x1e: {  	s7 =	smul.u32 @!p0 $0xF7A, s2;
	p2 =	seq.s32 @!p0 s5, $0x0  }
0x1f: {  	s9 =	smul.u32 $0xF7A, s1;
	s8 =	simm.s32 @!p0 $0x1BF5;
	p2 =	por !p2, p0  }
0x20: {  	[sflag:s8] =	ssyncset.s32 @!p0 $0xFFFFF086;
	s6 =	sadd.s32 @!p0 s3, s7;
	s7 =	simm.s32 @!p0 $0x108  }
0x21: {  	s3 =	sadd.s32 s3, s9;
	s6 =	sadd.s32 @!p0 $0x88, s6;
	s7 =	simm.s32 @p2 $0x1082  }
0x22: {  	[simem:s7], [sflag:s8] =	dma.local @!p0 [hbm:s6], $0xF7A  }
0x23: {  	s9 =	sor.u32 $0xD0000000, s2;
	s6 =	simm.s32 $0x108;
	_ =	swait.ge @!p0 [sflag:s8], $0x0  }
0x24: {  	s3 =	sadd.s32 $0x88, s3;
	s6 =	simm.s32 @!p1 $0x1082;
	[sflag:s4] =	ssyncset.s32 $0xFFFFF086  }
0x25: {  	[simem:s6], [sflag:s4] =	dma.local [hbm:s3], $0xF7A  }
0x26: {  	[smem:$0x3F99] =	sst s1;
	(tag) =	ssettag s2;
	_ =	strace s9  }
0x27: {  	s1 =	sld [smem:$0x3FA9]  }
0x28: {  	s2 =	sld [smem:$0x3FAA]  }
0x29: {  	s4 =	sld [smem:$0x3FAC]  }
0x2a: {  	p0 =	seq.s32 s5, $0x0;
	s5 =	sld [smem:$0x3FAD]  }
0x2b: {  	s6 =	sld [smem:$0x3FAE]  }
0x2c: {  	s7 =	sld [smem:$0x3FAF]  }
0x2d: {  	s3 =	simm.s32 $0x108;
	s8 =	sld [smem:$0x3FB0]  }
0x2e: {  	s3 =	simm.s32 @!p0 $0x1082;
	s9 =	sld [smem:$0x3FB1]  }
0x2f: {  	lr =	sadd.s32 s0, s3;
	s0 =	sld [smem:$0x3FA8]  }
0x30: {  	s3 =	sld [smem:$0x3FAB]  }
0x31: {  	[smem:$0x3FB4] =	sst s10  }
0x32: {  	s10 =	sld [smem:$0x3FB2];
	_ =	sdelay $0x3  }
0x33: {  	p0 =	seq.s32 s10, $0x1;
	s10 =	sld [smem:$0x3FB4];
	_ =	sdelay $0x3  }
0x34: {  	[smem:$0x3FB4] =	sst s10  }
0x35: {  	s10 =	sld [smem:$0x3FB3];
	_ =	sdelay $0x3  }
0x36: {  	p1 =	seq.s32 s10, $0x1;
	s10 =	sld [smem:$0x3FB4];
	_ =	sdelay $0x3  }
0x37: {  	[smem:$0x3FB4] =	sst s10  }
0x38: {  	s10 =	sld [smem:$0x3FB5]  }
0x39: {  	_ = 	snop;
	(pc) =	sbr.ind lr, $3  }
0x3a: {  	_ = 	snop  }
0x3b: {  	_ = 	snop  }
0x3c: {  	p2 =	seq.s32 s10, $0x1;
	s10 =	sld [smem:$0x3FB4]  }
0x3d: {  	_ =	shalt  }
0x3e: {  	_ =	shalt  }
0x3f: {  	_ =	shalt  }
0x40: {  	_ =	shalt  }
0x41: {  	_ =	shalt  }
0x42: {  	_ =	shalt  }
0x43: {  	_ =	shalt  }
0x44: {  	_ =	shalt  }
0x45: {  	_ =	shalt  }
0x46: {  	_ =	shalt  }
0x47: {  	_ =	shalt  }
0x48: {  	_ =	shalt  }
0x49: {  	_ =	shalt  }
0x4a: {  	_ =	shalt  }
0x4b: {  	_ =	shalt  }
0x4c: {  	_ =	shalt  }
0x4d: {  	_ =	shalt  }
0x4e: {  	_ =	shalt  }
0x4f: {  	_ =	shalt  }
0x50: {  	_ =	shalt  }
0x51: {  	_ =	shalt  }
0x52: {  	_ =	shalt  }
0x53: {  	_ =	shalt  }
0x54: {  	_ =	shalt  }
0x55: {  	_ =	shalt  }
0x56: {  	_ =	shalt  }
0x57: {  	_ =	shalt  }
0x58: {  	_ =	shalt  }
0x59: {  	_ =	shalt  }
0x5a: {  	_ =	shalt  }
0x5b: {  	_ =	shalt  }
0x5c: {  	_ =	shalt  }
0x5d: {  	_ =	shalt  }
0x5e: {  	_ =	shalt  }
0x5f: {  	_ =	shalt  }
0x60: {  	_ =	shalt  }
0x61: {  	_ =	shalt  }
0x62: {  	_ =	shalt  }
0x63: {  	_ =	shalt  }
0x64: {  	_ =	shalt  }
0x65: {  	_ =	shalt  }
0x66: {  	_ =	shalt  }
0x67: {  	_ =	shalt  }
0x68: {  	_ =	shalt  }
0x69: {  	_ =	shalt  }
0x6a: {  	_ =	shalt  }
0x6b: {  	_ =	shalt  }
0x6c: {  	_ =	shalt  }
0x6d: {  	_ =	shalt  }
0x6e: {  	_ =	shalt  }
0x6f: {  	_ =	shalt  }
0x70: {  	_ =	shalt  }
0x71: {  	_ =	shalt  }
0x72: {  	_ =	shalt  }
0x73: {  	_ =	shalt  }
0x74: {  	_ =	shalt  }
0x75: {  	_ =	shalt  }
0x76: {  	_ =	shalt  }
0x77: {  	_ =	shalt  }
0x78: {  	_ =	shalt  }
0x79: {  	_ =	shalt  }
0x7a: {  	_ =	shalt  }
0x7b: {  	_ =	shalt  }
0x7c: {  	_ =	shalt  }
0x7d: {  	_ =	shalt  }
0x7e: {  	_ =	shalt  }
0x7f: {  	_ =	shalt  }
0x80: {  	_ =	shalt  }
0x81: {  	_ =	shalt  }
0x82: {  	_ =	shalt  }
0x83: {  	_ =	shalt  }
0x84: {  	_ =	shalt  }
0x85: {  	_ =	shalt  }
0x86: {  	_ =	shalt  }
0x87: {  	_ =	shalt  }
.Lfunc_end0:
.L_simem_size_0:
called_computation.1_lowered:
.L_overlay_start_0:
0x88: {  	s2 =	sld [smem:$0x3FD9]  }
0x89: {  	s3 =	sld [smem:$0x3FFE];
	_ =	sdelay $0x1  }
0x8a: {  	s1 =	srdreg.scid  }
0x8b: {  	s0 =	sand.u32 $0x1, s1  }
0x8c: {  	s17 =	sshll.u32 s0, $0xA;
	s2 =	sadd.s32 s3, s2  }
0x8d: {  	s2 =	sadd.s32 s2, s17  }
0x8e: {  	[smem:$0x3FC0] =	sst s2  }
0x8f: {  	_ = 	snop  }
0x90: {  	s2 =	sld [smem:$0x3FD0];
	(tm) =	ssettm $0x1  }
0x91: {  	s18 =	sld [smem:$0x3FFB];
	_ =	sdelay $0x3  }
0x92: {  	_ =	strace s18  }
0x93: {  	s3 =	sld [smem:$0x3FFC];
	_ =	sdelay $0x3  }
0x94: {  	_ =	strace s3  }
0x95: {  	s3 =	sld [smem:$0x3FFD];
	_ =	sdelay $0x3  }
0x96: {  	_ =	strace s3  }
0x97: {  	_ =	strace $0x8FFFFFFF  }
0x98: {  	s19 =	sld [smem:$0x3FDB];
	_ =	sdelay $0x1  }
0x99: {  	s4 =	simm.s32 $_scs_section_size  }
0x9a: {  	s5 =	simm.s32 $_size__tile_overlayer_lowered;
	s6 =	simm.s32 $_tile_overlayer_lowered  }
0x9b: {  	s22 =	simm.s32 $0x1BFF;
	s21 =	sshll.u32 s6, $0x1;
	s3 =	sadd.s32 s4, s19  }
0x9c: {  	s7 =	simm.s32 $0x0;
	s20 =	sshll.u32 s5, $0x1;
	s5 =	sadd.s32 s21, s3  }
0x9d: {  	[timem:s7], [sflag:s22] =	dma.local [hbm:s5], s20  }
0x9e: {  	_ =	swait.ge [sflag:s22], s20  }
0x9f: {  	s4 =	ssub.s32 $0x0, s20;
	[sflag:s22] =	ssyncset.done $0x0  }
0xa0: {  	[sflag:s22] =	ssyncadd.s32 s4;
	_ =	sdelay $0x1  }
0xa1: {  	s23 =	simm.s32 $0x1B8B  }
0xa2: {  	_ =	swait.ge [sflag:s23], $0x1  }
0xa3: {  	[sflag:s23] =	ssyncset.done $0x0  }
0xa4: {  	s25 =	simm.s32 $0x1B8E;
	s24 =	sld [smem:$0x3FFE];
	[sflag:s23] =	ssyncadd.s32 $0xFFFFFFFF  }
0xa5: {  	s26 =	simm.s32 $execute0_lowered;
	[smem:$0x3FD2] =	sst s25  }
0xa6: {  	s5 =	sshll.u32 s26, $0x1;
	_ =	strace $0x80000049;
	[dreg:$0x1] =	wrdreg $0xFFFFFFFF  }
0xa7: {  	s28 =	simm.s32 $_size_execute0_lowered;
	s3 =	sadd.s32 s3, s5;
	[dreg:$0x0] =	wrdreg $0x0  }
0xa8: {  	s5 =	sshll.u32 s28, $0x1;
	[dreg:$0x2] =	wrdreg s3  }
0xa9: {  	[dreg:$0x3] =	wrdreg s5  }
0xaa: {  	[dreg:$0x4] =	wrdreg $0xC0  }
0xab: {  	_ =	task [dreg:s7], $0x5FFFF  }
0xac: {  	[dreg:$0x1] =	wrdreg $0xFFFFFFFF  }
0xad: {  	[dreg:$0x0] =	wrdreg $0x60  }
0xae: {  	[dreg:$0x2] =	wrdreg s24  }
0xaf: {  	[dreg:$0x3] =	wrdreg s2  }
0xb0: {  	[dreg:$0x4] =	wrdreg $0x9  }
0xb1: {  	_ =	task.clear_ibuf [dreg:s7], $0x5FFFF;
	_ =	strace $0x90000049  }
0xb2: {  	s29 =	simm.s32 $0x9;
	_ =	strace $0x8000004B  }
0xb3: {  	_ =	swait.ge [sflag:s29], $0x1  }
0xb4: {  	[sflag:s29] =	ssyncadd.s32 $0xFFFFFFFF  }
0xb5: {  	_ =	strace $0x9000004B  }
0xb6: {  	_ =	sfence  }
0xb7: {  	s30 =	sld [smem:$0x0];
	_ =	sdelay $0x2  }
0xb8: {  	s31 =	sshll.u32 s1, $0xD;
	s1 =	sshrl.u32 s1, $0x2  }
0xb9: {  	s3 =	sand.u32 $0x4000, s31;
	s1 =	sadd.s32 s1, s30  }
0xba: {  	s0 =	sor.u32 s3, s0;
	s1 =	sshll.u32 s1, $0x11  }
0xbb: {  	s0 =	sor.u32 s1, s0  }
0xbc: {  	s0 =	sadd.s32 $0x8F2B, s0  }
0xbd: {  	[sflag:s0] =	ssyncadd.remote.s32 $0x1  }
0xbe: {  	_ =	sfence.sel $0xFFFF  }
0xbf: {  	[dreg:$0x0] =	wrdreg $0xFFFFFFFF;
	(pc) =	sbr.abs _section_cstart, $3  }
0xc0: {  	[dreg:$0x1] =	wrdreg $0xFFFFFFFF  }
0xc1: {  	_ =	task.clear_ibuf [dreg:s7], $0x2FFFF;
	_ =	strace $0x9FFFFFFF  }
0xc2: {  	(tm) =	ssettm $0x7FFFFFFF  }
0xc3: {  	_ =	shalt  }
tec
execute0_lowered:
.L_overlay_start_1:
0x0: {  	(tag) =	ssettag $0x1  }
0x1: {  	s5 =	rddreg [dreg:$0x0]  }
0x2: {  	s7 =	rddreg [dreg:$0x1]  }
0x3: {  	s0 =	rddreg [dreg:$0x2];
	s2 =	simm.s32 $0x0;
	s4 =	srdreg.scid  }
0x4: {  	s1 =	stileid.u32;
	[smem:$0x7FF] =	sst s2;
	s3 =	sadd.s32 $0x800, s5  }
0x5: {  	s8 =	sand.u32 $0x1, s4;
	s4 =	simm.s32 $0x1;
	_ =	strace $0x8000004A  }
0x6: {  	[tilespmem:s2], [sflag:$0x1] =	stream.linear.gather [hbm4b:s3+s2], $0x5C00, $0x38;
	[tilespmem:$0x6000] =	vst v63  }
0x7: {  	s6 =	sshll.u32 s1, $0x7;
	s9 =	sshll.u32 s8, $0x6;
	_ =	swait.ge [sflag:s4], $0x5C00  }
0x8: {  	s9 =	sor.u32 s9, s6;
	[sflag:s4] =	ssyncset.done $0x0  }
0x9: {  	s6 =	simm.s32 $0x5C00;
	s5 =	sadd.s32 s5, s9;
	[sflag:s4] =	ssyncadd.s32 $0xFFFFA400  }
0xa: {  	[tilespmem:s6], [sflag:$0x1] =	stream.linear.gather [hbm4b:s5+s2], $0x200, $0x38;
	[tilespmem:$0x6000] =	vst v63  }
0xb: {  	_ =	swait.ge [sflag:s4], $0x200  }
0xc: {  	[sflag:s4] =	ssyncset.done $0x0  }
0xd: {  	[sflag:s4] =	ssyncadd.s32 $0xFFFFFE00  }
0xe: {  	v0 =	vld [tilespmem:$0x5C00];
	_ =	sdelay $0x5  }
0xf: {  	v1 =	vld [tilespmem:$0x5C10];
	_ =	sdelay $0x1  }
0x10: {  	v0 =	vld.idx.msk [tilespmem:v0+s2+$0x0], $0xffff;
	_ =	sdelay $0x3  }
0x11: {  	v2 =	vld [tilespmem:$0x5C20]  }
0x12: {  	[tilespmem:$0x5E00] =	vst v0  }
0x13: {  	v0 =	vld.idx.msk [tilespmem:v1+s2+$0x0], $0xffff;
	_ =	sdelay $0x3  }
0x14: {  	v35 =	vld [tilespmem:$0x5C30]  }
0x15: {  	[tilespmem:$0x5E10] =	vst v0  }
0x16: {  	v0 =	vld.idx.msk [tilespmem:v2+s2+$0x0], $0xffff;
	_ =	sdelay $0x3  }
0x17: {  	v36 =	vld [tilespmem:$0x5C40]  }
0x18: {  	[tilespmem:$0x5E20] =	vst v0  }
0x19: {  	v0 =	vld.idx.msk [tilespmem:v35+s2+$0x0], $0xffff;
	_ =	sdelay $0x3  }
0x1a: {  	v37 =	vld [tilespmem:$0x5C50]  }
0x1b: {  	[tilespmem:$0x5E30] =	vst v0  }
0x1c: {  	v0 =	vld.idx.msk [tilespmem:v36+s2+$0x0], $0xffff;
	_ =	sdelay $0x3  }
0x1d: {  	v38 =	vld [tilespmem:$0x5C60]  }
0x1e: {  	[tilespmem:$0x5E40] =	vst v0  }
0x1f: {  	v0 =	vld.idx.msk [tilespmem:v37+s2+$0x0], $0xffff;
	_ =	sdelay $0x3  }
0x20: {  	v39 =	vld [tilespmem:$0x5C70]  }
0x21: {  	[tilespmem:$0x5E50] =	vst v0  }
0x22: {  	v0 =	vld.idx.msk [tilespmem:v38+s2+$0x0], $0xffff;
	_ =	sdelay $0x3  }
0x23: {  	v40 =	vld [tilespmem:$0x5C80]  }
0x24: {  	[tilespmem:$0x5E60] =	vst v0  }
0x25: {  	v0 =	vld.idx.msk [tilespmem:v39+s2+$0x0], $0xffff;
	_ =	sdelay $0x3  }
0x26: {  	v41 =	vld [tilespmem:$0x5C90]  }
0x27: {  	[tilespmem:$0x5E70] =	vst v0  }
0x28: {  	v0 =	vld.idx.msk [tilespmem:v40+s2+$0x0], $0xffff;
	_ =	sdelay $0x3  }
0x29: {  	v42 =	vld [tilespmem:$0x5CA0]  }
0x2a: {  	[tilespmem:$0x5E80] =	vst v0  }
0x2b: {  	v0 =	vld.idx.msk [tilespmem:v41+s2+$0x0], $0xffff;
	_ =	sdelay $0x3  }
0x2c: {  	v43 =	vld [tilespmem:$0x5CB0]  }
0x2d: {  	[tilespmem:$0x5E90] =	vst v0  }
0x2e: {  	v0 =	vld.idx.msk [tilespmem:v42+s2+$0x0], $0xffff;
	_ =	sdelay $0x3  }
0x2f: {  	v44 =	vld [tilespmem:$0x5CC0]  }
0x30: {  	[tilespmem:$0x5EA0] =	vst v0  }
0x31: {  	v0 =	vld.idx.msk [tilespmem:v43+s2+$0x0], $0xffff;
	_ =	sdelay $0x3  }
0x32: {  	v45 =	vld [tilespmem:$0x5CD0]  }
0x33: {  	[tilespmem:$0x5EB0] =	vst v0  }
0x34: {  	v0 =	vld.idx.msk [tilespmem:v44+s2+$0x0], $0xffff;
	_ =	sdelay $0x3  }
0x35: {  	v46 =	vld [tilespmem:$0x5CE0]  }
0x36: {  	[tilespmem:$0x5EC0] =	vst v0  }
0x37: {  	v0 =	vld.idx.msk [tilespmem:v45+s2+$0x0], $0xffff;
	_ =	sdelay $0x3  }
0x38: {  	v47 =	vld [tilespmem:$0x5CF0]  }
0x39: {  	[tilespmem:$0x5ED0] =	vst v0  }
0x3a: {  	v0 =	vld.idx.msk [tilespmem:v46+s2+$0x0], $0xffff;
	_ =	sdelay $0x3  }
0x3b: {  	v48 =	vld [tilespmem:$0x5D00]  }
0x3c: {  	[tilespmem:$0x5EE0] =	vst v0  }
0x3d: {  	v0 =	vld.idx.msk [tilespmem:v47+s2+$0x0], $0xffff;
	_ =	sdelay $0x3  }
0x3e: {  	v49 =	vld [tilespmem:$0x5D10]  }
0x3f: {  	[tilespmem:$0x5EF0] =	vst v0  }
0x40: {  	v0 =	vld.idx.msk [tilespmem:v48+s2+$0x0], $0xffff;
	_ =	sdelay $0x3  }
0x41: {  	v50 =	vld [tilespmem:$0x5D20]  }
0x42: {  	[tilespmem:$0x5F00] =	vst v0  }
0x43: {  	v0 =	vld.idx.msk [tilespmem:v49+s2+$0x0], $0xffff;
	_ =	sdelay $0x3  }
0x44: {  	v51 =	vld [tilespmem:$0x5D30]  }
0x45: {  	[tilespmem:$0x5F10] =	vst v0  }
0x46: {  	v0 =	vld.idx.msk [tilespmem:v50+s2+$0x0], $0xffff;
	_ =	sdelay $0x3  }
0x47: {  	v52 =	vld [tilespmem:$0x5D40]  }
0x48: {  	[tilespmem:$0x5F20] =	vst v0  }
0x49: {  	v0 =	vld.idx.msk [tilespmem:v51+s2+$0x0], $0xffff;
	_ =	sdelay $0x3  }
0x4a: {  	v53 =	vld [tilespmem:$0x5D50]  }
0x4b: {  	[tilespmem:$0x5F30] =	vst v0  }
0x4c: {  	v0 =	vld.idx.msk [tilespmem:v52+s2+$0x0], $0xffff;
	_ =	sdelay $0x3  }
0x4d: {  	v54 =	vld [tilespmem:$0x5D60]  }
0x4e: {  	[tilespmem:$0x5F40] =	vst v0  }
0x4f: {  	v0 =	vld.idx.msk [tilespmem:v53+s2+$0x0], $0xffff;
	_ =	sdelay $0x3  }
0x50: {  	v55 =	vld [tilespmem:$0x5D70]  }
0x51: {  	[tilespmem:$0x5F50] =	vst v0  }
0x52: {  	v0 =	vld.idx.msk [tilespmem:v54+s2+$0x0], $0xffff;
	_ =	sdelay $0x3  }
0x53: {  	v56 =	vld [tilespmem:$0x5D80]  }
0x54: {  	[tilespmem:$0x5F60] =	vst v0  }
0x55: {  	v0 =	vld.idx.msk [tilespmem:v55+s2+$0x0], $0xffff;
	_ =	sdelay $0x3  }
0x56: {  	v57 =	vld [tilespmem:$0x5D90]  }
0x57: {  	[tilespmem:$0x5F70] =	vst v0  }
0x58: {  	v0 =	vld.idx.msk [tilespmem:v56+s2+$0x0], $0xffff;
	_ =	sdelay $0x3  }
0x59: {  	v58 =	vld [tilespmem:$0x5DA0]  }
0x5a: {  	[tilespmem:$0x5F80] =	vst v0  }
0x5b: {  	v0 =	vld.idx.msk [tilespmem:v57+s2+$0x0], $0xffff;
	_ =	sdelay $0x3  }
0x5c: {  	v59 =	vld [tilespmem:$0x5DB0]  }
0x5d: {  	[tilespmem:$0x5F90] =	vst v0  }
0x5e: {  	v0 =	vld.idx.msk [tilespmem:v58+s2+$0x0], $0xffff;
	_ =	sdelay $0x3  }
0x5f: {  	v60 =	vld [tilespmem:$0x5DC0]  }
0x60: {  	[tilespmem:$0x5FA0] =	vst v0  }
0x61: {  	v0 =	vld.idx.msk [tilespmem:v59+s2+$0x0], $0xffff;
	_ =	sdelay $0x3  }
0x62: {  	v61 =	vld [tilespmem:$0x5DD0]  }
0x63: {  	[tilespmem:$0x5FB0] =	vst v0  }
0x64: {  	v0 =	vld.idx.msk [tilespmem:v60+s2+$0x0], $0xffff;
	_ =	sdelay $0x3  }
0x65: {  	v62 =	vld [tilespmem:$0x5DE0]  }
0x66: {  	[tilespmem:$0x5FC0] =	vst v0  }
0x67: {  	v0 =	vld.idx.msk [tilespmem:v61+s2+$0x0], $0xffff;
	_ =	sdelay $0x3  }
0x68: {  	v63 =	vld [tilespmem:$0x5DF0]  }
0x69: {  	[tilespmem:$0x5FD0] =	vst v0  }
0x6a: {  	v0 =	vld.idx.msk [tilespmem:v62+s2+$0x0], $0xffff;
	_ =	sdelay $0x4  }
0x6b: {  	s8 =	ssub.s32 $0x2, s8;
	[tilespmem:$0x5FE0] =	vst v0  }
0x6c: {  	s10 =	sshrl.u32 s8, $0x1;
	v0 =	vld.idx.msk [tilespmem:v63+s2+$0x0], $0xffff  }
0x6d: {  	s8 =	ssub.s32 s8, s10  }
0x6e: {  	s31 =	smax.u32 s8, $0x1  }
0x6f: {  	p0 =	sne.s32 s31, $0x1  }
.Ltmp0:
0x70: {  	_ = 	snop;
	(pc) =	sbr.rel @!p0 .LBB2_2-.Ltmp0, $4  }
0x71: {  	s7 =	sadd.s32 s7, s9;
	s8 =	simm.s32 $0x5E00;
	[tilespmem:$0x5FF0] =	vst v0  }
0x72: {  	[hbm4b:s7+s2] =	stream.linear.scatter [tilespmem:s8], [sflag:$0x1], $0x200, $0x38;
	[tilespmem:$0x6000] =	vst v63  }
0x73: {  	_ =	swait.ge [sflag:s4], $0x200  }
0x74: {  	s9 =	sadd.s32 $0xFFFFFFFF, s31;
	[sflag:s4] =	ssyncset.done $0x0  }
.LBB2_1:
0x75: {  	p0 =	sne.s32 s9, $0x1;
	s9 =	sadd.s32 $0xFFFFFFFF, s9;
	[sflag:s4] =	ssyncadd.s32 $0xFFFFFE00  }
0x76: {  	[tilespmem:s2], [sflag:$0x1] =	stream.linear.gather [hbm4b:s3+s2], $0x5C00, $0x38;
	[tilespmem:$0x6000] =	vst v63  }
0x77: {  	_ =	swait.ge [sflag:s4], $0x5C00  }
0x78: {  	[sflag:s4] =	ssyncset.done $0x0  }
0x79: {  	[sflag:s4] =	ssyncadd.s32 $0xFFFFA400  }
0x7a: {  	[tilespmem:s6], [sflag:$0x1] =	stream.linear.gather [hbm4b:s5+s2], $0x200, $0x38;
	[tilespmem:$0x6000] =	vst v63  }
0x7b: {  	_ =	swait.ge [sflag:s4], $0x200  }
0x7c: {  	[sflag:s4] =	ssyncset.done $0x0  }
0x7d: {  	[sflag:s4] =	ssyncadd.s32 $0xFFFFFE00  }
0x7e: {  	v0 =	vld [tilespmem:$0x5C00];
	_ =	sdelay $0x6  }
0x7f: {  	v1 =	vld [tilespmem:$0x5C10]  }
0x80: {  	v0 =	vld.idx.msk [tilespmem:v0+s2+$0x0], $0xffff;
	_ =	sdelay $0x5  }
0x81: {  	[tilespmem:$0x5E00] =	vst v0;
	v0 =	vld [tilespmem:$0x5C20]  }
0x82: {  	v1 =	vld.idx.msk [tilespmem:v1+s2+$0x0], $0xffff;
	_ =	sdelay $0x5  }
0x83: {  	[tilespmem:$0x5E10] =	vst v1;
	v1 =	vld [tilespmem:$0x5C30]  }
0x84: {  	v0 =	vld.idx.msk [tilespmem:v0+s2+$0x0], $0xffff;
	_ =	sdelay $0x5  }
0x85: {  	[tilespmem:$0x5E20] =	vst v0;
	v0 =	vld [tilespmem:$0x5C40]  }
0x86: {  	v1 =	vld.idx.msk [tilespmem:v1+s2+$0x0], $0xffff;
	_ =	sdelay $0x5  }
0x87: {  	[tilespmem:$0x5E30] =	vst v1;
	v1 =	vld [tilespmem:$0x5C50]  }
0x88: {  	v0 =	vld.idx.msk [tilespmem:v0+s2+$0x0], $0xffff;
	_ =	sdelay $0x5  }
0x89: {  	[tilespmem:$0x5E40] =	vst v0;
	v0 =	vld [tilespmem:$0x5C60]  }
0x8a: {  	v1 =	vld.idx.msk [tilespmem:v1+s2+$0x0], $0xffff;
	_ =	sdelay $0x5  }
0x8b: {  	[tilespmem:$0x5E50] =	vst v1;
	v1 =	vld [tilespmem:$0x5C70]  }
0x8c: {  	v0 =	vld.idx.msk [tilespmem:v0+s2+$0x0], $0xffff;
	_ =	sdelay $0x5  }
0x8d: {  	[tilespmem:$0x5E60] =	vst v0;
	v0 =	vld [tilespmem:$0x5C80]  }
0x8e: {  	v1 =	vld.idx.msk [tilespmem:v1+s2+$0x0], $0xffff;
	_ =	sdelay $0x5  }
0x8f: {  	[tilespmem:$0x5E70] =	vst v1;
	v1 =	vld [tilespmem:$0x5C90]  }
0x90: {  	v0 =	vld.idx.msk [tilespmem:v0+s2+$0x0], $0xffff;
	_ =	sdelay $0x5  }
0x91: {  	[tilespmem:$0x5E80] =	vst v0;
	v0 =	vld [tilespmem:$0x5CA0]  }
0x92: {  	v1 =	vld.idx.msk [tilespmem:v1+s2+$0x0], $0xffff;
	_ =	sdelay $0x5  }
0x93: {  	[tilespmem:$0x5E90] =	vst v1;
	v1 =	vld [tilespmem:$0x5CB0]  }
0x94: {  	v0 =	vld.idx.msk [tilespmem:v0+s2+$0x0], $0xffff;
	_ =	sdelay $0x5  }
0x95: {  	[tilespmem:$0x5EA0] =	vst v0;
	v0 =	vld [tilespmem:$0x5CC0]  }
0x96: {  	v1 =	vld.idx.msk [tilespmem:v1+s2+$0x0], $0xffff;
	_ =	sdelay $0x5  }
0x97: {  	[tilespmem:$0x5EB0] =	vst v1;
	v1 =	vld [tilespmem:$0x5CD0]  }
0x98: {  	v0 =	vld.idx.msk [tilespmem:v0+s2+$0x0], $0xffff;
	_ =	sdelay $0x5  }
0x99: {  	[tilespmem:$0x5EC0] =	vst v0;
	v0 =	vld [tilespmem:$0x5CE0]  }
0x9a: {  	v1 =	vld.idx.msk [tilespmem:v1+s2+$0x0], $0xffff;
	_ =	sdelay $0x5  }
0x9b: {  	[tilespmem:$0x5ED0] =	vst v1;
	v1 =	vld [tilespmem:$0x5CF0]  }
0x9c: {  	v0 =	vld.idx.msk [tilespmem:v0+s2+$0x0], $0xffff;
	_ =	sdelay $0x5  }
0x9d: {  	[tilespmem:$0x5EE0] =	vst v0;
	v0 =	vld [tilespmem:$0x5D00]  }
0x9e: {  	v1 =	vld.idx.msk [tilespmem:v1+s2+$0x0], $0xffff;
	_ =	sdelay $0x5  }
0x9f: {  	[tilespmem:$0x5EF0] =	vst v1;
	v1 =	vld [tilespmem:$0x5D10]  }
0xa0: {  	v0 =	vld.idx.msk [tilespmem:v0+s2+$0x0], $0xffff;
	_ =	sdelay $0x5  }
0xa1: {  	[tilespmem:$0x5F00] =	vst v0;
	v0 =	vld [tilespmem:$0x5D20]  }
0xa2: {  	v1 =	vld.idx.msk [tilespmem:v1+s2+$0x0], $0xffff;
	_ =	sdelay $0x5  }
0xa3: {  	[tilespmem:$0x5F10] =	vst v1;
	v1 =	vld [tilespmem:$0x5D30]  }
0xa4: {  	v0 =	vld.idx.msk [tilespmem:v0+s2+$0x0], $0xffff;
	_ =	sdelay $0x5  }
0xa5: {  	[tilespmem:$0x5F20] =	vst v0;
	v0 =	vld [tilespmem:$0x5D40]  }
0xa6: {  	v1 =	vld.idx.msk [tilespmem:v1+s2+$0x0], $0xffff;
	_ =	sdelay $0x5  }
0xa7: {  	[tilespmem:$0x5F30] =	vst v1;
	v1 =	vld [tilespmem:$0x5D50]  }
0xa8: {  	v0 =	vld.idx.msk [tilespmem:v0+s2+$0x0], $0xffff;
	_ =	sdelay $0x5  }
0xa9: {  	[tilespmem:$0x5F40] =	vst v0;
	v0 =	vld [tilespmem:$0x5D60]  }
0xaa: {  	v1 =	vld.idx.msk [tilespmem:v1+s2+$0x0], $0xffff;
	_ =	sdelay $0x5  }
0xab: {  	[tilespmem:$0x5F50] =	vst v1;
	v1 =	vld [tilespmem:$0x5D70]  }
0xac: {  	v0 =	vld.idx.msk [tilespmem:v0+s2+$0x0], $0xffff;
	_ =	sdelay $0x5  }
0xad: {  	[tilespmem:$0x5F60] =	vst v0;
	v0 =	vld [tilespmem:$0x5D80]  }
0xae: {  	v1 =	vld.idx.msk [tilespmem:v1+s2+$0x0], $0xffff;
	_ =	sdelay $0x5  }
0xaf: {  	[tilespmem:$0x5F70] =	vst v1;
	v1 =	vld [tilespmem:$0x5D90]  }
0xb0: {  	v0 =	vld.idx.msk [tilespmem:v0+s2+$0x0], $0xffff;
	_ =	sdelay $0x5  }
0xb1: {  	[tilespmem:$0x5F80] =	vst v0;
	v0 =	vld [tilespmem:$0x5DA0]  }
0xb2: {  	v1 =	vld.idx.msk [tilespmem:v1+s2+$0x0], $0xffff;
	_ =	sdelay $0x5  }
0xb3: {  	[tilespmem:$0x5F90] =	vst v1;
	v1 =	vld [tilespmem:$0x5DB0]  }
0xb4: {  	v0 =	vld.idx.msk [tilespmem:v0+s2+$0x0], $0xffff;
	_ =	sdelay $0x5  }
0xb5: {  	[tilespmem:$0x5FA0] =	vst v0;
	v0 =	vld [tilespmem:$0x5DC0]  }
0xb6: {  	v1 =	vld.idx.msk [tilespmem:v1+s2+$0x0], $0xffff;
	_ =	sdelay $0x5  }
0xb7: {  	[tilespmem:$0x5FB0] =	vst v1;
	v1 =	vld [tilespmem:$0x5DD0]  }
0xb8: {  	v0 =	vld.idx.msk [tilespmem:v0+s2+$0x0], $0xffff;
	_ =	sdelay $0x5  }
0xb9: {  	[tilespmem:$0x5FC0] =	vst v0;
	v0 =	vld [tilespmem:$0x5DE0]  }
0xba: {  	v1 =	vld.idx.msk [tilespmem:v1+s2+$0x0], $0xffff;
	_ =	sdelay $0x5  }
0xbb: {  	[tilespmem:$0x5FD0] =	vst v1;
	v1 =	vld [tilespmem:$0x5DF0]  }
0xbc: {  	v0 =	vld.idx.msk [tilespmem:v0+s2+$0x0], $0xffff;
	_ =	sdelay $0x5  }
0xbd: {  	[tilespmem:$0x5FE0] =	vst v0  }
0xbe: {  	v0 =	vld.idx.msk [tilespmem:v1+s2+$0x0], $0xffff;
	_ =	sdelay $0x4  }
.Ltmp1:
0xbf: {  	(pc) =	sbr.rel @p0 .LBB2_1-.Ltmp1, $4  }
0xc0: {  	[tilespmem:$0x5FF0] =	vst v0  }
0xc1: {  	[hbm4b:s7+s2] =	stream.linear.scatter [tilespmem:s8], [sflag:$0x1], $0x200, $0x38;
	[tilespmem:$0x6000] =	vst v63  }
0xc2: {  	_ =	swait.ge [sflag:s4], $0x200  }
0xc3: {  	[sflag:s4] =	ssyncset.done $0x0  }
.LBB2_2:
0xc4: {  	[sflag:s4] =	ssyncadd.s32 $0xFFFFFE00  }
0xc5: {  	_ =	sfence.sel $0x180000  }
0xc6: {  	[bflag:$0x0] =	sbarrier.arrive $0xFFFF  }
0xc7: {  	p0 =	sne.s32 s1, $0x0;
	_ =	strace $0x9000004A  }
0xc8: {  	s0 =	sadd.s32 @!p0 $0x100000, s0;
	[bflag:$0x2] =	sbarrier.arrive $0xFFFF  }
0xc9: {  	[sflag:s0] =	ssyncadd.tile.s32 @!p0 $0x1;
	_ =	shalt  }
.Lfunc_end2:
_tile_overlayer_lowered:
.L_overlay_start_2:
0xca: {  	(tag) =	ssettag $0x2  }
0xcb: {  	s0 =	rddreg [dreg:$0x0];
	s2 =	stileid.u32  }
0xcc: {  	s1 =	rddreg [dreg:$0x1];
	p0 =	sne.s32 s2, $0x0  }
0xcd: {  	s3 =	rddreg [dreg:$0x2];
	[bflag:$0x3] =	sbarrier.arrive $0xFFFF;
	s2 =	simm.s32 @!p0 $0x1C01  }
0xce: {  	[timem:s3], [sflag:s2] =	dma.local @!p0 [hbm:s0], s1  }
0xcf: {  	s0 =	simm.s32 @!p0 $0x1  }
0xd0: {  	_ =	swait.ge @!p0 [sflag:s0], s1  }
0xd1: {  	s1 =	ssub.s32 @!p0 $0x0, s1;
	[sflag:s0] =	ssyncset.done @!p0 $0x0  }
0xd2: {  	[sflag:s0] =	ssyncadd.s32 @!p0 s1  }
0xd3: {  	[bflag:$0x3] =	sbarrier.arrive $0xFFFF  }
0xd4: {  	_ =	shalt  }

</sc_bundles>
